<compile_context>
chip_gen: v7x
topology: tpu7x:2x2x1
jax: 0.10.2.dev20260603
libtpu: 0.0.44.dev20260713+nightly
codegen_flags: <defaults>
</compile_context>

<pallas_src>
import functools
import math

import jax
import jax.numpy as jnp
from jax import lax
from jax.experimental import pallas as pl
from jax.experimental.pallas import tpu as pltpu
from jax.experimental.pallas import tpu_sc as plsc

NW = 32
LANES = 16
NCAND = 224
NGROUPS = NCAND // LANES


def _rsqrt_sw(x):
    i = lax.bitcast_convert_type(x, jnp.int32)
    i = jnp.int32(0x5F3759DF) - (i >> 1)
    y = lax.bitcast_convert_type(i, jnp.float32)
    for _ in range(3):
        y = y * (1.5 - 0.5 * x * y * y)
    return y


def _sqrt_sw(x):
    return x * _rsqrt_sw(x)


def _atan(t):
    t2 = t * t
    p = jnp.float32(0.0028662257)
    p = p * t2 - jnp.float32(0.0161657367)
    p = p * t2 + jnp.float32(0.0429096138)
    p = p * t2 - jnp.float32(0.0752896400)
    p = p * t2 + jnp.float32(0.1065626393)
    p = p * t2 - jnp.float32(0.1420889944)
    p = p * t2 + jnp.float32(0.1999355085)
    p = p * t2 - jnp.float32(0.3333314528)
    p = p * t2 + jnp.float32(1.0)
    return p * t


def _ball_to_cube(x, y, z, sqrt_fn, rsqrt_fn):
    eps = 1e-12
    sq_norm = x * x + y * y + z * z
    small = sq_norm < eps
    sqn_safe = jnp.where(small, 1.0, sq_norm)
    norm = sqrt_fn(sqn_safe)
    xy2 = x * x + y * y
    cap = (1.25 * z * z) > xy2
    denom_cap = norm + jnp.abs(z)
    s_cap = sqrt_fn(3.0 * norm / jnp.where(denom_cap < eps, 1.0, denom_cap))
    xy2_safe = jnp.where(xy2 < eps, 1.0, xy2)
    s_side = norm * rsqrt_fn(xy2_safe)
    x1 = jnp.where(cap, x * s_cap, x * s_side)
    y1 = jnp.where(cap, y * s_cap, y * s_side)
    z1 = jnp.where(cap, jnp.sign(z) * norm, 1.5 * z)
    x1 = jnp.where(small, 0.0, x1)
    y1 = jnp.where(small, 0.0, y1)
    z1 = jnp.where(small, 0.0, z1)
    sq_xy = x1 * x1 + y1 * y1
    small_xy = sq_xy < eps
    nxy = sqrt_fn(jnp.where(small_xy, 1.0, sq_xy))
    condx = jnp.abs(y1) <= jnp.abs(x1)
    dx_safe = jnp.where(jnp.abs(x1) < eps, 1.0, x1)
    dy_safe = jnp.where(jnp.abs(y1) < eps, 1.0, y1)
    tmp_x = jnp.sign(x1) * nxy
    tmp_y = jnp.sign(y1) * nxy
    four_over_pi = 4.0 / math.pi
    rx = jnp.clip(x1 / dy_safe, -1.0, 1.0)
    ry = jnp.clip(y1 / dx_safe, -1.0, 1.0)
    x2 = jnp.where(condx, tmp_x, tmp_y * four_over_pi * _atan(rx))
    y2 = jnp.where(condx, tmp_x * four_over_pi * _atan(ry), tmp_y)
    x2 = jnp.where(small_xy, 0.0, x2)
    y2 = jnp.where(small_xy, 0.0, y2)
    return x2, y2, z1


def _interp2(t):
    t = jnp.clip(t, 0.0, 2.0)
    i0 = jnp.minimum(t.astype(jnp.int32), 1)
    f = t - i0.astype(jnp.float32)
    return 1.0 - f, f, i0


def _make_sc_kernel(npts, ng, cin, ppw):
    ng3 = ng * ng * ng
    n_per_batch = npts // 2
    ncp = cin // 2
    mesh = plsc.VectorSubcoreMesh(core_axis_name="c", subcore_axis_name="s",
                                  num_cores=2, num_subcores=16)
    inv25 = jnp.float32(1.0 / 2.5)

    @functools.partial(
        pl.kernel,
        out_type=(jax.ShapeDtypeStruct((npts, 27 * cin), jnp.float32),
                  jax.ShapeDtypeStruct((npts,), jnp.float32)),
        mesh=mesh,
        compiler_params=pltpu.CompilerParams(needs_layout_passes=False),
        scratch_types=[
            pltpu.VMEM((ppw,), jnp.float32),
            pltpu.VMEM((ppw,), jnp.float32),
            pltpu.VMEM((ppw,), jnp.float32),
            pltpu.VMEM((NCAND,), jnp.int32),
            pltpu.VMEM((NCAND,), jnp.int32),
            pltpu.VMEM((NCAND,), jnp.int32),
            pltpu.VMEM((ng * ng * ng * 16,), jnp.int32),
            pltpu.VMEM((256,), jnp.int32),
            pltpu.VMEM((256,), jnp.float32),
            pltpu.VMEM((256,), jnp.float32),
            pltpu.VMEM((256,), jnp.float32),
            pltpu.VMEM((27 * cin,), jnp.float32),
            pltpu.VMEM((ppw,), jnp.float32),
        ],
    )
    def sc_kernel(pcx_h, pcy_h, pcz_h, tbl_h, offx_h, offy_h, offz_h,
                  a_h, cnt_h,
                  pcx_v, pcy_v, pcz_v, offx_v, offy_v, offz_v,
                  tbl_v, jb16, rxb, ryb, rzb, a_v, cnt_v):
        cid = lax.axis_index("c")
        sid = lax.axis_index("s")
        wid = sid * 2 + cid
        base = wid * ppw
        bsl = base // n_per_batch
        lanes = lax.iota(jnp.int32, LANES)

        pltpu.sync_copy(pcx_h.at[pl.ds(base, ppw)], pcx_v)
        pltpu.sync_copy(pcy_h.at[pl.ds(base, ppw)], pcy_v)
        pltpu.sync_copy(pcz_h.at[pl.ds(base, ppw)], pcz_v)
        pltpu.sync_copy(offx_h, offx_v)
        pltpu.sync_copy(offy_h, offy_v)
        pltpu.sync_copy(offz_h, offz_v)
        pltpu.sync_copy(tbl_h.at[bsl], tbl_v)

        zi = jnp.zeros((LANES,), jnp.int32)
        zf = jnp.zeros((LANES,), jnp.float32)
        for k in range(256 // LANES):
            jb16[pl.ds(k * LANES, LANES)] = zi

        def point_body(p, carry):
            pidx = jnp.full((LANES,), p, jnp.int32)
            px = plsc.load_gather(pcx_v, [pidx])
            py = plsc.load_gather(pcy_v, [pidx])
            pz = plsc.load_gather(pcz_v, [pidx])
            bx = px.astype(jnp.int32)
            by = py.astype(jnp.int32)
            bz = pz.astype(jnp.int32)

            def g_body(g, off):
                gsl = pl.ds(g * LANES, LANES)
                ox = offx_v[gsl]
                oy = offy_v[gsl]
                oz = offz_v[gsl]
                cx = bx + ox
                cy = by + oy
                cz = bz + oz
                valid = ((cx >= 0) & (cx < ng) & (cy >= 0) & (cy < ng)
                         & (cz >= 0) & (cz < ng))
                rx = (cx.astype(jnp.float32) - px) * inv25
                ry = (cy.astype(jnp.float32) - py) * inv25
                rz = (cz.astype(jnp.float32) - pz) * inv25
                dist2 = rx * rx + ry * ry + rz * rz
                m = (dist2 <= 1.0) & valid
                cum = plsc.cumsum(m.astype(jnp.int32))
                dest = off + cum - 1
                jloc = (cx * (ng * ng) + cy * ng + cz) * ncp
                plsc.store_scatter(jb16, [dest], jloc, mask=m)
                plsc.store_scatter(rxb, [dest], rx, mask=m)
                plsc.store_scatter(ryb, [dest], ry, mask=m)
                plsc.store_scatter(rzb, [dest], rz, mask=m)
                return off + plsc.all_reduce_population_count(m)

            off = lax.fori_loop(0, NGROUPS, g_body, zi)
            s_total = jnp.max(off)

            for k in range(27 * cin // LANES):
                a_v[pl.ds(k * LANES, LANES)] = zf

            n_sgroups = (s_total + (LANES - 1)) >> 4

            @plsc.parallel_loop(0, n_sgroups * LANES, LANES)
            def s_body(soff):
                ssl = pl.ds(soff, LANES)
                rx = rxb[ssl]
                ry = ryb[ssl]
                rz = rzb[ssl]
                jb = jb16[ssl]
                live = (soff + lanes) < s_total
                u, v, w = _ball_to_cube(rx, ry, rz, _sqrt_sw, _rsqrt_sw)
                xa0, xa1, ix = _interp2(u + 1.0)
                ya0, ya1, iy = _interp2(v + 1.0)
                za0, za1, iz = _interp2(w + 1.0)
                za0 = jnp.where(live, za0, 0.0)
                za1 = jnp.where(live, za1, 0.0)
                t0 = iz * 9 + iy * 3 + ix
                zy00 = za0 * ya0
                zy01 = za0 * ya1
                zy10 = za1 * ya0
                zy11 = za1 * ya1
                w8 = (zy00 * xa0, zy00 * xa1, zy01 * xa0, zy01 * xa1,
                      zy10 * xa0, zy10 * xa1, zy11 * xa0, zy11 * xa1)
                dts = (0, 1, 3, 4, 9, 10, 12, 13)
                tbk = [(t0 + dts[k]) * cin for k in range(8)]
                for cp in range(ncp):
                    pk = plsc.load_gather(tbl_v, [jb + cp])
                    pb = plsc.bitcast(pk, jnp.bfloat16)
                    lo, hi = plsc.unpack(pb, format=plsc.PackFormat.INTERLEAVED)
                    for k in range(8):
                        plsc.addupdate_scatter(a_v, [tbk[k] + cp],
                                               w8[k] * lo)
                        plsc.addupdate_scatter(a_v, [tbk[k] + (cp + ncp)],
                                               w8[k] * hi)

            pltpu.sync_copy(a_v, a_h.at[base + p])
            plsc.store_scatter(cnt_v, [pidx],
                               jnp.full((LANES,), s_total.astype(jnp.float32)),
                               mask=lanes == 0)
            return carry

        lax.fori_loop(0, ppw, point_body, 0)
        pltpu.sync_copy(cnt_v, cnt_h.at[pl.ds(base, ppw)])

    return sc_kernel


def _fin_body(a_ref, k_ref, c_ref, o_ref):
    acc = lax.dot_general(a_ref[...], k_ref[...], (((1,), (0,)), ((), ())),
                          preferred_element_type=jnp.float32)
    o_ref[...] = acc / jnp.maximum(c_ref[...], 1.0)


def _dense_body(px_ref, py_ref, pz_ref, gx_ref, gy_ref, gz_ref, feat_ref,
                kflat_ref, out_ref, *, n_tile, g_chunk, n_gchunks, cin):
    px = px_ref[0]
    py = py_ref[0]
    pz = pz_ref[0]

    def chunk(c, carry):
        acc, cnt = carry
        gsl = pl.ds(c * g_chunk, g_chunk)
        gx = gx_ref[0, :, gsl]
        gy = gy_ref[0, :, gsl]
        gz = gz_ref[0, :, gsl]
        featc = feat_ref[0, gsl, :]
        rx = gx - px
        ry = gy - py
        rz = gz - pz
        dist2 = rx * rx + ry * ry + rz * rz
        mask = (dist2 <= 1.0).astype(jnp.float32)
        u, v, w = _ball_to_cube(rx, ry, rz, jnp.sqrt,
                                lambda t: 1.0 / jnp.sqrt(t))
        xa0, xa1, _ix = _interp2(u + 1.0)
        ya0, ya1, _iy = _interp2(v + 1.0)
        za0, za1, _iz = _interp2(w + 1.0)
        wx = (jnp.where(_ix == 0, xa0, 0.0),
              jnp.where(_ix == 0, xa1, xa0),
              jnp.where(_ix == 0, 0.0, xa1))
        wy = (jnp.where(_iy == 0, ya0, 0.0),
              jnp.where(_iy == 0, ya1, ya0),
              jnp.where(_iy == 0, 0.0, ya1))
        wz = (jnp.where(_iz == 0, za0, 0.0) * mask,
              jnp.where(_iz == 0, za1, za0) * mask,
              jnp.where(_iz == 0, 0.0, za1) * mask)
        featb = featc.astype(jnp.bfloat16)
        parts = []
        for kz in range(3):
            for ky in range(3):
                wzy = wz[kz] * wy[ky]
                for kx in range(3):
                    wk = (wzy * wx[kx]).astype(jnp.bfloat16)
                    parts.append(
                        lax.dot_general(
                            wk, featb, (((1,), (0,)), ((), ())),
                            preferred_element_type=jnp.float32))
        acc = acc + jnp.concatenate(parts, axis=1)
        cnt = cnt + jnp.sum(mask, axis=1, keepdims=True)
        return acc, cnt

    acc0 = jnp.zeros((n_tile, 27 * cin), jnp.float32)
    cnt0 = jnp.zeros((n_tile, 1), jnp.float32)
    acc, cnt = lax.fori_loop(0, n_gchunks, chunk, (acc0, cnt0))
    out = lax.dot_general(acc, kflat_ref[...], (((1,), (0,)), ((), ())),
                          preferred_element_type=jnp.float32)
    out_ref[0] = out / jnp.maximum(cnt, 1.0)


def _dense_part(pos_tc, grid_pos, inv_r, grid_feat, kflat, n_tile=256,
                g_chunk=1024):
    Bb, n_tc = pos_tc.shape[0], pos_tc.shape[1]
    g, cin = grid_feat.shape[1], grid_feat.shape[2]
    cout = kflat.shape[-1]
    ps = pos_tc * inv_r
    px = ps[:, :, 0:1]
    py = ps[:, :, 1:2]
    pz = ps[:, :, 2:3]
    gs = (grid_pos * inv_r).T.reshape(1, 3, g)
    gx = gs[:, 0:1, :]
    gy = gs[:, 1:2, :]
    gz = gs[:, 2:3, :]
    body = functools.partial(_dense_body, n_tile=n_tile, g_chunk=g_chunk,
                             n_gchunks=g // g_chunk, cin=cin)
    return pl.pallas_call(
        body,
        grid=(Bb, n_tc // n_tile),
        in_specs=[
            pl.BlockSpec((1, n_tile, 1), lambda b, i: (b, i, 0)),
            pl.BlockSpec((1, n_tile, 1), lambda b, i: (b, i, 0)),
            pl.BlockSpec((1, n_tile, 1), lambda b, i: (b, i, 0)),
            pl.BlockSpec((1, 1, g), lambda b, i: (0, 0, 0)),
            pl.BlockSpec((1, 1, g), lambda b, i: (0, 0, 0)),
            pl.BlockSpec((1, 1, g), lambda b, i: (0, 0, 0)),
            pl.BlockSpec((1, g, cin), lambda b, i: (b, 0, 0)),
            pl.BlockSpec((27 * cin, cout), lambda b, i: (0, 0)),
        ],
        out_specs=pl.BlockSpec((1, n_tile, cout), lambda b, i: (b, i, 0)),
        out_shape=jax.ShapeDtypeStruct((Bb, n_tc, cout), jnp.float32),
    )(px, py, pz, gx, gy, gz, grid_feat, kflat)


SC_Q = 256


def kernel(input, pos, grid_pos, dx, kernel):
    Bb, cin = input.shape[0], input.shape[1]
    ng = input.shape[2]
    n = pos.shape[1]
    cout = kernel.shape[-1]
    q = SC_Q
    npts = Bb * q
    ppw = npts // NW
    ng3 = ng * ng * ng
    ncp = cin // 2

    pc = (pos[:, :q, :] * (1.0 / dx)).reshape(npts, 3)
    pcx = pc[:, 0]
    pcy = pc[:, 1]
    pcz = pc[:, 2]

    feat2 = jnp.transpose(input, (0, 2, 3, 4, 1)).reshape(Bb, ng3, cin)
    fb = feat2.astype(jnp.bfloat16)
    bits = lax.bitcast_convert_type(fb, jnp.uint16).astype(jnp.uint32)
    packed = bits[..., :ncp] | (bits[..., ncp:] << 16)
    tbl = lax.bitcast_convert_type(packed, jnp.int32).reshape(Bb, ng3 * ncp)

    import numpy as np
    ids = np.arange(NCAND)
    offx = np.where(ids < 216, ids // 36 - 2, 1000).astype(np.int32)
    offy = np.where(ids < 216, (ids // 6) % 6 - 2, 1000).astype(np.int32)
    offz = np.where(ids < 216, ids % 6 - 2, 1000).astype(np.int32)

    sc = _make_sc_kernel(npts, ng, cin, ppw)
    a_flat, cnt = sc(pcx, pcy, pcz, tbl,
                     jnp.asarray(offx), jnp.asarray(offy), jnp.asarray(offz))

    kflat = kernel.reshape(27 * cin, cout)

    grid_feat = feat2
    out_tc = _dense_part(pos[:, q:, :], grid_pos, 1.0 / (dx * 2.5),
                         grid_feat, kflat)

    cnt2 = cnt.reshape(npts, 1)
    n_tile = min(256, npts)
    out_sc = pl.pallas_call(
        _fin_body,
        grid=(npts // n_tile,),
        in_specs=[
            pl.BlockSpec((n_tile, 27 * cin), lambda i: (i, 0)),
            pl.BlockSpec((27 * cin, cout), lambda i: (0, 0)),
            pl.BlockSpec((n_tile, 1), lambda i: (i, 0)),
        ],
        out_specs=pl.BlockSpec((n_tile, cout), lambda i: (i, 0)),
        out_shape=jax.ShapeDtypeStruct((npts, cout), jnp.float32),
    )(a_flat, kflat, cnt2)
    return jnp.concatenate([out_sc.reshape(Bb, q, cout), out_tc], axis=1)

# --- scband reference (transcript-rebuilt; emitter-appended) ---
"""Pipeline reference for scband-cconv-decoder-34041910788793 (READ-ONLY COPY).

The authoritative reference and input builder live on the scoring server;
editing this copy changes nothing except your own understanding.
"""

import jax, jax.numpy as jnp
import numpy as np
import math

IN_CHANNELS = 32
OUT_CHANNELS = 32
NG = 16
B = 2
N_POINTS = 1024
DX = 0.05


def setup_inputs(seed: int = 0):
    key = jax.random.key(seed)
    k1, k2, k3 = jax.random.split(key, 3)
    inp = jax.random.normal(k1, (B, IN_CHANNELS, NG, NG, NG), dtype=jnp.float32)
    pos = jax.random.uniform(k2, (B, N_POINTS, 3), dtype=jnp.float32) * (DX * (NG - 1))
    ax = jnp.arange(NG, dtype=jnp.float32)
    gx, gy, gz = jnp.meshgrid(ax, ax, ax, indexing='ij')
    grid_pos = jnp.stack([gx, gy, gz], axis=-1).reshape(-1, 3) * DX
    dx = jnp.float32(DX)
    kernel = jax.random.normal(k3, (3, 3, 3, IN_CHANNELS, OUT_CHANNELS), dtype=jnp.float32) * 0.05
    return {"input": inp, "pos": pos, "grid_pos": grid_pos, "dx": dx, "kernel": kernel}


def _ball_to_cube_volume_preserving(x, y, z):
    eps = 1e-12
    sq_norm = x * x + y * y + z * z
    small = sq_norm < eps
    sqn_safe = jnp.where(small, 1.0, sq_norm)
    norm = jnp.sqrt(sqn_safe)
    xy2 = x * x + y * y
    # sphere -> cylinder (volume preserving)
    cap = (1.25 * z * z) > xy2
    denom_cap = norm + jnp.abs(z)
    s_cap = jnp.sqrt(3.0 * norm / jnp.where(denom_cap < eps, 1.0, denom_cap))
    xy2_safe = jnp.where(xy2 < eps, 1.0, xy2)
    s_side = norm / jnp.sqrt(xy2_safe)
    x1 = jnp.where(cap, x * s_cap, x * s_side)
    y1 = jnp.where(cap, y * s_cap, y * s_side)
    z1 = jnp.where(cap, jnp.sign(z) * norm, 1.5 * z)
    x1 = jnp.where(small, 0.0, x1)
    y1 = jnp.where(small, 0.0, y1)
    z1 = jnp.where(small, 0.0, z1)
    # cylinder -> cube (area preserving disc->square, Shirley-Chiu inverse)
    sq_xy = x1 * x1 + y1 * y1
    small_xy = sq_xy < eps
    nxy = jnp.sqrt(jnp.where(small_xy, 1.0, sq_xy))
    condx = jnp.abs(y1) <= jnp.abs(x1)
    dx_safe = jnp.where(jnp.abs(x1) < eps, 1.0, x1)
    dy_safe = jnp.where(jnp.abs(y1) < eps, 1.0, y1)
    tmp_x = jnp.sign(x1) * nxy
    tmp_y = jnp.sign(y1) * nxy
    four_over_pi = 4.0 / math.pi
    x2 = jnp.where(condx, tmp_x, tmp_y * four_over_pi * jnp.arctan(x1 / dy_safe))
    y2 = jnp.where(condx, tmp_x * four_over_pi * jnp.arctan(y1 / dx_safe), tmp_y)
    x2 = jnp.where(small_xy, 0.0, x2)
    y2 = jnp.where(small_xy, 0.0, y2)
    return x2, y2, z1


def _linear_interp_weights(t):
    # t in [0, 2] (align_corners, kernel_size=3); returns [..., 3] weights
    t = jnp.clip(t, 0.0, 2.0)
    i0 = jnp.clip(jnp.floor(t), 0.0, 1.0)
    f = t - i0
    ks = jnp.arange(3.0, dtype=t.dtype)
    i0e = i0[..., None]
    fe = f[..., None]
    w = jnp.where(ks == i0e, 1.0 - fe, jnp.where(ks == i0e + 1.0, fe, 0.0))
    return w


def _cconv(feat, inp_pos, out_pos, radius, kernel):
    # feat: [G, Cin], inp_pos: [G, 3], out_pos: [N, 3], kernel: [3,3,3,Cin,Cout]
    rel = (inp_pos[None, :, :] - out_pos[:, None, :]) / radius  # [N, G, 3]
    dist2 = jnp.sum(rel * rel, axis=-1)
    mask = (dist2 <= 1.0).astype(feat.dtype)
    u, v, w_ = _ball_to_cube_volume_preserving(rel[..., 0], rel[..., 1], rel[..., 2])
    wx = _linear_interp_weights(u + 1.0)
    wy = _linear_interp_weights(v + 1.0)
    wz = _linear_interp_weights(w_ + 1.0)
    count = jnp.sum(mask, axis=1)
    out = jnp.zeros((out_pos.shape[0], kernel.shape[-1]), dtype=feat.dtype)
    for kz in range(3):
        for ky in range(3):
            for kx in range(3):
                Wk = wz[..., kz] * wy[..., ky] * wx[..., kx] * mask  # [N, G]
                A = Wk @ feat  # [N, Cin]
                out = out + A @ kernel[kz, ky, kx]  # [N, Cout]
    out = out / jnp.maximum(count, 1.0)[:, None]
    return out


def reference(input, pos, grid_pos, dx, kernel):
    Bb = input.shape[0]
    C = input.shape[1]
    radius = dx * 2.5
    grid_feat = jnp.transpose(input, (0, 2, 3, 4, 1)).reshape(Bb, -1, C)
    outs = [_cconv(grid_feat[b], grid_pos, pos[b], radius, kernel) for b in range(Bb)]
    return jnp.stack(outs, axis=0)

if __name__ == "__main__":
    import jax
    _d = setup_inputs()
    print(jax.jit(kernel)(*tuple(_d.values())))

</pallas_src>

<mosaic_0001>
#map = affine_map<(d0, d1) -> (0)>
#map1 = affine_map<(d0, d1) -> (0, 0)>
module attributes {stable_mosaic.version = 14 : i64} {
  func.func @_rewritten_body(%arg0: i32, %arg1: i32, %arg2: memref<512xf32, #tpu.memory_space<hbm>>, %arg3: memref<512xf32, #tpu.memory_space<hbm>>, %arg4: memref<512xf32, #tpu.memory_space<hbm>>, %arg5: memref<2x65536xi32, #tpu.memory_space<hbm>>, %arg6: memref<224xi32, #tpu.memory_space<hbm>>, %arg7: memref<224xi32, #tpu.memory_space<hbm>>, %arg8: memref<224xi32, #tpu.memory_space<hbm>>, %arg9: memref<1xf32, #tpu.memory_space<hbm>>, %arg10: memref<512x864xf32, #tpu.memory_space<hbm>>, %arg11: memref<512xf32, #tpu.memory_space<hbm>>, %arg12: memref<16xf32, #tpu.memory_space<vmem>>, %arg13: memref<16xf32, #tpu.memory_space<vmem>>, %arg14: memref<16xf32, #tpu.memory_space<vmem>>, %arg15: memref<224xi32, #tpu.memory_space<vmem>>, %arg16: memref<224xi32, #tpu.memory_space<vmem>>, %arg17: memref<224xi32, #tpu.memory_space<vmem>>, %arg18: memref<65536xi32, #tpu.memory_space<vmem>>, %arg19: memref<256xi32, #tpu.memory_space<vmem>>, %arg20: memref<256xf32, #tpu.memory_space<vmem>>, %arg21: memref<256xf32, #tpu.memory_space<vmem>>, %arg22: memref<256xf32, #tpu.memory_space<vmem>>, %arg23: memref<864xf32, #tpu.memory_space<vmem>>, %arg24: memref<16xf32, #tpu.memory_space<vmem>>) attributes {dimension_semantics = [#tpu.dimension_semantics<core_parallel>, #tpu.dimension_semantics<subcore_parallel>], iteration_bounds = array<i64: 2, 16>, scalar_prefetch = 0 : i64, scratch_operands = 13 : i64, tpu.core_type = #tpu.core_type<sc_vector_subcore>, window_params = [{transform_indices = #map}, {transform_indices = #map}, {transform_indices = #map}, {transform_indices = #map1}, {transform_indices = #map}, {transform_indices = #map}, {transform_indices = #map}, {transform_indices = #map}, {transform_indices = #map1}, {transform_indices = #map}]} {
    %empty_ref3A = memref.alloca() : memref<16xf32, #tpu.memory_space<vmem>>
    "tpu.region"() ({
      %run_scoped3A = tpu.sem_alloc : memref<!tpu.dma_semaphore, #tpu.memory_space<semaphore_mem>>
      %dma_start3A = arith.constant 0 : i32
      %dma_start3A_59 = tpu.memref_slice %empty_ref3A[%dma_start3A] : memref<16xf32, #tpu.memory_space<vmem>> -> memref<1xf32, #tpu.memory_space<vmem>>
      %dma_start3A_60 = arith.constant 0 : i32
      %dma_start3A_61 = tpu.memref_slice %empty_ref3A[%dma_start3A_60] : memref<16xf32, #tpu.memory_space<vmem>> -> memref<1xf32, #tpu.memory_space<vmem>>
      tpu.enqueue_dma source(%arg9 : memref<1xf32, #tpu.memory_space<hbm>>) target(%dma_start3A_61 : memref<1xf32, #tpu.memory_space<vmem>>) target_semaphore(%run_scoped3A : memref<!tpu.dma_semaphore, #tpu.memory_space<semaphore_mem>>)
      %dma_wait3A = arith.constant 0 : i32
      %dma_wait3A_62 = tpu.memref_slice %empty_ref3A[%dma_wait3A] : memref<16xf32, #tpu.memory_space<vmem>> -> memref<1xf32, #tpu.memory_space<vmem>>
      %dma_wait3A_63 = arith.constant 0 : i32
      %dma_wait3A_64 = tpu.memref_slice %empty_ref3A[%dma_wait3A_63] : memref<16xf32, #tpu.memory_space<vmem>> -> memref<1xf32, #tpu.memory_space<vmem>>
      tpu.wait_dma2 semaphore(%run_scoped3A : memref<!tpu.dma_semaphore, #tpu.memory_space<semaphore_mem>>) src(%arg9 : memref<1xf32, #tpu.memory_space<hbm>>) dst(%dma_wait3A_64 : memref<1xf32, #tpu.memory_space<vmem>>)
      tpu.yield
    }) : () -> ()
    %get3A = arith.constant 0 : index
    %get3A_0 = tpu.vector_load %empty_ref3A[%get3A] {strides = array<i32>} : memref<16xf32, #tpu.memory_space<vmem>>, vector<16xf32>,
    %slice3A = vector.extract_strided_slice %get3A_0 {offsets = [0], sizes = [1], strides = [1]} : vector<16xf32> to vector<1xf32>
    %squeeze3A = vector.extract %slice3A[0] : f32 from vector<1xf32>
    %mul3A = arith.constant 2 : i32
    %mul3A_1 = arith.muli %arg1, %mul3A : i32
    %add3A = arith.addi %mul3A_1, %arg0 : i32
    %mul3A_2 = arith.constant 16 : i32
    %mul3A_3 = arith.muli %add3A, %mul3A_2 : i32
    %jit3A = arith.constant 256 : i32
    %div3A = arith.divsi %mul3A_3, %jit3A : i32
    %sign3A = arith.constant 0 : i32
    %sign3A_4 = arith.cmpi sgt, %mul3A_3, %sign3A : i32
    %sign3A_5 = arith.extui %sign3A_4 : i1 to i32
    %sign3A_6 = arith.constant 0 : i32
    %sign3A_7 = arith.cmpi slt, %mul3A_3, %sign3A_6 : i32
    %sign3A_8 = arith.extui %sign3A_7 : i1 to i32
    %sign3A_9 = arith.subi %sign3A_5, %sign3A_8 : i32
    %sign3A_10 = arith.constant 0 : i32
    %sign3A_11 = arith.cmpi sgt, %jit3A, %sign3A_10 : i32
    %sign3A_12 = arith.extui %sign3A_11 : i1 to i32
    %sign3A_13 = arith.constant 0 : i32
    %sign3A_14 = arith.cmpi slt, %jit3A, %sign3A_13 : i32
    %sign3A_15 = arith.extui %sign3A_14 : i1 to i32
    %sign3A_16 = arith.subi %sign3A_12, %sign3A_15 : i32
    %ne3A = arith.cmpi ne, %sign3A_9, %sign3A_16 : i32
    %rem3A = arith.remsi %mul3A_3, %jit3A : i32
    %ne3A_17 = arith.constant 0 : i32
    %ne3A_18 = arith.cmpi ne, %rem3A, %ne3A_17 : i32
    %and3A = arith.andi %ne3A, %ne3A_18 : i1
    %sub3A = arith.constant 1 : i32
    %sub3A_19 = arith.subi %div3A, %sub3A : i32
    %select_n3A = arith.select %and3A, %sub3A_19, %div3A : i32
    %iota3A = tpu.iota {dimensions = array<i32: 0>} : vector<16xi32>
    "tpu.region"() ({
      %run_scoped3A = tpu.sem_alloc : memref<!tpu.dma_semaphore, #tpu.memory_space<semaphore_mem>>
      %dma_start3A = tpu.memref_slice %arg2[%mul3A_3] : memref<512xf32, #tpu.memory_space<hbm>> -> memref<16xf32, #tpu.memory_space<hbm>>
      %dma_start3A_59 = tpu.memref_slice %arg2[%mul3A_3] : memref<512xf32, #tpu.memory_space<hbm>> -> memref<16xf32, #tpu.memory_space<hbm>>
      tpu.enqueue_dma source(%dma_start3A_59 : memref<16xf32, #tpu.memory_space<hbm>>) target(%arg12 : memref<16xf32, #tpu.memory_space<vmem>>) target_semaphore(%run_scoped3A : memref<!tpu.dma_semaphore, #tpu.memory_space<semaphore_mem>>)
      %dma_wait3A = tpu.memref_slice %arg2[%mul3A_3] : memref<512xf32, #tpu.memory_space<hbm>> -> memref<16xf32, #tpu.memory_space<hbm>>
      %dma_wait3A_60 = tpu.memref_slice %arg2[%mul3A_3] : memref<512xf32, #tpu.memory_space<hbm>> -> memref<16xf32, #tpu.memory_space<hbm>>
      tpu.wait_dma2 semaphore(%run_scoped3A : memref<!tpu.dma_semaphore, #tpu.memory_space<semaphore_mem>>) src(%dma_wait3A_60 : memref<16xf32, #tpu.memory_space<hbm>>) dst(%arg12 : memref<16xf32, #tpu.memory_space<vmem>>)
      tpu.yield
    }) : () -> ()
    "tpu.region"() ({
      %run_scoped3A = tpu.sem_alloc : memref<!tpu.dma_semaphore, #tpu.memory_space<semaphore_mem>>
      %dma_start3A = tpu.memref_slice %arg3[%mul3A_3] : memref<512xf32, #tpu.memory_space<hbm>> -> memref<16xf32, #tpu.memory_space<hbm>>
      %dma_start3A_59 = tpu.memref_slice %arg3[%mul3A_3] : memref<512xf32, #tpu.memory_space<hbm>> -> memref<16xf32, #tpu.memory_space<hbm>>
      tpu.enqueue_dma source(%dma_start3A_59 : memref<16xf32, #tpu.memory_space<hbm>>) target(%arg13 : memref<16xf32, #tpu.memory_space<vmem>>) target_semaphore(%run_scoped3A : memref<!tpu.dma_semaphore, #tpu.memory_space<semaphore_mem>>)
      %dma_wait3A = tpu.memref_slice %arg3[%mul3A_3] : memref<512xf32, #tpu.memory_space<hbm>> -> memref<16xf32, #tpu.memory_space<hbm>>
      %dma_wait3A_60 = tpu.memref_slice %arg3[%mul3A_3] : memref<512xf32, #tpu.memory_space<hbm>> -> memref<16xf32, #tpu.memory_space<hbm>>
      tpu.wait_dma2 semaphore(%run_scoped3A : memref<!tpu.dma_semaphore, #tpu.memory_space<semaphore_mem>>) src(%dma_wait3A_60 : memref<16xf32, #tpu.memory_space<hbm>>) dst(%arg13 : memref<16xf32, #tpu.memory_space<vmem>>)
      tpu.yield
    }) : () -> ()
    "tpu.region"() ({
      %run_scoped3A = tpu.sem_alloc : memref<!tpu.dma_semaphore, #tpu.memory_space<semaphore_mem>>
      %dma_start3A = tpu.memref_slice %arg4[%mul3A_3] : memref<512xf32, #tpu.memory_space<hbm>> -> memref<16xf32, #tpu.memory_space<hbm>>
      %dma_start3A_59 = tpu.memref_slice %arg4[%mul3A_3] : memref<512xf32, #tpu.memory_space<hbm>> -> memref<16xf32, #tpu.memory_space<hbm>>
      tpu.enqueue_dma source(%dma_start3A_59 : memref<16xf32, #tpu.memory_space<hbm>>) target(%arg14 : memref<16xf32, #tpu.memory_space<vmem>>) target_semaphore(%run_scoped3A : memref<!tpu.dma_semaphore, #tpu.memory_space<semaphore_mem>>)
      %dma_wait3A = tpu.memref_slice %arg4[%mul3A_3] : memref<512xf32, #tpu.memory_space<hbm>> -> memref<16xf32, #tpu.memory_space<hbm>>
      %dma_wait3A_60 = tpu.memref_slice %arg4[%mul3A_3] : memref<512xf32, #tpu.memory_space<hbm>> -> memref<16xf32, #tpu.memory_space<hbm>>
      tpu.wait_dma2 semaphore(%run_scoped3A : memref<!tpu.dma_semaphore, #tpu.memory_space<semaphore_mem>>) src(%dma_wait3A_60 : memref<16xf32, #tpu.memory_space<hbm>>) dst(%arg14 : memref<16xf32, #tpu.memory_space<vmem>>)
      tpu.yield
    }) : () -> ()
    "tpu.region"() ({
      %run_scoped3A = tpu.sem_alloc : memref<!tpu.dma_semaphore, #tpu.memory_space<semaphore_mem>>
      tpu.enqueue_dma source(%arg6 : memref<224xi32, #tpu.memory_space<hbm>>) target(%arg15 : memref<224xi32, #tpu.memory_space<vmem>>) target_semaphore(%run_scoped3A : memref<!tpu.dma_semaphore, #tpu.memory_space<semaphore_mem>>)
      tpu.wait_dma2 semaphore(%run_scoped3A : memref<!tpu.dma_semaphore, #tpu.memory_space<semaphore_mem>>) src(%arg6 : memref<224xi32, #tpu.memory_space<hbm>>) dst(%arg15 : memref<224xi32, #tpu.memory_space<vmem>>)
      tpu.yield
    }) : () -> ()
    "tpu.region"() ({
      %run_scoped3A = tpu.sem_alloc : memref<!tpu.dma_semaphore, #tpu.memory_space<semaphore_mem>>
      tpu.enqueue_dma source(%arg7 : memref<224xi32, #tpu.memory_space<hbm>>) target(%arg16 : memref<224xi32, #tpu.memory_space<vmem>>) target_semaphore(%run_scoped3A : memref<!tpu.dma_semaphore, #tpu.memory_space<semaphore_mem>>)
      tpu.wait_dma2 semaphore(%run_scoped3A : memref<!tpu.dma_semaphore, #tpu.memory_space<semaphore_mem>>) src(%arg7 : memref<224xi32, #tpu.memory_space<hbm>>) dst(%arg16 : memref<224xi32, #tpu.memory_space<vmem>>)
      tpu.yield
    }) : () -> ()
    "tpu.region"() ({
      %run_scoped3A = tpu.sem_alloc : memref<!tpu.dma_semaphore, #tpu.memory_space<semaphore_mem>>
      tpu.enqueue_dma source(%arg8 : memref<224xi32, #tpu.memory_space<hbm>>) target(%arg17 : memref<224xi32, #tpu.memory_space<vmem>>) target_semaphore(%run_scoped3A : memref<!tpu.dma_semaphore, #tpu.memory_space<semaphore_mem>>)
      tpu.wait_dma2 semaphore(%run_scoped3A : memref<!tpu.dma_semaphore, #tpu.memory_space<semaphore_mem>>) src(%arg8 : memref<224xi32, #tpu.memory_space<hbm>>) dst(%arg17 : memref<224xi32, #tpu.memory_space<vmem>>)
      tpu.yield
    }) : () -> ()
    "tpu.region"() ({
      %run_scoped3A = tpu.sem_alloc : memref<!tpu.dma_semaphore, #tpu.memory_space<semaphore_mem>>
      %dma_start3A = arith.constant 0 : i32
      %dma_start3A_59 = tpu.memref_slice %arg5[%select_n3A, %dma_start3A] : memref<2x65536xi32, #tpu.memory_space<hbm>> -> memref<1x65536xi32, #tpu.memory_space<hbm>>
      %dma_start3A_60 = tpu.memref_squeeze %dma_start3A_59 : memref<1x65536xi32, #tpu.memory_space<hbm>> -> memref<65536xi32, #tpu.memory_space<hbm>>
      %dma_start3A_61 = arith.constant 0 : i32
      %dma_start3A_62 = tpu.memref_slice %arg5[%select_n3A, %dma_start3A_61] : memref<2x65536xi32, #tpu.memory_space<hbm>> -> memref<1x65536xi32, #tpu.memory_space<hbm>>
      %dma_start3A_63 = tpu.memref_squeeze %dma_start3A_62 : memref<1x65536xi32, #tpu.memory_space<hbm>> -> memref<65536xi32, #tpu.memory_space<hbm>>
      tpu.enqueue_dma source(%dma_start3A_63 : memref<65536xi32, #tpu.memory_space<hbm>>) target(%arg18 : memref<65536xi32, #tpu.memory_space<vmem>>) target_semaphore(%run_scoped3A : memref<!tpu.dma_semaphore, #tpu.memory_space<semaphore_mem>>)
      %dma_wait3A = arith.constant 0 : i32
      %dma_wait3A_64 = tpu.memref_slice %arg5[%select_n3A, %dma_wait3A] : memref<2x65536xi32, #tpu.memory_space<hbm>> -> memref<1x65536xi32, #tpu.memory_space<hbm>>
      %dma_wait3A_65 = tpu.memref_squeeze %dma_wait3A_64 : memref<1x65536xi32, #tpu.memory_space<hbm>> -> memref<65536xi32, #tpu.memory_space<hbm>>
      %dma_wait3A_66 = arith.constant 0 : i32
      %dma_wait3A_67 = tpu.memref_slice %arg5[%select_n3A, %dma_wait3A_66] : memref<2x65536xi32, #tpu.memory_space<hbm>> -> memref<1x65536xi32, #tpu.memory_space<hbm>>
      %dma_wait3A_68 = tpu.memref_squeeze %dma_wait3A_67 : memref<1x65536xi32, #tpu.memory_space<hbm>> -> memref<65536xi32, #tpu.memory_space<hbm>>
      tpu.wait_dma2 semaphore(%run_scoped3A : memref<!tpu.dma_semaphore, #tpu.memory_space<semaphore_mem>>) src(%dma_wait3A_68 : memref<65536xi32, #tpu.memory_space<hbm>>) dst(%arg18 : memref<65536xi32, #tpu.memory_space<vmem>>)
      tpu.yield
    }) : () -> ()
    %broadcast_in_dim3A = arith.constant 0 : i32
    %broadcast_in_dim3A_20 = vector.broadcast %broadcast_in_dim3A : i32 to vector<16xi32>
    %broadcast_in_dim3A_21 = arith.constant 0.000000e+00 : f32
    %broadcast_in_dim3A_22 = vector.broadcast %broadcast_in_dim3A_21 : f32 to vector<16xf32>
    %swap3A = arith.constant 0 : index
    %swap3A_23 = tpu.vector_load %arg19[%swap3A] {strides = array<i32>} : memref<256xi32, #tpu.memory_space<vmem>>, vector<16xi32>,
    tpu.vector_store %arg19[%swap3A], %broadcast_in_dim3A_20 {strides = array<i32>} : memref<256xi32, #tpu.memory_space<vmem>>, vector<16xi32>,
    %swap3A_24 = arith.constant 16 : index
    %swap3A_25 = tpu.vector_load %arg19[%swap3A_24] {strides = array<i32>} : memref<256xi32, #tpu.memory_space<vmem>>, vector<16xi32>,
    tpu.vector_store %arg19[%swap3A_24], %broadcast_in_dim3A_20 {strides = array<i32>} : memref<256xi32, #tpu.memory_space<vmem>>, vector<16xi32>,
    %swap3A_26 = arith.constant 32 : index
    %swap3A_27 = tpu.vector_load %arg19[%swap3A_26] {strides = array<i32>} : memref<256xi32, #tpu.memory_space<vmem>>, vector<16xi32>,
    tpu.vector_store %arg19[%swap3A_26], %broadcast_in_dim3A_20 {strides = array<i32>} : memref<256xi32, #tpu.memory_space<vmem>>, vector<16xi32>,
    %swap3A_28 = arith.constant 48 : index
    %swap3A_29 = tpu.vector_load %arg19[%swap3A_28] {strides = array<i32>} : memref<256xi32, #tpu.memory_space<vmem>>, vector<16xi32>,
    tpu.vector_store %arg19[%swap3A_28], %broadcast_in_dim3A_20 {strides = array<i32>} : memref<256xi32, #tpu.memory_space<vmem>>, vector<16xi32>,
    %swap3A_30 = arith.constant 64 : index
    %swap3A_31 = tpu.vector_load %arg19[%swap3A_30] {strides = array<i32>} : memref<256xi32, #tpu.memory_space<vmem>>, vector<16xi32>,
    tpu.vector_store %arg19[%swap3A_30], %broadcast_in_dim3A_20 {strides = array<i32>} : memref<256xi32, #tpu.memory_space<vmem>>, vector<16xi32>,
    %swap3A_32 = arith.constant 80 : index
    %swap3A_33 = tpu.vector_load %arg19[%swap3A_32] {strides = array<i32>} : memref<256xi32, #tpu.memory_space<vmem>>, vector<16xi32>,
    tpu.vector_store %arg19[%swap3A_32], %broadcast_in_dim3A_20 {strides = array<i32>} : memref<256xi32, #tpu.memory_space<vmem>>, vector<16xi32>,
    %swap3A_34 = arith.constant 96 : index
    %swap3A_35 = tpu.vector_load %arg19[%swap3A_34] {strides = array<i32>} : memref<256xi32, #tpu.memory_space<vmem>>, vector<16xi32>,
    tpu.vector_store %arg19[%swap3A_34], %broadcast_in_dim3A_20 {strides = array<i32>} : memref<256xi32, #tpu.memory_space<vmem>>, vector<16xi32>,
    %swap3A_36 = arith.constant 112 : index
    %swap3A_37 = tpu.vector_load %arg19[%swap3A_36] {strides = array<i32>} : memref<256xi32, #tpu.memory_space<vmem>>, vector<16xi32>,
    tpu.vector_store %arg19[%swap3A_36], %broadcast_in_dim3A_20 {strides = array<i32>} : memref<256xi32, #tpu.memory_space<vmem>>, vector<16xi32>,
    %swap3A_38 = arith.constant 128 : index
    %swap3A_39 = tpu.vector_load %arg19[%swap3A_38] {strides = array<i32>} : memref<256xi32, #tpu.memory_space<vmem>>, vector<16xi32>,
    tpu.vector_store %arg19[%swap3A_38], %broadcast_in_dim3A_20 {strides = array<i32>} : memref<256xi32, #tpu.memory_space<vmem>>, vector<16xi32>,
    %swap3A_40 = arith.constant 144 : index
    %swap3A_41 = tpu.vector_load %arg19[%swap3A_40] {strides = array<i32>} : memref<256xi32, #tpu.memory_space<vmem>>, vector<16xi32>,
    tpu.vector_store %arg19[%swap3A_40], %broadcast_in_dim3A_20 {strides = array<i32>} : memref<256xi32, #tpu.memory_space<vmem>>, vector<16xi32>,
    %swap3A_42 = arith.constant 160 : index
    %swap3A_43 = tpu.vector_load %arg19[%swap3A_42] {strides = array<i32>} : memref<256xi32, #tpu.memory_space<vmem>>, vector<16xi32>,
    tpu.vector_store %arg19[%swap3A_42], %broadcast_in_dim3A_20 {strides = array<i32>} : memref<256xi32, #tpu.memory_space<vmem>>, vector<16xi32>,
    %swap3A_44 = arith.constant 176 : index
    %swap3A_45 = tpu.vector_load %arg19[%swap3A_44] {strides = array<i32>} : memref<256xi32, #tpu.memory_space<vmem>>, vector<16xi32>,
    tpu.vector_store %arg19[%swap3A_44], %broadcast_in_dim3A_20 {strides = array<i32>} : memref<256xi32, #tpu.memory_space<vmem>>, vector<16xi32>,
    %swap3A_46 = arith.constant 192 : index
    %swap3A_47 = tpu.vector_load %arg19[%swap3A_46] {strides = array<i32>} : memref<256xi32, #tpu.memory_space<vmem>>, vector<16xi32>,
    tpu.vector_store %arg19[%swap3A_46], %broadcast_in_dim3A_20 {strides = array<i32>} : memref<256xi32, #tpu.memory_space<vmem>>, vector<16xi32>,
    %swap3A_48 = arith.constant 208 : index
    %swap3A_49 = tpu.vector_load %arg19[%swap3A_48] {strides = array<i32>} : memref<256xi32, #tpu.memory_space<vmem>>, vector<16xi32>,
    tpu.vector_store %arg19[%swap3A_48], %broadcast_in_dim3A_20 {strides = array<i32>} : memref<256xi32, #tpu.memory_space<vmem>>, vector<16xi32>,
    %swap3A_50 = arith.constant 224 : index
    %swap3A_51 = tpu.vector_load %arg19[%swap3A_50] {strides = array<i32>} : memref<256xi32, #tpu.memory_space<vmem>>, vector<16xi32>,
    tpu.vector_store %arg19[%swap3A_50], %broadcast_in_dim3A_20 {strides = array<i32>} : memref<256xi32, #tpu.memory_space<vmem>>, vector<16xi32>,
    %swap3A_52 = arith.constant 240 : index
    %swap3A_53 = tpu.vector_load %arg19[%swap3A_52] {strides = array<i32>} : memref<256xi32, #tpu.memory_space<vmem>>, vector<16xi32>,
    tpu.vector_store %arg19[%swap3A_52], %broadcast_in_dim3A_20 {strides = array<i32>} : memref<256xi32, #tpu.memory_space<vmem>>, vector<16xi32>,
    %scan3A = arith.constant 0 : i32
    %scan3A_54 = arith.constant 0 : i32
    %scan3A_55 = arith.constant 16 : i32
    %scan3A_56 = arith.addi %scan3A_54, %scan3A_55 : i32
    %scan3A_57 = arith.constant 1 : i32
    scf.for %scan3A_59 = %scan3A_54 to %scan3A_56 step %scan3A_57  : i32 {
      %broadcast_in_dim3A_60 = vector.broadcast %scan3A_59 : i32 to vector<16xi32>
      %gather3A = tpu.vector_load_idx %arg12[%broadcast_in_dim3A_60] : memref<16xf32, #tpu.memory_space<vmem>>[vector<16xi32>], vector<16xf32>,
      %gather3A_61 = tpu.vector_load_idx %arg13[%broadcast_in_dim3A_60] : memref<16xf32, #tpu.memory_space<vmem>>[vector<16xi32>], vector<16xf32>,
      %gather3A_62 = tpu.vector_load_idx %arg14[%broadcast_in_dim3A_60] : memref<16xf32, #tpu.memory_space<vmem>>[vector<16xi32>], vector<16xf32>,
      %convert_element_type3A = arith.fptosi %gather3A : vector<16xf32> to vector<16xi32>
      %convert_element_type3A_63 = arith.fptosi %gather3A_61 : vector<16xf32> to vector<16xi32>
      %convert_element_type3A_64 = arith.fptosi %gather3A_62 : vector<16xf32> to vector<16xi32>
      %scan3A_65 = arith.constant 0 : i32
      %scan3A_66 = arith.constant 14 : i32
      %scan3A_67 = arith.addi %scan3A_65, %scan3A_66 : i32
      %scan3A_68 = arith.constant 1 : i32
      %scan3A_69 = scf.for %scan3A_197 = %scan3A_65 to %scan3A_67 step %scan3A_68 iter_args(%scan3A_198 = %broadcast_in_dim3A_20) -> (vector<16xi32>)  : i32 {
        %mul3A_199 = arith.constant 16 : i32
        %mul3A_200 = arith.muli %scan3A_197, %mul3A_199 : i32
        %get3A_201 = arith.index_cast %mul3A_200 : i32 to index
        %get3A_202 = tpu.vector_load %arg15[%get3A_201] {strides = array<i32>} : memref<224xi32, #tpu.memory_space<vmem>>, vector<16xi32>,
        %get3A_203 = arith.index_cast %mul3A_200 : i32 to index
        %get3A_204 = tpu.vector_load %arg16[%get3A_203] {strides = array<i32>} : memref<224xi32, #tpu.memory_space<vmem>>, vector<16xi32>,
        %get3A_205 = arith.index_cast %mul3A_200 : i32 to index
        %get3A_206 = tpu.vector_load %arg17[%get3A_205] {strides = array<i32>} : memref<224xi32, #tpu.memory_space<vmem>>, vector<16xi32>,
        %add3A_207 = arith.addi %convert_element_type3A, %get3A_202 : vector<16xi32>
        %add3A_208 = arith.addi %convert_element_type3A_63, %get3A_204 : vector<16xi32>
        %add3A_209 = arith.addi %convert_element_type3A_64, %get3A_206 : vector<16xi32>
        %ge3A = arith.constant 0 : i32
        %ge3A_210 = vector.broadcast %ge3A : i32 to vector<16xi32>
        %ge3A_211 = arith.cmpi sge, %add3A_207, %ge3A_210 : vector<16xi32>
        %lt3A = arith.constant 16 : i32
        %lt3A_212 = vector.broadcast %lt3A : i32 to vector<16xi32>
        %lt3A_213 = arith.cmpi slt, %add3A_207, %lt3A_212 : vector<16xi32>
        %and3A_214 = arith.andi %ge3A_211, %lt3A_213 : vector<16xi1>
        %ge3A_215 = arith.constant 0 : i32
        %ge3A_216 = vector.broadcast %ge3A_215 : i32 to vector<16xi32>
        %ge3A_217 = arith.cmpi sge, %add3A_208, %ge3A_216 : vector<16xi32>
        %and3A_218 = arith.andi %and3A_214, %ge3A_217 : vector<16xi1>
        %lt3A_219 = arith.constant 16 : i32
        %lt3A_220 = vector.broadcast %lt3A_219 : i32 to vector<16xi32>
        %lt3A_221 = arith.cmpi slt, %add3A_208, %lt3A_220 : vector<16xi32>
        %and3A_222 = arith.andi %and3A_218, %lt3A_221 : vector<16xi1>
        %ge3A_223 = arith.constant 0 : i32
        %ge3A_224 = vector.broadcast %ge3A_223 : i32 to vector<16xi32>
        %ge3A_225 = arith.cmpi sge, %add3A_209, %ge3A_224 : vector<16xi32>
        %and3A_226 = arith.andi %and3A_222, %ge3A_225 : vector<16xi1>
        %lt3A_227 = arith.constant 16 : i32
        %lt3A_228 = vector.broadcast %lt3A_227 : i32 to vector<16xi32>
        %lt3A_229 = arith.cmpi slt, %add3A_209, %lt3A_228 : vector<16xi32>
        %and3A_230 = arith.andi %and3A_226, %lt3A_229 : vector<16xi1>
        %convert_element_type3A_231 = arith.sitofp %add3A_207 : vector<16xi32> to vector<16xf32>
        %sub3A_232 = arith.subf %convert_element_type3A_231, %gather3A : vector<16xf32>
        %mul3A_233 = vector.broadcast %squeeze3A : f32 to vector<16xf32>
        %mul3A_234 = arith.mulf %sub3A_232, %mul3A_233 : vector<16xf32>
        %convert_element_type3A_235 = arith.sitofp %add3A_208 : vector<16xi32> to vector<16xf32>
        %sub3A_236 = arith.subf %convert_element_type3A_235, %gather3A_61 : vector<16xf32>
        %mul3A_237 = vector.broadcast %squeeze3A : f32 to vector<16xf32>
        %mul3A_238 = arith.mulf %sub3A_236, %mul3A_237 : vector<16xf32>
        %convert_element_type3A_239 = arith.sitofp %add3A_209 : vector<16xi32> to vector<16xf32>
        %sub3A_240 = arith.subf %convert_element_type3A_239, %gather3A_62 : vector<16xf32>
        %mul3A_241 = vector.broadcast %squeeze3A : f32 to vector<16xf32>
        %mul3A_242 = arith.mulf %sub3A_240, %mul3A_241 : vector<16xf32>
        %mul3A_243 = arith.mulf %mul3A_234, %mul3A_234 : vector<16xf32>
        %mul3A_244 = arith.mulf %mul3A_238, %mul3A_238 : vector<16xf32>
        %add3A_245 = arith.addf %mul3A_243, %mul3A_244 : vector<16xf32>
        %mul3A_246 = arith.mulf %mul3A_242, %mul3A_242 : vector<16xf32>
        %add3A_247 = arith.addf %add3A_245, %mul3A_246 : vector<16xf32>
        %le3A = arith.constant 1.000000e+00 : f32
        %le3A_248 = vector.broadcast %le3A : f32 to vector<16xf32>
        %le3A_249 = arith.cmpf ole, %add3A_247, %le3A_248 : vector<16xf32>
        %and3A_250 = arith.andi %le3A_249, %and3A_230 : vector<16xi1>
        %convert_element_type3A_251 = arith.extui %and3A_250 : vector<16xi1> to vector<16xi32>
        %broadcast_in_dim3A_252 = arith.constant true
        %broadcast_in_dim3A_253 = vector.broadcast %broadcast_in_dim3A_252 : i1 to vector<16xi1>
        %masked_cumsum3A = tpu.scan <sum>, %convert_element_type3A_251 masked %broadcast_in_dim3A_253 : vector<16xi32>, vector<16xi1> -> vector<16xi32>
        %add3A_254 = arith.addi %scan3A_198, %masked_cumsum3A : vector<16xi32>
        %sub3A_255 = arith.constant 1 : i32
        %sub3A_256 = vector.broadcast %sub3A_255 : i32 to vector<16xi32>
        %sub3A_257 = arith.subi %add3A_254, %sub3A_256 : vector<16xi32>
        %mul3A_258 = arith.constant 256 : i32
        %mul3A_259 = vector.broadcast %mul3A_258 : i32 to vector<16xi32>
        %mul3A_260 = arith.muli %add3A_207, %mul3A_259 : vector<16xi32>
        %mul3A_261 = arith.constant 16 : i32
        %mul3A_262 = vector.broadcast %mul3A_261 : i32 to vector<16xi32>
        %mul3A_263 = arith.muli %add3A_208, %mul3A_262 : vector<16xi32>
        %add3A_264 = arith.addi %mul3A_260, %mul3A_263 : vector<16xi32>
        %add3A_265 = arith.addi %add3A_264, %add3A_209 : vector<16xi32>
        %mul3A_266 = arith.constant 16 : i32
        %mul3A_267 = vector.broadcast %mul3A_266 : i32 to vector<16xi32>
        %mul3A_268 = arith.muli %add3A_265, %mul3A_267 : vector<16xi32>
        tpu.vector_store_idx %arg19[%sub3A_257], %mul3A_268 masked %and3A_250 : memref<256xi32, #tpu.memory_space<vmem>>[vector<16xi32>], vector<16xi32>, vector<16xi1>
        tpu.vector_store_idx %arg20[%sub3A_257], %mul3A_234 masked %and3A_250 : memref<256xf32, #tpu.memory_space<vmem>>[vector<16xi32>], vector<16xf32>, vector<16xi1>
        tpu.vector_store_idx %arg21[%sub3A_257], %mul3A_238 masked %and3A_250 : memref<256xf32, #tpu.memory_space<vmem>>[vector<16xi32>], vector<16xf32>, vector<16xi1>
        tpu.vector_store_idx %arg22[%sub3A_257], %mul3A_242 masked %and3A_250 : memref<256xf32, #tpu.memory_space<vmem>>[vector<16xi32>], vector<16xf32>, vector<16xi1>
        %all_reduce_population_count3A = tpu.all_reduce %and3A_250 {dim = 0 : i64, kind = #tpu.reduction_kind<sum>} : vector<16xi1> -> vector<16xi32>
        %add3A_269 = arith.addi %scan3A_198, %all_reduce_population_count3A : vector<16xi32>
        scf.yield %add3A_269 : vector<16xi32>
      }
      %scan3A_70 = arith.constant 14 : i32
      %reduce_max3A = arith.constant true
      %reduce_max3A_71 = vector.broadcast %reduce_max3A : i1 to vector<16xi1>
      %reduce_max3A_72 = arith.constant -2147483648 : i32
      %reduce_max3A_73 = vector.broadcast %reduce_max3A_72 : i32 to vector<16xi32>
      %reduce_max3A_74 = arith.xori %scan3A_69, %reduce_max3A_73 : vector<16xi32>
      %reduce_max3A_75 = tpu.scan <max>, %reduce_max3A_74 masked %reduce_max3A_71 : vector<16xi32>, vector<16xi1> -> vector<16xi32>
      %reduce_max3A_76 = arith.xori %reduce_max3A_75, %reduce_max3A_73 : vector<16xi32>
      %reduce_max3A_77 = vector.extract %reduce_max3A_76[15] : i32 from vector<16xi32>
      %swap3A_78 = arith.constant 0 : index
      %swap3A_79 = tpu.vector_load %arg23[%swap3A_78] {strides = array<i32>} : memref<864xf32, #tpu.memory_space<vmem>>, vector<16xf32>,
      tpu.vector_store %arg23[%swap3A_78], %broadcast_in_dim3A_22 {strides = array<i32>} : memref<864xf32, #tpu.memory_space<vmem>>, vector<16xf32>,
      %swap3A_80 = arith.constant 16 : index
      %swap3A_81 = tpu.vector_load %arg23[%swap3A_80] {strides = array<i32>} : memref<864xf32, #tpu.memory_space<vmem>>, vector<16xf32>,
      tpu.vector_store %arg23[%swap3A_80], %broadcast_in_dim3A_22 {strides = array<i32>} : memref<864xf32, #tpu.memory_space<vmem>>, vector<16xf32>,
      %swap3A_82 = arith.constant 32 : index
      %swap3A_83 = tpu.vector_load %arg23[%swap3A_82] {strides = array<i32>} : memref<864xf32, #tpu.memory_space<vmem>>, vector<16xf32>,
      tpu.vector_store %arg23[%swap3A_82], %broadcast_in_dim3A_22 {strides = array<i32>} : memref<864xf32, #tpu.memory_space<vmem>>, vector<16xf32>,
      %swap3A_84 = arith.constant 48 : index
      %swap3A_85 = tpu.vector_load %arg23[%swap3A_84] {strides = array<i32>} : memref<864xf32, #tpu.memory_space<vmem>>, vector<16xf32>,
      tpu.vector_store %arg23[%swap3A_84], %broadcast_in_dim3A_22 {strides = array<i32>} : memref<864xf32, #tpu.memory_space<vmem>>, vector<16xf32>,
      %swap3A_86 = arith.constant 64 : index
      %swap3A_87 = tpu.vector_load %arg23[%swap3A_86] {strides = array<i32>} : memref<864xf32, #tpu.memory_space<vmem>>, vector<16xf32>,
      tpu.vector_store %arg23[%swap3A_86], %broadcast_in_dim3A_22 {strides = array<i32>} : memref<864xf32, #tpu.memory_space<vmem>>, vector<16xf32>,
      %swap3A_88 = arith.constant 80 : index
      %swap3A_89 = tpu.vector_load %arg23[%swap3A_88] {strides = array<i32>} : memref<864xf32, #tpu.memory_space<vmem>>, vector<16xf32>,
      tpu.vector_store %arg23[%swap3A_88], %broadcast_in_dim3A_22 {strides = array<i32>} : memref<864xf32, #tpu.memory_space<vmem>>, vector<16xf32>,
      %swap3A_90 = arith.constant 96 : index
      %swap3A_91 = tpu.vector_load %arg23[%swap3A_90] {strides = array<i32>} : memref<864xf32, #tpu.memory_space<vmem>>, vector<16xf32>,
      tpu.vector_store %arg23[%swap3A_90], %broadcast_in_dim3A_22 {strides = array<i32>} : memref<864xf32, #tpu.memory_space<vmem>>, vector<16xf32>,
      %swap3A_92 = arith.constant 112 : index
      %swap3A_93 = tpu.vector_load %arg23[%swap3A_92] {strides = array<i32>} : memref<864xf32, #tpu.memory_space<vmem>>, vector<16xf32>,
      tpu.vector_store %arg23[%swap3A_92], %broadcast_in_dim3A_22 {strides = array<i32>} : memref<864xf32, #tpu.memory_space<vmem>>, vector<16xf32>,
      %swap3A_94 = arith.constant 128 : index
      %swap3A_95 = tpu.vector_load %arg23[%swap3A_94] {strides = array<i32>} : memref<864xf32, #tpu.memory_space<vmem>>, vector<16xf32>,
      tpu.vector_store %arg23[%swap3A_94], %broadcast_in_dim3A_22 {strides = array<i32>} : memref<864xf32, #tpu.memory_space<vmem>>, vector<16xf32>,
      %swap3A_96 = arith.constant 144 : index
      %swap3A_97 = tpu.vector_load %arg23[%swap3A_96] {strides = array<i32>} : memref<864xf32, #tpu.memory_space<vmem>>, vector<16xf32>,
      tpu.vector_store %arg23[%swap3A_96], %broadcast_in_dim3A_22 {strides = array<i32>} : memref<864xf32, #tpu.memory_space<vmem>>, vector<16xf32>,
      %swap3A_98 = arith.constant 160 : index
      %swap3A_99 = tpu.vector_load %arg23[%swap3A_98] {strides = array<i32>} : memref<864xf32, #tpu.memory_space<vmem>>, vector<16xf32>,
      tpu.vector_store %arg23[%swap3A_98], %broadcast_in_dim3A_22 {strides = array<i32>} : memref<864xf32, #tpu.memory_space<vmem>>, vector<16xf32>,
      %swap3A_100 = arith.constant 176 : index
      %swap3A_101 = tpu.vector_load %arg23[%swap3A_100] {strides = array<i32>} : memref<864xf32, #tpu.memory_space<vmem>>, vector<16xf32>,
      tpu.vector_store %arg23[%swap3A_100], %broadcast_in_dim3A_22 {strides = array<i32>} : memref<864xf32, #tpu.memory_space<vmem>>, vector<16xf32>,
      %swap3A_102 = arith.constant 192 : index
      %swap3A_103 = tpu.vector_load %arg23[%swap3A_102] {strides = array<i32>} : memref<864xf32, #tpu.memory_space<vmem>>, vector<16xf32>,
      tpu.vector_store %arg23[%swap3A_102], %broadcast_in_dim3A_22 {strides = array<i32>} : memref<864xf32, #tpu.memory_space<vmem>>, vector<16xf32>,
      %swap3A_104 = arith.constant 208 : index
      %swap3A_105 = tpu.vector_load %arg23[%swap3A_104] {strides = array<i32>} : memref<864xf32, #tpu.memory_space<vmem>>, vector<16xf32>,
      tpu.vector_store %arg23[%swap3A_104], %broadcast_in_dim3A_22 {strides = array<i32>} : memref<864xf32, #tpu.memory_space<vmem>>, vector<16xf32>,
      %swap3A_106 = arith.constant 224 : index
      %swap3A_107 = tpu.vector_load %arg23[%swap3A_106] {strides = array<i32>} : memref<864xf32, #tpu.memory_space<vmem>>, vector<16xf32>,
      tpu.vector_store %arg23[%swap3A_106], %broadcast_in_dim3A_22 {strides = array<i32>} : memref<864xf32, #tpu.memory_space<vmem>>, vector<16xf32>,
      %swap3A_108 = arith.constant 240 : index
      %swap3A_109 = tpu.vector_load %arg23[%swap3A_108] {strides = array<i32>} : memref<864xf32, #tpu.memory_space<vmem>>, vector<16xf32>,
      tpu.vector_store %arg23[%swap3A_108], %broadcast_in_dim3A_22 {strides = array<i32>} : memref<864xf32, #tpu.memory_space<vmem>>, vector<16xf32>,
      %swap3A_110 = arith.constant 256 : index
      %swap3A_111 = tpu.vector_load %arg23[%swap3A_110] {strides = array<i32>} : memref<864xf32, #tpu.memory_space<vmem>>, vector<16xf32>,
      tpu.vector_store %arg23[%swap3A_110], %broadcast_in_dim3A_22 {strides = array<i32>} : memref<864xf32, #tpu.memory_space<vmem>>, vector<16xf32>,
      %swap3A_112 = arith.constant 272 : index
      %swap3A_113 = tpu.vector_load %arg23[%swap3A_112] {strides = array<i32>} : memref<864xf32, #tpu.memory_space<vmem>>, vector<16xf32>,
      tpu.vector_store %arg23[%swap3A_112], %broadcast_in_dim3A_22 {strides = array<i32>} : memref<864xf32, #tpu.memory_space<vmem>>, vector<16xf32>,
      %swap3A_114 = arith.constant 288 : index
      %swap3A_115 = tpu.vector_load %arg23[%swap3A_114] {strides = array<i32>} : memref<864xf32, #tpu.memory_space<vmem>>, vector<16xf32>,
      tpu.vector_store %arg23[%swap3A_114], %broadcast_in_dim3A_22 {strides = array<i32>} : memref<864xf32, #tpu.memory_space<vmem>>, vector<16xf32>,
      %swap3A_116 = arith.constant 304 : index
      %swap3A_117 = tpu.vector_load %arg23[%swap3A_116] {strides = array<i32>} : memref<864xf32, #tpu.memory_space<vmem>>, vector<16xf32>,
      tpu.vector_store %arg23[%swap3A_116], %broadcast_in_dim3A_22 {strides = array<i32>} : memref<864xf32, #tpu.memory_space<vmem>>, vector<16xf32>,
      %swap3A_118 = arith.constant 320 : index
      %swap3A_119 = tpu.vector_load %arg23[%swap3A_118] {strides = array<i32>} : memref<864xf32, #tpu.memory_space<vmem>>, vector<16xf32>,
      tpu.vector_store %arg23[%swap3A_118], %broadcast_in_dim3A_22 {strides = array<i32>} : memref<864xf32, #tpu.memory_space<vmem>>, vector<16xf32>,
      %swap3A_120 = arith.constant 336 : index
      %swap3A_121 = tpu.vector_load %arg23[%swap3A_120] {strides = array<i32>} : memref<864xf32, #tpu.memory_space<vmem>>, vector<16xf32>,
      tpu.vector_store %arg23[%swap3A_120], %broadcast_in_dim3A_22 {strides = array<i32>} : memref<864xf32, #tpu.memory_space<vmem>>, vector<16xf32>,
      %swap3A_122 = arith.constant 352 : index
      %swap3A_123 = tpu.vector_load %arg23[%swap3A_122] {strides = array<i32>} : memref<864xf32, #tpu.memory_space<vmem>>, vector<16xf32>,
      tpu.vector_store %arg23[%swap3A_122], %broadcast_in_dim3A_22 {strides = array<i32>} : memref<864xf32, #tpu.memory_space<vmem>>, vector<16xf32>,
      %swap3A_124 = arith.constant 368 : index
      %swap3A_125 = tpu.vector_load %arg23[%swap3A_124] {strides = array<i32>} : memref<864xf32, #tpu.memory_space<vmem>>, vector<16xf32>,
      tpu.vector_store %arg23[%swap3A_124], %broadcast_in_dim3A_22 {strides = array<i32>} : memref<864xf32, #tpu.memory_space<vmem>>, vector<16xf32>,
      %swap3A_126 = arith.constant 384 : index
      %swap3A_127 = tpu.vector_load %arg23[%swap3A_126] {strides = array<i32>} : memref<864xf32, #tpu.memory_space<vmem>>, vector<16xf32>,
      tpu.vector_store %arg23[%swap3A_126], %broadcast_in_dim3A_22 {strides = array<i32>} : memref<864xf32, #tpu.memory_space<vmem>>, vector<16xf32>,
      %swap3A_128 = arith.constant 400 : index
      %swap3A_129 = tpu.vector_load %arg23[%swap3A_128] {strides = array<i32>} : memref<864xf32, #tpu.memory_space<vmem>>, vector<16xf32>,
      tpu.vector_store %arg23[%swap3A_128], %broadcast_in_dim3A_22 {strides = array<i32>} : memref<864xf32, #tpu.memory_space<vmem>>, vector<16xf32>,
      %swap3A_130 = arith.constant 416 : index
      %swap3A_131 = tpu.vector_load %arg23[%swap3A_130] {strides = array<i32>} : memref<864xf32, #tpu.memory_space<vmem>>, vector<16xf32>,
      tpu.vector_store %arg23[%swap3A_130], %broadcast_in_dim3A_22 {strides = array<i32>} : memref<864xf32, #tpu.memory_space<vmem>>, vector<16xf32>,
      %swap3A_132 = arith.constant 432 : index
      %swap3A_133 = tpu.vector_load %arg23[%swap3A_132] {strides = array<i32>} : memref<864xf32, #tpu.memory_space<vmem>>, vector<16xf32>,
      tpu.vector_store %arg23[%swap3A_132], %broadcast_in_dim3A_22 {strides = array<i32>} : memref<864xf32, #tpu.memory_space<vmem>>, vector<16xf32>,
      %swap3A_134 = arith.constant 448 : index
      %swap3A_135 = tpu.vector_load %arg23[%swap3A_134] {strides = array<i32>} : memref<864xf32, #tpu.memory_space<vmem>>, vector<16xf32>,
      tpu.vector_store %arg23[%swap3A_134], %broadcast_in_dim3A_22 {strides = array<i32>} : memref<864xf32, #tpu.memory_space<vmem>>, vector<16xf32>,
      %swap3A_136 = arith.constant 464 : index
      %swap3A_137 = tpu.vector_load %arg23[%swap3A_136] {strides = array<i32>} : memref<864xf32, #tpu.memory_space<vmem>>, vector<16xf32>,
      tpu.vector_store %arg23[%swap3A_136], %broadcast_in_dim3A_22 {strides = array<i32>} : memref<864xf32, #tpu.memory_space<vmem>>, vector<16xf32>,
      %swap3A_138 = arith.constant 480 : index
      %swap3A_139 = tpu.vector_load %arg23[%swap3A_138] {strides = array<i32>} : memref<864xf32, #tpu.memory_space<vmem>>, vector<16xf32>,
      tpu.vector_store %arg23[%swap3A_138], %broadcast_in_dim3A_22 {strides = array<i32>} : memref<864xf32, #tpu.memory_space<vmem>>, vector<16xf32>,
      %swap3A_140 = arith.constant 496 : index
      %swap3A_141 = tpu.vector_load %arg23[%swap3A_140] {strides = array<i32>} : memref<864xf32, #tpu.memory_space<vmem>>, vector<16xf32>,
      tpu.vector_store %arg23[%swap3A_140], %broadcast_in_dim3A_22 {strides = array<i32>} : memref<864xf32, #tpu.memory_space<vmem>>, vector<16xf32>,
      %swap3A_142 = arith.constant 512 : index
      %swap3A_143 = tpu.vector_load %arg23[%swap3A_142] {strides = array<i32>} : memref<864xf32, #tpu.memory_space<vmem>>, vector<16xf32>,
      tpu.vector_store %arg23[%swap3A_142], %broadcast_in_dim3A_22 {strides = array<i32>} : memref<864xf32, #tpu.memory_space<vmem>>, vector<16xf32>,
      %swap3A_144 = arith.constant 528 : index
      %swap3A_145 = tpu.vector_load %arg23[%swap3A_144] {strides = array<i32>} : memref<864xf32, #tpu.memory_space<vmem>>, vector<16xf32>,
      tpu.vector_store %arg23[%swap3A_144], %broadcast_in_dim3A_22 {strides = array<i32>} : memref<864xf32, #tpu.memory_space<vmem>>, vector<16xf32>,
      %swap3A_146 = arith.constant 544 : index
      %swap3A_147 = tpu.vector_load %arg23[%swap3A_146] {strides = array<i32>} : memref<864xf32, #tpu.memory_space<vmem>>, vector<16xf32>,
      tpu.vector_store %arg23[%swap3A_146], %broadcast_in_dim3A_22 {strides = array<i32>} : memref<864xf32, #tpu.memory_space<vmem>>, vector<16xf32>,
      %swap3A_148 = arith.constant 560 : index
      %swap3A_149 = tpu.vector_load %arg23[%swap3A_148] {strides = array<i32>} : memref<864xf32, #tpu.memory_space<vmem>>, vector<16xf32>,
      tpu.vector_store %arg23[%swap3A_148], %broadcast_in_dim3A_22 {strides = array<i32>} : memref<864xf32, #tpu.memory_space<vmem>>, vector<16xf32>,
      %swap3A_150 = arith.constant 576 : index
      %swap3A_151 = tpu.vector_load %arg23[%swap3A_150] {strides = array<i32>} : memref<864xf32, #tpu.memory_space<vmem>>, vector<16xf32>,
      tpu.vector_store %arg23[%swap3A_150], %broadcast_in_dim3A_22 {strides = array<i32>} : memref<864xf32, #tpu.memory_space<vmem>>, vector<16xf32>,
      %swap3A_152 = arith.constant 592 : index
      %swap3A_153 = tpu.vector_load %arg23[%swap3A_152] {strides = array<i32>} : memref<864xf32, #tpu.memory_space<vmem>>, vector<16xf32>,
      tpu.vector_store %arg23[%swap3A_152], %broadcast_in_dim3A_22 {strides = array<i32>} : memref<864xf32, #tpu.memory_space<vmem>>, vector<16xf32>,
      %swap3A_154 = arith.constant 608 : index
      %swap3A_155 = tpu.vector_load %arg23[%swap3A_154] {strides = array<i32>} : memref<864xf32, #tpu.memory_space<vmem>>, vector<16xf32>,
      tpu.vector_store %arg23[%swap3A_154], %broadcast_in_dim3A_22 {strides = array<i32>} : memref<864xf32, #tpu.memory_space<vmem>>, vector<16xf32>,
      %swap3A_156 = arith.constant 624 : index
      %swap3A_157 = tpu.vector_load %arg23[%swap3A_156] {strides = array<i32>} : memref<864xf32, #tpu.memory_space<vmem>>, vector<16xf32>,
      tpu.vector_store %arg23[%swap3A_156], %broadcast_in_dim3A_22 {strides = array<i32>} : memref<864xf32, #tpu.memory_space<vmem>>, vector<16xf32>,
      %swap3A_158 = arith.constant 640 : index
      %swap3A_159 = tpu.vector_load %arg23[%swap3A_158] {strides = array<i32>} : memref<864xf32, #tpu.memory_space<vmem>>, vector<16xf32>,
      tpu.vector_store %arg23[%swap3A_158], %broadcast_in_dim3A_22 {strides = array<i32>} : memref<864xf32, #tpu.memory_space<vmem>>, vector<16xf32>,
      %swap3A_160 = arith.constant 656 : index
      %swap3A_161 = tpu.vector_load %arg23[%swap3A_160] {strides = array<i32>} : memref<864xf32, #tpu.memory_space<vmem>>, vector<16xf32>,
      tpu.vector_store %arg23[%swap3A_160], %broadcast_in_dim3A_22 {strides = array<i32>} : memref<864xf32, #tpu.memory_space<vmem>>, vector<16xf32>,
      %swap3A_162 = arith.constant 672 : index
      %swap3A_163 = tpu.vector_load %arg23[%swap3A_162] {strides = array<i32>} : memref<864xf32, #tpu.memory_space<vmem>>, vector<16xf32>,
      tpu.vector_store %arg23[%swap3A_162], %broadcast_in_dim3A_22 {strides = array<i32>} : memref<864xf32, #tpu.memory_space<vmem>>, vector<16xf32>,
      %swap3A_164 = arith.constant 688 : index
      %swap3A_165 = tpu.vector_load %arg23[%swap3A_164] {strides = array<i32>} : memref<864xf32, #tpu.memory_space<vmem>>, vector<16xf32>,
      tpu.vector_store %arg23[%swap3A_164], %broadcast_in_dim3A_22 {strides = array<i32>} : memref<864xf32, #tpu.memory_space<vmem>>, vector<16xf32>,
      %swap3A_166 = arith.constant 704 : index
      %swap3A_167 = tpu.vector_load %arg23[%swap3A_166] {strides = array<i32>} : memref<864xf32, #tpu.memory_space<vmem>>, vector<16xf32>,
      tpu.vector_store %arg23[%swap3A_166], %broadcast_in_dim3A_22 {strides = array<i32>} : memref<864xf32, #tpu.memory_space<vmem>>, vector<16xf32>,
      %swap3A_168 = arith.constant 720 : index
      %swap3A_169 = tpu.vector_load %arg23[%swap3A_168] {strides = array<i32>} : memref<864xf32, #tpu.memory_space<vmem>>, vector<16xf32>,
      tpu.vector_store %arg23[%swap3A_168], %broadcast_in_dim3A_22 {strides = array<i32>} : memref<864xf32, #tpu.memory_space<vmem>>, vector<16xf32>,
      %swap3A_170 = arith.constant 736 : index
      %swap3A_171 = tpu.vector_load %arg23[%swap3A_170] {strides = array<i32>} : memref<864xf32, #tpu.memory_space<vmem>>, vector<16xf32>,
      tpu.vector_store %arg23[%swap3A_170], %broadcast_in_dim3A_22 {strides = array<i32>} : memref<864xf32, #tpu.memory_space<vmem>>, vector<16xf32>,
      %swap3A_172 = arith.constant 752 : index
      %swap3A_173 = tpu.vector_load %arg23[%swap3A_172] {strides = array<i32>} : memref<864xf32, #tpu.memory_space<vmem>>, vector<16xf32>,
      tpu.vector_store %arg23[%swap3A_172], %broadcast_in_dim3A_22 {strides = array<i32>} : memref<864xf32, #tpu.memory_space<vmem>>, vector<16xf32>,
      %swap3A_174 = arith.constant 768 : index
      %swap3A_175 = tpu.vector_load %arg23[%swap3A_174] {strides = array<i32>} : memref<864xf32, #tpu.memory_space<vmem>>, vector<16xf32>,
      tpu.vector_store %arg23[%swap3A_174], %broadcast_in_dim3A_22 {strides = array<i32>} : memref<864xf32, #tpu.memory_space<vmem>>, vector<16xf32>,
      %swap3A_176 = arith.constant 784 : index
      %swap3A_177 = tpu.vector_load %arg23[%swap3A_176] {strides = array<i32>} : memref<864xf32, #tpu.memory_space<vmem>>, vector<16xf32>,
      tpu.vector_store %arg23[%swap3A_176], %broadcast_in_dim3A_22 {strides = array<i32>} : memref<864xf32, #tpu.memory_space<vmem>>, vector<16xf32>,
      %swap3A_178 = arith.constant 800 : index
      %swap3A_179 = tpu.vector_load %arg23[%swap3A_178] {strides = array<i32>} : memref<864xf32, #tpu.memory_space<vmem>>, vector<16xf32>,
      tpu.vector_store %arg23[%swap3A_178], %broadcast_in_dim3A_22 {strides = array<i32>} : memref<864xf32, #tpu.memory_space<vmem>>, vector<16xf32>,
      %swap3A_180 = arith.constant 816 : index
      %swap3A_181 = tpu.vector_load %arg23[%swap3A_180] {strides = array<i32>} : memref<864xf32, #tpu.memory_space<vmem>>, vector<16xf32>,
      tpu.vector_store %arg23[%swap3A_180], %broadcast_in_dim3A_22 {strides = array<i32>} : memref<864xf32, #tpu.memory_space<vmem>>, vector<16xf32>,
      %swap3A_182 = arith.constant 832 : index
      %swap3A_183 = tpu.vector_load %arg23[%swap3A_182] {strides = array<i32>} : memref<864xf32, #tpu.memory_space<vmem>>, vector<16xf32>,
      tpu.vector_store %arg23[%swap3A_182], %broadcast_in_dim3A_22 {strides = array<i32>} : memref<864xf32, #tpu.memory_space<vmem>>, vector<16xf32>,
      %swap3A_184 = arith.constant 848 : index
      %swap3A_185 = tpu.vector_load %arg23[%swap3A_184] {strides = array<i32>} : memref<864xf32, #tpu.memory_space<vmem>>, vector<16xf32>,
      tpu.vector_store %arg23[%swap3A_184], %broadcast_in_dim3A_22 {strides = array<i32>} : memref<864xf32, #tpu.memory_space<vmem>>, vector<16xf32>,
      %add3A_186 = arith.constant 15 : i32
      %add3A_187 = arith.addi %reduce_max3A_77, %add3A_186 : i32
      %shift_right_arithmetic3A = arith.constant 4 : i32
      %shift_right_arithmetic3A_188 = arith.shrsi %add3A_187, %shift_right_arithmetic3A : i32
      %mul3A_189 = arith.constant 16 : i32
      %mul3A_190 = arith.muli %shift_right_arithmetic3A_188, %mul3A_189 : i32
      %parallel_loop3A = arith.constant 0 : i32
      %parallel_loop3A_191 = arith.constant 16 : i32
      scf.for %parallel_loop3A_197 = %parallel_loop3A to %mul3A_190 step %parallel_loop3A_191  : i32 {
        %parallel_loop3A_198 = arith.index_cast %parallel_loop3A_197 : i32 to index
        %parallel_loop3A_199 = tpu.vector_load %arg20[%parallel_loop3A_198] {strides = array<i32>} : memref<256xf32, #tpu.memory_space<vmem>>, vector<16xf32>,
        %parallel_loop3A_200 = arith.index_cast %parallel_loop3A_197 : i32 to index
        %parallel_loop3A_201 = tpu.vector_load %arg21[%parallel_loop3A_200] {strides = array<i32>} : memref<256xf32, #tpu.memory_space<vmem>>, vector<16xf32>,
        %parallel_loop3A_202 = arith.index_cast %parallel_loop3A_197 : i32 to index
        %parallel_loop3A_203 = tpu.vector_load %arg22[%parallel_loop3A_202] {strides = array<i32>} : memref<256xf32, #tpu.memory_space<vmem>>, vector<16xf32>,
        %parallel_loop3A_204 = arith.index_cast %parallel_loop3A_197 : i32 to index
        %parallel_loop3A_205 = tpu.vector_load %arg19[%parallel_loop3A_204] {strides = array<i32>} : memref<256xi32, #tpu.memory_space<vmem>>, vector<16xi32>,
        %parallel_loop3A_206 = vector.broadcast %parallel_loop3A_197 : i32 to vector<16xi32>
        %parallel_loop3A_207 = arith.addi %parallel_loop3A_206, %iota3A : vector<16xi32>
        %parallel_loop3A_208 = vector.broadcast %reduce_max3A_77 : i32 to vector<16xi32>
        %parallel_loop3A_209 = arith.cmpi slt, %parallel_loop3A_207, %parallel_loop3A_208 : vector<16xi32>
        %parallel_loop3A_210 = arith.mulf %parallel_loop3A_199, %parallel_loop3A_199 : vector<16xf32>
        %parallel_loop3A_211 = arith.mulf %parallel_loop3A_201, %parallel_loop3A_201 : vector<16xf32>
        %parallel_loop3A_212 = arith.addf %parallel_loop3A_210, %parallel_loop3A_211 : vector<16xf32>
        %parallel_loop3A_213 = arith.mulf %parallel_loop3A_203, %parallel_loop3A_203 : vector<16xf32>
        %parallel_loop3A_214 = arith.addf %parallel_loop3A_212, %parallel_loop3A_213 : vector<16xf32>
        %parallel_loop3A_215 = arith.constant 9.99999996E-13 : f32
        %parallel_loop3A_216 = vector.broadcast %parallel_loop3A_215 : f32 to vector<16xf32>
        %parallel_loop3A_217 = arith.cmpf olt, %parallel_loop3A_214, %parallel_loop3A_216 : vector<16xf32>
        %parallel_loop3A_218 = arith.constant 1.000000e+00 : f32
        %parallel_loop3A_219 = vector.broadcast %parallel_loop3A_218 : f32 to vector<16xf32>
        %parallel_loop3A_220 = arith.select %parallel_loop3A_217, %parallel_loop3A_219, %parallel_loop3A_214 : vector<16xi1>, vector<16xf32>
        %parallel_loop3A_221 = tpu.bitcast %parallel_loop3A_220 : vector<16xf32> -> vector<16xi32>
        %parallel_loop3A_222 = arith.constant 1 : i32
        %parallel_loop3A_223 = vector.broadcast %parallel_loop3A_222 : i32 to vector<16xi32>
        %parallel_loop3A_224 = arith.shrsi %parallel_loop3A_221, %parallel_loop3A_223 : vector<16xi32>
        %parallel_loop3A_225 = arith.constant 1597463007 : i32
        %parallel_loop3A_226 = vector.broadcast %parallel_loop3A_225 : i32 to vector<16xi32>
        %parallel_loop3A_227 = arith.subi %parallel_loop3A_226, %parallel_loop3A_224 : vector<16xi32>
        %parallel_loop3A_228 = tpu.bitcast %parallel_loop3A_227 : vector<16xi32> -> vector<16xf32>
        %parallel_loop3A_229 = arith.constant 5.000000e-01 : f32
        %parallel_loop3A_230 = vector.broadcast %parallel_loop3A_229 : f32 to vector<16xf32>
        %parallel_loop3A_231 = arith.mulf %parallel_loop3A_230, %parallel_loop3A_220 : vector<16xf32>
        %parallel_loop3A_232 = arith.mulf %parallel_loop3A_231, %parallel_loop3A_228 : vector<16xf32>
        %parallel_loop3A_233 = arith.mulf %parallel_loop3A_232, %parallel_loop3A_228 : vector<16xf32>
        %parallel_loop3A_234 = arith.constant 1.500000e+00 : f32
        %parallel_loop3A_235 = vector.broadcast %parallel_loop3A_234 : f32 to vector<16xf32>
        %parallel_loop3A_236 = arith.subf %parallel_loop3A_235, %parallel_loop3A_233 : vector<16xf32>
        %parallel_loop3A_237 = arith.mulf %parallel_loop3A_228, %parallel_loop3A_236 : vector<16xf32>
        %parallel_loop3A_238 = arith.constant 5.000000e-01 : f32
        %parallel_loop3A_239 = vector.broadcast %parallel_loop3A_238 : f32 to vector<16xf32>
        %parallel_loop3A_240 = arith.mulf %parallel_loop3A_239, %parallel_loop3A_220 : vector<16xf32>
        %parallel_loop3A_241 = arith.mulf %parallel_loop3A_240, %parallel_loop3A_237 : vector<16xf32>
        %parallel_loop3A_242 = arith.mulf %parallel_loop3A_241, %parallel_loop3A_237 : vector<16xf32>
        %parallel_loop3A_243 = arith.constant 1.500000e+00 : f32
        %parallel_loop3A_244 = vector.broadcast %parallel_loop3A_243 : f32 to vector<16xf32>
        %parallel_loop3A_245 = arith.subf %parallel_loop3A_244, %parallel_loop3A_242 : vector<16xf32>
        %parallel_loop3A_246 = arith.mulf %parallel_loop3A_237, %parallel_loop3A_245 : vector<16xf32>
        %parallel_loop3A_247 = arith.constant 5.000000e-01 : f32
        %parallel_loop3A_248 = vector.broadcast %parallel_loop3A_247 : f32 to vector<16xf32>
        %parallel_loop3A_249 = arith.mulf %parallel_loop3A_248, %parallel_loop3A_220 : vector<16xf32>
        %parallel_loop3A_250 = arith.mulf %parallel_loop3A_249, %parallel_loop3A_246 : vector<16xf32>
        %parallel_loop3A_251 = arith.mulf %parallel_loop3A_250, %parallel_loop3A_246 : vector<16xf32>
        %parallel_loop3A_252 = arith.constant 1.500000e+00 : f32
        %parallel_loop3A_253 = vector.broadcast %parallel_loop3A_252 : f32 to vector<16xf32>
        %parallel_loop3A_254 = arith.subf %parallel_loop3A_253, %parallel_loop3A_251 : vector<16xf32>
        %parallel_loop3A_255 = arith.mulf %parallel_loop3A_246, %parallel_loop3A_254 : vector<16xf32>
        %parallel_loop3A_256 = arith.mulf %parallel_loop3A_220, %parallel_loop3A_255 : vector<16xf32>
        %parallel_loop3A_257 = arith.mulf %parallel_loop3A_199, %parallel_loop3A_199 : vector<16xf32>
        %parallel_loop3A_258 = arith.mulf %parallel_loop3A_201, %parallel_loop3A_201 : vector<16xf32>
        %parallel_loop3A_259 = arith.addf %parallel_loop3A_257, %parallel_loop3A_258 : vector<16xf32>
        %parallel_loop3A_260 = arith.constant 1.250000e+00 : f32
        %parallel_loop3A_261 = vector.broadcast %parallel_loop3A_260 : f32 to vector<16xf32>
        %parallel_loop3A_262 = arith.mulf %parallel_loop3A_261, %parallel_loop3A_203 : vector<16xf32>
        %parallel_loop3A_263 = arith.mulf %parallel_loop3A_262, %parallel_loop3A_203 : vector<16xf32>
        %parallel_loop3A_264 = arith.cmpf ogt, %parallel_loop3A_263, %parallel_loop3A_259 : vector<16xf32>
        %parallel_loop3A_265 = math.absf %parallel_loop3A_203 : vector<16xf32>
        %parallel_loop3A_266 = arith.addf %parallel_loop3A_256, %parallel_loop3A_265 : vector<16xf32>
        %parallel_loop3A_267 = arith.constant 3.000000e+00 : f32
        %parallel_loop3A_268 = vector.broadcast %parallel_loop3A_267 : f32 to vector<16xf32>
        %parallel_loop3A_269 = arith.mulf %parallel_loop3A_268, %parallel_loop3A_256 : vector<16xf32>
        %parallel_loop3A_270 = arith.constant 9.99999996E-13 : f32
        %parallel_loop3A_271 = vector.broadcast %parallel_loop3A_270 : f32 to vector<16xf32>
        %parallel_loop3A_272 = arith.cmpf olt, %parallel_loop3A_266, %parallel_loop3A_271 : vector<16xf32>
        %parallel_loop3A_273 = arith.constant 1.000000e+00 : f32
        %parallel_loop3A_274 = vector.broadcast %parallel_loop3A_273 : f32 to vector<16xf32>
        %parallel_loop3A_275 = arith.select %parallel_loop3A_272, %parallel_loop3A_274, %parallel_loop3A_266 : vector<16xi1>, vector<16xf32>
        %parallel_loop3A_276 = arith.divf %parallel_loop3A_269, %parallel_loop3A_275 : vector<16xf32>
        %parallel_loop3A_277 = tpu.bitcast %parallel_loop3A_276 : vector<16xf32> -> vector<16xi32>
        %parallel_loop3A_278 = arith.constant 1 : i32
        %parallel_loop3A_279 = vector.broadcast %parallel_loop3A_278 : i32 to vector<16xi32>
        %parallel_loop3A_280 = arith.shrsi %parallel_loop3A_277, %parallel_loop3A_279 : vector<16xi32>
        %parallel_loop3A_281 = arith.constant 1597463007 : i32
        %parallel_loop3A_282 = vector.broadcast %parallel_loop3A_281 : i32 to vector<16xi32>
        %parallel_loop3A_283 = arith.subi %parallel_loop3A_282, %parallel_loop3A_280 : vector<16xi32>
        %parallel_loop3A_284 = tpu.bitcast %parallel_loop3A_283 : vector<16xi32> -> vector<16xf32>
        %parallel_loop3A_285 = arith.constant 5.000000e-01 : f32
        %parallel_loop3A_286 = vector.broadcast %parallel_loop3A_285 : f32 to vector<16xf32>
        %parallel_loop3A_287 = arith.mulf %parallel_loop3A_286, %parallel_loop3A_276 : vector<16xf32>
        %parallel_loop3A_288 = arith.mulf %parallel_loop3A_287, %parallel_loop3A_284 : vector<16xf32>
        %parallel_loop3A_289 = arith.mulf %parallel_loop3A_288, %parallel_loop3A_284 : vector<16xf32>
        %parallel_loop3A_290 = arith.constant 1.500000e+00 : f32
        %parallel_loop3A_291 = vector.broadcast %parallel_loop3A_290 : f32 to vector<16xf32>
        %parallel_loop3A_292 = arith.subf %parallel_loop3A_291, %parallel_loop3A_289 : vector<16xf32>
        %parallel_loop3A_293 = arith.mulf %parallel_loop3A_284, %parallel_loop3A_292 : vector<16xf32>
        %parallel_loop3A_294 = arith.constant 5.000000e-01 : f32
        %parallel_loop3A_295 = vector.broadcast %parallel_loop3A_294 : f32 to vector<16xf32>
        %parallel_loop3A_296 = arith.mulf %parallel_loop3A_295, %parallel_loop3A_276 : vector<16xf32>
        %parallel_loop3A_297 = arith.mulf %parallel_loop3A_296, %parallel_loop3A_293 : vector<16xf32>
        %parallel_loop3A_298 = arith.mulf %parallel_loop3A_297, %parallel_loop3A_293 : vector<16xf32>
        %parallel_loop3A_299 = arith.constant 1.500000e+00 : f32
        %parallel_loop3A_300 = vector.broadcast %parallel_loop3A_299 : f32 to vector<16xf32>
        %parallel_loop3A_301 = arith.subf %parallel_loop3A_300, %parallel_loop3A_298 : vector<16xf32>
        %parallel_loop3A_302 = arith.mulf %parallel_loop3A_293, %parallel_loop3A_301 : vector<16xf32>
        %parallel_loop3A_303 = arith.constant 5.000000e-01 : f32
        %parallel_loop3A_304 = vector.broadcast %parallel_loop3A_303 : f32 to vector<16xf32>
        %parallel_loop3A_305 = arith.mulf %parallel_loop3A_304, %parallel_loop3A_276 : vector<16xf32>
        %parallel_loop3A_306 = arith.mulf %parallel_loop3A_305, %parallel_loop3A_302 : vector<16xf32>
        %parallel_loop3A_307 = arith.mulf %parallel_loop3A_306, %parallel_loop3A_302 : vector<16xf32>
        %parallel_loop3A_308 = arith.constant 1.500000e+00 : f32
        %parallel_loop3A_309 = vector.broadcast %parallel_loop3A_308 : f32 to vector<16xf32>
        %parallel_loop3A_310 = arith.subf %parallel_loop3A_309, %parallel_loop3A_307 : vector<16xf32>
        %parallel_loop3A_311 = arith.mulf %parallel_loop3A_302, %parallel_loop3A_310 : vector<16xf32>
        %parallel_loop3A_312 = arith.mulf %parallel_loop3A_276, %parallel_loop3A_311 : vector<16xf32>
        %parallel_loop3A_313 = arith.constant 9.99999996E-13 : f32
        %parallel_loop3A_314 = vector.broadcast %parallel_loop3A_313 : f32 to vector<16xf32>
        %parallel_loop3A_315 = arith.cmpf olt, %parallel_loop3A_259, %parallel_loop3A_314 : vector<16xf32>
        %parallel_loop3A_316 = arith.constant 1.000000e+00 : f32
        %parallel_loop3A_317 = vector.broadcast %parallel_loop3A_316 : f32 to vector<16xf32>
        %parallel_loop3A_318 = arith.select %parallel_loop3A_315, %parallel_loop3A_317, %parallel_loop3A_259 : vector<16xi1>, vector<16xf32>
        %parallel_loop3A_319 = tpu.bitcast %parallel_loop3A_318 : vector<16xf32> -> vector<16xi32>
        %parallel_loop3A_320 = arith.constant 1 : i32
        %parallel_loop3A_321 = vector.broadcast %parallel_loop3A_320 : i32 to vector<16xi32>
        %parallel_loop3A_322 = arith.shrsi %parallel_loop3A_319, %parallel_loop3A_321 : vector<16xi32>
        %parallel_loop3A_323 = arith.constant 1597463007 : i32
        %parallel_loop3A_324 = vector.broadcast %parallel_loop3A_323 : i32 to vector<16xi32>
        %parallel_loop3A_325 = arith.subi %parallel_loop3A_324, %parallel_loop3A_322 : vector<16xi32>
        %parallel_loop3A_326 = tpu.bitcast %parallel_loop3A_325 : vector<16xi32> -> vector<16xf32>
        %parallel_loop3A_327 = arith.constant 5.000000e-01 : f32
        %parallel_loop3A_328 = vector.broadcast %parallel_loop3A_327 : f32 to vector<16xf32>
        %parallel_loop3A_329 = arith.mulf %parallel_loop3A_328, %parallel_loop3A_318 : vector<16xf32>
        %parallel_loop3A_330 = arith.mulf %parallel_loop3A_329, %parallel_loop3A_326 : vector<16xf32>
        %parallel_loop3A_331 = arith.mulf %parallel_loop3A_330, %parallel_loop3A_326 : vector<16xf32>
        %parallel_loop3A_332 = arith.constant 1.500000e+00 : f32
        %parallel_loop3A_333 = vector.broadcast %parallel_loop3A_332 : f32 to vector<16xf32>
        %parallel_loop3A_334 = arith.subf %parallel_loop3A_333, %parallel_loop3A_331 : vector<16xf32>
        %parallel_loop3A_335 = arith.mulf %parallel_loop3A_326, %parallel_loop3A_334 : vector<16xf32>
        %parallel_loop3A_336 = arith.constant 5.000000e-01 : f32
        %parallel_loop3A_337 = vector.broadcast %parallel_loop3A_336 : f32 to vector<16xf32>
        %parallel_loop3A_338 = arith.mulf %parallel_loop3A_337, %parallel_loop3A_318 : vector<16xf32>
        %parallel_loop3A_339 = arith.mulf %parallel_loop3A_338, %parallel_loop3A_335 : vector<16xf32>
        %parallel_loop3A_340 = arith.mulf %parallel_loop3A_339, %parallel_loop3A_335 : vector<16xf32>
        %parallel_loop3A_341 = arith.constant 1.500000e+00 : f32
        %parallel_loop3A_342 = vector.broadcast %parallel_loop3A_341 : f32 to vector<16xf32>
        %parallel_loop3A_343 = arith.subf %parallel_loop3A_342, %parallel_loop3A_340 : vector<16xf32>
        %parallel_loop3A_344 = arith.mulf %parallel_loop3A_335, %parallel_loop3A_343 : vector<16xf32>
        %parallel_loop3A_345 = arith.constant 5.000000e-01 : f32
        %parallel_loop3A_346 = vector.broadcast %parallel_loop3A_345 : f32 to vector<16xf32>
        %parallel_loop3A_347 = arith.mulf %parallel_loop3A_346, %parallel_loop3A_318 : vector<16xf32>
        %parallel_loop3A_348 = arith.mulf %parallel_loop3A_347, %parallel_loop3A_344 : vector<16xf32>
        %parallel_loop3A_349 = arith.mulf %parallel_loop3A_348, %parallel_loop3A_344 : vector<16xf32>
        %parallel_loop3A_350 = arith.constant 1.500000e+00 : f32
        %parallel_loop3A_351 = vector.broadcast %parallel_loop3A_350 : f32 to vector<16xf32>
        %parallel_loop3A_352 = arith.subf %parallel_loop3A_351, %parallel_loop3A_349 : vector<16xf32>
        %parallel_loop3A_353 = arith.mulf %parallel_loop3A_344, %parallel_loop3A_352 : vector<16xf32>
        %parallel_loop3A_354 = arith.mulf %parallel_loop3A_256, %parallel_loop3A_353 : vector<16xf32>
        %parallel_loop3A_355 = arith.mulf %parallel_loop3A_199, %parallel_loop3A_312 : vector<16xf32>
        %parallel_loop3A_356 = arith.mulf %parallel_loop3A_199, %parallel_loop3A_354 : vector<16xf32>
        %parallel_loop3A_357 = arith.select %parallel_loop3A_264, %parallel_loop3A_355, %parallel_loop3A_356 : vector<16xi1>, vector<16xf32>
        %parallel_loop3A_358 = arith.mulf %parallel_loop3A_201, %parallel_loop3A_312 : vector<16xf32>
        %parallel_loop3A_359 = arith.mulf %parallel_loop3A_201, %parallel_loop3A_354 : vector<16xf32>
        %parallel_loop3A_360 = arith.select %parallel_loop3A_264, %parallel_loop3A_358, %parallel_loop3A_359 : vector<16xi1>, vector<16xf32>
        %parallel_loop3A_361 = tpu.bitcast %parallel_loop3A_203 : vector<16xf32> -> vector<16xi32>
        %parallel_loop3A_362 = arith.constant -2147483648 : i32
        %parallel_loop3A_363 = vector.broadcast %parallel_loop3A_362 : i32 to vector<16xi32>
        %parallel_loop3A_364 = arith.andi %parallel_loop3A_361, %parallel_loop3A_363 : vector<16xi32>
        %parallel_loop3A_365 = arith.constant 1065353216 : i32
        %parallel_loop3A_366 = vector.broadcast %parallel_loop3A_365 : i32 to vector<16xi32>
        %parallel_loop3A_367 = arith.ori %parallel_loop3A_366, %parallel_loop3A_364 : vector<16xi32>
        %parallel_loop3A_368 = tpu.bitcast %parallel_loop3A_367 : vector<16xi32> -> vector<16xf32>
        %parallel_loop3A_369 = math.absf %parallel_loop3A_203 : vector<16xf32>
        %parallel_loop3A_370 = arith.constant 0.000000e+00 : f32
        %parallel_loop3A_371 = vector.broadcast %parallel_loop3A_370 : f32 to vector<16xf32>
        %parallel_loop3A_372 = arith.cmpf ogt, %parallel_loop3A_369, %parallel_loop3A_371 : vector<16xf32>
        %parallel_loop3A_373 = arith.select %parallel_loop3A_372, %parallel_loop3A_368, %parallel_loop3A_203 : vector<16xi1>, vector<16xf32>
        %parallel_loop3A_374 = arith.mulf %parallel_loop3A_373, %parallel_loop3A_256 : vector<16xf32>
        %parallel_loop3A_375 = arith.constant 1.500000e+00 : f32
        %parallel_loop3A_376 = vector.broadcast %parallel_loop3A_375 : f32 to vector<16xf32>
        %parallel_loop3A_377 = arith.mulf %parallel_loop3A_376, %parallel_loop3A_203 : vector<16xf32>
        %parallel_loop3A_378 = arith.select %parallel_loop3A_264, %parallel_loop3A_374, %parallel_loop3A_377 : vector<16xi1>, vector<16xf32>
        %parallel_loop3A_379 = arith.constant 0.000000e+00 : f32
        %parallel_loop3A_380 = vector.broadcast %parallel_loop3A_379 : f32 to vector<16xf32>
        %parallel_loop3A_381 = arith.select %parallel_loop3A_217, %parallel_loop3A_380, %parallel_loop3A_357 : vector<16xi1>, vector<16xf32>
        %parallel_loop3A_382 = arith.constant 0.000000e+00 : f32
        %parallel_loop3A_383 = vector.broadcast %parallel_loop3A_382 : f32 to vector<16xf32>
        %parallel_loop3A_384 = arith.select %parallel_loop3A_217, %parallel_loop3A_383, %parallel_loop3A_360 : vector<16xi1>, vector<16xf32>
        %parallel_loop3A_385 = arith.constant 0.000000e+00 : f32
        %parallel_loop3A_386 = vector.broadcast %parallel_loop3A_385 : f32 to vector<16xf32>
        %parallel_loop3A_387 = arith.select %parallel_loop3A_217, %parallel_loop3A_386, %parallel_loop3A_378 : vector<16xi1>, vector<16xf32>
        %parallel_loop3A_388 = arith.mulf %parallel_loop3A_381, %parallel_loop3A_381 : vector<16xf32>
        %parallel_loop3A_389 = arith.mulf %parallel_loop3A_384, %parallel_loop3A_384 : vector<16xf32>
        %parallel_loop3A_390 = arith.addf %parallel_loop3A_388, %parallel_loop3A_389 : vector<16xf32>
        %parallel_loop3A_391 = arith.constant 9.99999996E-13 : f32
        %parallel_loop3A_392 = vector.broadcast %parallel_loop3A_391 : f32 to vector<16xf32>
        %parallel_loop3A_393 = arith.cmpf olt, %parallel_loop3A_390, %parallel_loop3A_392 : vector<16xf32>
        %parallel_loop3A_394 = arith.constant 1.000000e+00 : f32
        %parallel_loop3A_395 = vector.broadcast %parallel_loop3A_394 : f32 to vector<16xf32>
        %parallel_loop3A_396 = arith.select %parallel_loop3A_393, %parallel_loop3A_395, %parallel_loop3A_390 : vector<16xi1>, vector<16xf32>
        %parallel_loop3A_397 = tpu.bitcast %parallel_loop3A_396 : vector<16xf32> -> vector<16xi32>
        %parallel_loop3A_398 = arith.constant 1 : i32
        %parallel_loop3A_399 = vector.broadcast %parallel_loop3A_398 : i32 to vector<16xi32>
        %parallel_loop3A_400 = arith.shrsi %parallel_loop3A_397, %parallel_loop3A_399 : vector<16xi32>
        %parallel_loop3A_401 = arith.constant 1597463007 : i32
        %parallel_loop3A_402 = vector.broadcast %parallel_loop3A_401 : i32 to vector<16xi32>
        %parallel_loop3A_403 = arith.subi %parallel_loop3A_402, %parallel_loop3A_400 : vector<16xi32>
        %parallel_loop3A_404 = tpu.bitcast %parallel_loop3A_403 : vector<16xi32> -> vector<16xf32>
        %parallel_loop3A_405 = arith.constant 5.000000e-01 : f32
        %parallel_loop3A_406 = vector.broadcast %parallel_loop3A_405 : f32 to vector<16xf32>
        %parallel_loop3A_407 = arith.mulf %parallel_loop3A_406, %parallel_loop3A_396 : vector<16xf32>
        %parallel_loop3A_408 = arith.mulf %parallel_loop3A_407, %parallel_loop3A_404 : vector<16xf32>
        %parallel_loop3A_409 = arith.mulf %parallel_loop3A_408, %parallel_loop3A_404 : vector<16xf32>
        %parallel_loop3A_410 = arith.constant 1.500000e+00 : f32
        %parallel_loop3A_411 = vector.broadcast %parallel_loop3A_410 : f32 to vector<16xf32>
        %parallel_loop3A_412 = arith.subf %parallel_loop3A_411, %parallel_loop3A_409 : vector<16xf32>
        %parallel_loop3A_413 = arith.mulf %parallel_loop3A_404, %parallel_loop3A_412 : vector<16xf32>
        %parallel_loop3A_414 = arith.constant 5.000000e-01 : f32
        %parallel_loop3A_415 = vector.broadcast %parallel_loop3A_414 : f32 to vector<16xf32>
        %parallel_loop3A_416 = arith.mulf %parallel_loop3A_415, %parallel_loop3A_396 : vector<16xf32>
        %parallel_loop3A_417 = arith.mulf %parallel_loop3A_416, %parallel_loop3A_413 : vector<16xf32>
        %parallel_loop3A_418 = arith.mulf %parallel_loop3A_417, %parallel_loop3A_413 : vector<16xf32>
        %parallel_loop3A_419 = arith.constant 1.500000e+00 : f32
        %parallel_loop3A_420 = vector.broadcast %parallel_loop3A_419 : f32 to vector<16xf32>
        %parallel_loop3A_421 = arith.subf %parallel_loop3A_420, %parallel_loop3A_418 : vector<16xf32>
        %parallel_loop3A_422 = arith.mulf %parallel_loop3A_413, %parallel_loop3A_421 : vector<16xf32>
        %parallel_loop3A_423 = arith.constant 5.000000e-01 : f32
        %parallel_loop3A_424 = vector.broadcast %parallel_loop3A_423 : f32 to vector<16xf32>
        %parallel_loop3A_425 = arith.mulf %parallel_loop3A_424, %parallel_loop3A_396 : vector<16xf32>
        %parallel_loop3A_426 = arith.mulf %parallel_loop3A_425, %parallel_loop3A_422 : vector<16xf32>
        %parallel_loop3A_427 = arith.mulf %parallel_loop3A_426, %parallel_loop3A_422 : vector<16xf32>
        %parallel_loop3A_428 = arith.constant 1.500000e+00 : f32
        %parallel_loop3A_429 = vector.broadcast %parallel_loop3A_428 : f32 to vector<16xf32>
        %parallel_loop3A_430 = arith.subf %parallel_loop3A_429, %parallel_loop3A_427 : vector<16xf32>
        %parallel_loop3A_431 = arith.mulf %parallel_loop3A_422, %parallel_loop3A_430 : vector<16xf32>
        %parallel_loop3A_432 = arith.mulf %parallel_loop3A_396, %parallel_loop3A_431 : vector<16xf32>
        %parallel_loop3A_433 = math.absf %parallel_loop3A_384 : vector<16xf32>
        %parallel_loop3A_434 = math.absf %parallel_loop3A_381 : vector<16xf32>
        %parallel_loop3A_435 = arith.cmpf ole, %parallel_loop3A_433, %parallel_loop3A_434 : vector<16xf32>
        %parallel_loop3A_436 = math.absf %parallel_loop3A_381 : vector<16xf32>
        %parallel_loop3A_437 = arith.constant 9.99999996E-13 : f32
        %parallel_loop3A_438 = vector.broadcast %parallel_loop3A_437 : f32 to vector<16xf32>
        %parallel_loop3A_439 = arith.cmpf olt, %parallel_loop3A_436, %parallel_loop3A_438 : vector<16xf32>
        %parallel_loop3A_440 = arith.constant 1.000000e+00 : f32
        %parallel_loop3A_441 = vector.broadcast %parallel_loop3A_440 : f32 to vector<16xf32>
        %parallel_loop3A_442 = arith.select %parallel_loop3A_439, %parallel_loop3A_441, %parallel_loop3A_381 : vector<16xi1>, vector<16xf32>
        %parallel_loop3A_443 = math.absf %parallel_loop3A_384 : vector<16xf32>
        %parallel_loop3A_444 = arith.constant 9.99999996E-13 : f32
        %parallel_loop3A_445 = vector.broadcast %parallel_loop3A_444 : f32 to vector<16xf32>
        %parallel_loop3A_446 = arith.cmpf olt, %parallel_loop3A_443, %parallel_loop3A_445 : vector<16xf32>
        %parallel_loop3A_447 = arith.constant 1.000000e+00 : f32
        %parallel_loop3A_448 = vector.broadcast %parallel_loop3A_447 : f32 to vector<16xf32>
        %parallel_loop3A_449 = arith.select %parallel_loop3A_446, %parallel_loop3A_448, %parallel_loop3A_384 : vector<16xi1>, vector<16xf32>
        %parallel_loop3A_450 = tpu.bitcast %parallel_loop3A_381 : vector<16xf32> -> vector<16xi32>
        %parallel_loop3A_451 = arith.constant -2147483648 : i32
        %parallel_loop3A_452 = vector.broadcast %parallel_loop3A_451 : i32 to vector<16xi32>
        %parallel_loop3A_453 = arith.andi %parallel_loop3A_450, %parallel_loop3A_452 : vector<16xi32>
        %parallel_loop3A_454 = arith.constant 1065353216 : i32
        %parallel_loop3A_455 = vector.broadcast %parallel_loop3A_454 : i32 to vector<16xi32>
        %parallel_loop3A_456 = arith.ori %parallel_loop3A_455, %parallel_loop3A_453 : vector<16xi32>
        %parallel_loop3A_457 = tpu.bitcast %parallel_loop3A_456 : vector<16xi32> -> vector<16xf32>
        %parallel_loop3A_458 = math.absf %parallel_loop3A_381 : vector<16xf32>
        %parallel_loop3A_459 = arith.constant 0.000000e+00 : f32
        %parallel_loop3A_460 = vector.broadcast %parallel_loop3A_459 : f32 to vector<16xf32>
        %parallel_loop3A_461 = arith.cmpf ogt, %parallel_loop3A_458, %parallel_loop3A_460 : vector<16xf32>
        %parallel_loop3A_462 = arith.select %parallel_loop3A_461, %parallel_loop3A_457, %parallel_loop3A_381 : vector<16xi1>, vector<16xf32>
        %parallel_loop3A_463 = arith.mulf %parallel_loop3A_462, %parallel_loop3A_432 : vector<16xf32>
        %parallel_loop3A_464 = tpu.bitcast %parallel_loop3A_384 : vector<16xf32> -> vector<16xi32>
        %parallel_loop3A_465 = arith.constant -2147483648 : i32
        %parallel_loop3A_466 = vector.broadcast %parallel_loop3A_465 : i32 to vector<16xi32>
        %parallel_loop3A_467 = arith.andi %parallel_loop3A_464, %parallel_loop3A_466 : vector<16xi32>
        %parallel_loop3A_468 = arith.constant 1065353216 : i32
        %parallel_loop3A_469 = vector.broadcast %parallel_loop3A_468 : i32 to vector<16xi32>
        %parallel_loop3A_470 = arith.ori %parallel_loop3A_469, %parallel_loop3A_467 : vector<16xi32>
        %parallel_loop3A_471 = tpu.bitcast %parallel_loop3A_470 : vector<16xi32> -> vector<16xf32>
        %parallel_loop3A_472 = math.absf %parallel_loop3A_384 : vector<16xf32>
        %parallel_loop3A_473 = arith.constant 0.000000e+00 : f32
        %parallel_loop3A_474 = vector.broadcast %parallel_loop3A_473 : f32 to vector<16xf32>
        %parallel_loop3A_475 = arith.cmpf ogt, %parallel_loop3A_472, %parallel_loop3A_474 : vector<16xf32>
        %parallel_loop3A_476 = arith.select %parallel_loop3A_475, %parallel_loop3A_471, %parallel_loop3A_384 : vector<16xi1>, vector<16xf32>
        %parallel_loop3A_477 = arith.mulf %parallel_loop3A_476, %parallel_loop3A_432 : vector<16xf32>
        %parallel_loop3A_478 = arith.divf %parallel_loop3A_381, %parallel_loop3A_449 : vector<16xf32>
        %parallel_loop3A_479 = arith.constant -1.000000e+00 : f32
        %parallel_loop3A_480 = arith.constant 1.000000e+00 : f32
        %parallel_loop3A_481 = vector.broadcast %parallel_loop3A_479 : f32 to vector<16xf32>
        %parallel_loop3A_482 = arith.maximumf %parallel_loop3A_481, %parallel_loop3A_478 : vector<16xf32>
        %parallel_loop3A_483 = vector.broadcast %parallel_loop3A_480 : f32 to vector<16xf32>
        %parallel_loop3A_484 = arith.minimumf %parallel_loop3A_483, %parallel_loop3A_482 : vector<16xf32>
        %parallel_loop3A_485 = arith.divf %parallel_loop3A_384, %parallel_loop3A_442 : vector<16xf32>
        %parallel_loop3A_486 = arith.constant -1.000000e+00 : f32
        %parallel_loop3A_487 = arith.constant 1.000000e+00 : f32
        %parallel_loop3A_488 = vector.broadcast %parallel_loop3A_486 : f32 to vector<16xf32>
        %parallel_loop3A_489 = arith.maximumf %parallel_loop3A_488, %parallel_loop3A_485 : vector<16xf32>
        %parallel_loop3A_490 = vector.broadcast %parallel_loop3A_487 : f32 to vector<16xf32>
        %parallel_loop3A_491 = arith.minimumf %parallel_loop3A_490, %parallel_loop3A_489 : vector<16xf32>
        %parallel_loop3A_492 = arith.constant 1.27323949 : f32
        %parallel_loop3A_493 = vector.broadcast %parallel_loop3A_492 : f32 to vector<16xf32>
        %parallel_loop3A_494 = arith.mulf %parallel_loop3A_477, %parallel_loop3A_493 : vector<16xf32>
        %parallel_loop3A_495 = arith.mulf %parallel_loop3A_484, %parallel_loop3A_484 : vector<16xf32>
        %parallel_loop3A_496 = arith.constant 0.00286622578 : f32
        %parallel_loop3A_497 = vector.broadcast %parallel_loop3A_496 : f32 to vector<16xf32>
        %parallel_loop3A_498 = arith.mulf %parallel_loop3A_497, %parallel_loop3A_495 : vector<16xf32>
        %parallel_loop3A_499 = arith.constant 0.0161657371 : f32
        %parallel_loop3A_500 = vector.broadcast %parallel_loop3A_499 : f32 to vector<16xf32>
        %parallel_loop3A_501 = arith.subf %parallel_loop3A_498, %parallel_loop3A_500 : vector<16xf32>
        %parallel_loop3A_502 = arith.mulf %parallel_loop3A_501, %parallel_loop3A_495 : vector<16xf32>
        %parallel_loop3A_503 = arith.constant 0.0429096147 : f32
        %parallel_loop3A_504 = vector.broadcast %parallel_loop3A_503 : f32 to vector<16xf32>
        %parallel_loop3A_505 = arith.addf %parallel_loop3A_502, %parallel_loop3A_504 : vector<16xf32>
        %parallel_loop3A_506 = arith.mulf %parallel_loop3A_505, %parallel_loop3A_495 : vector<16xf32>
        %parallel_loop3A_507 = arith.constant 0.0752896368 : f32
        %parallel_loop3A_508 = vector.broadcast %parallel_loop3A_507 : f32 to vector<16xf32>
        %parallel_loop3A_509 = arith.subf %parallel_loop3A_506, %parallel_loop3A_508 : vector<16xf32>
        %parallel_loop3A_510 = arith.mulf %parallel_loop3A_509, %parallel_loop3A_495 : vector<16xf32>
        %parallel_loop3A_511 = arith.constant 0.106562637 : f32
        %parallel_loop3A_512 = vector.broadcast %parallel_loop3A_511 : f32 to vector<16xf32>
        %parallel_loop3A_513 = arith.addf %parallel_loop3A_510, %parallel_loop3A_512 : vector<16xf32>
        %parallel_loop3A_514 = arith.mulf %parallel_loop3A_513, %parallel_loop3A_495 : vector<16xf32>
        %parallel_loop3A_515 = arith.constant 1.420890e-01 : f32
        %parallel_loop3A_516 = vector.broadcast %parallel_loop3A_515 : f32 to vector<16xf32>
        %parallel_loop3A_517 = arith.subf %parallel_loop3A_514, %parallel_loop3A_516 : vector<16xf32>
        %parallel_loop3A_518 = arith.mulf %parallel_loop3A_517, %parallel_loop3A_495 : vector<16xf32>
        %parallel_loop3A_519 = arith.constant 0.199935511 : f32
        %parallel_loop3A_520 = vector.broadcast %parallel_loop3A_519 : f32 to vector<16xf32>
        %parallel_loop3A_521 = arith.addf %parallel_loop3A_518, %parallel_loop3A_520 : vector<16xf32>
        %parallel_loop3A_522 = arith.mulf %parallel_loop3A_521, %parallel_loop3A_495 : vector<16xf32>
        %parallel_loop3A_523 = arith.constant 0.333331466 : f32
        %parallel_loop3A_524 = vector.broadcast %parallel_loop3A_523 : f32 to vector<16xf32>
        %parallel_loop3A_525 = arith.subf %parallel_loop3A_522, %parallel_loop3A_524 : vector<16xf32>
        %parallel_loop3A_526 = arith.mulf %parallel_loop3A_525, %parallel_loop3A_495 : vector<16xf32>
        %parallel_loop3A_527 = arith.constant 1.000000e+00 : f32
        %parallel_loop3A_528 = vector.broadcast %parallel_loop3A_527 : f32 to vector<16xf32>
        %parallel_loop3A_529 = arith.addf %parallel_loop3A_526, %parallel_loop3A_528 : vector<16xf32>
        %parallel_loop3A_530 = arith.mulf %parallel_loop3A_529, %parallel_loop3A_484 : vector<16xf32>
        %parallel_loop3A_531 = arith.mulf %parallel_loop3A_494, %parallel_loop3A_530 : vector<16xf32>
        %parallel_loop3A_532 = arith.select %parallel_loop3A_435, %parallel_loop3A_463, %parallel_loop3A_531 : vector<16xi1>, vector<16xf32>
        %parallel_loop3A_533 = arith.constant 1.27323949 : f32
        %parallel_loop3A_534 = vector.broadcast %parallel_loop3A_533 : f32 to vector<16xf32>
        %parallel_loop3A_535 = arith.mulf %parallel_loop3A_463, %parallel_loop3A_534 : vector<16xf32>
        %parallel_loop3A_536 = arith.mulf %parallel_loop3A_491, %parallel_loop3A_491 : vector<16xf32>
        %parallel_loop3A_537 = arith.constant 0.00286622578 : f32
        %parallel_loop3A_538 = vector.broadcast %parallel_loop3A_537 : f32 to vector<16xf32>
        %parallel_loop3A_539 = arith.mulf %parallel_loop3A_538, %parallel_loop3A_536 : vector<16xf32>
        %parallel_loop3A_540 = arith.constant 0.0161657371 : f32
        %parallel_loop3A_541 = vector.broadcast %parallel_loop3A_540 : f32 to vector<16xf32>
        %parallel_loop3A_542 = arith.subf %parallel_loop3A_539, %parallel_loop3A_541 : vector<16xf32>
        %parallel_loop3A_543 = arith.mulf %parallel_loop3A_542, %parallel_loop3A_536 : vector<16xf32>
        %parallel_loop3A_544 = arith.constant 0.0429096147 : f32
        %parallel_loop3A_545 = vector.broadcast %parallel_loop3A_544 : f32 to vector<16xf32>
        %parallel_loop3A_546 = arith.addf %parallel_loop3A_543, %parallel_loop3A_545 : vector<16xf32>
        %parallel_loop3A_547 = arith.mulf %parallel_loop3A_546, %parallel_loop3A_536 : vector<16xf32>
        %parallel_loop3A_548 = arith.constant 0.0752896368 : f32
        %parallel_loop3A_549 = vector.broadcast %parallel_loop3A_548 : f32 to vector<16xf32>
        %parallel_loop3A_550 = arith.subf %parallel_loop3A_547, %parallel_loop3A_549 : vector<16xf32>
        %parallel_loop3A_551 = arith.mulf %parallel_loop3A_550, %parallel_loop3A_536 : vector<16xf32>
        %parallel_loop3A_552 = arith.constant 0.106562637 : f32
        %parallel_loop3A_553 = vector.broadcast %parallel_loop3A_552 : f32 to vector<16xf32>
        %parallel_loop3A_554 = arith.addf %parallel_loop3A_551, %parallel_loop3A_553 : vector<16xf32>
        %parallel_loop3A_555 = arith.mulf %parallel_loop3A_554, %parallel_loop3A_536 : vector<16xf32>
        %parallel_loop3A_556 = arith.constant 1.420890e-01 : f32
        %parallel_loop3A_557 = vector.broadcast %parallel_loop3A_556 : f32 to vector<16xf32>
        %parallel_loop3A_558 = arith.subf %parallel_loop3A_555, %parallel_loop3A_557 : vector<16xf32>
        %parallel_loop3A_559 = arith.mulf %parallel_loop3A_558, %parallel_loop3A_536 : vector<16xf32>
        %parallel_loop3A_560 = arith.constant 0.199935511 : f32
        %parallel_loop3A_561 = vector.broadcast %parallel_loop3A_560 : f32 to vector<16xf32>
        %parallel_loop3A_562 = arith.addf %parallel_loop3A_559, %parallel_loop3A_561 : vector<16xf32>
        %parallel_loop3A_563 = arith.mulf %parallel_loop3A_562, %parallel_loop3A_536 : vector<16xf32>
        %parallel_loop3A_564 = arith.constant 0.333331466 : f32
        %parallel_loop3A_565 = vector.broadcast %parallel_loop3A_564 : f32 to vector<16xf32>
        %parallel_loop3A_566 = arith.subf %parallel_loop3A_563, %parallel_loop3A_565 : vector<16xf32>
        %parallel_loop3A_567 = arith.mulf %parallel_loop3A_566, %parallel_loop3A_536 : vector<16xf32>
        %parallel_loop3A_568 = arith.constant 1.000000e+00 : f32
        %parallel_loop3A_569 = vector.broadcast %parallel_loop3A_568 : f32 to vector<16xf32>
        %parallel_loop3A_570 = arith.addf %parallel_loop3A_567, %parallel_loop3A_569 : vector<16xf32>
        %parallel_loop3A_571 = arith.mulf %parallel_loop3A_570, %parallel_loop3A_491 : vector<16xf32>
        %parallel_loop3A_572 = arith.mulf %parallel_loop3A_535, %parallel_loop3A_571 : vector<16xf32>
        %parallel_loop3A_573 = arith.select %parallel_loop3A_435, %parallel_loop3A_572, %parallel_loop3A_477 : vector<16xi1>, vector<16xf32>
        %parallel_loop3A_574 = arith.constant 0.000000e+00 : f32
        %parallel_loop3A_575 = vector.broadcast %parallel_loop3A_574 : f32 to vector<16xf32>
        %parallel_loop3A_576 = arith.select %parallel_loop3A_393, %parallel_loop3A_575, %parallel_loop3A_532 : vector<16xi1>, vector<16xf32>
        %parallel_loop3A_577 = arith.constant 0.000000e+00 : f32
        %parallel_loop3A_578 = vector.broadcast %parallel_loop3A_577 : f32 to vector<16xf32>
        %parallel_loop3A_579 = arith.select %parallel_loop3A_393, %parallel_loop3A_578, %parallel_loop3A_573 : vector<16xi1>, vector<16xf32>
        %parallel_loop3A_580 = arith.constant 1.000000e+00 : f32
        %parallel_loop3A_581 = vector.broadcast %parallel_loop3A_580 : f32 to vector<16xf32>
        %parallel_loop3A_582 = arith.addf %parallel_loop3A_576, %parallel_loop3A_581 : vector<16xf32>
        %parallel_loop3A_583 = arith.constant 0.000000e+00 : f32
        %parallel_loop3A_584 = arith.constant 2.000000e+00 : f32
        %parallel_loop3A_585 = vector.broadcast %parallel_loop3A_583 : f32 to vector<16xf32>
        %parallel_loop3A_586 = arith.maximumf %parallel_loop3A_585, %parallel_loop3A_582 : vector<16xf32>
        %parallel_loop3A_587 = vector.broadcast %parallel_loop3A_584 : f32 to vector<16xf32>
        %parallel_loop3A_588 = arith.minimumf %parallel_loop3A_587, %parallel_loop3A_586 : vector<16xf32>
        %parallel_loop3A_589 = arith.fptosi %parallel_loop3A_588 : vector<16xf32> to vector<16xi32>
        %parallel_loop3A_590 = arith.constant 1 : i32
        %parallel_loop3A_591 = vector.broadcast %parallel_loop3A_590 : i32 to vector<16xi32>
        %parallel_loop3A_592 = arith.minsi %parallel_loop3A_589, %parallel_loop3A_591 : vector<16xi32>
        %parallel_loop3A_593 = arith.sitofp %parallel_loop3A_592 : vector<16xi32> to vector<16xf32>
        %parallel_loop3A_594 = arith.subf %parallel_loop3A_588, %parallel_loop3A_593 : vector<16xf32>
        %parallel_loop3A_595 = arith.constant 1.000000e+00 : f32
        %parallel_loop3A_596 = vector.broadcast %parallel_loop3A_595 : f32 to vector<16xf32>
        %parallel_loop3A_597 = arith.subf %parallel_loop3A_596, %parallel_loop3A_594 : vector<16xf32>
        %parallel_loop3A_598 = arith.constant 1.000000e+00 : f32
        %parallel_loop3A_599 = vector.broadcast %parallel_loop3A_598 : f32 to vector<16xf32>
        %parallel_loop3A_600 = arith.addf %parallel_loop3A_579, %parallel_loop3A_599 : vector<16xf32>
        %parallel_loop3A_601 = arith.constant 0.000000e+00 : f32
        %parallel_loop3A_602 = arith.constant 2.000000e+00 : f32
        %parallel_loop3A_603 = vector.broadcast %parallel_loop3A_601 : f32 to vector<16xf32>
        %parallel_loop3A_604 = arith.maximumf %parallel_loop3A_603, %parallel_loop3A_600 : vector<16xf32>
        %parallel_loop3A_605 = vector.broadcast %parallel_loop3A_602 : f32 to vector<16xf32>
        %parallel_loop3A_606 = arith.minimumf %parallel_loop3A_605, %parallel_loop3A_604 : vector<16xf32>
        %parallel_loop3A_607 = arith.fptosi %parallel_loop3A_606 : vector<16xf32> to vector<16xi32>
        %parallel_loop3A_608 = arith.constant 1 : i32
        %parallel_loop3A_609 = vector.broadcast %parallel_loop3A_608 : i32 to vector<16xi32>
        %parallel_loop3A_610 = arith.minsi %parallel_loop3A_607, %parallel_loop3A_609 : vector<16xi32>
        %parallel_loop3A_611 = arith.sitofp %parallel_loop3A_610 : vector<16xi32> to vector<16xf32>
        %parallel_loop3A_612 = arith.subf %parallel_loop3A_606, %parallel_loop3A_611 : vector<16xf32>
        %parallel_loop3A_613 = arith.constant 1.000000e+00 : f32
        %parallel_loop3A_614 = vector.broadcast %parallel_loop3A_613 : f32 to vector<16xf32>
        %parallel_loop3A_615 = arith.subf %parallel_loop3A_614, %parallel_loop3A_612 : vector<16xf32>
        %parallel_loop3A_616 = arith.constant 1.000000e+00 : f32
        %parallel_loop3A_617 = vector.broadcast %parallel_loop3A_616 : f32 to vector<16xf32>
        %parallel_loop3A_618 = arith.addf %parallel_loop3A_387, %parallel_loop3A_617 : vector<16xf32>
        %parallel_loop3A_619 = arith.constant 0.000000e+00 : f32
        %parallel_loop3A_620 = arith.constant 2.000000e+00 : f32
        %parallel_loop3A_621 = vector.broadcast %parallel_loop3A_619 : f32 to vector<16xf32>
        %parallel_loop3A_622 = arith.maximumf %parallel_loop3A_621, %parallel_loop3A_618 : vector<16xf32>
        %parallel_loop3A_623 = vector.broadcast %parallel_loop3A_620 : f32 to vector<16xf32>
        %parallel_loop3A_624 = arith.minimumf %parallel_loop3A_623, %parallel_loop3A_622 : vector<16xf32>
        %parallel_loop3A_625 = arith.fptosi %parallel_loop3A_624 : vector<16xf32> to vector<16xi32>
        %parallel_loop3A_626 = arith.constant 1 : i32
        %parallel_loop3A_627 = vector.broadcast %parallel_loop3A_626 : i32 to vector<16xi32>
        %parallel_loop3A_628 = arith.minsi %parallel_loop3A_625, %parallel_loop3A_627 : vector<16xi32>
        %parallel_loop3A_629 = arith.sitofp %parallel_loop3A_628 : vector<16xi32> to vector<16xf32>
        %parallel_loop3A_630 = arith.subf %parallel_loop3A_624, %parallel_loop3A_629 : vector<16xf32>
        %parallel_loop3A_631 = arith.constant 1.000000e+00 : f32
        %parallel_loop3A_632 = vector.broadcast %parallel_loop3A_631 : f32 to vector<16xf32>
        %parallel_loop3A_633 = arith.subf %parallel_loop3A_632, %parallel_loop3A_630 : vector<16xf32>
        %parallel_loop3A_634 = arith.constant 0.000000e+00 : f32
        %parallel_loop3A_635 = vector.broadcast %parallel_loop3A_634 : f32 to vector<16xf32>
        %parallel_loop3A_636 = arith.select %parallel_loop3A_209, %parallel_loop3A_633, %parallel_loop3A_635 : vector<16xi1>, vector<16xf32>
        %parallel_loop3A_637 = arith.constant 0.000000e+00 : f32
        %parallel_loop3A_638 = vector.broadcast %parallel_loop3A_637 : f32 to vector<16xf32>
        %parallel_loop3A_639 = arith.select %parallel_loop3A_209, %parallel_loop3A_630, %parallel_loop3A_638 : vector<16xi1>, vector<16xf32>
        %parallel_loop3A_640 = arith.constant 9 : i32
        %parallel_loop3A_641 = vector.broadcast %parallel_loop3A_640 : i32 to vector<16xi32>
        %parallel_loop3A_642 = arith.muli %parallel_loop3A_628, %parallel_loop3A_641 : vector<16xi32>
        %parallel_loop3A_643 = arith.constant 3 : i32
        %parallel_loop3A_644 = vector.broadcast %parallel_loop3A_643 : i32 to vector<16xi32>
        %parallel_loop3A_645 = arith.muli %parallel_loop3A_610, %parallel_loop3A_644 : vector<16xi32>
        %parallel_loop3A_646 = arith.addi %parallel_loop3A_642, %parallel_loop3A_645 : vector<16xi32>
        %parallel_loop3A_647 = arith.addi %parallel_loop3A_646, %parallel_loop3A_592 : vector<16xi32>
        %parallel_loop3A_648 = arith.mulf %parallel_loop3A_636, %parallel_loop3A_615 : vector<16xf32>
        %parallel_loop3A_649 = arith.mulf %parallel_loop3A_636, %parallel_loop3A_612 : vector<16xf32>
        %parallel_loop3A_650 = arith.mulf %parallel_loop3A_639, %parallel_loop3A_615 : vector<16xf32>
        %parallel_loop3A_651 = arith.mulf %parallel_loop3A_639, %parallel_loop3A_612 : vector<16xf32>
        %parallel_loop3A_652 = arith.mulf %parallel_loop3A_648, %parallel_loop3A_597 : vector<16xf32>
        %parallel_loop3A_653 = arith.mulf %parallel_loop3A_648, %parallel_loop3A_594 : vector<16xf32>
        %parallel_loop3A_654 = arith.mulf %parallel_loop3A_649, %parallel_loop3A_597 : vector<16xf32>
        %parallel_loop3A_655 = arith.mulf %parallel_loop3A_649, %parallel_loop3A_594 : vector<16xf32>
        %parallel_loop3A_656 = arith.mulf %parallel_loop3A_650, %parallel_loop3A_597 : vector<16xf32>
        %parallel_loop3A_657 = arith.mulf %parallel_loop3A_650, %parallel_loop3A_594 : vector<16xf32>
        %parallel_loop3A_658 = arith.mulf %parallel_loop3A_651, %parallel_loop3A_597 : vector<16xf32>
        %parallel_loop3A_659 = arith.mulf %parallel_loop3A_651, %parallel_loop3A_594 : vector<16xf32>
        %parallel_loop3A_660 = arith.constant 0 : i32
        %parallel_loop3A_661 = vector.broadcast %parallel_loop3A_660 : i32 to vector<16xi32>
        %parallel_loop3A_662 = arith.addi %parallel_loop3A_647, %parallel_loop3A_661 : vector<16xi32>
        %parallel_loop3A_663 = arith.constant 32 : i32
        %parallel_loop3A_664 = vector.broadcast %parallel_loop3A_663 : i32 to vector<16xi32>
        %parallel_loop3A_665 = arith.muli %parallel_loop3A_662, %parallel_loop3A_664 : vector<16xi32>
        %parallel_loop3A_666 = arith.constant 1 : i32
        %parallel_loop3A_667 = vector.broadcast %parallel_loop3A_666 : i32 to vector<16xi32>
        %parallel_loop3A_668 = arith.addi %parallel_loop3A_647, %parallel_loop3A_667 : vector<16xi32>
        %parallel_loop3A_669 = arith.constant 32 : i32
        %parallel_loop3A_670 = vector.broadcast %parallel_loop3A_669 : i32 to vector<16xi32>
        %parallel_loop3A_671 = arith.muli %parallel_loop3A_668, %parallel_loop3A_670 : vector<16xi32>
        %parallel_loop3A_672 = arith.constant 3 : i32
        %parallel_loop3A_673 = vector.broadcast %parallel_loop3A_672 : i32 to vector<16xi32>
        %parallel_loop3A_674 = arith.addi %parallel_loop3A_647, %parallel_loop3A_673 : vector<16xi32>
        %parallel_loop3A_675 = arith.constant 32 : i32
        %parallel_loop3A_676 = vector.broadcast %parallel_loop3A_675 : i32 to vector<16xi32>
        %parallel_loop3A_677 = arith.muli %parallel_loop3A_674, %parallel_loop3A_676 : vector<16xi32>
        %parallel_loop3A_678 = arith.constant 4 : i32
        %parallel_loop3A_679 = vector.broadcast %parallel_loop3A_678 : i32 to vector<16xi32>
        %parallel_loop3A_680 = arith.addi %parallel_loop3A_647, %parallel_loop3A_679 : vector<16xi32>
        %parallel_loop3A_681 = arith.constant 32 : i32
        %parallel_loop3A_682 = vector.broadcast %parallel_loop3A_681 : i32 to vector<16xi32>
        %parallel_loop3A_683 = arith.muli %parallel_loop3A_680, %parallel_loop3A_682 : vector<16xi32>
        %parallel_loop3A_684 = arith.constant 9 : i32
        %parallel_loop3A_685 = vector.broadcast %parallel_loop3A_684 : i32 to vector<16xi32>
        %parallel_loop3A_686 = arith.addi %parallel_loop3A_647, %parallel_loop3A_685 : vector<16xi32>
        %parallel_loop3A_687 = arith.constant 32 : i32
        %parallel_loop3A_688 = vector.broadcast %parallel_loop3A_687 : i32 to vector<16xi32>
        %parallel_loop3A_689 = arith.muli %parallel_loop3A_686, %parallel_loop3A_688 : vector<16xi32>
        %parallel_loop3A_690 = arith.constant 10 : i32
        %parallel_loop3A_691 = vector.broadcast %parallel_loop3A_690 : i32 to vector<16xi32>
        %parallel_loop3A_692 = arith.addi %parallel_loop3A_647, %parallel_loop3A_691 : vector<16xi32>
        %parallel_loop3A_693 = arith.constant 32 : i32
        %parallel_loop3A_694 = vector.broadcast %parallel_loop3A_693 : i32 to vector<16xi32>
        %parallel_loop3A_695 = arith.muli %parallel_loop3A_692, %parallel_loop3A_694 : vector<16xi32>
        %parallel_loop3A_696 = arith.constant 12 : i32
        %parallel_loop3A_697 = vector.broadcast %parallel_loop3A_696 : i32 to vector<16xi32>
        %parallel_loop3A_698 = arith.addi %parallel_loop3A_647, %parallel_loop3A_697 : vector<16xi32>
        %parallel_loop3A_699 = arith.constant 32 : i32
        %parallel_loop3A_700 = vector.broadcast %parallel_loop3A_699 : i32 to vector<16xi32>
        %parallel_loop3A_701 = arith.muli %parallel_loop3A_698, %parallel_loop3A_700 : vector<16xi32>
        %parallel_loop3A_702 = arith.constant 13 : i32
        %parallel_loop3A_703 = vector.broadcast %parallel_loop3A_702 : i32 to vector<16xi32>
        %parallel_loop3A_704 = arith.addi %parallel_loop3A_647, %parallel_loop3A_703 : vector<16xi32>
        %parallel_loop3A_705 = arith.constant 32 : i32
        %parallel_loop3A_706 = vector.broadcast %parallel_loop3A_705 : i32 to vector<16xi32>
        %parallel_loop3A_707 = arith.muli %parallel_loop3A_704, %parallel_loop3A_706 : vector<16xi32>
        %parallel_loop3A_708 = arith.constant 0 : i32
        %parallel_loop3A_709 = vector.broadcast %parallel_loop3A_708 : i32 to vector<16xi32>
        %parallel_loop3A_710 = arith.addi %parallel_loop3A_205, %parallel_loop3A_709 : vector<16xi32>
        %parallel_loop3A_711 = tpu.vector_load_idx %arg18[%parallel_loop3A_710] : memref<65536xi32, #tpu.memory_space<vmem>>[vector<16xi32>], vector<16xi32>,
        %parallel_loop3A_712 = vector.bitcast %parallel_loop3A_711 : vector<16xi32> to vector<32xbf16>
        %parallel_loop3A_713 = tpu.unpack_subelements %parallel_loop3A_712, 0 {pack_format = #tpu.pack_format<interleaved>} : vector<32xbf16> -> vector<16xf32>
        %parallel_loop3A_714 = tpu.unpack_subelements %parallel_loop3A_712, 1 {pack_format = #tpu.pack_format<interleaved>} : vector<32xbf16> -> vector<16xf32>
        %parallel_loop3A_715 = arith.constant 0 : i32
        %parallel_loop3A_716 = vector.broadcast %parallel_loop3A_715 : i32 to vector<16xi32>
        %parallel_loop3A_717 = arith.addi %parallel_loop3A_665, %parallel_loop3A_716 : vector<16xi32>
        %parallel_loop3A_718 = arith.mulf %parallel_loop3A_652, %parallel_loop3A_713 : vector<16xf32>
        tpu.vector_store_idx %arg23[%parallel_loop3A_717], %parallel_loop3A_718 {add = true} : memref<864xf32, #tpu.memory_space<vmem>>[vector<16xi32>], vector<16xf32>,
        %parallel_loop3A_719 = arith.constant 16 : i32
        %parallel_loop3A_720 = vector.broadcast %parallel_loop3A_719 : i32 to vector<16xi32>
        %parallel_loop3A_721 = arith.addi %parallel_loop3A_665, %parallel_loop3A_720 : vector<16xi32>
        %parallel_loop3A_722 = arith.mulf %parallel_loop3A_652, %parallel_loop3A_714 : vector<16xf32>
        tpu.vector_store_idx %arg23[%parallel_loop3A_721], %parallel_loop3A_722 {add = true} : memref<864xf32, #tpu.memory_space<vmem>>[vector<16xi32>], vector<16xf32>,
        %parallel_loop3A_723 = arith.constant 0 : i32
        %parallel_loop3A_724 = vector.broadcast %parallel_loop3A_723 : i32 to vector<16xi32>
        %parallel_loop3A_725 = arith.addi %parallel_loop3A_671, %parallel_loop3A_724 : vector<16xi32>
        %parallel_loop3A_726 = arith.mulf %parallel_loop3A_653, %parallel_loop3A_713 : vector<16xf32>
        tpu.vector_store_idx %arg23[%parallel_loop3A_725], %parallel_loop3A_726 {add = true} : memref<864xf32, #tpu.memory_space<vmem>>[vector<16xi32>], vector<16xf32>,
        %parallel_loop3A_727 = arith.constant 16 : i32
        %parallel_loop3A_728 = vector.broadcast %parallel_loop3A_727 : i32 to vector<16xi32>
        %parallel_loop3A_729 = arith.addi %parallel_loop3A_671, %parallel_loop3A_728 : vector<16xi32>
        %parallel_loop3A_730 = arith.mulf %parallel_loop3A_653, %parallel_loop3A_714 : vector<16xf32>
        tpu.vector_store_idx %arg23[%parallel_loop3A_729], %parallel_loop3A_730 {add = true} : memref<864xf32, #tpu.memory_space<vmem>>[vector<16xi32>], vector<16xf32>,
        %parallel_loop3A_731 = arith.constant 0 : i32
        %parallel_loop3A_732 = vector.broadcast %parallel_loop3A_731 : i32 to vector<16xi32>
        %parallel_loop3A_733 = arith.addi %parallel_loop3A_677, %parallel_loop3A_732 : vector<16xi32>
        %parallel_loop3A_734 = arith.mulf %parallel_loop3A_654, %parallel_loop3A_713 : vector<16xf32>
        tpu.vector_store_idx %arg23[%parallel_loop3A_733], %parallel_loop3A_734 {add = true} : memref<864xf32, #tpu.memory_space<vmem>>[vector<16xi32>], vector<16xf32>,
        %parallel_loop3A_735 = arith.constant 16 : i32
        %parallel_loop3A_736 = vector.broadcast %parallel_loop3A_735 : i32 to vector<16xi32>
        %parallel_loop3A_737 = arith.addi %parallel_loop3A_677, %parallel_loop3A_736 : vector<16xi32>
        %parallel_loop3A_738 = arith.mulf %parallel_loop3A_654, %parallel_loop3A_714 : vector<16xf32>
        tpu.vector_store_idx %arg23[%parallel_loop3A_737], %parallel_loop3A_738 {add = true} : memref<864xf32, #tpu.memory_space<vmem>>[vector<16xi32>], vector<16xf32>,
        %parallel_loop3A_739 = arith.constant 0 : i32
        %parallel_loop3A_740 = vector.broadcast %parallel_loop3A_739 : i32 to vector<16xi32>
        %parallel_loop3A_741 = arith.addi %parallel_loop3A_683, %parallel_loop3A_740 : vector<16xi32>
        %parallel_loop3A_742 = arith.mulf %parallel_loop3A_655, %parallel_loop3A_713 : vector<16xf32>
        tpu.vector_store_idx %arg23[%parallel_loop3A_741], %parallel_loop3A_742 {add = true} : memref<864xf32, #tpu.memory_space<vmem>>[vector<16xi32>], vector<16xf32>,
        %parallel_loop3A_743 = arith.constant 16 : i32
        %parallel_loop3A_744 = vector.broadcast %parallel_loop3A_743 : i32 to vector<16xi32>
        %parallel_loop3A_745 = arith.addi %parallel_loop3A_683, %parallel_loop3A_744 : vector<16xi32>
        %parallel_loop3A_746 = arith.mulf %parallel_loop3A_655, %parallel_loop3A_714 : vector<16xf32>
        tpu.vector_store_idx %arg23[%parallel_loop3A_745], %parallel_loop3A_746 {add = true} : memref<864xf32, #tpu.memory_space<vmem>>[vector<16xi32>], vector<16xf32>,
        %parallel_loop3A_747 = arith.constant 0 : i32
        %parallel_loop3A_748 = vector.broadcast %parallel_loop3A_747 : i32 to vector<16xi32>
        %parallel_loop3A_749 = arith.addi %parallel_loop3A_689, %parallel_loop3A_748 : vector<16xi32>
        %parallel_loop3A_750 = arith.mulf %parallel_loop3A_656, %parallel_loop3A_713 : vector<16xf32>
        tpu.vector_store_idx %arg23[%parallel_loop3A_749], %parallel_loop3A_750 {add = true} : memref<864xf32, #tpu.memory_space<vmem>>[vector<16xi32>], vector<16xf32>,
        %parallel_loop3A_751 = arith.constant 16 : i32
        %parallel_loop3A_752 = vector.broadcast %parallel_loop3A_751 : i32 to vector<16xi32>
        %parallel_loop3A_753 = arith.addi %parallel_loop3A_689, %parallel_loop3A_752 : vector<16xi32>
        %parallel_loop3A_754 = arith.mulf %parallel_loop3A_656, %parallel_loop3A_714 : vector<16xf32>
        tpu.vector_store_idx %arg23[%parallel_loop3A_753], %parallel_loop3A_754 {add = true} : memref<864xf32, #tpu.memory_space<vmem>>[vector<16xi32>], vector<16xf32>,
        %parallel_loop3A_755 = arith.constant 0 : i32
        %parallel_loop3A_756 = vector.broadcast %parallel_loop3A_755 : i32 to vector<16xi32>
        %parallel_loop3A_757 = arith.addi %parallel_loop3A_695, %parallel_loop3A_756 : vector<16xi32>
        %parallel_loop3A_758 = arith.mulf %parallel_loop3A_657, %parallel_loop3A_713 : vector<16xf32>
        tpu.vector_store_idx %arg23[%parallel_loop3A_757], %parallel_loop3A_758 {add = true} : memref<864xf32, #tpu.memory_space<vmem>>[vector<16xi32>], vector<16xf32>,
        %parallel_loop3A_759 = arith.constant 16 : i32
        %parallel_loop3A_760 = vector.broadcast %parallel_loop3A_759 : i32 to vector<16xi32>
        %parallel_loop3A_761 = arith.addi %parallel_loop3A_695, %parallel_loop3A_760 : vector<16xi32>
        %parallel_loop3A_762 = arith.mulf %parallel_loop3A_657, %parallel_loop3A_714 : vector<16xf32>
        tpu.vector_store_idx %arg23[%parallel_loop3A_761], %parallel_loop3A_762 {add = true} : memref<864xf32, #tpu.memory_space<vmem>>[vector<16xi32>], vector<16xf32>,
        %parallel_loop3A_763 = arith.constant 0 : i32
        %parallel_loop3A_764 = vector.broadcast %parallel_loop3A_763 : i32 to vector<16xi32>
        %parallel_loop3A_765 = arith.addi %parallel_loop3A_701, %parallel_loop3A_764 : vector<16xi32>
        %parallel_loop3A_766 = arith.mulf %parallel_loop3A_658, %parallel_loop3A_713 : vector<16xf32>
        tpu.vector_store_idx %arg23[%parallel_loop3A_765], %parallel_loop3A_766 {add = true} : memref<864xf32, #tpu.memory_space<vmem>>[vector<16xi32>], vector<16xf32>,
        %parallel_loop3A_767 = arith.constant 16 : i32
        %parallel_loop3A_768 = vector.broadcast %parallel_loop3A_767 : i32 to vector<16xi32>
        %parallel_loop3A_769 = arith.addi %parallel_loop3A_701, %parallel_loop3A_768 : vector<16xi32>
        %parallel_loop3A_770 = arith.mulf %parallel_loop3A_658, %parallel_loop3A_714 : vector<16xf32>
        tpu.vector_store_idx %arg23[%parallel_loop3A_769], %parallel_loop3A_770 {add = true} : memref<864xf32, #tpu.memory_space<vmem>>[vector<16xi32>], vector<16xf32>,
        %parallel_loop3A_771 = arith.constant 0 : i32
        %parallel_loop3A_772 = vector.broadcast %parallel_loop3A_771 : i32 to vector<16xi32>
        %parallel_loop3A_773 = arith.addi %parallel_loop3A_707, %parallel_loop3A_772 : vector<16xi32>
        %parallel_loop3A_774 = arith.mulf %parallel_loop3A_659, %parallel_loop3A_713 : vector<16xf32>
        tpu.vector_store_idx %arg23[%parallel_loop3A_773], %parallel_loop3A_774 {add = true} : memref<864xf32, #tpu.memory_space<vmem>>[vector<16xi32>], vector<16xf32>,
        %parallel_loop3A_775 = arith.constant 16 : i32
        %parallel_loop3A_776 = vector.broadcast %parallel_loop3A_775 : i32 to vector<16xi32>
        %parallel_loop3A_777 = arith.addi %parallel_loop3A_707, %parallel_loop3A_776 : vector<16xi32>
        %parallel_loop3A_778 = arith.mulf %parallel_loop3A_659, %parallel_loop3A_714 : vector<16xf32>
        tpu.vector_store_idx %arg23[%parallel_loop3A_777], %parallel_loop3A_778 {add = true} : memref<864xf32, #tpu.memory_space<vmem>>[vector<16xi32>], vector<16xf32>,
        %parallel_loop3A_779 = arith.constant 1 : i32
        %parallel_loop3A_780 = vector.broadcast %parallel_loop3A_779 : i32 to vector<16xi32>
        %parallel_loop3A_781 = arith.addi %parallel_loop3A_205, %parallel_loop3A_780 : vector<16xi32>
        %parallel_loop3A_782 = tpu.vector_load_idx %arg18[%parallel_loop3A_781] : memref<65536xi32, #tpu.memory_space<vmem>>[vector<16xi32>], vector<16xi32>,
        %parallel_loop3A_783 = vector.bitcast %parallel_loop3A_782 : vector<16xi32> to vector<32xbf16>
        %parallel_loop3A_784 = tpu.unpack_subelements %parallel_loop3A_783, 0 {pack_format = #tpu.pack_format<interleaved>} : vector<32xbf16> -> vector<16xf32>
        %parallel_loop3A_785 = tpu.unpack_subelements %parallel_loop3A_783, 1 {pack_format = #tpu.pack_format<interleaved>} : vector<32xbf16> -> vector<16xf32>
        %parallel_loop3A_786 = arith.constant 1 : i32
        %parallel_loop3A_787 = vector.broadcast %parallel_loop3A_786 : i32 to vector<16xi32>
        %parallel_loop3A_788 = arith.addi %parallel_loop3A_665, %parallel_loop3A_787 : vector<16xi32>
        %parallel_loop3A_789 = arith.mulf %parallel_loop3A_652, %parallel_loop3A_784 : vector<16xf32>
        tpu.vector_store_idx %arg23[%parallel_loop3A_788], %parallel_loop3A_789 {add = true} : memref<864xf32, #tpu.memory_space<vmem>>[vector<16xi32>], vector<16xf32>,
        %parallel_loop3A_790 = arith.constant 17 : i32
        %parallel_loop3A_791 = vector.broadcast %parallel_loop3A_790 : i32 to vector<16xi32>
        %parallel_loop3A_792 = arith.addi %parallel_loop3A_665, %parallel_loop3A_791 : vector<16xi32>
        %parallel_loop3A_793 = arith.mulf %parallel_loop3A_652, %parallel_loop3A_785 : vector<16xf32>
        tpu.vector_store_idx %arg23[%parallel_loop3A_792], %parallel_loop3A_793 {add = true} : memref<864xf32, #tpu.memory_space<vmem>>[vector<16xi32>], vector<16xf32>,
        %parallel_loop3A_794 = arith.constant 1 : i32
        %parallel_loop3A_795 = vector.broadcast %parallel_loop3A_794 : i32 to vector<16xi32>
        %parallel_loop3A_796 = arith.addi %parallel_loop3A_671, %parallel_loop3A_795 : vector<16xi32>
        %parallel_loop3A_797 = arith.mulf %parallel_loop3A_653, %parallel_loop3A_784 : vector<16xf32>
        tpu.vector_store_idx %arg23[%parallel_loop3A_796], %parallel_loop3A_797 {add = true} : memref<864xf32, #tpu.memory_space<vmem>>[vector<16xi32>], vector<16xf32>,
        %parallel_loop3A_798 = arith.constant 17 : i32
        %parallel_loop3A_799 = vector.broadcast %parallel_loop3A_798 : i32 to vector<16xi32>
        %parallel_loop3A_800 = arith.addi %parallel_loop3A_671, %parallel_loop3A_799 : vector<16xi32>
        %parallel_loop3A_801 = arith.mulf %parallel_loop3A_653, %parallel_loop3A_785 : vector<16xf32>
        tpu.vector_store_idx %arg23[%parallel_loop3A_800], %parallel_loop3A_801 {add = true} : memref<864xf32, #tpu.memory_space<vmem>>[vector<16xi32>], vector<16xf32>,
        %parallel_loop3A_802 = arith.constant 1 : i32
        %parallel_loop3A_803 = vector.broadcast %parallel_loop3A_802 : i32 to vector<16xi32>
        %parallel_loop3A_804 = arith.addi %parallel_loop3A_677, %parallel_loop3A_803 : vector<16xi32>
        %parallel_loop3A_805 = arith.mulf %parallel_loop3A_654, %parallel_loop3A_784 : vector<16xf32>
        tpu.vector_store_idx %arg23[%parallel_loop3A_804], %parallel_loop3A_805 {add = true} : memref<864xf32, #tpu.memory_space<vmem>>[vector<16xi32>], vector<16xf32>,
        %parallel_loop3A_806 = arith.constant 17 : i32
        %parallel_loop3A_807 = vector.broadcast %parallel_loop3A_806 : i32 to vector<16xi32>
        %parallel_loop3A_808 = arith.addi %parallel_loop3A_677, %parallel_loop3A_807 : vector<16xi32>
        %parallel_loop3A_809 = arith.mulf %parallel_loop3A_654, %parallel_loop3A_785 : vector<16xf32>
        tpu.vector_store_idx %arg23[%parallel_loop3A_808], %parallel_loop3A_809 {add = true} : memref<864xf32, #tpu.memory_space<vmem>>[vector<16xi32>], vector<16xf32>,
        %parallel_loop3A_810 = arith.constant 1 : i32
        %parallel_loop3A_811 = vector.broadcast %parallel_loop3A_810 : i32 to vector<16xi32>
        %parallel_loop3A_812 = arith.addi %parallel_loop3A_683, %parallel_loop3A_811 : vector<16xi32>
        %parallel_loop3A_813 = arith.mulf %parallel_loop3A_655, %parallel_loop3A_784 : vector<16xf32>
        tpu.vector_store_idx %arg23[%parallel_loop3A_812], %parallel_loop3A_813 {add = true} : memref<864xf32, #tpu.memory_space<vmem>>[vector<16xi32>], vector<16xf32>,
        %parallel_loop3A_814 = arith.constant 17 : i32
        %parallel_loop3A_815 = vector.broadcast %parallel_loop3A_814 : i32 to vector<16xi32>
        %parallel_loop3A_816 = arith.addi %parallel_loop3A_683, %parallel_loop3A_815 : vector<16xi32>
        %parallel_loop3A_817 = arith.mulf %parallel_loop3A_655, %parallel_loop3A_785 : vector<16xf32>
        tpu.vector_store_idx %arg23[%parallel_loop3A_816], %parallel_loop3A_817 {add = true} : memref<864xf32, #tpu.memory_space<vmem>>[vector<16xi32>], vector<16xf32>,
        %parallel_loop3A_818 = arith.constant 1 : i32
        %parallel_loop3A_819 = vector.broadcast %parallel_loop3A_818 : i32 to vector<16xi32>
        %parallel_loop3A_820 = arith.addi %parallel_loop3A_689, %parallel_loop3A_819 : vector<16xi32>
        %parallel_loop3A_821 = arith.mulf %parallel_loop3A_656, %parallel_loop3A_784 : vector<16xf32>
        tpu.vector_store_idx %arg23[%parallel_loop3A_820], %parallel_loop3A_821 {add = true} : memref<864xf32, #tpu.memory_space<vmem>>[vector<16xi32>], vector<16xf32>,
        %parallel_loop3A_822 = arith.constant 17 : i32
        %parallel_loop3A_823 = vector.broadcast %parallel_loop3A_822 : i32 to vector<16xi32>
        %parallel_loop3A_824 = arith.addi %parallel_loop3A_689, %parallel_loop3A_823 : vector<16xi32>
        %parallel_loop3A_825 = arith.mulf %parallel_loop3A_656, %parallel_loop3A_785 : vector<16xf32>
        tpu.vector_store_idx %arg23[%parallel_loop3A_824], %parallel_loop3A_825 {add = true} : memref<864xf32, #tpu.memory_space<vmem>>[vector<16xi32>], vector<16xf32>,
        %parallel_loop3A_826 = arith.constant 1 : i32
        %parallel_loop3A_827 = vector.broadcast %parallel_loop3A_826 : i32 to vector<16xi32>
        %parallel_loop3A_828 = arith.addi %parallel_loop3A_695, %parallel_loop3A_827 : vector<16xi32>
        %parallel_loop3A_829 = arith.mulf %parallel_loop3A_657, %parallel_loop3A_784 : vector<16xf32>
        tpu.vector_store_idx %arg23[%parallel_loop3A_828], %parallel_loop3A_829 {add = true} : memref<864xf32, #tpu.memory_space<vmem>>[vector<16xi32>], vector<16xf32>,
        %parallel_loop3A_830 = arith.constant 17 : i32
        %parallel_loop3A_831 = vector.broadcast %parallel_loop3A_830 : i32 to vector<16xi32>
        %parallel_loop3A_832 = arith.addi %parallel_loop3A_695, %parallel_loop3A_831 : vector<16xi32>
        %parallel_loop3A_833 = arith.mulf %parallel_loop3A_657, %parallel_loop3A_785 : vector<16xf32>
        tpu.vector_store_idx %arg23[%parallel_loop3A_832], %parallel_loop3A_833 {add = true} : memref<864xf32, #tpu.memory_space<vmem>>[vector<16xi32>], vector<16xf32>,
        %parallel_loop3A_834 = arith.constant 1 : i32
        %parallel_loop3A_835 = vector.broadcast %parallel_loop3A_834 : i32 to vector<16xi32>
        %parallel_loop3A_836 = arith.addi %parallel_loop3A_701, %parallel_loop3A_835 : vector<16xi32>
        %parallel_loop3A_837 = arith.mulf %parallel_loop3A_658, %parallel_loop3A_784 : vector<16xf32>
        tpu.vector_store_idx %arg23[%parallel_loop3A_836], %parallel_loop3A_837 {add = true} : memref<864xf32, #tpu.memory_space<vmem>>[vector<16xi32>], vector<16xf32>,
        %parallel_loop3A_838 = arith.constant 17 : i32
        %parallel_loop3A_839 = vector.broadcast %parallel_loop3A_838 : i32 to vector<16xi32>
        %parallel_loop3A_840 = arith.addi %parallel_loop3A_701, %parallel_loop3A_839 : vector<16xi32>
        %parallel_loop3A_841 = arith.mulf %parallel_loop3A_658, %parallel_loop3A_785 : vector<16xf32>
        tpu.vector_store_idx %arg23[%parallel_loop3A_840], %parallel_loop3A_841 {add = true} : memref<864xf32, #tpu.memory_space<vmem>>[vector<16xi32>], vector<16xf32>,
        %parallel_loop3A_842 = arith.constant 1 : i32
        %parallel_loop3A_843 = vector.broadcast %parallel_loop3A_842 : i32 to vector<16xi32>
        %parallel_loop3A_844 = arith.addi %parallel_loop3A_707, %parallel_loop3A_843 : vector<16xi32>
        %parallel_loop3A_845 = arith.mulf %parallel_loop3A_659, %parallel_loop3A_784 : vector<16xf32>
        tpu.vector_store_idx %arg23[%parallel_loop3A_844], %parallel_loop3A_845 {add = true} : memref<864xf32, #tpu.memory_space<vmem>>[vector<16xi32>], vector<16xf32>,
        %parallel_loop3A_846 = arith.constant 17 : i32
        %parallel_loop3A_847 = vector.broadcast %parallel_loop3A_846 : i32 to vector<16xi32>
        %parallel_loop3A_848 = arith.addi %parallel_loop3A_707, %parallel_loop3A_847 : vector<16xi32>
        %parallel_loop3A_849 = arith.mulf %parallel_loop3A_659, %parallel_loop3A_785 : vector<16xf32>
        tpu.vector_store_idx %arg23[%parallel_loop3A_848], %parallel_loop3A_849 {add = true} : memref<864xf32, #tpu.memory_space<vmem>>[vector<16xi32>], vector<16xf32>,
        %parallel_loop3A_850 = arith.constant 2 : i32
        %parallel_loop3A_851 = vector.broadcast %parallel_loop3A_850 : i32 to vector<16xi32>
        %parallel_loop3A_852 = arith.addi %parallel_loop3A_205, %parallel_loop3A_851 : vector<16xi32>
        %parallel_loop3A_853 = tpu.vector_load_idx %arg18[%parallel_loop3A_852] : memref<65536xi32, #tpu.memory_space<vmem>>[vector<16xi32>], vector<16xi32>,
        %parallel_loop3A_854 = vector.bitcast %parallel_loop3A_853 : vector<16xi32> to vector<32xbf16>
        %parallel_loop3A_855 = tpu.unpack_subelements %parallel_loop3A_854, 0 {pack_format = #tpu.pack_format<interleaved>} : vector<32xbf16> -> vector<16xf32>
        %parallel_loop3A_856 = tpu.unpack_subelements %parallel_loop3A_854, 1 {pack_format = #tpu.pack_format<interleaved>} : vector<32xbf16> -> vector<16xf32>
        %parallel_loop3A_857 = arith.constant 2 : i32
        %parallel_loop3A_858 = vector.broadcast %parallel_loop3A_857 : i32 to vector<16xi32>
        %parallel_loop3A_859 = arith.addi %parallel_loop3A_665, %parallel_loop3A_858 : vector<16xi32>
        %parallel_loop3A_860 = arith.mulf %parallel_loop3A_652, %parallel_loop3A_855 : vector<16xf32>
        tpu.vector_store_idx %arg23[%parallel_loop3A_859], %parallel_loop3A_860 {add = true} : memref<864xf32, #tpu.memory_space<vmem>>[vector<16xi32>], vector<16xf32>,
        %parallel_loop3A_861 = arith.constant 18 : i32
        %parallel_loop3A_862 = vector.broadcast %parallel_loop3A_861 : i32 to vector<16xi32>
        %parallel_loop3A_863 = arith.addi %parallel_loop3A_665, %parallel_loop3A_862 : vector<16xi32>
        %parallel_loop3A_864 = arith.mulf %parallel_loop3A_652, %parallel_loop3A_856 : vector<16xf32>
        tpu.vector_store_idx %arg23[%parallel_loop3A_863], %parallel_loop3A_864 {add = true} : memref<864xf32, #tpu.memory_space<vmem>>[vector<16xi32>], vector<16xf32>,
        %parallel_loop3A_865 = arith.constant 2 : i32
        %parallel_loop3A_866 = vector.broadcast %parallel_loop3A_865 : i32 to vector<16xi32>
        %parallel_loop3A_867 = arith.addi %parallel_loop3A_671, %parallel_loop3A_866 : vector<16xi32>
        %parallel_loop3A_868 = arith.mulf %parallel_loop3A_653, %parallel_loop3A_855 : vector<16xf32>
        tpu.vector_store_idx %arg23[%parallel_loop3A_867], %parallel_loop3A_868 {add = true} : memref<864xf32, #tpu.memory_space<vmem>>[vector<16xi32>], vector<16xf32>,
        %parallel_loop3A_869 = arith.constant 18 : i32
        %parallel_loop3A_870 = vector.broadcast %parallel_loop3A_869 : i32 to vector<16xi32>
        %parallel_loop3A_871 = arith.addi %parallel_loop3A_671, %parallel_loop3A_870 : vector<16xi32>
        %parallel_loop3A_872 = arith.mulf %parallel_loop3A_653, %parallel_loop3A_856 : vector<16xf32>
        tpu.vector_store_idx %arg23[%parallel_loop3A_871], %parallel_loop3A_872 {add = true} : memref<864xf32, #tpu.memory_space<vmem>>[vector<16xi32>], vector<16xf32>,
        %parallel_loop3A_873 = arith.constant 2 : i32
        %parallel_loop3A_874 = vector.broadcast %parallel_loop3A_873 : i32 to vector<16xi32>
        %parallel_loop3A_875 = arith.addi %parallel_loop3A_677, %parallel_loop3A_874 : vector<16xi32>
        %parallel_loop3A_876 = arith.mulf %parallel_loop3A_654, %parallel_loop3A_855 : vector<16xf32>
        tpu.vector_store_idx %arg23[%parallel_loop3A_875], %parallel_loop3A_876 {add = true} : memref<864xf32, #tpu.memory_space<vmem>>[vector<16xi32>], vector<16xf32>,
        %parallel_loop3A_877 = arith.constant 18 : i32
        %parallel_loop3A_878 = vector.broadcast %parallel_loop3A_877 : i32 to vector<16xi32>
        %parallel_loop3A_879 = arith.addi %parallel_loop3A_677, %parallel_loop3A_878 : vector<16xi32>
        %parallel_loop3A_880 = arith.mulf %parallel_loop3A_654, %parallel_loop3A_856 : vector<16xf32>
        tpu.vector_store_idx %arg23[%parallel_loop3A_879], %parallel_loop3A_880 {add = true} : memref<864xf32, #tpu.memory_space<vmem>>[vector<16xi32>], vector<16xf32>,
        %parallel_loop3A_881 = arith.constant 2 : i32
        %parallel_loop3A_882 = vector.broadcast %parallel_loop3A_881 : i32 to vector<16xi32>
        %parallel_loop3A_883 = arith.addi %parallel_loop3A_683, %parallel_loop3A_882 : vector<16xi32>
        %parallel_loop3A_884 = arith.mulf %parallel_loop3A_655, %parallel_loop3A_855 : vector<16xf32>
        tpu.vector_store_idx %arg23[%parallel_loop3A_883], %parallel_loop3A_884 {add = true} : memref<864xf32, #tpu.memory_space<vmem>>[vector<16xi32>], vector<16xf32>,
        %parallel_loop3A_885 = arith.constant 18 : i32
        %parallel_loop3A_886 = vector.broadcast %parallel_loop3A_885 : i32 to vector<16xi32>
        %parallel_loop3A_887 = arith.addi %parallel_loop3A_683, %parallel_loop3A_886 : vector<16xi32>
        %parallel_loop3A_888 = arith.mulf %parallel_loop3A_655, %parallel_loop3A_856 : vector<16xf32>
        tpu.vector_store_idx %arg23[%parallel_loop3A_887], %parallel_loop3A_888 {add = true} : memref<864xf32, #tpu.memory_space<vmem>>[vector<16xi32>], vector<16xf32>,
        %parallel_loop3A_889 = arith.constant 2 : i32
        %parallel_loop3A_890 = vector.broadcast %parallel_loop3A_889 : i32 to vector<16xi32>
        %parallel_loop3A_891 = arith.addi %parallel_loop3A_689, %parallel_loop3A_890 : vector<16xi32>
        %parallel_loop3A_892 = arith.mulf %parallel_loop3A_656, %parallel_loop3A_855 : vector<16xf32>
        tpu.vector_store_idx %arg23[%parallel_loop3A_891], %parallel_loop3A_892 {add = true} : memref<864xf32, #tpu.memory_space<vmem>>[vector<16xi32>], vector<16xf32>,
        %parallel_loop3A_893 = arith.constant 18 : i32
        %parallel_loop3A_894 = vector.broadcast %parallel_loop3A_893 : i32 to vector<16xi32>
        %parallel_loop3A_895 = arith.addi %parallel_loop3A_689, %parallel_loop3A_894 : vector<16xi32>
        %parallel_loop3A_896 = arith.mulf %parallel_loop3A_656, %parallel_loop3A_856 : vector<16xf32>
        tpu.vector_store_idx %arg23[%parallel_loop3A_895], %parallel_loop3A_896 {add = true} : memref<864xf32, #tpu.memory_space<vmem>>[vector<16xi32>], vector<16xf32>,
        %parallel_loop3A_897 = arith.constant 2 : i32
        %parallel_loop3A_898 = vector.broadcast %parallel_loop3A_897 : i32 to vector<16xi32>
        %parallel_loop3A_899 = arith.addi %parallel_loop3A_695, %parallel_loop3A_898 : vector<16xi32>
        %parallel_loop3A_900 = arith.mulf %parallel_loop3A_657, %parallel_loop3A_855 : vector<16xf32>
        tpu.vector_store_idx %arg23[%parallel_loop3A_899], %parallel_loop3A_900 {add = true} : memref<864xf32, #tpu.memory_space<vmem>>[vector<16xi32>], vector<16xf32>,
        %parallel_loop3A_901 = arith.constant 18 : i32
        %parallel_loop3A_902 = vector.broadcast %parallel_loop3A_901 : i32 to vector<16xi32>
        %parallel_loop3A_903 = arith.addi %parallel_loop3A_695, %parallel_loop3A_902 : vector<16xi32>
        %parallel_loop3A_904 = arith.mulf %parallel_loop3A_657, %parallel_loop3A_856 : vector<16xf32>
        tpu.vector_store_idx %arg23[%parallel_loop3A_903], %parallel_loop3A_904 {add = true} : memref<864xf32, #tpu.memory_space<vmem>>[vector<16xi32>], vector<16xf32>,
        %parallel_loop3A_905 = arith.constant 2 : i32
        %parallel_loop3A_906 = vector.broadcast %parallel_loop3A_905 : i32 to vector<16xi32>
        %parallel_loop3A_907 = arith.addi %parallel_loop3A_701, %parallel_loop3A_906 : vector<16xi32>
        %parallel_loop3A_908 = arith.mulf %parallel_loop3A_658, %parallel_loop3A_855 : vector<16xf32>
        tpu.vector_store_idx %arg23[%parallel_loop3A_907], %parallel_loop3A_908 {add = true} : memref<864xf32, #tpu.memory_space<vmem>>[vector<16xi32>], vector<16xf32>,
        %parallel_loop3A_909 = arith.constant 18 : i32
        %parallel_loop3A_910 = vector.broadcast %parallel_loop3A_909 : i32 to vector<16xi32>
        %parallel_loop3A_911 = arith.addi %parallel_loop3A_701, %parallel_loop3A_910 : vector<16xi32>
        %parallel_loop3A_912 = arith.mulf %parallel_loop3A_658, %parallel_loop3A_856 : vector<16xf32>
        tpu.vector_store_idx %arg23[%parallel_loop3A_911], %parallel_loop3A_912 {add = true} : memref<864xf32, #tpu.memory_space<vmem>>[vector<16xi32>], vector<16xf32>,
        %parallel_loop3A_913 = arith.constant 2 : i32
        %parallel_loop3A_914 = vector.broadcast %parallel_loop3A_913 : i32 to vector<16xi32>
        %parallel_loop3A_915 = arith.addi %parallel_loop3A_707, %parallel_loop3A_914 : vector<16xi32>
        %parallel_loop3A_916 = arith.mulf %parallel_loop3A_659, %parallel_loop3A_855 : vector<16xf32>
        tpu.vector_store_idx %arg23[%parallel_loop3A_915], %parallel_loop3A_916 {add = true} : memref<864xf32, #tpu.memory_space<vmem>>[vector<16xi32>], vector<16xf32>,
        %parallel_loop3A_917 = arith.constant 18 : i32
        %parallel_loop3A_918 = vector.broadcast %parallel_loop3A_917 : i32 to vector<16xi32>
        %parallel_loop3A_919 = arith.addi %parallel_loop3A_707, %parallel_loop3A_918 : vector<16xi32>
        %parallel_loop3A_920 = arith.mulf %parallel_loop3A_659, %parallel_loop3A_856 : vector<16xf32>
        tpu.vector_store_idx %arg23[%parallel_loop3A_919], %parallel_loop3A_920 {add = true} : memref<864xf32, #tpu.memory_space<vmem>>[vector<16xi32>], vector<16xf32>,
        %parallel_loop3A_921 = arith.constant 3 : i32
        %parallel_loop3A_922 = vector.broadcast %parallel_loop3A_921 : i32 to vector<16xi32>
        %parallel_loop3A_923 = arith.addi %parallel_loop3A_205, %parallel_loop3A_922 : vector<16xi32>
        %parallel_loop3A_924 = tpu.vector_load_idx %arg18[%parallel_loop3A_923] : memref<65536xi32, #tpu.memory_space<vmem>>[vector<16xi32>], vector<16xi32>,
        %parallel_loop3A_925 = vector.bitcast %parallel_loop3A_924 : vector<16xi32> to vector<32xbf16>
        %parallel_loop3A_926 = tpu.unpack_subelements %parallel_loop3A_925, 0 {pack_format = #tpu.pack_format<interleaved>} : vector<32xbf16> -> vector<16xf32>
        %parallel_loop3A_927 = tpu.unpack_subelements %parallel_loop3A_925, 1 {pack_format = #tpu.pack_format<interleaved>} : vector<32xbf16> -> vector<16xf32>
        %parallel_loop3A_928 = arith.constant 3 : i32
        %parallel_loop3A_929 = vector.broadcast %parallel_loop3A_928 : i32 to vector<16xi32>
        %parallel_loop3A_930 = arith.addi %parallel_loop3A_665, %parallel_loop3A_929 : vector<16xi32>
        %parallel_loop3A_931 = arith.mulf %parallel_loop3A_652, %parallel_loop3A_926 : vector<16xf32>
        tpu.vector_store_idx %arg23[%parallel_loop3A_930], %parallel_loop3A_931 {add = true} : memref<864xf32, #tpu.memory_space<vmem>>[vector<16xi32>], vector<16xf32>,
        %parallel_loop3A_932 = arith.constant 19 : i32
        %parallel_loop3A_933 = vector.broadcast %parallel_loop3A_932 : i32 to vector<16xi32>
        %parallel_loop3A_934 = arith.addi %parallel_loop3A_665, %parallel_loop3A_933 : vector<16xi32>
        %parallel_loop3A_935 = arith.mulf %parallel_loop3A_652, %parallel_loop3A_927 : vector<16xf32>
        tpu.vector_store_idx %arg23[%parallel_loop3A_934], %parallel_loop3A_935 {add = true} : memref<864xf32, #tpu.memory_space<vmem>>[vector<16xi32>], vector<16xf32>,
        %parallel_loop3A_936 = arith.constant 3 : i32
        %parallel_loop3A_937 = vector.broadcast %parallel_loop3A_936 : i32 to vector<16xi32>
        %parallel_loop3A_938 = arith.addi %parallel_loop3A_671, %parallel_loop3A_937 : vector<16xi32>
        %parallel_loop3A_939 = arith.mulf %parallel_loop3A_653, %parallel_loop3A_926 : vector<16xf32>
        tpu.vector_store_idx %arg23[%parallel_loop3A_938], %parallel_loop3A_939 {add = true} : memref<864xf32, #tpu.memory_space<vmem>>[vector<16xi32>], vector<16xf32>,
        %parallel_loop3A_940 = arith.constant 19 : i32
        %parallel_loop3A_941 = vector.broadcast %parallel_loop3A_940 : i32 to vector<16xi32>
        %parallel_loop3A_942 = arith.addi %parallel_loop3A_671, %parallel_loop3A_941 : vector<16xi32>
        %parallel_loop3A_943 = arith.mulf %parallel_loop3A_653, %parallel_loop3A_927 : vector<16xf32>
        tpu.vector_store_idx %arg23[%parallel_loop3A_942], %parallel_loop3A_943 {add = true} : memref<864xf32, #tpu.memory_space<vmem>>[vector<16xi32>], vector<16xf32>,
        %parallel_loop3A_944 = arith.constant 3 : i32
        %parallel_loop3A_945 = vector.broadcast %parallel_loop3A_944 : i32 to vector<16xi32>
        %parallel_loop3A_946 = arith.addi %parallel_loop3A_677, %parallel_loop3A_945 : vector<16xi32>
        %parallel_loop3A_947 = arith.mulf %parallel_loop3A_654, %parallel_loop3A_926 : vector<16xf32>
        tpu.vector_store_idx %arg23[%parallel_loop3A_946], %parallel_loop3A_947 {add = true} : memref<864xf32, #tpu.memory_space<vmem>>[vector<16xi32>], vector<16xf32>,
        %parallel_loop3A_948 = arith.constant 19 : i32
        %parallel_loop3A_949 = vector.broadcast %parallel_loop3A_948 : i32 to vector<16xi32>
        %parallel_loop3A_950 = arith.addi %parallel_loop3A_677, %parallel_loop3A_949 : vector<16xi32>
        %parallel_loop3A_951 = arith.mulf %parallel_loop3A_654, %parallel_loop3A_927 : vector<16xf32>
        tpu.vector_store_idx %arg23[%parallel_loop3A_950], %parallel_loop3A_951 {add = true} : memref<864xf32, #tpu.memory_space<vmem>>[vector<16xi32>], vector<16xf32>,
        %parallel_loop3A_952 = arith.constant 3 : i32
        %parallel_loop3A_953 = vector.broadcast %parallel_loop3A_952 : i32 to vector<16xi32>
        %parallel_loop3A_954 = arith.addi %parallel_loop3A_683, %parallel_loop3A_953 : vector<16xi32>
        %parallel_loop3A_955 = arith.mulf %parallel_loop3A_655, %parallel_loop3A_926 : vector<16xf32>
        tpu.vector_store_idx %arg23[%parallel_loop3A_954], %parallel_loop3A_955 {add = true} : memref<864xf32, #tpu.memory_space<vmem>>[vector<16xi32>], vector<16xf32>,
        %parallel_loop3A_956 = arith.constant 19 : i32
        %parallel_loop3A_957 = vector.broadcast %parallel_loop3A_956 : i32 to vector<16xi32>
        %parallel_loop3A_958 = arith.addi %parallel_loop3A_683, %parallel_loop3A_957 : vector<16xi32>
        %parallel_loop3A_959 = arith.mulf %parallel_loop3A_655, %parallel_loop3A_927 : vector<16xf32>
        tpu.vector_store_idx %arg23[%parallel_loop3A_958], %parallel_loop3A_959 {add = true} : memref<864xf32, #tpu.memory_space<vmem>>[vector<16xi32>], vector<16xf32>,
        %parallel_loop3A_960 = arith.constant 3 : i32
        %parallel_loop3A_961 = vector.broadcast %parallel_loop3A_960 : i32 to vector<16xi32>
        %parallel_loop3A_962 = arith.addi %parallel_loop3A_689, %parallel_loop3A_961 : vector<16xi32>
        %parallel_loop3A_963 = arith.mulf %parallel_loop3A_656, %parallel_loop3A_926 : vector<16xf32>
        tpu.vector_store_idx %arg23[%parallel_loop3A_962], %parallel_loop3A_963 {add = true} : memref<864xf32, #tpu.memory_space<vmem>>[vector<16xi32>], vector<16xf32>,
        %parallel_loop3A_964 = arith.constant 19 : i32
        %parallel_loop3A_965 = vector.broadcast %parallel_loop3A_964 : i32 to vector<16xi32>
        %parallel_loop3A_966 = arith.addi %parallel_loop3A_689, %parallel_loop3A_965 : vector<16xi32>
        %parallel_loop3A_967 = arith.mulf %parallel_loop3A_656, %parallel_loop3A_927 : vector<16xf32>
        tpu.vector_store_idx %arg23[%parallel_loop3A_966], %parallel_loop3A_967 {add = true} : memref<864xf32, #tpu.memory_space<vmem>>[vector<16xi32>], vector<16xf32>,
        %parallel_loop3A_968 = arith.constant 3 : i32
        %parallel_loop3A_969 = vector.broadcast %parallel_loop3A_968 : i32 to vector<16xi32>
        %parallel_loop3A_970 = arith.addi %parallel_loop3A_695, %parallel_loop3A_969 : vector<16xi32>
        %parallel_loop3A_971 = arith.mulf %parallel_loop3A_657, %parallel_loop3A_926 : vector<16xf32>
        tpu.vector_store_idx %arg23[%parallel_loop3A_970], %parallel_loop3A_971 {add = true} : memref<864xf32, #tpu.memory_space<vmem>>[vector<16xi32>], vector<16xf32>,
        %parallel_loop3A_972 = arith.constant 19 : i32
        %parallel_loop3A_973 = vector.broadcast %parallel_loop3A_972 : i32 to vector<16xi32>
        %parallel_loop3A_974 = arith.addi %parallel_loop3A_695, %parallel_loop3A_973 : vector<16xi32>
        %parallel_loop3A_975 = arith.mulf %parallel_loop3A_657, %parallel_loop3A_927 : vector<16xf32>
        tpu.vector_store_idx %arg23[%parallel_loop3A_974], %parallel_loop3A_975 {add = true} : memref<864xf32, #tpu.memory_space<vmem>>[vector<16xi32>], vector<16xf32>,
        %parallel_loop3A_976 = arith.constant 3 : i32
        %parallel_loop3A_977 = vector.broadcast %parallel_loop3A_976 : i32 to vector<16xi32>
        %parallel_loop3A_978 = arith.addi %parallel_loop3A_701, %parallel_loop3A_977 : vector<16xi32>
        %parallel_loop3A_979 = arith.mulf %parallel_loop3A_658, %parallel_loop3A_926 : vector<16xf32>
        tpu.vector_store_idx %arg23[%parallel_loop3A_978], %parallel_loop3A_979 {add = true} : memref<864xf32, #tpu.memory_space<vmem>>[vector<16xi32>], vector<16xf32>,
        %parallel_loop3A_980 = arith.constant 19 : i32
        %parallel_loop3A_981 = vector.broadcast %parallel_loop3A_980 : i32 to vector<16xi32>
        %parallel_loop3A_982 = arith.addi %parallel_loop3A_701, %parallel_loop3A_981 : vector<16xi32>
        %parallel_loop3A_983 = arith.mulf %parallel_loop3A_658, %parallel_loop3A_927 : vector<16xf32>
        tpu.vector_store_idx %arg23[%parallel_loop3A_982], %parallel_loop3A_983 {add = true} : memref<864xf32, #tpu.memory_space<vmem>>[vector<16xi32>], vector<16xf32>,
        %parallel_loop3A_984 = arith.constant 3 : i32
        %parallel_loop3A_985 = vector.broadcast %parallel_loop3A_984 : i32 to vector<16xi32>
        %parallel_loop3A_986 = arith.addi %parallel_loop3A_707, %parallel_loop3A_985 : vector<16xi32>
        %parallel_loop3A_987 = arith.mulf %parallel_loop3A_659, %parallel_loop3A_926 : vector<16xf32>
        tpu.vector_store_idx %arg23[%parallel_loop3A_986], %parallel_loop3A_987 {add = true} : memref<864xf32, #tpu.memory_space<vmem>>[vector<16xi32>], vector<16xf32>,
        %parallel_loop3A_988 = arith.constant 19 : i32
        %parallel_loop3A_989 = vector.broadcast %parallel_loop3A_988 : i32 to vector<16xi32>
        %parallel_loop3A_990 = arith.addi %parallel_loop3A_707, %parallel_loop3A_989 : vector<16xi32>
        %parallel_loop3A_991 = arith.mulf %parallel_loop3A_659, %parallel_loop3A_927 : vector<16xf32>
        tpu.vector_store_idx %arg23[%parallel_loop3A_990], %parallel_loop3A_991 {add = true} : memref<864xf32, #tpu.memory_space<vmem>>[vector<16xi32>], vector<16xf32>,
        %parallel_loop3A_992 = arith.constant 4 : i32
        %parallel_loop3A_993 = vector.broadcast %parallel_loop3A_992 : i32 to vector<16xi32>
        %parallel_loop3A_994 = arith.addi %parallel_loop3A_205, %parallel_loop3A_993 : vector<16xi32>
        %parallel_loop3A_995 = tpu.vector_load_idx %arg18[%parallel_loop3A_994] : memref<65536xi32, #tpu.memory_space<vmem>>[vector<16xi32>], vector<16xi32>,
        %parallel_loop3A_996 = vector.bitcast %parallel_loop3A_995 : vector<16xi32> to vector<32xbf16>
        %parallel_loop3A_997 = tpu.unpack_subelements %parallel_loop3A_996, 0 {pack_format = #tpu.pack_format<interleaved>} : vector<32xbf16> -> vector<16xf32>
        %parallel_loop3A_998 = tpu.unpack_subelements %parallel_loop3A_996, 1 {pack_format = #tpu.pack_format<interleaved>} : vector<32xbf16> -> vector<16xf32>
        %parallel_loop3A_999 = arith.constant 4 : i32
        %parallel_loop3A_1000 = vector.broadcast %parallel_loop3A_999 : i32 to vector<16xi32>
        %parallel_loop3A_1001 = arith.addi %parallel_loop3A_665, %parallel_loop3A_1000 : vector<16xi32>
        %parallel_loop3A_1002 = arith.mulf %parallel_loop3A_652, %parallel_loop3A_997 : vector<16xf32>
        tpu.vector_store_idx %arg23[%parallel_loop3A_1001], %parallel_loop3A_1002 {add = true} : memref<864xf32, #tpu.memory_space<vmem>>[vector<16xi32>], vector<16xf32>,
        %parallel_loop3A_1003 = arith.constant 20 : i32
        %parallel_loop3A_1004 = vector.broadcast %parallel_loop3A_1003 : i32 to vector<16xi32>
        %parallel_loop3A_1005 = arith.addi %parallel_loop3A_665, %parallel_loop3A_1004 : vector<16xi32>
        %parallel_loop3A_1006 = arith.mulf %parallel_loop3A_652, %parallel_loop3A_998 : vector<16xf32>
        tpu.vector_store_idx %arg23[%parallel_loop3A_1005], %parallel_loop3A_1006 {add = true} : memref<864xf32, #tpu.memory_space<vmem>>[vector<16xi32>], vector<16xf32>,
        %parallel_loop3A_1007 = arith.constant 4 : i32
        %parallel_loop3A_1008 = vector.broadcast %parallel_loop3A_1007 : i32 to vector<16xi32>
        %parallel_loop3A_1009 = arith.addi %parallel_loop3A_671, %parallel_loop3A_1008 : vector<16xi32>
        %parallel_loop3A_1010 = arith.mulf %parallel_loop3A_653, %parallel_loop3A_997 : vector<16xf32>
        tpu.vector_store_idx %arg23[%parallel_loop3A_1009], %parallel_loop3A_1010 {add = true} : memref<864xf32, #tpu.memory_space<vmem>>[vector<16xi32>], vector<16xf32>,
        %parallel_loop3A_1011 = arith.constant 20 : i32
        %parallel_loop3A_1012 = vector.broadcast %parallel_loop3A_1011 : i32 to vector<16xi32>
        %parallel_loop3A_1013 = arith.addi %parallel_loop3A_671, %parallel_loop3A_1012 : vector<16xi32>
        %parallel_loop3A_1014 = arith.mulf %parallel_loop3A_653, %parallel_loop3A_998 : vector<16xf32>
        tpu.vector_store_idx %arg23[%parallel_loop3A_1013], %parallel_loop3A_1014 {add = true} : memref<864xf32, #tpu.memory_space<vmem>>[vector<16xi32>], vector<16xf32>,
        %parallel_loop3A_1015 = arith.constant 4 : i32
        %parallel_loop3A_1016 = vector.broadcast %parallel_loop3A_1015 : i32 to vector<16xi32>
        %parallel_loop3A_1017 = arith.addi %parallel_loop3A_677, %parallel_loop3A_1016 : vector<16xi32>
        %parallel_loop3A_1018 = arith.mulf %parallel_loop3A_654, %parallel_loop3A_997 : vector<16xf32>
        tpu.vector_store_idx %arg23[%parallel_loop3A_1017], %parallel_loop3A_1018 {add = true} : memref<864xf32, #tpu.memory_space<vmem>>[vector<16xi32>], vector<16xf32>,
        %parallel_loop3A_1019 = arith.constant 20 : i32
        %parallel_loop3A_1020 = vector.broadcast %parallel_loop3A_1019 : i32 to vector<16xi32>
        %parallel_loop3A_1021 = arith.addi %parallel_loop3A_677, %parallel_loop3A_1020 : vector<16xi32>
        %parallel_loop3A_1022 = arith.mulf %parallel_loop3A_654, %parallel_loop3A_998 : vector<16xf32>
        tpu.vector_store_idx %arg23[%parallel_loop3A_1021], %parallel_loop3A_1022 {add = true} : memref<864xf32, #tpu.memory_space<vmem>>[vector<16xi32>], vector<16xf32>,
        %parallel_loop3A_1023 = arith.constant 4 : i32
        %parallel_loop3A_1024 = vector.broadcast %parallel_loop3A_1023 : i32 to vector<16xi32>
        %parallel_loop3A_1025 = arith.addi %parallel_loop3A_683, %parallel_loop3A_1024 : vector<16xi32>
        %parallel_loop3A_1026 = arith.mulf %parallel_loop3A_655, %parallel_loop3A_997 : vector<16xf32>
        tpu.vector_store_idx %arg23[%parallel_loop3A_1025], %parallel_loop3A_1026 {add = true} : memref<864xf32, #tpu.memory_space<vmem>>[vector<16xi32>], vector<16xf32>,
        %parallel_loop3A_1027 = arith.constant 20 : i32
        %parallel_loop3A_1028 = vector.broadcast %parallel_loop3A_1027 : i32 to vector<16xi32>
        %parallel_loop3A_1029 = arith.addi %parallel_loop3A_683, %parallel_loop3A_1028 : vector<16xi32>
        %parallel_loop3A_1030 = arith.mulf %parallel_loop3A_655, %parallel_loop3A_998 : vector<16xf32>
        tpu.vector_store_idx %arg23[%parallel_loop3A_1029], %parallel_loop3A_1030 {add = true} : memref<864xf32, #tpu.memory_space<vmem>>[vector<16xi32>], vector<16xf32>,
        %parallel_loop3A_1031 = arith.constant 4 : i32
        %parallel_loop3A_1032 = vector.broadcast %parallel_loop3A_1031 : i32 to vector<16xi32>
        %parallel_loop3A_1033 = arith.addi %parallel_loop3A_689, %parallel_loop3A_1032 : vector<16xi32>
        %parallel_loop3A_1034 = arith.mulf %parallel_loop3A_656, %parallel_loop3A_997 : vector<16xf32>
        tpu.vector_store_idx %arg23[%parallel_loop3A_1033], %parallel_loop3A_1034 {add = true} : memref<864xf32, #tpu.memory_space<vmem>>[vector<16xi32>], vector<16xf32>,
        %parallel_loop3A_1035 = arith.constant 20 : i32
        %parallel_loop3A_1036 = vector.broadcast %parallel_loop3A_1035 : i32 to vector<16xi32>
        %parallel_loop3A_1037 = arith.addi %parallel_loop3A_689, %parallel_loop3A_1036 : vector<16xi32>
        %parallel_loop3A_1038 = arith.mulf %parallel_loop3A_656, %parallel_loop3A_998 : vector<16xf32>
        tpu.vector_store_idx %arg23[%parallel_loop3A_1037], %parallel_loop3A_1038 {add = true} : memref<864xf32, #tpu.memory_space<vmem>>[vector<16xi32>], vector<16xf32>,
        %parallel_loop3A_1039 = arith.constant 4 : i32
        %parallel_loop3A_1040 = vector.broadcast %parallel_loop3A_1039 : i32 to vector<16xi32>
        %parallel_loop3A_1041 = arith.addi %parallel_loop3A_695, %parallel_loop3A_1040 : vector<16xi32>
        %parallel_loop3A_1042 = arith.mulf %parallel_loop3A_657, %parallel_loop3A_997 : vector<16xf32>
        tpu.vector_store_idx %arg23[%parallel_loop3A_1041], %parallel_loop3A_1042 {add = true} : memref<864xf32, #tpu.memory_space<vmem>>[vector<16xi32>], vector<16xf32>,
        %parallel_loop3A_1043 = arith.constant 20 : i32
        %parallel_loop3A_1044 = vector.broadcast %parallel_loop3A_1043 : i32 to vector<16xi32>
        %parallel_loop3A_1045 = arith.addi %parallel_loop3A_695, %parallel_loop3A_1044 : vector<16xi32>
        %parallel_loop3A_1046 = arith.mulf %parallel_loop3A_657, %parallel_loop3A_998 : vector<16xf32>
        tpu.vector_store_idx %arg23[%parallel_loop3A_1045], %parallel_loop3A_1046 {add = true} : memref<864xf32, #tpu.memory_space<vmem>>[vector<16xi32>], vector<16xf32>,
        %parallel_loop3A_1047 = arith.constant 4 : i32
        %parallel_loop3A_1048 = vector.broadcast %parallel_loop3A_1047 : i32 to vector<16xi32>
        %parallel_loop3A_1049 = arith.addi %parallel_loop3A_701, %parallel_loop3A_1048 : vector<16xi32>
        %parallel_loop3A_1050 = arith.mulf %parallel_loop3A_658, %parallel_loop3A_997 : vector<16xf32>
        tpu.vector_store_idx %arg23[%parallel_loop3A_1049], %parallel_loop3A_1050 {add = true} : memref<864xf32, #tpu.memory_space<vmem>>[vector<16xi32>], vector<16xf32>,
        %parallel_loop3A_1051 = arith.constant 20 : i32
        %parallel_loop3A_1052 = vector.broadcast %parallel_loop3A_1051 : i32 to vector<16xi32>
        %parallel_loop3A_1053 = arith.addi %parallel_loop3A_701, %parallel_loop3A_1052 : vector<16xi32>
        %parallel_loop3A_1054 = arith.mulf %parallel_loop3A_658, %parallel_loop3A_998 : vector<16xf32>
        tpu.vector_store_idx %arg23[%parallel_loop3A_1053], %parallel_loop3A_1054 {add = true} : memref<864xf32, #tpu.memory_space<vmem>>[vector<16xi32>], vector<16xf32>,
        %parallel_loop3A_1055 = arith.constant 4 : i32
        %parallel_loop3A_1056 = vector.broadcast %parallel_loop3A_1055 : i32 to vector<16xi32>
        %parallel_loop3A_1057 = arith.addi %parallel_loop3A_707, %parallel_loop3A_1056 : vector<16xi32>
        %parallel_loop3A_1058 = arith.mulf %parallel_loop3A_659, %parallel_loop3A_997 : vector<16xf32>
        tpu.vector_store_idx %arg23[%parallel_loop3A_1057], %parallel_loop3A_1058 {add = true} : memref<864xf32, #tpu.memory_space<vmem>>[vector<16xi32>], vector<16xf32>,
        %parallel_loop3A_1059 = arith.constant 20 : i32
        %parallel_loop3A_1060 = vector.broadcast %parallel_loop3A_1059 : i32 to vector<16xi32>
        %parallel_loop3A_1061 = arith.addi %parallel_loop3A_707, %parallel_loop3A_1060 : vector<16xi32>
        %parallel_loop3A_1062 = arith.mulf %parallel_loop3A_659, %parallel_loop3A_998 : vector<16xf32>
        tpu.vector_store_idx %arg23[%parallel_loop3A_1061], %parallel_loop3A_1062 {add = true} : memref<864xf32, #tpu.memory_space<vmem>>[vector<16xi32>], vector<16xf32>,
        %parallel_loop3A_1063 = arith.constant 5 : i32
        %parallel_loop3A_1064 = vector.broadcast %parallel_loop3A_1063 : i32 to vector<16xi32>
        %parallel_loop3A_1065 = arith.addi %parallel_loop3A_205, %parallel_loop3A_1064 : vector<16xi32>
        %parallel_loop3A_1066 = tpu.vector_load_idx %arg18[%parallel_loop3A_1065] : memref<65536xi32, #tpu.memory_space<vmem>>[vector<16xi32>], vector<16xi32>,
        %parallel_loop3A_1067 = vector.bitcast %parallel_loop3A_1066 : vector<16xi32> to vector<32xbf16>
        %parallel_loop3A_1068 = tpu.unpack_subelements %parallel_loop3A_1067, 0 {pack_format = #tpu.pack_format<interleaved>} : vector<32xbf16> -> vector<16xf32>
        %parallel_loop3A_1069 = tpu.unpack_subelements %parallel_loop3A_1067, 1 {pack_format = #tpu.pack_format<interleaved>} : vector<32xbf16> -> vector<16xf32>
        %parallel_loop3A_1070 = arith.constant 5 : i32
        %parallel_loop3A_1071 = vector.broadcast %parallel_loop3A_1070 : i32 to vector<16xi32>
        %parallel_loop3A_1072 = arith.addi %parallel_loop3A_665, %parallel_loop3A_1071 : vector<16xi32>
        %parallel_loop3A_1073 = arith.mulf %parallel_loop3A_652, %parallel_loop3A_1068 : vector<16xf32>
        tpu.vector_store_idx %arg23[%parallel_loop3A_1072], %parallel_loop3A_1073 {add = true} : memref<864xf32, #tpu.memory_space<vmem>>[vector<16xi32>], vector<16xf32>,
        %parallel_loop3A_1074 = arith.constant 21 : i32
        %parallel_loop3A_1075 = vector.broadcast %parallel_loop3A_1074 : i32 to vector<16xi32>
        %parallel_loop3A_1076 = arith.addi %parallel_loop3A_665, %parallel_loop3A_1075 : vector<16xi32>
        %parallel_loop3A_1077 = arith.mulf %parallel_loop3A_652, %parallel_loop3A_1069 : vector<16xf32>
        tpu.vector_store_idx %arg23[%parallel_loop3A_1076], %parallel_loop3A_1077 {add = true} : memref<864xf32, #tpu.memory_space<vmem>>[vector<16xi32>], vector<16xf32>,
        %parallel_loop3A_1078 = arith.constant 5 : i32
        %parallel_loop3A_1079 = vector.broadcast %parallel_loop3A_1078 : i32 to vector<16xi32>
        %parallel_loop3A_1080 = arith.addi %parallel_loop3A_671, %parallel_loop3A_1079 : vector<16xi32>
        %parallel_loop3A_1081 = arith.mulf %parallel_loop3A_653, %parallel_loop3A_1068 : vector<16xf32>
        tpu.vector_store_idx %arg23[%parallel_loop3A_1080], %parallel_loop3A_1081 {add = true} : memref<864xf32, #tpu.memory_space<vmem>>[vector<16xi32>], vector<16xf32>,
        %parallel_loop3A_1082 = arith.constant 21 : i32
        %parallel_loop3A_1083 = vector.broadcast %parallel_loop3A_1082 : i32 to vector<16xi32>
        %parallel_loop3A_1084 = arith.addi %parallel_loop3A_671, %parallel_loop3A_1083 : vector<16xi32>
        %parallel_loop3A_1085 = arith.mulf %parallel_loop3A_653, %parallel_loop3A_1069 : vector<16xf32>
        tpu.vector_store_idx %arg23[%parallel_loop3A_1084], %parallel_loop3A_1085 {add = true} : memref<864xf32, #tpu.memory_space<vmem>>[vector<16xi32>], vector<16xf32>,
        %parallel_loop3A_1086 = arith.constant 5 : i32
        %parallel_loop3A_1087 = vector.broadcast %parallel_loop3A_1086 : i32 to vector<16xi32>
        %parallel_loop3A_1088 = arith.addi %parallel_loop3A_677, %parallel_loop3A_1087 : vector<16xi32>
        %parallel_loop3A_1089 = arith.mulf %parallel_loop3A_654, %parallel_loop3A_1068 : vector<16xf32>
        tpu.vector_store_idx %arg23[%parallel_loop3A_1088], %parallel_loop3A_1089 {add = true} : memref<864xf32, #tpu.memory_space<vmem>>[vector<16xi32>], vector<16xf32>,
        %parallel_loop3A_1090 = arith.constant 21 : i32
        %parallel_loop3A_1091 = vector.broadcast %parallel_loop3A_1090 : i32 to vector<16xi32>
        %parallel_loop3A_1092 = arith.addi %parallel_loop3A_677, %parallel_loop3A_1091 : vector<16xi32>
        %parallel_loop3A_1093 = arith.mulf %parallel_loop3A_654, %parallel_loop3A_1069 : vector<16xf32>
        tpu.vector_store_idx %arg23[%parallel_loop3A_1092], %parallel_loop3A_1093 {add = true} : memref<864xf32, #tpu.memory_space<vmem>>[vector<16xi32>], vector<16xf32>,
        %parallel_loop3A_1094 = arith.constant 5 : i32
        %parallel_loop3A_1095 = vector.broadcast %parallel_loop3A_1094 : i32 to vector<16xi32>
        %parallel_loop3A_1096 = arith.addi %parallel_loop3A_683, %parallel_loop3A_1095 : vector<16xi32>
        %parallel_loop3A_1097 = arith.mulf %parallel_loop3A_655, %parallel_loop3A_1068 : vector<16xf32>
        tpu.vector_store_idx %arg23[%parallel_loop3A_1096], %parallel_loop3A_1097 {add = true} : memref<864xf32, #tpu.memory_space<vmem>>[vector<16xi32>], vector<16xf32>,
        %parallel_loop3A_1098 = arith.constant 21 : i32
        %parallel_loop3A_1099 = vector.broadcast %parallel_loop3A_1098 : i32 to vector<16xi32>
        %parallel_loop3A_1100 = arith.addi %parallel_loop3A_683, %parallel_loop3A_1099 : vector<16xi32>
        %parallel_loop3A_1101 = arith.mulf %parallel_loop3A_655, %parallel_loop3A_1069 : vector<16xf32>
        tpu.vector_store_idx %arg23[%parallel_loop3A_1100], %parallel_loop3A_1101 {add = true} : memref<864xf32, #tpu.memory_space<vmem>>[vector<16xi32>], vector<16xf32>,
        %parallel_loop3A_1102 = arith.constant 5 : i32
        %parallel_loop3A_1103 = vector.broadcast %parallel_loop3A_1102 : i32 to vector<16xi32>
        %parallel_loop3A_1104 = arith.addi %parallel_loop3A_689, %parallel_loop3A_1103 : vector<16xi32>
        %parallel_loop3A_1105 = arith.mulf %parallel_loop3A_656, %parallel_loop3A_1068 : vector<16xf32>
        tpu.vector_store_idx %arg23[%parallel_loop3A_1104], %parallel_loop3A_1105 {add = true} : memref<864xf32, #tpu.memory_space<vmem>>[vector<16xi32>], vector<16xf32>,
        %parallel_loop3A_1106 = arith.constant 21 : i32
        %parallel_loop3A_1107 = vector.broadcast %parallel_loop3A_1106 : i32 to vector<16xi32>
        %parallel_loop3A_1108 = arith.addi %parallel_loop3A_689, %parallel_loop3A_1107 : vector<16xi32>
        %parallel_loop3A_1109 = arith.mulf %parallel_loop3A_656, %parallel_loop3A_1069 : vector<16xf32>
        tpu.vector_store_idx %arg23[%parallel_loop3A_1108], %parallel_loop3A_1109 {add = true} : memref<864xf32, #tpu.memory_space<vmem>>[vector<16xi32>], vector<16xf32>,
        %parallel_loop3A_1110 = arith.constant 5 : i32
        %parallel_loop3A_1111 = vector.broadcast %parallel_loop3A_1110 : i32 to vector<16xi32>
        %parallel_loop3A_1112 = arith.addi %parallel_loop3A_695, %parallel_loop3A_1111 : vector<16xi32>
        %parallel_loop3A_1113 = arith.mulf %parallel_loop3A_657, %parallel_loop3A_1068 : vector<16xf32>
        tpu.vector_store_idx %arg23[%parallel_loop3A_1112], %parallel_loop3A_1113 {add = true} : memref<864xf32, #tpu.memory_space<vmem>>[vector<16xi32>], vector<16xf32>,
        %parallel_loop3A_1114 = arith.constant 21 : i32
        %parallel_loop3A_1115 = vector.broadcast %parallel_loop3A_1114 : i32 to vector<16xi32>
        %parallel_loop3A_1116 = arith.addi %parallel_loop3A_695, %parallel_loop3A_1115 : vector<16xi32>
        %parallel_loop3A_1117 = arith.mulf %parallel_loop3A_657, %parallel_loop3A_1069 : vector<16xf32>
        tpu.vector_store_idx %arg23[%parallel_loop3A_1116], %parallel_loop3A_1117 {add = true} : memref<864xf32, #tpu.memory_space<vmem>>[vector<16xi32>], vector<16xf32>,
        %parallel_loop3A_1118 = arith.constant 5 : i32
        %parallel_loop3A_1119 = vector.broadcast %parallel_loop3A_1118 : i32 to vector<16xi32>
        %parallel_loop3A_1120 = arith.addi %parallel_loop3A_701, %parallel_loop3A_1119 : vector<16xi32>
        %parallel_loop3A_1121 = arith.mulf %parallel_loop3A_658, %parallel_loop3A_1068 : vector<16xf32>
        tpu.vector_store_idx %arg23[%parallel_loop3A_1120], %parallel_loop3A_1121 {add = true} : memref<864xf32, #tpu.memory_space<vmem>>[vector<16xi32>], vector<16xf32>,
        %parallel_loop3A_1122 = arith.constant 21 : i32
        %parallel_loop3A_1123 = vector.broadcast %parallel_loop3A_1122 : i32 to vector<16xi32>
        %parallel_loop3A_1124 = arith.addi %parallel_loop3A_701, %parallel_loop3A_1123 : vector<16xi32>
        %parallel_loop3A_1125 = arith.mulf %parallel_loop3A_658, %parallel_loop3A_1069 : vector<16xf32>
        tpu.vector_store_idx %arg23[%parallel_loop3A_1124], %parallel_loop3A_1125 {add = true} : memref<864xf32, #tpu.memory_space<vmem>>[vector<16xi32>], vector<16xf32>,
        %parallel_loop3A_1126 = arith.constant 5 : i32
        %parallel_loop3A_1127 = vector.broadcast %parallel_loop3A_1126 : i32 to vector<16xi32>
        %parallel_loop3A_1128 = arith.addi %parallel_loop3A_707, %parallel_loop3A_1127 : vector<16xi32>
        %parallel_loop3A_1129 = arith.mulf %parallel_loop3A_659, %parallel_loop3A_1068 : vector<16xf32>
        tpu.vector_store_idx %arg23[%parallel_loop3A_1128], %parallel_loop3A_1129 {add = true} : memref<864xf32, #tpu.memory_space<vmem>>[vector<16xi32>], vector<16xf32>,
        %parallel_loop3A_1130 = arith.constant 21 : i32
        %parallel_loop3A_1131 = vector.broadcast %parallel_loop3A_1130 : i32 to vector<16xi32>
        %parallel_loop3A_1132 = arith.addi %parallel_loop3A_707, %parallel_loop3A_1131 : vector<16xi32>
        %parallel_loop3A_1133 = arith.mulf %parallel_loop3A_659, %parallel_loop3A_1069 : vector<16xf32>
        tpu.vector_store_idx %arg23[%parallel_loop3A_1132], %parallel_loop3A_1133 {add = true} : memref<864xf32, #tpu.memory_space<vmem>>[vector<16xi32>], vector<16xf32>,
        %parallel_loop3A_1134 = arith.constant 6 : i32
        %parallel_loop3A_1135 = vector.broadcast %parallel_loop3A_1134 : i32 to vector<16xi32>
        %parallel_loop3A_1136 = arith.addi %parallel_loop3A_205, %parallel_loop3A_1135 : vector<16xi32>
        %parallel_loop3A_1137 = tpu.vector_load_idx %arg18[%parallel_loop3A_1136] : memref<65536xi32, #tpu.memory_space<vmem>>[vector<16xi32>], vector<16xi32>,
        %parallel_loop3A_1138 = vector.bitcast %parallel_loop3A_1137 : vector<16xi32> to vector<32xbf16>
        %parallel_loop3A_1139 = tpu.unpack_subelements %parallel_loop3A_1138, 0 {pack_format = #tpu.pack_format<interleaved>} : vector<32xbf16> -> vector<16xf32>
        %parallel_loop3A_1140 = tpu.unpack_subelements %parallel_loop3A_1138, 1 {pack_format = #tpu.pack_format<interleaved>} : vector<32xbf16> -> vector<16xf32>
        %parallel_loop3A_1141 = arith.constant 6 : i32
        %parallel_loop3A_1142 = vector.broadcast %parallel_loop3A_1141 : i32 to vector<16xi32>
        %parallel_loop3A_1143 = arith.addi %parallel_loop3A_665, %parallel_loop3A_1142 : vector<16xi32>
        %parallel_loop3A_1144 = arith.mulf %parallel_loop3A_652, %parallel_loop3A_1139 : vector<16xf32>
        tpu.vector_store_idx %arg23[%parallel_loop3A_1143], %parallel_loop3A_1144 {add = true} : memref<864xf32, #tpu.memory_space<vmem>>[vector<16xi32>], vector<16xf32>,
        %parallel_loop3A_1145 = arith.constant 22 : i32
        %parallel_loop3A_1146 = vector.broadcast %parallel_loop3A_1145 : i32 to vector<16xi32>
        %parallel_loop3A_1147 = arith.addi %parallel_loop3A_665, %parallel_loop3A_1146 : vector<16xi32>
        %parallel_loop3A_1148 = arith.mulf %parallel_loop3A_652, %parallel_loop3A_1140 : vector<16xf32>
        tpu.vector_store_idx %arg23[%parallel_loop3A_1147], %parallel_loop3A_1148 {add = true} : memref<864xf32, #tpu.memory_space<vmem>>[vector<16xi32>], vector<16xf32>,
        %parallel_loop3A_1149 = arith.constant 6 : i32
        %parallel_loop3A_1150 = vector.broadcast %parallel_loop3A_1149 : i32 to vector<16xi32>
        %parallel_loop3A_1151 = arith.addi %parallel_loop3A_671, %parallel_loop3A_1150 : vector<16xi32>
        %parallel_loop3A_1152 = arith.mulf %parallel_loop3A_653, %parallel_loop3A_1139 : vector<16xf32>
        tpu.vector_store_idx %arg23[%parallel_loop3A_1151], %parallel_loop3A_1152 {add = true} : memref<864xf32, #tpu.memory_space<vmem>>[vector<16xi32>], vector<16xf32>,
        %parallel_loop3A_1153 = arith.constant 22 : i32
        %parallel_loop3A_1154 = vector.broadcast %parallel_loop3A_1153 : i32 to vector<16xi32>
        %parallel_loop3A_1155 = arith.addi %parallel_loop3A_671, %parallel_loop3A_1154 : vector<16xi32>
        %parallel_loop3A_1156 = arith.mulf %parallel_loop3A_653, %parallel_loop3A_1140 : vector<16xf32>
        tpu.vector_store_idx %arg23[%parallel_loop3A_1155], %parallel_loop3A_1156 {add = true} : memref<864xf32, #tpu.memory_space<vmem>>[vector<16xi32>], vector<16xf32>,
        %parallel_loop3A_1157 = arith.constant 6 : i32
        %parallel_loop3A_1158 = vector.broadcast %parallel_loop3A_1157 : i32 to vector<16xi32>
        %parallel_loop3A_1159 = arith.addi %parallel_loop3A_677, %parallel_loop3A_1158 : vector<16xi32>
        %parallel_loop3A_1160 = arith.mulf %parallel_loop3A_654, %parallel_loop3A_1139 : vector<16xf32>
        tpu.vector_store_idx %arg23[%parallel_loop3A_1159], %parallel_loop3A_1160 {add = true} : memref<864xf32, #tpu.memory_space<vmem>>[vector<16xi32>], vector<16xf32>,
        %parallel_loop3A_1161 = arith.constant 22 : i32
        %parallel_loop3A_1162 = vector.broadcast %parallel_loop3A_1161 : i32 to vector<16xi32>
        %parallel_loop3A_1163 = arith.addi %parallel_loop3A_677, %parallel_loop3A_1162 : vector<16xi32>
        %parallel_loop3A_1164 = arith.mulf %parallel_loop3A_654, %parallel_loop3A_1140 : vector<16xf32>
        tpu.vector_store_idx %arg23[%parallel_loop3A_1163], %parallel_loop3A_1164 {add = true} : memref<864xf32, #tpu.memory_space<vmem>>[vector<16xi32>], vector<16xf32>,
        %parallel_loop3A_1165 = arith.constant 6 : i32
        %parallel_loop3A_1166 = vector.broadcast %parallel_loop3A_1165 : i32 to vector<16xi32>
        %parallel_loop3A_1167 = arith.addi %parallel_loop3A_683, %parallel_loop3A_1166 : vector<16xi32>
        %parallel_loop3A_1168 = arith.mulf %parallel_loop3A_655, %parallel_loop3A_1139 : vector<16xf32>
        tpu.vector_store_idx %arg23[%parallel_loop3A_1167], %parallel_loop3A_1168 {add = true} : memref<864xf32, #tpu.memory_space<vmem>>[vector<16xi32>], vector<16xf32>,
        %parallel_loop3A_1169 = arith.constant 22 : i32
        %parallel_loop3A_1170 = vector.broadcast %parallel_loop3A_1169 : i32 to vector<16xi32>
        %parallel_loop3A_1171 = arith.addi %parallel_loop3A_683, %parallel_loop3A_1170 : vector<16xi32>
        %parallel_loop3A_1172 = arith.mulf %parallel_loop3A_655, %parallel_loop3A_1140 : vector<16xf32>
        tpu.vector_store_idx %arg23[%parallel_loop3A_1171], %parallel_loop3A_1172 {add = true} : memref<864xf32, #tpu.memory_space<vmem>>[vector<16xi32>], vector<16xf32>,
        %parallel_loop3A_1173 = arith.constant 6 : i32
        %parallel_loop3A_1174 = vector.broadcast %parallel_loop3A_1173 : i32 to vector<16xi32>
        %parallel_loop3A_1175 = arith.addi %parallel_loop3A_689, %parallel_loop3A_1174 : vector<16xi32>
        %parallel_loop3A_1176 = arith.mulf %parallel_loop3A_656, %parallel_loop3A_1139 : vector<16xf32>
        tpu.vector_store_idx %arg23[%parallel_loop3A_1175], %parallel_loop3A_1176 {add = true} : memref<864xf32, #tpu.memory_space<vmem>>[vector<16xi32>], vector<16xf32>,
        %parallel_loop3A_1177 = arith.constant 22 : i32
        %parallel_loop3A_1178 = vector.broadcast %parallel_loop3A_1177 : i32 to vector<16xi32>
        %parallel_loop3A_1179 = arith.addi %parallel_loop3A_689, %parallel_loop3A_1178 : vector<16xi32>
        %parallel_loop3A_1180 = arith.mulf %parallel_loop3A_656, %parallel_loop3A_1140 : vector<16xf32>
        tpu.vector_store_idx %arg23[%parallel_loop3A_1179], %parallel_loop3A_1180 {add = true} : memref<864xf32, #tpu.memory_space<vmem>>[vector<16xi32>], vector<16xf32>,
        %parallel_loop3A_1181 = arith.constant 6 : i32
        %parallel_loop3A_1182 = vector.broadcast %parallel_loop3A_1181 : i32 to vector<16xi32>
        %parallel_loop3A_1183 = arith.addi %parallel_loop3A_695, %parallel_loop3A_1182 : vector<16xi32>
        %parallel_loop3A_1184 = arith.mulf %parallel_loop3A_657, %parallel_loop3A_1139 : vector<16xf32>
        tpu.vector_store_idx %arg23[%parallel_loop3A_1183], %parallel_loop3A_1184 {add = true} : memref<864xf32, #tpu.memory_space<vmem>>[vector<16xi32>], vector<16xf32>,
        %parallel_loop3A_1185 = arith.constant 22 : i32
        %parallel_loop3A_1186 = vector.broadcast %parallel_loop3A_1185 : i32 to vector<16xi32>
        %parallel_loop3A_1187 = arith.addi %parallel_loop3A_695, %parallel_loop3A_1186 : vector<16xi32>
        %parallel_loop3A_1188 = arith.mulf %parallel_loop3A_657, %parallel_loop3A_1140 : vector<16xf32>
        tpu.vector_store_idx %arg23[%parallel_loop3A_1187], %parallel_loop3A_1188 {add = true} : memref<864xf32, #tpu.memory_space<vmem>>[vector<16xi32>], vector<16xf32>,
        %parallel_loop3A_1189 = arith.constant 6 : i32
        %parallel_loop3A_1190 = vector.broadcast %parallel_loop3A_1189 : i32 to vector<16xi32>
        %parallel_loop3A_1191 = arith.addi %parallel_loop3A_701, %parallel_loop3A_1190 : vector<16xi32>
        %parallel_loop3A_1192 = arith.mulf %parallel_loop3A_658, %parallel_loop3A_1139 : vector<16xf32>
        tpu.vector_store_idx %arg23[%parallel_loop3A_1191], %parallel_loop3A_1192 {add = true} : memref<864xf32, #tpu.memory_space<vmem>>[vector<16xi32>], vector<16xf32>,
        %parallel_loop3A_1193 = arith.constant 22 : i32
        %parallel_loop3A_1194 = vector.broadcast %parallel_loop3A_1193 : i32 to vector<16xi32>
        %parallel_loop3A_1195 = arith.addi %parallel_loop3A_701, %parallel_loop3A_1194 : vector<16xi32>
        %parallel_loop3A_1196 = arith.mulf %parallel_loop3A_658, %parallel_loop3A_1140 : vector<16xf32>
        tpu.vector_store_idx %arg23[%parallel_loop3A_1195], %parallel_loop3A_1196 {add = true} : memref<864xf32, #tpu.memory_space<vmem>>[vector<16xi32>], vector<16xf32>,
        %parallel_loop3A_1197 = arith.constant 6 : i32
        %parallel_loop3A_1198 = vector.broadcast %parallel_loop3A_1197 : i32 to vector<16xi32>
        %parallel_loop3A_1199 = arith.addi %parallel_loop3A_707, %parallel_loop3A_1198 : vector<16xi32>
        %parallel_loop3A_1200 = arith.mulf %parallel_loop3A_659, %parallel_loop3A_1139 : vector<16xf32>
        tpu.vector_store_idx %arg23[%parallel_loop3A_1199], %parallel_loop3A_1200 {add = true} : memref<864xf32, #tpu.memory_space<vmem>>[vector<16xi32>], vector<16xf32>,
        %parallel_loop3A_1201 = arith.constant 22 : i32
        %parallel_loop3A_1202 = vector.broadcast %parallel_loop3A_1201 : i32 to vector<16xi32>
        %parallel_loop3A_1203 = arith.addi %parallel_loop3A_707, %parallel_loop3A_1202 : vector<16xi32>
        %parallel_loop3A_1204 = arith.mulf %parallel_loop3A_659, %parallel_loop3A_1140 : vector<16xf32>
        tpu.vector_store_idx %arg23[%parallel_loop3A_1203], %parallel_loop3A_1204 {add = true} : memref<864xf32, #tpu.memory_space<vmem>>[vector<16xi32>], vector<16xf32>,
        %parallel_loop3A_1205 = arith.constant 7 : i32
        %parallel_loop3A_1206 = vector.broadcast %parallel_loop3A_1205 : i32 to vector<16xi32>
        %parallel_loop3A_1207 = arith.addi %parallel_loop3A_205, %parallel_loop3A_1206 : vector<16xi32>
        %parallel_loop3A_1208 = tpu.vector_load_idx %arg18[%parallel_loop3A_1207] : memref<65536xi32, #tpu.memory_space<vmem>>[vector<16xi32>], vector<16xi32>,
        %parallel_loop3A_1209 = vector.bitcast %parallel_loop3A_1208 : vector<16xi32> to vector<32xbf16>
        %parallel_loop3A_1210 = tpu.unpack_subelements %parallel_loop3A_1209, 0 {pack_format = #tpu.pack_format<interleaved>} : vector<32xbf16> -> vector<16xf32>
        %parallel_loop3A_1211 = tpu.unpack_subelements %parallel_loop3A_1209, 1 {pack_format = #tpu.pack_format<interleaved>} : vector<32xbf16> -> vector<16xf32>
        %parallel_loop3A_1212 = arith.constant 7 : i32
        %parallel_loop3A_1213 = vector.broadcast %parallel_loop3A_1212 : i32 to vector<16xi32>
        %parallel_loop3A_1214 = arith.addi %parallel_loop3A_665, %parallel_loop3A_1213 : vector<16xi32>
        %parallel_loop3A_1215 = arith.mulf %parallel_loop3A_652, %parallel_loop3A_1210 : vector<16xf32>
        tpu.vector_store_idx %arg23[%parallel_loop3A_1214], %parallel_loop3A_1215 {add = true} : memref<864xf32, #tpu.memory_space<vmem>>[vector<16xi32>], vector<16xf32>,
        %parallel_loop3A_1216 = arith.constant 23 : i32
        %parallel_loop3A_1217 = vector.broadcast %parallel_loop3A_1216 : i32 to vector<16xi32>
        %parallel_loop3A_1218 = arith.addi %parallel_loop3A_665, %parallel_loop3A_1217 : vector<16xi32>
        %parallel_loop3A_1219 = arith.mulf %parallel_loop3A_652, %parallel_loop3A_1211 : vector<16xf32>
        tpu.vector_store_idx %arg23[%parallel_loop3A_1218], %parallel_loop3A_1219 {add = true} : memref<864xf32, #tpu.memory_space<vmem>>[vector<16xi32>], vector<16xf32>,
        %parallel_loop3A_1220 = arith.constant 7 : i32
        %parallel_loop3A_1221 = vector.broadcast %parallel_loop3A_1220 : i32 to vector<16xi32>
        %parallel_loop3A_1222 = arith.addi %parallel_loop3A_671, %parallel_loop3A_1221 : vector<16xi32>
        %parallel_loop3A_1223 = arith.mulf %parallel_loop3A_653, %parallel_loop3A_1210 : vector<16xf32>
        tpu.vector_store_idx %arg23[%parallel_loop3A_1222], %parallel_loop3A_1223 {add = true} : memref<864xf32, #tpu.memory_space<vmem>>[vector<16xi32>], vector<16xf32>,
        %parallel_loop3A_1224 = arith.constant 23 : i32
        %parallel_loop3A_1225 = vector.broadcast %parallel_loop3A_1224 : i32 to vector<16xi32>
        %parallel_loop3A_1226 = arith.addi %parallel_loop3A_671, %parallel_loop3A_1225 : vector<16xi32>
        %parallel_loop3A_1227 = arith.mulf %parallel_loop3A_653, %parallel_loop3A_1211 : vector<16xf32>
        tpu.vector_store_idx %arg23[%parallel_loop3A_1226], %parallel_loop3A_1227 {add = true} : memref<864xf32, #tpu.memory_space<vmem>>[vector<16xi32>], vector<16xf32>,
        %parallel_loop3A_1228 = arith.constant 7 : i32
        %parallel_loop3A_1229 = vector.broadcast %parallel_loop3A_1228 : i32 to vector<16xi32>
        %parallel_loop3A_1230 = arith.addi %parallel_loop3A_677, %parallel_loop3A_1229 : vector<16xi32>
        %parallel_loop3A_1231 = arith.mulf %parallel_loop3A_654, %parallel_loop3A_1210 : vector<16xf32>
        tpu.vector_store_idx %arg23[%parallel_loop3A_1230], %parallel_loop3A_1231 {add = true} : memref<864xf32, #tpu.memory_space<vmem>>[vector<16xi32>], vector<16xf32>,
        %parallel_loop3A_1232 = arith.constant 23 : i32
        %parallel_loop3A_1233 = vector.broadcast %parallel_loop3A_1232 : i32 to vector<16xi32>
        %parallel_loop3A_1234 = arith.addi %parallel_loop3A_677, %parallel_loop3A_1233 : vector<16xi32>
        %parallel_loop3A_1235 = arith.mulf %parallel_loop3A_654, %parallel_loop3A_1211 : vector<16xf32>
        tpu.vector_store_idx %arg23[%parallel_loop3A_1234], %parallel_loop3A_1235 {add = true} : memref<864xf32, #tpu.memory_space<vmem>>[vector<16xi32>], vector<16xf32>,
        %parallel_loop3A_1236 = arith.constant 7 : i32
        %parallel_loop3A_1237 = vector.broadcast %parallel_loop3A_1236 : i32 to vector<16xi32>
        %parallel_loop3A_1238 = arith.addi %parallel_loop3A_683, %parallel_loop3A_1237 : vector<16xi32>
        %parallel_loop3A_1239 = arith.mulf %parallel_loop3A_655, %parallel_loop3A_1210 : vector<16xf32>
        tpu.vector_store_idx %arg23[%parallel_loop3A_1238], %parallel_loop3A_1239 {add = true} : memref<864xf32, #tpu.memory_space<vmem>>[vector<16xi32>], vector<16xf32>,
        %parallel_loop3A_1240 = arith.constant 23 : i32
        %parallel_loop3A_1241 = vector.broadcast %parallel_loop3A_1240 : i32 to vector<16xi32>
        %parallel_loop3A_1242 = arith.addi %parallel_loop3A_683, %parallel_loop3A_1241 : vector<16xi32>
        %parallel_loop3A_1243 = arith.mulf %parallel_loop3A_655, %parallel_loop3A_1211 : vector<16xf32>
        tpu.vector_store_idx %arg23[%parallel_loop3A_1242], %parallel_loop3A_1243 {add = true} : memref<864xf32, #tpu.memory_space<vmem>>[vector<16xi32>], vector<16xf32>,
        %parallel_loop3A_1244 = arith.constant 7 : i32
        %parallel_loop3A_1245 = vector.broadcast %parallel_loop3A_1244 : i32 to vector<16xi32>
        %parallel_loop3A_1246 = arith.addi %parallel_loop3A_689, %parallel_loop3A_1245 : vector<16xi32>
        %parallel_loop3A_1247 = arith.mulf %parallel_loop3A_656, %parallel_loop3A_1210 : vector<16xf32>
        tpu.vector_store_idx %arg23[%parallel_loop3A_1246], %parallel_loop3A_1247 {add = true} : memref<864xf32, #tpu.memory_space<vmem>>[vector<16xi32>], vector<16xf32>,
        %parallel_loop3A_1248 = arith.constant 23 : i32
        %parallel_loop3A_1249 = vector.broadcast %parallel_loop3A_1248 : i32 to vector<16xi32>
        %parallel_loop3A_1250 = arith.addi %parallel_loop3A_689, %parallel_loop3A_1249 : vector<16xi32>
        %parallel_loop3A_1251 = arith.mulf %parallel_loop3A_656, %parallel_loop3A_1211 : vector<16xf32>
        tpu.vector_store_idx %arg23[%parallel_loop3A_1250], %parallel_loop3A_1251 {add = true} : memref<864xf32, #tpu.memory_space<vmem>>[vector<16xi32>], vector<16xf32>,
        %parallel_loop3A_1252 = arith.constant 7 : i32
        %parallel_loop3A_1253 = vector.broadcast %parallel_loop3A_1252 : i32 to vector<16xi32>
        %parallel_loop3A_1254 = arith.addi %parallel_loop3A_695, %parallel_loop3A_1253 : vector<16xi32>
        %parallel_loop3A_1255 = arith.mulf %parallel_loop3A_657, %parallel_loop3A_1210 : vector<16xf32>
        tpu.vector_store_idx %arg23[%parallel_loop3A_1254], %parallel_loop3A_1255 {add = true} : memref<864xf32, #tpu.memory_space<vmem>>[vector<16xi32>], vector<16xf32>,
        %parallel_loop3A_1256 = arith.constant 23 : i32
        %parallel_loop3A_1257 = vector.broadcast %parallel_loop3A_1256 : i32 to vector<16xi32>
        %parallel_loop3A_1258 = arith.addi %parallel_loop3A_695, %parallel_loop3A_1257 : vector<16xi32>
        %parallel_loop3A_1259 = arith.mulf %parallel_loop3A_657, %parallel_loop3A_1211 : vector<16xf32>
        tpu.vector_store_idx %arg23[%parallel_loop3A_1258], %parallel_loop3A_1259 {add = true} : memref<864xf32, #tpu.memory_space<vmem>>[vector<16xi32>], vector<16xf32>,
        %parallel_loop3A_1260 = arith.constant 7 : i32
        %parallel_loop3A_1261 = vector.broadcast %parallel_loop3A_1260 : i32 to vector<16xi32>
        %parallel_loop3A_1262 = arith.addi %parallel_loop3A_701, %parallel_loop3A_1261 : vector<16xi32>
        %parallel_loop3A_1263 = arith.mulf %parallel_loop3A_658, %parallel_loop3A_1210 : vector<16xf32>
        tpu.vector_store_idx %arg23[%parallel_loop3A_1262], %parallel_loop3A_1263 {add = true} : memref<864xf32, #tpu.memory_space<vmem>>[vector<16xi32>], vector<16xf32>,
        %parallel_loop3A_1264 = arith.constant 23 : i32
        %parallel_loop3A_1265 = vector.broadcast %parallel_loop3A_1264 : i32 to vector<16xi32>
        %parallel_loop3A_1266 = arith.addi %parallel_loop3A_701, %parallel_loop3A_1265 : vector<16xi32>
        %parallel_loop3A_1267 = arith.mulf %parallel_loop3A_658, %parallel_loop3A_1211 : vector<16xf32>
        tpu.vector_store_idx %arg23[%parallel_loop3A_1266], %parallel_loop3A_1267 {add = true} : memref<864xf32, #tpu.memory_space<vmem>>[vector<16xi32>], vector<16xf32>,
        %parallel_loop3A_1268 = arith.constant 7 : i32
        %parallel_loop3A_1269 = vector.broadcast %parallel_loop3A_1268 : i32 to vector<16xi32>
        %parallel_loop3A_1270 = arith.addi %parallel_loop3A_707, %parallel_loop3A_1269 : vector<16xi32>
        %parallel_loop3A_1271 = arith.mulf %parallel_loop3A_659, %parallel_loop3A_1210 : vector<16xf32>
        tpu.vector_store_idx %arg23[%parallel_loop3A_1270], %parallel_loop3A_1271 {add = true} : memref<864xf32, #tpu.memory_space<vmem>>[vector<16xi32>], vector<16xf32>,
        %parallel_loop3A_1272 = arith.constant 23 : i32
        %parallel_loop3A_1273 = vector.broadcast %parallel_loop3A_1272 : i32 to vector<16xi32>
        %parallel_loop3A_1274 = arith.addi %parallel_loop3A_707, %parallel_loop3A_1273 : vector<16xi32>
        %parallel_loop3A_1275 = arith.mulf %parallel_loop3A_659, %parallel_loop3A_1211 : vector<16xf32>
        tpu.vector_store_idx %arg23[%parallel_loop3A_1274], %parallel_loop3A_1275 {add = true} : memref<864xf32, #tpu.memory_space<vmem>>[vector<16xi32>], vector<16xf32>,
        %parallel_loop3A_1276 = arith.constant 8 : i32
        %parallel_loop3A_1277 = vector.broadcast %parallel_loop3A_1276 : i32 to vector<16xi32>
        %parallel_loop3A_1278 = arith.addi %parallel_loop3A_205, %parallel_loop3A_1277 : vector<16xi32>
        %parallel_loop3A_1279 = tpu.vector_load_idx %arg18[%parallel_loop3A_1278] : memref<65536xi32, #tpu.memory_space<vmem>>[vector<16xi32>], vector<16xi32>,
        %parallel_loop3A_1280 = vector.bitcast %parallel_loop3A_1279 : vector<16xi32> to vector<32xbf16>
        %parallel_loop3A_1281 = tpu.unpack_subelements %parallel_loop3A_1280, 0 {pack_format = #tpu.pack_format<interleaved>} : vector<32xbf16> -> vector<16xf32>
        %parallel_loop3A_1282 = tpu.unpack_subelements %parallel_loop3A_1280, 1 {pack_format = #tpu.pack_format<interleaved>} : vector<32xbf16> -> vector<16xf32>
        %parallel_loop3A_1283 = arith.constant 8 : i32
        %parallel_loop3A_1284 = vector.broadcast %parallel_loop3A_1283 : i32 to vector<16xi32>
        %parallel_loop3A_1285 = arith.addi %parallel_loop3A_665, %parallel_loop3A_1284 : vector<16xi32>
        %parallel_loop3A_1286 = arith.mulf %parallel_loop3A_652, %parallel_loop3A_1281 : vector<16xf32>
        tpu.vector_store_idx %arg23[%parallel_loop3A_1285], %parallel_loop3A_1286 {add = true} : memref<864xf32, #tpu.memory_space<vmem>>[vector<16xi32>], vector<16xf32>,
        %parallel_loop3A_1287 = arith.constant 24 : i32
        %parallel_loop3A_1288 = vector.broadcast %parallel_loop3A_1287 : i32 to vector<16xi32>
        %parallel_loop3A_1289 = arith.addi %parallel_loop3A_665, %parallel_loop3A_1288 : vector<16xi32>
        %parallel_loop3A_1290 = arith.mulf %parallel_loop3A_652, %parallel_loop3A_1282 : vector<16xf32>
        tpu.vector_store_idx %arg23[%parallel_loop3A_1289], %parallel_loop3A_1290 {add = true} : memref<864xf32, #tpu.memory_space<vmem>>[vector<16xi32>], vector<16xf32>,
        %parallel_loop3A_1291 = arith.constant 8 : i32
        %parallel_loop3A_1292 = vector.broadcast %parallel_loop3A_1291 : i32 to vector<16xi32>
        %parallel_loop3A_1293 = arith.addi %parallel_loop3A_671, %parallel_loop3A_1292 : vector<16xi32>
        %parallel_loop3A_1294 = arith.mulf %parallel_loop3A_653, %parallel_loop3A_1281 : vector<16xf32>
        tpu.vector_store_idx %arg23[%parallel_loop3A_1293], %parallel_loop3A_1294 {add = true} : memref<864xf32, #tpu.memory_space<vmem>>[vector<16xi32>], vector<16xf32>,
        %parallel_loop3A_1295 = arith.constant 24 : i32
        %parallel_loop3A_1296 = vector.broadcast %parallel_loop3A_1295 : i32 to vector<16xi32>
        %parallel_loop3A_1297 = arith.addi %parallel_loop3A_671, %parallel_loop3A_1296 : vector<16xi32>
        %parallel_loop3A_1298 = arith.mulf %parallel_loop3A_653, %parallel_loop3A_1282 : vector<16xf32>
        tpu.vector_store_idx %arg23[%parallel_loop3A_1297], %parallel_loop3A_1298 {add = true} : memref<864xf32, #tpu.memory_space<vmem>>[vector<16xi32>], vector<16xf32>,
        %parallel_loop3A_1299 = arith.constant 8 : i32
        %parallel_loop3A_1300 = vector.broadcast %parallel_loop3A_1299 : i32 to vector<16xi32>
        %parallel_loop3A_1301 = arith.addi %parallel_loop3A_677, %parallel_loop3A_1300 : vector<16xi32>
        %parallel_loop3A_1302 = arith.mulf %parallel_loop3A_654, %parallel_loop3A_1281 : vector<16xf32>
        tpu.vector_store_idx %arg23[%parallel_loop3A_1301], %parallel_loop3A_1302 {add = true} : memref<864xf32, #tpu.memory_space<vmem>>[vector<16xi32>], vector<16xf32>,
        %parallel_loop3A_1303 = arith.constant 24 : i32
        %parallel_loop3A_1304 = vector.broadcast %parallel_loop3A_1303 : i32 to vector<16xi32>
        %parallel_loop3A_1305 = arith.addi %parallel_loop3A_677, %parallel_loop3A_1304 : vector<16xi32>
        %parallel_loop3A_1306 = arith.mulf %parallel_loop3A_654, %parallel_loop3A_1282 : vector<16xf32>
        tpu.vector_store_idx %arg23[%parallel_loop3A_1305], %parallel_loop3A_1306 {add = true} : memref<864xf32, #tpu.memory_space<vmem>>[vector<16xi32>], vector<16xf32>,
        %parallel_loop3A_1307 = arith.constant 8 : i32
        %parallel_loop3A_1308 = vector.broadcast %parallel_loop3A_1307 : i32 to vector<16xi32>
        %parallel_loop3A_1309 = arith.addi %parallel_loop3A_683, %parallel_loop3A_1308 : vector<16xi32>
        %parallel_loop3A_1310 = arith.mulf %parallel_loop3A_655, %parallel_loop3A_1281 : vector<16xf32>
        tpu.vector_store_idx %arg23[%parallel_loop3A_1309], %parallel_loop3A_1310 {add = true} : memref<864xf32, #tpu.memory_space<vmem>>[vector<16xi32>], vector<16xf32>,
        %parallel_loop3A_1311 = arith.constant 24 : i32
        %parallel_loop3A_1312 = vector.broadcast %parallel_loop3A_1311 : i32 to vector<16xi32>
        %parallel_loop3A_1313 = arith.addi %parallel_loop3A_683, %parallel_loop3A_1312 : vector<16xi32>
        %parallel_loop3A_1314 = arith.mulf %parallel_loop3A_655, %parallel_loop3A_1282 : vector<16xf32>
        tpu.vector_store_idx %arg23[%parallel_loop3A_1313], %parallel_loop3A_1314 {add = true} : memref<864xf32, #tpu.memory_space<vmem>>[vector<16xi32>], vector<16xf32>,
        %parallel_loop3A_1315 = arith.constant 8 : i32
        %parallel_loop3A_1316 = vector.broadcast %parallel_loop3A_1315 : i32 to vector<16xi32>
        %parallel_loop3A_1317 = arith.addi %parallel_loop3A_689, %parallel_loop3A_1316 : vector<16xi32>
        %parallel_loop3A_1318 = arith.mulf %parallel_loop3A_656, %parallel_loop3A_1281 : vector<16xf32>
        tpu.vector_store_idx %arg23[%parallel_loop3A_1317], %parallel_loop3A_1318 {add = true} : memref<864xf32, #tpu.memory_space<vmem>>[vector<16xi32>], vector<16xf32>,
        %parallel_loop3A_1319 = arith.constant 24 : i32
        %parallel_loop3A_1320 = vector.broadcast %parallel_loop3A_1319 : i32 to vector<16xi32>
        %parallel_loop3A_1321 = arith.addi %parallel_loop3A_689, %parallel_loop3A_1320 : vector<16xi32>
        %parallel_loop3A_1322 = arith.mulf %parallel_loop3A_656, %parallel_loop3A_1282 : vector<16xf32>
        tpu.vector_store_idx %arg23[%parallel_loop3A_1321], %parallel_loop3A_1322 {add = true} : memref<864xf32, #tpu.memory_space<vmem>>[vector<16xi32>], vector<16xf32>,
        %parallel_loop3A_1323 = arith.constant 8 : i32
        %parallel_loop3A_1324 = vector.broadcast %parallel_loop3A_1323 : i32 to vector<16xi32>
        %parallel_loop3A_1325 = arith.addi %parallel_loop3A_695, %parallel_loop3A_1324 : vector<16xi32>
        %parallel_loop3A_1326 = arith.mulf %parallel_loop3A_657, %parallel_loop3A_1281 : vector<16xf32>
        tpu.vector_store_idx %arg23[%parallel_loop3A_1325], %parallel_loop3A_1326 {add = true} : memref<864xf32, #tpu.memory_space<vmem>>[vector<16xi32>], vector<16xf32>,
        %parallel_loop3A_1327 = arith.constant 24 : i32
        %parallel_loop3A_1328 = vector.broadcast %parallel_loop3A_1327 : i32 to vector<16xi32>
        %parallel_loop3A_1329 = arith.addi %parallel_loop3A_695, %parallel_loop3A_1328 : vector<16xi32>
        %parallel_loop3A_1330 = arith.mulf %parallel_loop3A_657, %parallel_loop3A_1282 : vector<16xf32>
        tpu.vector_store_idx %arg23[%parallel_loop3A_1329], %parallel_loop3A_1330 {add = true} : memref<864xf32, #tpu.memory_space<vmem>>[vector<16xi32>], vector<16xf32>,
        %parallel_loop3A_1331 = arith.constant 8 : i32
        %parallel_loop3A_1332 = vector.broadcast %parallel_loop3A_1331 : i32 to vector<16xi32>
        %parallel_loop3A_1333 = arith.addi %parallel_loop3A_701, %parallel_loop3A_1332 : vector<16xi32>
        %parallel_loop3A_1334 = arith.mulf %parallel_loop3A_658, %parallel_loop3A_1281 : vector<16xf32>
        tpu.vector_store_idx %arg23[%parallel_loop3A_1333], %parallel_loop3A_1334 {add = true} : memref<864xf32, #tpu.memory_space<vmem>>[vector<16xi32>], vector<16xf32>,
        %parallel_loop3A_1335 = arith.constant 24 : i32
        %parallel_loop3A_1336 = vector.broadcast %parallel_loop3A_1335 : i32 to vector<16xi32>
        %parallel_loop3A_1337 = arith.addi %parallel_loop3A_701, %parallel_loop3A_1336 : vector<16xi32>
        %parallel_loop3A_1338 = arith.mulf %parallel_loop3A_658, %parallel_loop3A_1282 : vector<16xf32>
        tpu.vector_store_idx %arg23[%parallel_loop3A_1337], %parallel_loop3A_1338 {add = true} : memref<864xf32, #tpu.memory_space<vmem>>[vector<16xi32>], vector<16xf32>,
        %parallel_loop3A_1339 = arith.constant 8 : i32
        %parallel_loop3A_1340 = vector.broadcast %parallel_loop3A_1339 : i32 to vector<16xi32>
        %parallel_loop3A_1341 = arith.addi %parallel_loop3A_707, %parallel_loop3A_1340 : vector<16xi32>
        %parallel_loop3A_1342 = arith.mulf %parallel_loop3A_659, %parallel_loop3A_1281 : vector<16xf32>
        tpu.vector_store_idx %arg23[%parallel_loop3A_1341], %parallel_loop3A_1342 {add = true} : memref<864xf32, #tpu.memory_space<vmem>>[vector<16xi32>], vector<16xf32>,
        %parallel_loop3A_1343 = arith.constant 24 : i32
        %parallel_loop3A_1344 = vector.broadcast %parallel_loop3A_1343 : i32 to vector<16xi32>
        %parallel_loop3A_1345 = arith.addi %parallel_loop3A_707, %parallel_loop3A_1344 : vector<16xi32>
        %parallel_loop3A_1346 = arith.mulf %parallel_loop3A_659, %parallel_loop3A_1282 : vector<16xf32>
        tpu.vector_store_idx %arg23[%parallel_loop3A_1345], %parallel_loop3A_1346 {add = true} : memref<864xf32, #tpu.memory_space<vmem>>[vector<16xi32>], vector<16xf32>,
        %parallel_loop3A_1347 = arith.constant 9 : i32
        %parallel_loop3A_1348 = vector.broadcast %parallel_loop3A_1347 : i32 to vector<16xi32>
        %parallel_loop3A_1349 = arith.addi %parallel_loop3A_205, %parallel_loop3A_1348 : vector<16xi32>
        %parallel_loop3A_1350 = tpu.vector_load_idx %arg18[%parallel_loop3A_1349] : memref<65536xi32, #tpu.memory_space<vmem>>[vector<16xi32>], vector<16xi32>,
        %parallel_loop3A_1351 = vector.bitcast %parallel_loop3A_1350 : vector<16xi32> to vector<32xbf16>
        %parallel_loop3A_1352 = tpu.unpack_subelements %parallel_loop3A_1351, 0 {pack_format = #tpu.pack_format<interleaved>} : vector<32xbf16> -> vector<16xf32>
        %parallel_loop3A_1353 = tpu.unpack_subelements %parallel_loop3A_1351, 1 {pack_format = #tpu.pack_format<interleaved>} : vector<32xbf16> -> vector<16xf32>
        %parallel_loop3A_1354 = arith.constant 9 : i32
        %parallel_loop3A_1355 = vector.broadcast %parallel_loop3A_1354 : i32 to vector<16xi32>
        %parallel_loop3A_1356 = arith.addi %parallel_loop3A_665, %parallel_loop3A_1355 : vector<16xi32>
        %parallel_loop3A_1357 = arith.mulf %parallel_loop3A_652, %parallel_loop3A_1352 : vector<16xf32>
        tpu.vector_store_idx %arg23[%parallel_loop3A_1356], %parallel_loop3A_1357 {add = true} : memref<864xf32, #tpu.memory_space<vmem>>[vector<16xi32>], vector<16xf32>,
        %parallel_loop3A_1358 = arith.constant 25 : i32
        %parallel_loop3A_1359 = vector.broadcast %parallel_loop3A_1358 : i32 to vector<16xi32>
        %parallel_loop3A_1360 = arith.addi %parallel_loop3A_665, %parallel_loop3A_1359 : vector<16xi32>
        %parallel_loop3A_1361 = arith.mulf %parallel_loop3A_652, %parallel_loop3A_1353 : vector<16xf32>
        tpu.vector_store_idx %arg23[%parallel_loop3A_1360], %parallel_loop3A_1361 {add = true} : memref<864xf32, #tpu.memory_space<vmem>>[vector<16xi32>], vector<16xf32>,
        %parallel_loop3A_1362 = arith.constant 9 : i32
        %parallel_loop3A_1363 = vector.broadcast %parallel_loop3A_1362 : i32 to vector<16xi32>
        %parallel_loop3A_1364 = arith.addi %parallel_loop3A_671, %parallel_loop3A_1363 : vector<16xi32>
        %parallel_loop3A_1365 = arith.mulf %parallel_loop3A_653, %parallel_loop3A_1352 : vector<16xf32>
        tpu.vector_store_idx %arg23[%parallel_loop3A_1364], %parallel_loop3A_1365 {add = true} : memref<864xf32, #tpu.memory_space<vmem>>[vector<16xi32>], vector<16xf32>,
        %parallel_loop3A_1366 = arith.constant 25 : i32
        %parallel_loop3A_1367 = vector.broadcast %parallel_loop3A_1366 : i32 to vector<16xi32>
        %parallel_loop3A_1368 = arith.addi %parallel_loop3A_671, %parallel_loop3A_1367 : vector<16xi32>
        %parallel_loop3A_1369 = arith.mulf %parallel_loop3A_653, %parallel_loop3A_1353 : vector<16xf32>
        tpu.vector_store_idx %arg23[%parallel_loop3A_1368], %parallel_loop3A_1369 {add = true} : memref<864xf32, #tpu.memory_space<vmem>>[vector<16xi32>], vector<16xf32>,
        %parallel_loop3A_1370 = arith.constant 9 : i32
        %parallel_loop3A_1371 = vector.broadcast %parallel_loop3A_1370 : i32 to vector<16xi32>
        %parallel_loop3A_1372 = arith.addi %parallel_loop3A_677, %parallel_loop3A_1371 : vector<16xi32>
        %parallel_loop3A_1373 = arith.mulf %parallel_loop3A_654, %parallel_loop3A_1352 : vector<16xf32>
        tpu.vector_store_idx %arg23[%parallel_loop3A_1372], %parallel_loop3A_1373 {add = true} : memref<864xf32, #tpu.memory_space<vmem>>[vector<16xi32>], vector<16xf32>,
        %parallel_loop3A_1374 = arith.constant 25 : i32
        %parallel_loop3A_1375 = vector.broadcast %parallel_loop3A_1374 : i32 to vector<16xi32>
        %parallel_loop3A_1376 = arith.addi %parallel_loop3A_677, %parallel_loop3A_1375 : vector<16xi32>
        %parallel_loop3A_1377 = arith.mulf %parallel_loop3A_654, %parallel_loop3A_1353 : vector<16xf32>
        tpu.vector_store_idx %arg23[%parallel_loop3A_1376], %parallel_loop3A_1377 {add = true} : memref<864xf32, #tpu.memory_space<vmem>>[vector<16xi32>], vector<16xf32>,
        %parallel_loop3A_1378 = arith.constant 9 : i32
        %parallel_loop3A_1379 = vector.broadcast %parallel_loop3A_1378 : i32 to vector<16xi32>
        %parallel_loop3A_1380 = arith.addi %parallel_loop3A_683, %parallel_loop3A_1379 : vector<16xi32>
        %parallel_loop3A_1381 = arith.mulf %parallel_loop3A_655, %parallel_loop3A_1352 : vector<16xf32>
        tpu.vector_store_idx %arg23[%parallel_loop3A_1380], %parallel_loop3A_1381 {add = true} : memref<864xf32, #tpu.memory_space<vmem>>[vector<16xi32>], vector<16xf32>,
        %parallel_loop3A_1382 = arith.constant 25 : i32
        %parallel_loop3A_1383 = vector.broadcast %parallel_loop3A_1382 : i32 to vector<16xi32>
        %parallel_loop3A_1384 = arith.addi %parallel_loop3A_683, %parallel_loop3A_1383 : vector<16xi32>
        %parallel_loop3A_1385 = arith.mulf %parallel_loop3A_655, %parallel_loop3A_1353 : vector<16xf32>
        tpu.vector_store_idx %arg23[%parallel_loop3A_1384], %parallel_loop3A_1385 {add = true} : memref<864xf32, #tpu.memory_space<vmem>>[vector<16xi32>], vector<16xf32>,
        %parallel_loop3A_1386 = arith.constant 9 : i32
        %parallel_loop3A_1387 = vector.broadcast %parallel_loop3A_1386 : i32 to vector<16xi32>
        %parallel_loop3A_1388 = arith.addi %parallel_loop3A_689, %parallel_loop3A_1387 : vector<16xi32>
        %parallel_loop3A_1389 = arith.mulf %parallel_loop3A_656, %parallel_loop3A_1352 : vector<16xf32>
        tpu.vector_store_idx %arg23[%parallel_loop3A_1388], %parallel_loop3A_1389 {add = true} : memref<864xf32, #tpu.memory_space<vmem>>[vector<16xi32>], vector<16xf32>,
        %parallel_loop3A_1390 = arith.constant 25 : i32
        %parallel_loop3A_1391 = vector.broadcast %parallel_loop3A_1390 : i32 to vector<16xi32>
        %parallel_loop3A_1392 = arith.addi %parallel_loop3A_689, %parallel_loop3A_1391 : vector<16xi32>
        %parallel_loop3A_1393 = arith.mulf %parallel_loop3A_656, %parallel_loop3A_1353 : vector<16xf32>
        tpu.vector_store_idx %arg23[%parallel_loop3A_1392], %parallel_loop3A_1393 {add = true} : memref<864xf32, #tpu.memory_space<vmem>>[vector<16xi32>], vector<16xf32>,
        %parallel_loop3A_1394 = arith.constant 9 : i32
        %parallel_loop3A_1395 = vector.broadcast %parallel_loop3A_1394 : i32 to vector<16xi32>
        %parallel_loop3A_1396 = arith.addi %parallel_loop3A_695, %parallel_loop3A_1395 : vector<16xi32>
        %parallel_loop3A_1397 = arith.mulf %parallel_loop3A_657, %parallel_loop3A_1352 : vector<16xf32>
        tpu.vector_store_idx %arg23[%parallel_loop3A_1396], %parallel_loop3A_1397 {add = true} : memref<864xf32, #tpu.memory_space<vmem>>[vector<16xi32>], vector<16xf32>,
        %parallel_loop3A_1398 = arith.constant 25 : i32
        %parallel_loop3A_1399 = vector.broadcast %parallel_loop3A_1398 : i32 to vector<16xi32>
        %parallel_loop3A_1400 = arith.addi %parallel_loop3A_695, %parallel_loop3A_1399 : vector<16xi32>
        %parallel_loop3A_1401 = arith.mulf %parallel_loop3A_657, %parallel_loop3A_1353 : vector<16xf32>
        tpu.vector_store_idx %arg23[%parallel_loop3A_1400], %parallel_loop3A_1401 {add = true} : memref<864xf32, #tpu.memory_space<vmem>>[vector<16xi32>], vector<16xf32>,
        %parallel_loop3A_1402 = arith.constant 9 : i32
        %parallel_loop3A_1403 = vector.broadcast %parallel_loop3A_1402 : i32 to vector<16xi32>
        %parallel_loop3A_1404 = arith.addi %parallel_loop3A_701, %parallel_loop3A_1403 : vector<16xi32>
        %parallel_loop3A_1405 = arith.mulf %parallel_loop3A_658, %parallel_loop3A_1352 : vector<16xf32>
        tpu.vector_store_idx %arg23[%parallel_loop3A_1404], %parallel_loop3A_1405 {add = true} : memref<864xf32, #tpu.memory_space<vmem>>[vector<16xi32>], vector<16xf32>,
        %parallel_loop3A_1406 = arith.constant 25 : i32
        %parallel_loop3A_1407 = vector.broadcast %parallel_loop3A_1406 : i32 to vector<16xi32>
        %parallel_loop3A_1408 = arith.addi %parallel_loop3A_701, %parallel_loop3A_1407 : vector<16xi32>
        %parallel_loop3A_1409 = arith.mulf %parallel_loop3A_658, %parallel_loop3A_1353 : vector<16xf32>
        tpu.vector_store_idx %arg23[%parallel_loop3A_1408], %parallel_loop3A_1409 {add = true} : memref<864xf32, #tpu.memory_space<vmem>>[vector<16xi32>], vector<16xf32>,
        %parallel_loop3A_1410 = arith.constant 9 : i32
        %parallel_loop3A_1411 = vector.broadcast %parallel_loop3A_1410 : i32 to vector<16xi32>
        %parallel_loop3A_1412 = arith.addi %parallel_loop3A_707, %parallel_loop3A_1411 : vector<16xi32>
        %parallel_loop3A_1413 = arith.mulf %parallel_loop3A_659, %parallel_loop3A_1352 : vector<16xf32>
        tpu.vector_store_idx %arg23[%parallel_loop3A_1412], %parallel_loop3A_1413 {add = true} : memref<864xf32, #tpu.memory_space<vmem>>[vector<16xi32>], vector<16xf32>,
        %parallel_loop3A_1414 = arith.constant 25 : i32
        %parallel_loop3A_1415 = vector.broadcast %parallel_loop3A_1414 : i32 to vector<16xi32>
        %parallel_loop3A_1416 = arith.addi %parallel_loop3A_707, %parallel_loop3A_1415 : vector<16xi32>
        %parallel_loop3A_1417 = arith.mulf %parallel_loop3A_659, %parallel_loop3A_1353 : vector<16xf32>
        tpu.vector_store_idx %arg23[%parallel_loop3A_1416], %parallel_loop3A_1417 {add = true} : memref<864xf32, #tpu.memory_space<vmem>>[vector<16xi32>], vector<16xf32>,
        %parallel_loop3A_1418 = arith.constant 10 : i32
        %parallel_loop3A_1419 = vector.broadcast %parallel_loop3A_1418 : i32 to vector<16xi32>
        %parallel_loop3A_1420 = arith.addi %parallel_loop3A_205, %parallel_loop3A_1419 : vector<16xi32>
        %parallel_loop3A_1421 = tpu.vector_load_idx %arg18[%parallel_loop3A_1420] : memref<65536xi32, #tpu.memory_space<vmem>>[vector<16xi32>], vector<16xi32>,
        %parallel_loop3A_1422 = vector.bitcast %parallel_loop3A_1421 : vector<16xi32> to vector<32xbf16>
        %parallel_loop3A_1423 = tpu.unpack_subelements %parallel_loop3A_1422, 0 {pack_format = #tpu.pack_format<interleaved>} : vector<32xbf16> -> vector<16xf32>
        %parallel_loop3A_1424 = tpu.unpack_subelements %parallel_loop3A_1422, 1 {pack_format = #tpu.pack_format<interleaved>} : vector<32xbf16> -> vector<16xf32>
        %parallel_loop3A_1425 = arith.constant 10 : i32
        %parallel_loop3A_1426 = vector.broadcast %parallel_loop3A_1425 : i32 to vector<16xi32>
        %parallel_loop3A_1427 = arith.addi %parallel_loop3A_665, %parallel_loop3A_1426 : vector<16xi32>
        %parallel_loop3A_1428 = arith.mulf %parallel_loop3A_652, %parallel_loop3A_1423 : vector<16xf32>
        tpu.vector_store_idx %arg23[%parallel_loop3A_1427], %parallel_loop3A_1428 {add = true} : memref<864xf32, #tpu.memory_space<vmem>>[vector<16xi32>], vector<16xf32>,
        %parallel_loop3A_1429 = arith.constant 26 : i32
        %parallel_loop3A_1430 = vector.broadcast %parallel_loop3A_1429 : i32 to vector<16xi32>
        %parallel_loop3A_1431 = arith.addi %parallel_loop3A_665, %parallel_loop3A_1430 : vector<16xi32>
        %parallel_loop3A_1432 = arith.mulf %parallel_loop3A_652, %parallel_loop3A_1424 : vector<16xf32>
        tpu.vector_store_idx %arg23[%parallel_loop3A_1431], %parallel_loop3A_1432 {add = true} : memref<864xf32, #tpu.memory_space<vmem>>[vector<16xi32>], vector<16xf32>,
        %parallel_loop3A_1433 = arith.constant 10 : i32
        %parallel_loop3A_1434 = vector.broadcast %parallel_loop3A_1433 : i32 to vector<16xi32>
        %parallel_loop3A_1435 = arith.addi %parallel_loop3A_671, %parallel_loop3A_1434 : vector<16xi32>
        %parallel_loop3A_1436 = arith.mulf %parallel_loop3A_653, %parallel_loop3A_1423 : vector<16xf32>
        tpu.vector_store_idx %arg23[%parallel_loop3A_1435], %parallel_loop3A_1436 {add = true} : memref<864xf32, #tpu.memory_space<vmem>>[vector<16xi32>], vector<16xf32>,
        %parallel_loop3A_1437 = arith.constant 26 : i32
        %parallel_loop3A_1438 = vector.broadcast %parallel_loop3A_1437 : i32 to vector<16xi32>
        %parallel_loop3A_1439 = arith.addi %parallel_loop3A_671, %parallel_loop3A_1438 : vector<16xi32>
        %parallel_loop3A_1440 = arith.mulf %parallel_loop3A_653, %parallel_loop3A_1424 : vector<16xf32>
        tpu.vector_store_idx %arg23[%parallel_loop3A_1439], %parallel_loop3A_1440 {add = true} : memref<864xf32, #tpu.memory_space<vmem>>[vector<16xi32>], vector<16xf32>,
        %parallel_loop3A_1441 = arith.constant 10 : i32
        %parallel_loop3A_1442 = vector.broadcast %parallel_loop3A_1441 : i32 to vector<16xi32>
        %parallel_loop3A_1443 = arith.addi %parallel_loop3A_677, %parallel_loop3A_1442 : vector<16xi32>
        %parallel_loop3A_1444 = arith.mulf %parallel_loop3A_654, %parallel_loop3A_1423 : vector<16xf32>
        tpu.vector_store_idx %arg23[%parallel_loop3A_1443], %parallel_loop3A_1444 {add = true} : memref<864xf32, #tpu.memory_space<vmem>>[vector<16xi32>], vector<16xf32>,
        %parallel_loop3A_1445 = arith.constant 26 : i32
        %parallel_loop3A_1446 = vector.broadcast %parallel_loop3A_1445 : i32 to vector<16xi32>
        %parallel_loop3A_1447 = arith.addi %parallel_loop3A_677, %parallel_loop3A_1446 : vector<16xi32>
        %parallel_loop3A_1448 = arith.mulf %parallel_loop3A_654, %parallel_loop3A_1424 : vector<16xf32>
        tpu.vector_store_idx %arg23[%parallel_loop3A_1447], %parallel_loop3A_1448 {add = true} : memref<864xf32, #tpu.memory_space<vmem>>[vector<16xi32>], vector<16xf32>,
        %parallel_loop3A_1449 = arith.constant 10 : i32
        %parallel_loop3A_1450 = vector.broadcast %parallel_loop3A_1449 : i32 to vector<16xi32>
        %parallel_loop3A_1451 = arith.addi %parallel_loop3A_683, %parallel_loop3A_1450 : vector<16xi32>
        %parallel_loop3A_1452 = arith.mulf %parallel_loop3A_655, %parallel_loop3A_1423 : vector<16xf32>
        tpu.vector_store_idx %arg23[%parallel_loop3A_1451], %parallel_loop3A_1452 {add = true} : memref<864xf32, #tpu.memory_space<vmem>>[vector<16xi32>], vector<16xf32>,
        %parallel_loop3A_1453 = arith.constant 26 : i32
        %parallel_loop3A_1454 = vector.broadcast %parallel_loop3A_1453 : i32 to vector<16xi32>
        %parallel_loop3A_1455 = arith.addi %parallel_loop3A_683, %parallel_loop3A_1454 : vector<16xi32>
        %parallel_loop3A_1456 = arith.mulf %parallel_loop3A_655, %parallel_loop3A_1424 : vector<16xf32>
        tpu.vector_store_idx %arg23[%parallel_loop3A_1455], %parallel_loop3A_1456 {add = true} : memref<864xf32, #tpu.memory_space<vmem>>[vector<16xi32>], vector<16xf32>,
        %parallel_loop3A_1457 = arith.constant 10 : i32
        %parallel_loop3A_1458 = vector.broadcast %parallel_loop3A_1457 : i32 to vector<16xi32>
        %parallel_loop3A_1459 = arith.addi %parallel_loop3A_689, %parallel_loop3A_1458 : vector<16xi32>
        %parallel_loop3A_1460 = arith.mulf %parallel_loop3A_656, %parallel_loop3A_1423 : vector<16xf32>
        tpu.vector_store_idx %arg23[%parallel_loop3A_1459], %parallel_loop3A_1460 {add = true} : memref<864xf32, #tpu.memory_space<vmem>>[vector<16xi32>], vector<16xf32>,
        %parallel_loop3A_1461 = arith.constant 26 : i32
        %parallel_loop3A_1462 = vector.broadcast %parallel_loop3A_1461 : i32 to vector<16xi32>
        %parallel_loop3A_1463 = arith.addi %parallel_loop3A_689, %parallel_loop3A_1462 : vector<16xi32>
        %parallel_loop3A_1464 = arith.mulf %parallel_loop3A_656, %parallel_loop3A_1424 : vector<16xf32>
        tpu.vector_store_idx %arg23[%parallel_loop3A_1463], %parallel_loop3A_1464 {add = true} : memref<864xf32, #tpu.memory_space<vmem>>[vector<16xi32>], vector<16xf32>,
        %parallel_loop3A_1465 = arith.constant 10 : i32
        %parallel_loop3A_1466 = vector.broadcast %parallel_loop3A_1465 : i32 to vector<16xi32>
        %parallel_loop3A_1467 = arith.addi %parallel_loop3A_695, %parallel_loop3A_1466 : vector<16xi32>
        %parallel_loop3A_1468 = arith.mulf %parallel_loop3A_657, %parallel_loop3A_1423 : vector<16xf32>
        tpu.vector_store_idx %arg23[%parallel_loop3A_1467], %parallel_loop3A_1468 {add = true} : memref<864xf32, #tpu.memory_space<vmem>>[vector<16xi32>], vector<16xf32>,
        %parallel_loop3A_1469 = arith.constant 26 : i32
        %parallel_loop3A_1470 = vector.broadcast %parallel_loop3A_1469 : i32 to vector<16xi32>
        %parallel_loop3A_1471 = arith.addi %parallel_loop3A_695, %parallel_loop3A_1470 : vector<16xi32>
        %parallel_loop3A_1472 = arith.mulf %parallel_loop3A_657, %parallel_loop3A_1424 : vector<16xf32>
        tpu.vector_store_idx %arg23[%parallel_loop3A_1471], %parallel_loop3A_1472 {add = true} : memref<864xf32, #tpu.memory_space<vmem>>[vector<16xi32>], vector<16xf32>,
        %parallel_loop3A_1473 = arith.constant 10 : i32
        %parallel_loop3A_1474 = vector.broadcast %parallel_loop3A_1473 : i32 to vector<16xi32>
        %parallel_loop3A_1475 = arith.addi %parallel_loop3A_701, %parallel_loop3A_1474 : vector<16xi32>
        %parallel_loop3A_1476 = arith.mulf %parallel_loop3A_658, %parallel_loop3A_1423 : vector<16xf32>
        tpu.vector_store_idx %arg23[%parallel_loop3A_1475], %parallel_loop3A_1476 {add = true} : memref<864xf32, #tpu.memory_space<vmem>>[vector<16xi32>], vector<16xf32>,
        %parallel_loop3A_1477 = arith.constant 26 : i32
        %parallel_loop3A_1478 = vector.broadcast %parallel_loop3A_1477 : i32 to vector<16xi32>
        %parallel_loop3A_1479 = arith.addi %parallel_loop3A_701, %parallel_loop3A_1478 : vector<16xi32>
        %parallel_loop3A_1480 = arith.mulf %parallel_loop3A_658, %parallel_loop3A_1424 : vector<16xf32>
        tpu.vector_store_idx %arg23[%parallel_loop3A_1479], %parallel_loop3A_1480 {add = true} : memref<864xf32, #tpu.memory_space<vmem>>[vector<16xi32>], vector<16xf32>,
        %parallel_loop3A_1481 = arith.constant 10 : i32
        %parallel_loop3A_1482 = vector.broadcast %parallel_loop3A_1481 : i32 to vector<16xi32>
        %parallel_loop3A_1483 = arith.addi %parallel_loop3A_707, %parallel_loop3A_1482 : vector<16xi32>
        %parallel_loop3A_1484 = arith.mulf %parallel_loop3A_659, %parallel_loop3A_1423 : vector<16xf32>
        tpu.vector_store_idx %arg23[%parallel_loop3A_1483], %parallel_loop3A_1484 {add = true} : memref<864xf32, #tpu.memory_space<vmem>>[vector<16xi32>], vector<16xf32>,
        %parallel_loop3A_1485 = arith.constant 26 : i32
        %parallel_loop3A_1486 = vector.broadcast %parallel_loop3A_1485 : i32 to vector<16xi32>
        %parallel_loop3A_1487 = arith.addi %parallel_loop3A_707, %parallel_loop3A_1486 : vector<16xi32>
        %parallel_loop3A_1488 = arith.mulf %parallel_loop3A_659, %parallel_loop3A_1424 : vector<16xf32>
        tpu.vector_store_idx %arg23[%parallel_loop3A_1487], %parallel_loop3A_1488 {add = true} : memref<864xf32, #tpu.memory_space<vmem>>[vector<16xi32>], vector<16xf32>,
        %parallel_loop3A_1489 = arith.constant 11 : i32
        %parallel_loop3A_1490 = vector.broadcast %parallel_loop3A_1489 : i32 to vector<16xi32>
        %parallel_loop3A_1491 = arith.addi %parallel_loop3A_205, %parallel_loop3A_1490 : vector<16xi32>
        %parallel_loop3A_1492 = tpu.vector_load_idx %arg18[%parallel_loop3A_1491] : memref<65536xi32, #tpu.memory_space<vmem>>[vector<16xi32>], vector<16xi32>,
        %parallel_loop3A_1493 = vector.bitcast %parallel_loop3A_1492 : vector<16xi32> to vector<32xbf16>
        %parallel_loop3A_1494 = tpu.unpack_subelements %parallel_loop3A_1493, 0 {pack_format = #tpu.pack_format<interleaved>} : vector<32xbf16> -> vector<16xf32>
        %parallel_loop3A_1495 = tpu.unpack_subelements %parallel_loop3A_1493, 1 {pack_format = #tpu.pack_format<interleaved>} : vector<32xbf16> -> vector<16xf32>
        %parallel_loop3A_1496 = arith.constant 11 : i32
        %parallel_loop3A_1497 = vector.broadcast %parallel_loop3A_1496 : i32 to vector<16xi32>
        %parallel_loop3A_1498 = arith.addi %parallel_loop3A_665, %parallel_loop3A_1497 : vector<16xi32>
        %parallel_loop3A_1499 = arith.mulf %parallel_loop3A_652, %parallel_loop3A_1494 : vector<16xf32>
        tpu.vector_store_idx %arg23[%parallel_loop3A_1498], %parallel_loop3A_1499 {add = true} : memref<864xf32, #tpu.memory_space<vmem>>[vector<16xi32>], vector<16xf32>,
        %parallel_loop3A_1500 = arith.constant 27 : i32
        %parallel_loop3A_1501 = vector.broadcast %parallel_loop3A_1500 : i32 to vector<16xi32>
        %parallel_loop3A_1502 = arith.addi %parallel_loop3A_665, %parallel_loop3A_1501 : vector<16xi32>
        %parallel_loop3A_1503 = arith.mulf %parallel_loop3A_652, %parallel_loop3A_1495 : vector<16xf32>
        tpu.vector_store_idx %arg23[%parallel_loop3A_1502], %parallel_loop3A_1503 {add = true} : memref<864xf32, #tpu.memory_space<vmem>>[vector<16xi32>], vector<16xf32>,
        %parallel_loop3A_1504 = arith.constant 11 : i32
        %parallel_loop3A_1505 = vector.broadcast %parallel_loop3A_1504 : i32 to vector<16xi32>
        %parallel_loop3A_1506 = arith.addi %parallel_loop3A_671, %parallel_loop3A_1505 : vector<16xi32>
        %parallel_loop3A_1507 = arith.mulf %parallel_loop3A_653, %parallel_loop3A_1494 : vector<16xf32>
        tpu.vector_store_idx %arg23[%parallel_loop3A_1506], %parallel_loop3A_1507 {add = true} : memref<864xf32, #tpu.memory_space<vmem>>[vector<16xi32>], vector<16xf32>,
        %parallel_loop3A_1508 = arith.constant 27 : i32
        %parallel_loop3A_1509 = vector.broadcast %parallel_loop3A_1508 : i32 to vector<16xi32>
        %parallel_loop3A_1510 = arith.addi %parallel_loop3A_671, %parallel_loop3A_1509 : vector<16xi32>
        %parallel_loop3A_1511 = arith.mulf %parallel_loop3A_653, %parallel_loop3A_1495 : vector<16xf32>
        tpu.vector_store_idx %arg23[%parallel_loop3A_1510], %parallel_loop3A_1511 {add = true} : memref<864xf32, #tpu.memory_space<vmem>>[vector<16xi32>], vector<16xf32>,
        %parallel_loop3A_1512 = arith.constant 11 : i32
        %parallel_loop3A_1513 = vector.broadcast %parallel_loop3A_1512 : i32 to vector<16xi32>
        %parallel_loop3A_1514 = arith.addi %parallel_loop3A_677, %parallel_loop3A_1513 : vector<16xi32>
        %parallel_loop3A_1515 = arith.mulf %parallel_loop3A_654, %parallel_loop3A_1494 : vector<16xf32>
        tpu.vector_store_idx %arg23[%parallel_loop3A_1514], %parallel_loop3A_1515 {add = true} : memref<864xf32, #tpu.memory_space<vmem>>[vector<16xi32>], vector<16xf32>,
        %parallel_loop3A_1516 = arith.constant 27 : i32
        %parallel_loop3A_1517 = vector.broadcast %parallel_loop3A_1516 : i32 to vector<16xi32>
        %parallel_loop3A_1518 = arith.addi %parallel_loop3A_677, %parallel_loop3A_1517 : vector<16xi32>
        %parallel_loop3A_1519 = arith.mulf %parallel_loop3A_654, %parallel_loop3A_1495 : vector<16xf32>
        tpu.vector_store_idx %arg23[%parallel_loop3A_1518], %parallel_loop3A_1519 {add = true} : memref<864xf32, #tpu.memory_space<vmem>>[vector<16xi32>], vector<16xf32>,
        %parallel_loop3A_1520 = arith.constant 11 : i32
        %parallel_loop3A_1521 = vector.broadcast %parallel_loop3A_1520 : i32 to vector<16xi32>
        %parallel_loop3A_1522 = arith.addi %parallel_loop3A_683, %parallel_loop3A_1521 : vector<16xi32>
        %parallel_loop3A_1523 = arith.mulf %parallel_loop3A_655, %parallel_loop3A_1494 : vector<16xf32>
        tpu.vector_store_idx %arg23[%parallel_loop3A_1522], %parallel_loop3A_1523 {add = true} : memref<864xf32, #tpu.memory_space<vmem>>[vector<16xi32>], vector<16xf32>,
        %parallel_loop3A_1524 = arith.constant 27 : i32
        %parallel_loop3A_1525 = vector.broadcast %parallel_loop3A_1524 : i32 to vector<16xi32>
        %parallel_loop3A_1526 = arith.addi %parallel_loop3A_683, %parallel_loop3A_1525 : vector<16xi32>
        %parallel_loop3A_1527 = arith.mulf %parallel_loop3A_655, %parallel_loop3A_1495 : vector<16xf32>
        tpu.vector_store_idx %arg23[%parallel_loop3A_1526], %parallel_loop3A_1527 {add = true} : memref<864xf32, #tpu.memory_space<vmem>>[vector<16xi32>], vector<16xf32>,
        %parallel_loop3A_1528 = arith.constant 11 : i32
        %parallel_loop3A_1529 = vector.broadcast %parallel_loop3A_1528 : i32 to vector<16xi32>
        %parallel_loop3A_1530 = arith.addi %parallel_loop3A_689, %parallel_loop3A_1529 : vector<16xi32>
        %parallel_loop3A_1531 = arith.mulf %parallel_loop3A_656, %parallel_loop3A_1494 : vector<16xf32>
        tpu.vector_store_idx %arg23[%parallel_loop3A_1530], %parallel_loop3A_1531 {add = true} : memref<864xf32, #tpu.memory_space<vmem>>[vector<16xi32>], vector<16xf32>,
        %parallel_loop3A_1532 = arith.constant 27 : i32
        %parallel_loop3A_1533 = vector.broadcast %parallel_loop3A_1532 : i32 to vector<16xi32>
        %parallel_loop3A_1534 = arith.addi %parallel_loop3A_689, %parallel_loop3A_1533 : vector<16xi32>
        %parallel_loop3A_1535 = arith.mulf %parallel_loop3A_656, %parallel_loop3A_1495 : vector<16xf32>
        tpu.vector_store_idx %arg23[%parallel_loop3A_1534], %parallel_loop3A_1535 {add = true} : memref<864xf32, #tpu.memory_space<vmem>>[vector<16xi32>], vector<16xf32>,
        %parallel_loop3A_1536 = arith.constant 11 : i32
        %parallel_loop3A_1537 = vector.broadcast %parallel_loop3A_1536 : i32 to vector<16xi32>
        %parallel_loop3A_1538 = arith.addi %parallel_loop3A_695, %parallel_loop3A_1537 : vector<16xi32>
        %parallel_loop3A_1539 = arith.mulf %parallel_loop3A_657, %parallel_loop3A_1494 : vector<16xf32>
        tpu.vector_store_idx %arg23[%parallel_loop3A_1538], %parallel_loop3A_1539 {add = true} : memref<864xf32, #tpu.memory_space<vmem>>[vector<16xi32>], vector<16xf32>,
        %parallel_loop3A_1540 = arith.constant 27 : i32
        %parallel_loop3A_1541 = vector.broadcast %parallel_loop3A_1540 : i32 to vector<16xi32>
        %parallel_loop3A_1542 = arith.addi %parallel_loop3A_695, %parallel_loop3A_1541 : vector<16xi32>
        %parallel_loop3A_1543 = arith.mulf %parallel_loop3A_657, %parallel_loop3A_1495 : vector<16xf32>
        tpu.vector_store_idx %arg23[%parallel_loop3A_1542], %parallel_loop3A_1543 {add = true} : memref<864xf32, #tpu.memory_space<vmem>>[vector<16xi32>], vector<16xf32>,
        %parallel_loop3A_1544 = arith.constant 11 : i32
        %parallel_loop3A_1545 = vector.broadcast %parallel_loop3A_1544 : i32 to vector<16xi32>
        %parallel_loop3A_1546 = arith.addi %parallel_loop3A_701, %parallel_loop3A_1545 : vector<16xi32>
        %parallel_loop3A_1547 = arith.mulf %parallel_loop3A_658, %parallel_loop3A_1494 : vector<16xf32>
        tpu.vector_store_idx %arg23[%parallel_loop3A_1546], %parallel_loop3A_1547 {add = true} : memref<864xf32, #tpu.memory_space<vmem>>[vector<16xi32>], vector<16xf32>,
        %parallel_loop3A_1548 = arith.constant 27 : i32
        %parallel_loop3A_1549 = vector.broadcast %parallel_loop3A_1548 : i32 to vector<16xi32>
        %parallel_loop3A_1550 = arith.addi %parallel_loop3A_701, %parallel_loop3A_1549 : vector<16xi32>
        %parallel_loop3A_1551 = arith.mulf %parallel_loop3A_658, %parallel_loop3A_1495 : vector<16xf32>
        tpu.vector_store_idx %arg23[%parallel_loop3A_1550], %parallel_loop3A_1551 {add = true} : memref<864xf32, #tpu.memory_space<vmem>>[vector<16xi32>], vector<16xf32>,
        %parallel_loop3A_1552 = arith.constant 11 : i32
        %parallel_loop3A_1553 = vector.broadcast %parallel_loop3A_1552 : i32 to vector<16xi32>
        %parallel_loop3A_1554 = arith.addi %parallel_loop3A_707, %parallel_loop3A_1553 : vector<16xi32>
        %parallel_loop3A_1555 = arith.mulf %parallel_loop3A_659, %parallel_loop3A_1494 : vector<16xf32>
        tpu.vector_store_idx %arg23[%parallel_loop3A_1554], %parallel_loop3A_1555 {add = true} : memref<864xf32, #tpu.memory_space<vmem>>[vector<16xi32>], vector<16xf32>,
        %parallel_loop3A_1556 = arith.constant 27 : i32
        %parallel_loop3A_1557 = vector.broadcast %parallel_loop3A_1556 : i32 to vector<16xi32>
        %parallel_loop3A_1558 = arith.addi %parallel_loop3A_707, %parallel_loop3A_1557 : vector<16xi32>
        %parallel_loop3A_1559 = arith.mulf %parallel_loop3A_659, %parallel_loop3A_1495 : vector<16xf32>
        tpu.vector_store_idx %arg23[%parallel_loop3A_1558], %parallel_loop3A_1559 {add = true} : memref<864xf32, #tpu.memory_space<vmem>>[vector<16xi32>], vector<16xf32>,
        %parallel_loop3A_1560 = arith.constant 12 : i32
        %parallel_loop3A_1561 = vector.broadcast %parallel_loop3A_1560 : i32 to vector<16xi32>
        %parallel_loop3A_1562 = arith.addi %parallel_loop3A_205, %parallel_loop3A_1561 : vector<16xi32>
        %parallel_loop3A_1563 = tpu.vector_load_idx %arg18[%parallel_loop3A_1562] : memref<65536xi32, #tpu.memory_space<vmem>>[vector<16xi32>], vector<16xi32>,
        %parallel_loop3A_1564 = vector.bitcast %parallel_loop3A_1563 : vector<16xi32> to vector<32xbf16>
        %parallel_loop3A_1565 = tpu.unpack_subelements %parallel_loop3A_1564, 0 {pack_format = #tpu.pack_format<interleaved>} : vector<32xbf16> -> vector<16xf32>
        %parallel_loop3A_1566 = tpu.unpack_subelements %parallel_loop3A_1564, 1 {pack_format = #tpu.pack_format<interleaved>} : vector<32xbf16> -> vector<16xf32>
        %parallel_loop3A_1567 = arith.constant 12 : i32
        %parallel_loop3A_1568 = vector.broadcast %parallel_loop3A_1567 : i32 to vector<16xi32>
        %parallel_loop3A_1569 = arith.addi %parallel_loop3A_665, %parallel_loop3A_1568 : vector<16xi32>
        %parallel_loop3A_1570 = arith.mulf %parallel_loop3A_652, %parallel_loop3A_1565 : vector<16xf32>
        tpu.vector_store_idx %arg23[%parallel_loop3A_1569], %parallel_loop3A_1570 {add = true} : memref<864xf32, #tpu.memory_space<vmem>>[vector<16xi32>], vector<16xf32>,
        %parallel_loop3A_1571 = arith.constant 28 : i32
        %parallel_loop3A_1572 = vector.broadcast %parallel_loop3A_1571 : i32 to vector<16xi32>
        %parallel_loop3A_1573 = arith.addi %parallel_loop3A_665, %parallel_loop3A_1572 : vector<16xi32>
        %parallel_loop3A_1574 = arith.mulf %parallel_loop3A_652, %parallel_loop3A_1566 : vector<16xf32>
        tpu.vector_store_idx %arg23[%parallel_loop3A_1573], %parallel_loop3A_1574 {add = true} : memref<864xf32, #tpu.memory_space<vmem>>[vector<16xi32>], vector<16xf32>,
        %parallel_loop3A_1575 = arith.constant 12 : i32
        %parallel_loop3A_1576 = vector.broadcast %parallel_loop3A_1575 : i32 to vector<16xi32>
        %parallel_loop3A_1577 = arith.addi %parallel_loop3A_671, %parallel_loop3A_1576 : vector<16xi32>
        %parallel_loop3A_1578 = arith.mulf %parallel_loop3A_653, %parallel_loop3A_1565 : vector<16xf32>
        tpu.vector_store_idx %arg23[%parallel_loop3A_1577], %parallel_loop3A_1578 {add = true} : memref<864xf32, #tpu.memory_space<vmem>>[vector<16xi32>], vector<16xf32>,
        %parallel_loop3A_1579 = arith.constant 28 : i32
        %parallel_loop3A_1580 = vector.broadcast %parallel_loop3A_1579 : i32 to vector<16xi32>
        %parallel_loop3A_1581 = arith.addi %parallel_loop3A_671, %parallel_loop3A_1580 : vector<16xi32>
        %parallel_loop3A_1582 = arith.mulf %parallel_loop3A_653, %parallel_loop3A_1566 : vector<16xf32>
        tpu.vector_store_idx %arg23[%parallel_loop3A_1581], %parallel_loop3A_1582 {add = true} : memref<864xf32, #tpu.memory_space<vmem>>[vector<16xi32>], vector<16xf32>,
        %parallel_loop3A_1583 = arith.constant 12 : i32
        %parallel_loop3A_1584 = vector.broadcast %parallel_loop3A_1583 : i32 to vector<16xi32>
        %parallel_loop3A_1585 = arith.addi %parallel_loop3A_677, %parallel_loop3A_1584 : vector<16xi32>
        %parallel_loop3A_1586 = arith.mulf %parallel_loop3A_654, %parallel_loop3A_1565 : vector<16xf32>
        tpu.vector_store_idx %arg23[%parallel_loop3A_1585], %parallel_loop3A_1586 {add = true} : memref<864xf32, #tpu.memory_space<vmem>>[vector<16xi32>], vector<16xf32>,
        %parallel_loop3A_1587 = arith.constant 28 : i32
        %parallel_loop3A_1588 = vector.broadcast %parallel_loop3A_1587 : i32 to vector<16xi32>
        %parallel_loop3A_1589 = arith.addi %parallel_loop3A_677, %parallel_loop3A_1588 : vector<16xi32>
        %parallel_loop3A_1590 = arith.mulf %parallel_loop3A_654, %parallel_loop3A_1566 : vector<16xf32>
        tpu.vector_store_idx %arg23[%parallel_loop3A_1589], %parallel_loop3A_1590 {add = true} : memref<864xf32, #tpu.memory_space<vmem>>[vector<16xi32>], vector<16xf32>,
        %parallel_loop3A_1591 = arith.constant 12 : i32
        %parallel_loop3A_1592 = vector.broadcast %parallel_loop3A_1591 : i32 to vector<16xi32>
        %parallel_loop3A_1593 = arith.addi %parallel_loop3A_683, %parallel_loop3A_1592 : vector<16xi32>
        %parallel_loop3A_1594 = arith.mulf %parallel_loop3A_655, %parallel_loop3A_1565 : vector<16xf32>
        tpu.vector_store_idx %arg23[%parallel_loop3A_1593], %parallel_loop3A_1594 {add = true} : memref<864xf32, #tpu.memory_space<vmem>>[vector<16xi32>], vector<16xf32>,
        %parallel_loop3A_1595 = arith.constant 28 : i32
        %parallel_loop3A_1596 = vector.broadcast %parallel_loop3A_1595 : i32 to vector<16xi32>
        %parallel_loop3A_1597 = arith.addi %parallel_loop3A_683, %parallel_loop3A_1596 : vector<16xi32>
        %parallel_loop3A_1598 = arith.mulf %parallel_loop3A_655, %parallel_loop3A_1566 : vector<16xf32>
        tpu.vector_store_idx %arg23[%parallel_loop3A_1597], %parallel_loop3A_1598 {add = true} : memref<864xf32, #tpu.memory_space<vmem>>[vector<16xi32>], vector<16xf32>,
        %parallel_loop3A_1599 = arith.constant 12 : i32
        %parallel_loop3A_1600 = vector.broadcast %parallel_loop3A_1599 : i32 to vector<16xi32>
        %parallel_loop3A_1601 = arith.addi %parallel_loop3A_689, %parallel_loop3A_1600 : vector<16xi32>
        %parallel_loop3A_1602 = arith.mulf %parallel_loop3A_656, %parallel_loop3A_1565 : vector<16xf32>
        tpu.vector_store_idx %arg23[%parallel_loop3A_1601], %parallel_loop3A_1602 {add = true} : memref<864xf32, #tpu.memory_space<vmem>>[vector<16xi32>], vector<16xf32>,
        %parallel_loop3A_1603 = arith.constant 28 : i32
        %parallel_loop3A_1604 = vector.broadcast %parallel_loop3A_1603 : i32 to vector<16xi32>
        %parallel_loop3A_1605 = arith.addi %parallel_loop3A_689, %parallel_loop3A_1604 : vector<16xi32>
        %parallel_loop3A_1606 = arith.mulf %parallel_loop3A_656, %parallel_loop3A_1566 : vector<16xf32>
        tpu.vector_store_idx %arg23[%parallel_loop3A_1605], %parallel_loop3A_1606 {add = true} : memref<864xf32, #tpu.memory_space<vmem>>[vector<16xi32>], vector<16xf32>,
        %parallel_loop3A_1607 = arith.constant 12 : i32
        %parallel_loop3A_1608 = vector.broadcast %parallel_loop3A_1607 : i32 to vector<16xi32>
        %parallel_loop3A_1609 = arith.addi %parallel_loop3A_695, %parallel_loop3A_1608 : vector<16xi32>
        %parallel_loop3A_1610 = arith.mulf %parallel_loop3A_657, %parallel_loop3A_1565 : vector<16xf32>
        tpu.vector_store_idx %arg23[%parallel_loop3A_1609], %parallel_loop3A_1610 {add = true} : memref<864xf32, #tpu.memory_space<vmem>>[vector<16xi32>], vector<16xf32>,
        %parallel_loop3A_1611 = arith.constant 28 : i32
        %parallel_loop3A_1612 = vector.broadcast %parallel_loop3A_1611 : i32 to vector<16xi32>
        %parallel_loop3A_1613 = arith.addi %parallel_loop3A_695, %parallel_loop3A_1612 : vector<16xi32>
        %parallel_loop3A_1614 = arith.mulf %parallel_loop3A_657, %parallel_loop3A_1566 : vector<16xf32>
        tpu.vector_store_idx %arg23[%parallel_loop3A_1613], %parallel_loop3A_1614 {add = true} : memref<864xf32, #tpu.memory_space<vmem>>[vector<16xi32>], vector<16xf32>,
        %parallel_loop3A_1615 = arith.constant 12 : i32
        %parallel_loop3A_1616 = vector.broadcast %parallel_loop3A_1615 : i32 to vector<16xi32>
        %parallel_loop3A_1617 = arith.addi %parallel_loop3A_701, %parallel_loop3A_1616 : vector<16xi32>
        %parallel_loop3A_1618 = arith.mulf %parallel_loop3A_658, %parallel_loop3A_1565 : vector<16xf32>
        tpu.vector_store_idx %arg23[%parallel_loop3A_1617], %parallel_loop3A_1618 {add = true} : memref<864xf32, #tpu.memory_space<vmem>>[vector<16xi32>], vector<16xf32>,
        %parallel_loop3A_1619 = arith.constant 28 : i32
        %parallel_loop3A_1620 = vector.broadcast %parallel_loop3A_1619 : i32 to vector<16xi32>
        %parallel_loop3A_1621 = arith.addi %parallel_loop3A_701, %parallel_loop3A_1620 : vector<16xi32>
        %parallel_loop3A_1622 = arith.mulf %parallel_loop3A_658, %parallel_loop3A_1566 : vector<16xf32>
        tpu.vector_store_idx %arg23[%parallel_loop3A_1621], %parallel_loop3A_1622 {add = true} : memref<864xf32, #tpu.memory_space<vmem>>[vector<16xi32>], vector<16xf32>,
        %parallel_loop3A_1623 = arith.constant 12 : i32
        %parallel_loop3A_1624 = vector.broadcast %parallel_loop3A_1623 : i32 to vector<16xi32>
        %parallel_loop3A_1625 = arith.addi %parallel_loop3A_707, %parallel_loop3A_1624 : vector<16xi32>
        %parallel_loop3A_1626 = arith.mulf %parallel_loop3A_659, %parallel_loop3A_1565 : vector<16xf32>
        tpu.vector_store_idx %arg23[%parallel_loop3A_1625], %parallel_loop3A_1626 {add = true} : memref<864xf32, #tpu.memory_space<vmem>>[vector<16xi32>], vector<16xf32>,
        %parallel_loop3A_1627 = arith.constant 28 : i32
        %parallel_loop3A_1628 = vector.broadcast %parallel_loop3A_1627 : i32 to vector<16xi32>
        %parallel_loop3A_1629 = arith.addi %parallel_loop3A_707, %parallel_loop3A_1628 : vector<16xi32>
        %parallel_loop3A_1630 = arith.mulf %parallel_loop3A_659, %parallel_loop3A_1566 : vector<16xf32>
        tpu.vector_store_idx %arg23[%parallel_loop3A_1629], %parallel_loop3A_1630 {add = true} : memref<864xf32, #tpu.memory_space<vmem>>[vector<16xi32>], vector<16xf32>,
        %parallel_loop3A_1631 = arith.constant 13 : i32
        %parallel_loop3A_1632 = vector.broadcast %parallel_loop3A_1631 : i32 to vector<16xi32>
        %parallel_loop3A_1633 = arith.addi %parallel_loop3A_205, %parallel_loop3A_1632 : vector<16xi32>
        %parallel_loop3A_1634 = tpu.vector_load_idx %arg18[%parallel_loop3A_1633] : memref<65536xi32, #tpu.memory_space<vmem>>[vector<16xi32>], vector<16xi32>,
        %parallel_loop3A_1635 = vector.bitcast %parallel_loop3A_1634 : vector<16xi32> to vector<32xbf16>
        %parallel_loop3A_1636 = tpu.unpack_subelements %parallel_loop3A_1635, 0 {pack_format = #tpu.pack_format<interleaved>} : vector<32xbf16> -> vector<16xf32>
        %parallel_loop3A_1637 = tpu.unpack_subelements %parallel_loop3A_1635, 1 {pack_format = #tpu.pack_format<interleaved>} : vector<32xbf16> -> vector<16xf32>
        %parallel_loop3A_1638 = arith.constant 13 : i32
        %parallel_loop3A_1639 = vector.broadcast %parallel_loop3A_1638 : i32 to vector<16xi32>
        %parallel_loop3A_1640 = arith.addi %parallel_loop3A_665, %parallel_loop3A_1639 : vector<16xi32>
        %parallel_loop3A_1641 = arith.mulf %parallel_loop3A_652, %parallel_loop3A_1636 : vector<16xf32>
        tpu.vector_store_idx %arg23[%parallel_loop3A_1640], %parallel_loop3A_1641 {add = true} : memref<864xf32, #tpu.memory_space<vmem>>[vector<16xi32>], vector<16xf32>,
        %parallel_loop3A_1642 = arith.constant 29 : i32
        %parallel_loop3A_1643 = vector.broadcast %parallel_loop3A_1642 : i32 to vector<16xi32>
        %parallel_loop3A_1644 = arith.addi %parallel_loop3A_665, %parallel_loop3A_1643 : vector<16xi32>
        %parallel_loop3A_1645 = arith.mulf %parallel_loop3A_652, %parallel_loop3A_1637 : vector<16xf32>
        tpu.vector_store_idx %arg23[%parallel_loop3A_1644], %parallel_loop3A_1645 {add = true} : memref<864xf32, #tpu.memory_space<vmem>>[vector<16xi32>], vector<16xf32>,
        %parallel_loop3A_1646 = arith.constant 13 : i32
        %parallel_loop3A_1647 = vector.broadcast %parallel_loop3A_1646 : i32 to vector<16xi32>
        %parallel_loop3A_1648 = arith.addi %parallel_loop3A_671, %parallel_loop3A_1647 : vector<16xi32>
        %parallel_loop3A_1649 = arith.mulf %parallel_loop3A_653, %parallel_loop3A_1636 : vector<16xf32>
        tpu.vector_store_idx %arg23[%parallel_loop3A_1648], %parallel_loop3A_1649 {add = true} : memref<864xf32, #tpu.memory_space<vmem>>[vector<16xi32>], vector<16xf32>,
        %parallel_loop3A_1650 = arith.constant 29 : i32
        %parallel_loop3A_1651 = vector.broadcast %parallel_loop3A_1650 : i32 to vector<16xi32>
        %parallel_loop3A_1652 = arith.addi %parallel_loop3A_671, %parallel_loop3A_1651 : vector<16xi32>
        %parallel_loop3A_1653 = arith.mulf %parallel_loop3A_653, %parallel_loop3A_1637 : vector<16xf32>
        tpu.vector_store_idx %arg23[%parallel_loop3A_1652], %parallel_loop3A_1653 {add = true} : memref<864xf32, #tpu.memory_space<vmem>>[vector<16xi32>], vector<16xf32>,
        %parallel_loop3A_1654 = arith.constant 13 : i32
        %parallel_loop3A_1655 = vector.broadcast %parallel_loop3A_1654 : i32 to vector<16xi32>
        %parallel_loop3A_1656 = arith.addi %parallel_loop3A_677, %parallel_loop3A_1655 : vector<16xi32>
        %parallel_loop3A_1657 = arith.mulf %parallel_loop3A_654, %parallel_loop3A_1636 : vector<16xf32>
        tpu.vector_store_idx %arg23[%parallel_loop3A_1656], %parallel_loop3A_1657 {add = true} : memref<864xf32, #tpu.memory_space<vmem>>[vector<16xi32>], vector<16xf32>,
        %parallel_loop3A_1658 = arith.constant 29 : i32
        %parallel_loop3A_1659 = vector.broadcast %parallel_loop3A_1658 : i32 to vector<16xi32>
        %parallel_loop3A_1660 = arith.addi %parallel_loop3A_677, %parallel_loop3A_1659 : vector<16xi32>
        %parallel_loop3A_1661 = arith.mulf %parallel_loop3A_654, %parallel_loop3A_1637 : vector<16xf32>
        tpu.vector_store_idx %arg23[%parallel_loop3A_1660], %parallel_loop3A_1661 {add = true} : memref<864xf32, #tpu.memory_space<vmem>>[vector<16xi32>], vector<16xf32>,
        %parallel_loop3A_1662 = arith.constant 13 : i32
        %parallel_loop3A_1663 = vector.broadcast %parallel_loop3A_1662 : i32 to vector<16xi32>
        %parallel_loop3A_1664 = arith.addi %parallel_loop3A_683, %parallel_loop3A_1663 : vector<16xi32>
        %parallel_loop3A_1665 = arith.mulf %parallel_loop3A_655, %parallel_loop3A_1636 : vector<16xf32>
        tpu.vector_store_idx %arg23[%parallel_loop3A_1664], %parallel_loop3A_1665 {add = true} : memref<864xf32, #tpu.memory_space<vmem>>[vector<16xi32>], vector<16xf32>,
        %parallel_loop3A_1666 = arith.constant 29 : i32
        %parallel_loop3A_1667 = vector.broadcast %parallel_loop3A_1666 : i32 to vector<16xi32>
        %parallel_loop3A_1668 = arith.addi %parallel_loop3A_683, %parallel_loop3A_1667 : vector<16xi32>
        %parallel_loop3A_1669 = arith.mulf %parallel_loop3A_655, %parallel_loop3A_1637 : vector<16xf32>
        tpu.vector_store_idx %arg23[%parallel_loop3A_1668], %parallel_loop3A_1669 {add = true} : memref<864xf32, #tpu.memory_space<vmem>>[vector<16xi32>], vector<16xf32>,
        %parallel_loop3A_1670 = arith.constant 13 : i32
        %parallel_loop3A_1671 = vector.broadcast %parallel_loop3A_1670 : i32 to vector<16xi32>
        %parallel_loop3A_1672 = arith.addi %parallel_loop3A_689, %parallel_loop3A_1671 : vector<16xi32>
        %parallel_loop3A_1673 = arith.mulf %parallel_loop3A_656, %parallel_loop3A_1636 : vector<16xf32>
        tpu.vector_store_idx %arg23[%parallel_loop3A_1672], %parallel_loop3A_1673 {add = true} : memref<864xf32, #tpu.memory_space<vmem>>[vector<16xi32>], vector<16xf32>,
        %parallel_loop3A_1674 = arith.constant 29 : i32
        %parallel_loop3A_1675 = vector.broadcast %parallel_loop3A_1674 : i32 to vector<16xi32>
        %parallel_loop3A_1676 = arith.addi %parallel_loop3A_689, %parallel_loop3A_1675 : vector<16xi32>
        %parallel_loop3A_1677 = arith.mulf %parallel_loop3A_656, %parallel_loop3A_1637 : vector<16xf32>
        tpu.vector_store_idx %arg23[%parallel_loop3A_1676], %parallel_loop3A_1677 {add = true} : memref<864xf32, #tpu.memory_space<vmem>>[vector<16xi32>], vector<16xf32>,
        %parallel_loop3A_1678 = arith.constant 13 : i32
        %parallel_loop3A_1679 = vector.broadcast %parallel_loop3A_1678 : i32 to vector<16xi32>
        %parallel_loop3A_1680 = arith.addi %parallel_loop3A_695, %parallel_loop3A_1679 : vector<16xi32>
        %parallel_loop3A_1681 = arith.mulf %parallel_loop3A_657, %parallel_loop3A_1636 : vector<16xf32>
        tpu.vector_store_idx %arg23[%parallel_loop3A_1680], %parallel_loop3A_1681 {add = true} : memref<864xf32, #tpu.memory_space<vmem>>[vector<16xi32>], vector<16xf32>,
        %parallel_loop3A_1682 = arith.constant 29 : i32
        %parallel_loop3A_1683 = vector.broadcast %parallel_loop3A_1682 : i32 to vector<16xi32>
        %parallel_loop3A_1684 = arith.addi %parallel_loop3A_695, %parallel_loop3A_1683 : vector<16xi32>
        %parallel_loop3A_1685 = arith.mulf %parallel_loop3A_657, %parallel_loop3A_1637 : vector<16xf32>
        tpu.vector_store_idx %arg23[%parallel_loop3A_1684], %parallel_loop3A_1685 {add = true} : memref<864xf32, #tpu.memory_space<vmem>>[vector<16xi32>], vector<16xf32>,
        %parallel_loop3A_1686 = arith.constant 13 : i32
        %parallel_loop3A_1687 = vector.broadcast %parallel_loop3A_1686 : i32 to vector<16xi32>
        %parallel_loop3A_1688 = arith.addi %parallel_loop3A_701, %parallel_loop3A_1687 : vector<16xi32>
        %parallel_loop3A_1689 = arith.mulf %parallel_loop3A_658, %parallel_loop3A_1636 : vector<16xf32>
        tpu.vector_store_idx %arg23[%parallel_loop3A_1688], %parallel_loop3A_1689 {add = true} : memref<864xf32, #tpu.memory_space<vmem>>[vector<16xi32>], vector<16xf32>,
        %parallel_loop3A_1690 = arith.constant 29 : i32
        %parallel_loop3A_1691 = vector.broadcast %parallel_loop3A_1690 : i32 to vector<16xi32>
        %parallel_loop3A_1692 = arith.addi %parallel_loop3A_701, %parallel_loop3A_1691 : vector<16xi32>
        %parallel_loop3A_1693 = arith.mulf %parallel_loop3A_658, %parallel_loop3A_1637 : vector<16xf32>
        tpu.vector_store_idx %arg23[%parallel_loop3A_1692], %parallel_loop3A_1693 {add = true} : memref<864xf32, #tpu.memory_space<vmem>>[vector<16xi32>], vector<16xf32>,
        %parallel_loop3A_1694 = arith.constant 13 : i32
        %parallel_loop3A_1695 = vector.broadcast %parallel_loop3A_1694 : i32 to vector<16xi32>
        %parallel_loop3A_1696 = arith.addi %parallel_loop3A_707, %parallel_loop3A_1695 : vector<16xi32>
        %parallel_loop3A_1697 = arith.mulf %parallel_loop3A_659, %parallel_loop3A_1636 : vector<16xf32>
        tpu.vector_store_idx %arg23[%parallel_loop3A_1696], %parallel_loop3A_1697 {add = true} : memref<864xf32, #tpu.memory_space<vmem>>[vector<16xi32>], vector<16xf32>,
        %parallel_loop3A_1698 = arith.constant 29 : i32
        %parallel_loop3A_1699 = vector.broadcast %parallel_loop3A_1698 : i32 to vector<16xi32>
        %parallel_loop3A_1700 = arith.addi %parallel_loop3A_707, %parallel_loop3A_1699 : vector<16xi32>
        %parallel_loop3A_1701 = arith.mulf %parallel_loop3A_659, %parallel_loop3A_1637 : vector<16xf32>
        tpu.vector_store_idx %arg23[%parallel_loop3A_1700], %parallel_loop3A_1701 {add = true} : memref<864xf32, #tpu.memory_space<vmem>>[vector<16xi32>], vector<16xf32>,
        %parallel_loop3A_1702 = arith.constant 14 : i32
        %parallel_loop3A_1703 = vector.broadcast %parallel_loop3A_1702 : i32 to vector<16xi32>
        %parallel_loop3A_1704 = arith.addi %parallel_loop3A_205, %parallel_loop3A_1703 : vector<16xi32>
        %parallel_loop3A_1705 = tpu.vector_load_idx %arg18[%parallel_loop3A_1704] : memref<65536xi32, #tpu.memory_space<vmem>>[vector<16xi32>], vector<16xi32>,
        %parallel_loop3A_1706 = vector.bitcast %parallel_loop3A_1705 : vector<16xi32> to vector<32xbf16>
        %parallel_loop3A_1707 = tpu.unpack_subelements %parallel_loop3A_1706, 0 {pack_format = #tpu.pack_format<interleaved>} : vector<32xbf16> -> vector<16xf32>
        %parallel_loop3A_1708 = tpu.unpack_subelements %parallel_loop3A_1706, 1 {pack_format = #tpu.pack_format<interleaved>} : vector<32xbf16> -> vector<16xf32>
        %parallel_loop3A_1709 = arith.constant 14 : i32
        %parallel_loop3A_1710 = vector.broadcast %parallel_loop3A_1709 : i32 to vector<16xi32>
        %parallel_loop3A_1711 = arith.addi %parallel_loop3A_665, %parallel_loop3A_1710 : vector<16xi32>
        %parallel_loop3A_1712 = arith.mulf %parallel_loop3A_652, %parallel_loop3A_1707 : vector<16xf32>
        tpu.vector_store_idx %arg23[%parallel_loop3A_1711], %parallel_loop3A_1712 {add = true} : memref<864xf32, #tpu.memory_space<vmem>>[vector<16xi32>], vector<16xf32>,
        %parallel_loop3A_1713 = arith.constant 30 : i32
        %parallel_loop3A_1714 = vector.broadcast %parallel_loop3A_1713 : i32 to vector<16xi32>
        %parallel_loop3A_1715 = arith.addi %parallel_loop3A_665, %parallel_loop3A_1714 : vector<16xi32>
        %parallel_loop3A_1716 = arith.mulf %parallel_loop3A_652, %parallel_loop3A_1708 : vector<16xf32>
        tpu.vector_store_idx %arg23[%parallel_loop3A_1715], %parallel_loop3A_1716 {add = true} : memref<864xf32, #tpu.memory_space<vmem>>[vector<16xi32>], vector<16xf32>,
        %parallel_loop3A_1717 = arith.constant 14 : i32
        %parallel_loop3A_1718 = vector.broadcast %parallel_loop3A_1717 : i32 to vector<16xi32>
        %parallel_loop3A_1719 = arith.addi %parallel_loop3A_671, %parallel_loop3A_1718 : vector<16xi32>
        %parallel_loop3A_1720 = arith.mulf %parallel_loop3A_653, %parallel_loop3A_1707 : vector<16xf32>
        tpu.vector_store_idx %arg23[%parallel_loop3A_1719], %parallel_loop3A_1720 {add = true} : memref<864xf32, #tpu.memory_space<vmem>>[vector<16xi32>], vector<16xf32>,
        %parallel_loop3A_1721 = arith.constant 30 : i32
        %parallel_loop3A_1722 = vector.broadcast %parallel_loop3A_1721 : i32 to vector<16xi32>
        %parallel_loop3A_1723 = arith.addi %parallel_loop3A_671, %parallel_loop3A_1722 : vector<16xi32>
        %parallel_loop3A_1724 = arith.mulf %parallel_loop3A_653, %parallel_loop3A_1708 : vector<16xf32>
        tpu.vector_store_idx %arg23[%parallel_loop3A_1723], %parallel_loop3A_1724 {add = true} : memref<864xf32, #tpu.memory_space<vmem>>[vector<16xi32>], vector<16xf32>,
        %parallel_loop3A_1725 = arith.constant 14 : i32
        %parallel_loop3A_1726 = vector.broadcast %parallel_loop3A_1725 : i32 to vector<16xi32>
        %parallel_loop3A_1727 = arith.addi %parallel_loop3A_677, %parallel_loop3A_1726 : vector<16xi32>
        %parallel_loop3A_1728 = arith.mulf %parallel_loop3A_654, %parallel_loop3A_1707 : vector<16xf32>
        tpu.vector_store_idx %arg23[%parallel_loop3A_1727], %parallel_loop3A_1728 {add = true} : memref<864xf32, #tpu.memory_space<vmem>>[vector<16xi32>], vector<16xf32>,
        %parallel_loop3A_1729 = arith.constant 30 : i32
        %parallel_loop3A_1730 = vector.broadcast %parallel_loop3A_1729 : i32 to vector<16xi32>
        %parallel_loop3A_1731 = arith.addi %parallel_loop3A_677, %parallel_loop3A_1730 : vector<16xi32>
        %parallel_loop3A_1732 = arith.mulf %parallel_loop3A_654, %parallel_loop3A_1708 : vector<16xf32>
        tpu.vector_store_idx %arg23[%parallel_loop3A_1731], %parallel_loop3A_1732 {add = true} : memref<864xf32, #tpu.memory_space<vmem>>[vector<16xi32>], vector<16xf32>,
        %parallel_loop3A_1733 = arith.constant 14 : i32
        %parallel_loop3A_1734 = vector.broadcast %parallel_loop3A_1733 : i32 to vector<16xi32>
        %parallel_loop3A_1735 = arith.addi %parallel_loop3A_683, %parallel_loop3A_1734 : vector<16xi32>
        %parallel_loop3A_1736 = arith.mulf %parallel_loop3A_655, %parallel_loop3A_1707 : vector<16xf32>
        tpu.vector_store_idx %arg23[%parallel_loop3A_1735], %parallel_loop3A_1736 {add = true} : memref<864xf32, #tpu.memory_space<vmem>>[vector<16xi32>], vector<16xf32>,
        %parallel_loop3A_1737 = arith.constant 30 : i32
        %parallel_loop3A_1738 = vector.broadcast %parallel_loop3A_1737 : i32 to vector<16xi32>
        %parallel_loop3A_1739 = arith.addi %parallel_loop3A_683, %parallel_loop3A_1738 : vector<16xi32>
        %parallel_loop3A_1740 = arith.mulf %parallel_loop3A_655, %parallel_loop3A_1708 : vector<16xf32>
        tpu.vector_store_idx %arg23[%parallel_loop3A_1739], %parallel_loop3A_1740 {add = true} : memref<864xf32, #tpu.memory_space<vmem>>[vector<16xi32>], vector<16xf32>,
        %parallel_loop3A_1741 = arith.constant 14 : i32
        %parallel_loop3A_1742 = vector.broadcast %parallel_loop3A_1741 : i32 to vector<16xi32>
        %parallel_loop3A_1743 = arith.addi %parallel_loop3A_689, %parallel_loop3A_1742 : vector<16xi32>
        %parallel_loop3A_1744 = arith.mulf %parallel_loop3A_656, %parallel_loop3A_1707 : vector<16xf32>
        tpu.vector_store_idx %arg23[%parallel_loop3A_1743], %parallel_loop3A_1744 {add = true} : memref<864xf32, #tpu.memory_space<vmem>>[vector<16xi32>], vector<16xf32>,
        %parallel_loop3A_1745 = arith.constant 30 : i32
        %parallel_loop3A_1746 = vector.broadcast %parallel_loop3A_1745 : i32 to vector<16xi32>
        %parallel_loop3A_1747 = arith.addi %parallel_loop3A_689, %parallel_loop3A_1746 : vector<16xi32>
        %parallel_loop3A_1748 = arith.mulf %parallel_loop3A_656, %parallel_loop3A_1708 : vector<16xf32>
        tpu.vector_store_idx %arg23[%parallel_loop3A_1747], %parallel_loop3A_1748 {add = true} : memref<864xf32, #tpu.memory_space<vmem>>[vector<16xi32>], vector<16xf32>,
        %parallel_loop3A_1749 = arith.constant 14 : i32
        %parallel_loop3A_1750 = vector.broadcast %parallel_loop3A_1749 : i32 to vector<16xi32>
        %parallel_loop3A_1751 = arith.addi %parallel_loop3A_695, %parallel_loop3A_1750 : vector<16xi32>
        %parallel_loop3A_1752 = arith.mulf %parallel_loop3A_657, %parallel_loop3A_1707 : vector<16xf32>
        tpu.vector_store_idx %arg23[%parallel_loop3A_1751], %parallel_loop3A_1752 {add = true} : memref<864xf32, #tpu.memory_space<vmem>>[vector<16xi32>], vector<16xf32>,
        %parallel_loop3A_1753 = arith.constant 30 : i32
        %parallel_loop3A_1754 = vector.broadcast %parallel_loop3A_1753 : i32 to vector<16xi32>
        %parallel_loop3A_1755 = arith.addi %parallel_loop3A_695, %parallel_loop3A_1754 : vector<16xi32>
        %parallel_loop3A_1756 = arith.mulf %parallel_loop3A_657, %parallel_loop3A_1708 : vector<16xf32>
        tpu.vector_store_idx %arg23[%parallel_loop3A_1755], %parallel_loop3A_1756 {add = true} : memref<864xf32, #tpu.memory_space<vmem>>[vector<16xi32>], vector<16xf32>,
        %parallel_loop3A_1757 = arith.constant 14 : i32
        %parallel_loop3A_1758 = vector.broadcast %parallel_loop3A_1757 : i32 to vector<16xi32>
        %parallel_loop3A_1759 = arith.addi %parallel_loop3A_701, %parallel_loop3A_1758 : vector<16xi32>
        %parallel_loop3A_1760 = arith.mulf %parallel_loop3A_658, %parallel_loop3A_1707 : vector<16xf32>
        tpu.vector_store_idx %arg23[%parallel_loop3A_1759], %parallel_loop3A_1760 {add = true} : memref<864xf32, #tpu.memory_space<vmem>>[vector<16xi32>], vector<16xf32>,
        %parallel_loop3A_1761 = arith.constant 30 : i32
        %parallel_loop3A_1762 = vector.broadcast %parallel_loop3A_1761 : i32 to vector<16xi32>
        %parallel_loop3A_1763 = arith.addi %parallel_loop3A_701, %parallel_loop3A_1762 : vector<16xi32>
        %parallel_loop3A_1764 = arith.mulf %parallel_loop3A_658, %parallel_loop3A_1708 : vector<16xf32>
        tpu.vector_store_idx %arg23[%parallel_loop3A_1763], %parallel_loop3A_1764 {add = true} : memref<864xf32, #tpu.memory_space<vmem>>[vector<16xi32>], vector<16xf32>,
        %parallel_loop3A_1765 = arith.constant 14 : i32
        %parallel_loop3A_1766 = vector.broadcast %parallel_loop3A_1765 : i32 to vector<16xi32>
        %parallel_loop3A_1767 = arith.addi %parallel_loop3A_707, %parallel_loop3A_1766 : vector<16xi32>
        %parallel_loop3A_1768 = arith.mulf %parallel_loop3A_659, %parallel_loop3A_1707 : vector<16xf32>
        tpu.vector_store_idx %arg23[%parallel_loop3A_1767], %parallel_loop3A_1768 {add = true} : memref<864xf32, #tpu.memory_space<vmem>>[vector<16xi32>], vector<16xf32>,
        %parallel_loop3A_1769 = arith.constant 30 : i32
        %parallel_loop3A_1770 = vector.broadcast %parallel_loop3A_1769 : i32 to vector<16xi32>
        %parallel_loop3A_1771 = arith.addi %parallel_loop3A_707, %parallel_loop3A_1770 : vector<16xi32>
        %parallel_loop3A_1772 = arith.mulf %parallel_loop3A_659, %parallel_loop3A_1708 : vector<16xf32>
        tpu.vector_store_idx %arg23[%parallel_loop3A_1771], %parallel_loop3A_1772 {add = true} : memref<864xf32, #tpu.memory_space<vmem>>[vector<16xi32>], vector<16xf32>,
        %parallel_loop3A_1773 = arith.constant 15 : i32
        %parallel_loop3A_1774 = vector.broadcast %parallel_loop3A_1773 : i32 to vector<16xi32>
        %parallel_loop3A_1775 = arith.addi %parallel_loop3A_205, %parallel_loop3A_1774 : vector<16xi32>
        %parallel_loop3A_1776 = tpu.vector_load_idx %arg18[%parallel_loop3A_1775] : memref<65536xi32, #tpu.memory_space<vmem>>[vector<16xi32>], vector<16xi32>,
        %parallel_loop3A_1777 = vector.bitcast %parallel_loop3A_1776 : vector<16xi32> to vector<32xbf16>
        %parallel_loop3A_1778 = tpu.unpack_subelements %parallel_loop3A_1777, 0 {pack_format = #tpu.pack_format<interleaved>} : vector<32xbf16> -> vector<16xf32>
        %parallel_loop3A_1779 = tpu.unpack_subelements %parallel_loop3A_1777, 1 {pack_format = #tpu.pack_format<interleaved>} : vector<32xbf16> -> vector<16xf32>
        %parallel_loop3A_1780 = arith.constant 15 : i32
        %parallel_loop3A_1781 = vector.broadcast %parallel_loop3A_1780 : i32 to vector<16xi32>
        %parallel_loop3A_1782 = arith.addi %parallel_loop3A_665, %parallel_loop3A_1781 : vector<16xi32>
        %parallel_loop3A_1783 = arith.mulf %parallel_loop3A_652, %parallel_loop3A_1778 : vector<16xf32>
        tpu.vector_store_idx %arg23[%parallel_loop3A_1782], %parallel_loop3A_1783 {add = true} : memref<864xf32, #tpu.memory_space<vmem>>[vector<16xi32>], vector<16xf32>,
        %parallel_loop3A_1784 = arith.constant 31 : i32
        %parallel_loop3A_1785 = vector.broadcast %parallel_loop3A_1784 : i32 to vector<16xi32>
        %parallel_loop3A_1786 = arith.addi %parallel_loop3A_665, %parallel_loop3A_1785 : vector<16xi32>
        %parallel_loop3A_1787 = arith.mulf %parallel_loop3A_652, %parallel_loop3A_1779 : vector<16xf32>
        tpu.vector_store_idx %arg23[%parallel_loop3A_1786], %parallel_loop3A_1787 {add = true} : memref<864xf32, #tpu.memory_space<vmem>>[vector<16xi32>], vector<16xf32>,
        %parallel_loop3A_1788 = arith.constant 15 : i32
        %parallel_loop3A_1789 = vector.broadcast %parallel_loop3A_1788 : i32 to vector<16xi32>
        %parallel_loop3A_1790 = arith.addi %parallel_loop3A_671, %parallel_loop3A_1789 : vector<16xi32>
        %parallel_loop3A_1791 = arith.mulf %parallel_loop3A_653, %parallel_loop3A_1778 : vector<16xf32>
        tpu.vector_store_idx %arg23[%parallel_loop3A_1790], %parallel_loop3A_1791 {add = true} : memref<864xf32, #tpu.memory_space<vmem>>[vector<16xi32>], vector<16xf32>,
        %parallel_loop3A_1792 = arith.constant 31 : i32
        %parallel_loop3A_1793 = vector.broadcast %parallel_loop3A_1792 : i32 to vector<16xi32>
        %parallel_loop3A_1794 = arith.addi %parallel_loop3A_671, %parallel_loop3A_1793 : vector<16xi32>
        %parallel_loop3A_1795 = arith.mulf %parallel_loop3A_653, %parallel_loop3A_1779 : vector<16xf32>
        tpu.vector_store_idx %arg23[%parallel_loop3A_1794], %parallel_loop3A_1795 {add = true} : memref<864xf32, #tpu.memory_space<vmem>>[vector<16xi32>], vector<16xf32>,
        %parallel_loop3A_1796 = arith.constant 15 : i32
        %parallel_loop3A_1797 = vector.broadcast %parallel_loop3A_1796 : i32 to vector<16xi32>
        %parallel_loop3A_1798 = arith.addi %parallel_loop3A_677, %parallel_loop3A_1797 : vector<16xi32>
        %parallel_loop3A_1799 = arith.mulf %parallel_loop3A_654, %parallel_loop3A_1778 : vector<16xf32>
        tpu.vector_store_idx %arg23[%parallel_loop3A_1798], %parallel_loop3A_1799 {add = true} : memref<864xf32, #tpu.memory_space<vmem>>[vector<16xi32>], vector<16xf32>,
        %parallel_loop3A_1800 = arith.constant 31 : i32
        %parallel_loop3A_1801 = vector.broadcast %parallel_loop3A_1800 : i32 to vector<16xi32>
        %parallel_loop3A_1802 = arith.addi %parallel_loop3A_677, %parallel_loop3A_1801 : vector<16xi32>
        %parallel_loop3A_1803 = arith.mulf %parallel_loop3A_654, %parallel_loop3A_1779 : vector<16xf32>
        tpu.vector_store_idx %arg23[%parallel_loop3A_1802], %parallel_loop3A_1803 {add = true} : memref<864xf32, #tpu.memory_space<vmem>>[vector<16xi32>], vector<16xf32>,
        %parallel_loop3A_1804 = arith.constant 15 : i32
        %parallel_loop3A_1805 = vector.broadcast %parallel_loop3A_1804 : i32 to vector<16xi32>
        %parallel_loop3A_1806 = arith.addi %parallel_loop3A_683, %parallel_loop3A_1805 : vector<16xi32>
        %parallel_loop3A_1807 = arith.mulf %parallel_loop3A_655, %parallel_loop3A_1778 : vector<16xf32>
        tpu.vector_store_idx %arg23[%parallel_loop3A_1806], %parallel_loop3A_1807 {add = true} : memref<864xf32, #tpu.memory_space<vmem>>[vector<16xi32>], vector<16xf32>,
        %parallel_loop3A_1808 = arith.constant 31 : i32
        %parallel_loop3A_1809 = vector.broadcast %parallel_loop3A_1808 : i32 to vector<16xi32>
        %parallel_loop3A_1810 = arith.addi %parallel_loop3A_683, %parallel_loop3A_1809 : vector<16xi32>
        %parallel_loop3A_1811 = arith.mulf %parallel_loop3A_655, %parallel_loop3A_1779 : vector<16xf32>
        tpu.vector_store_idx %arg23[%parallel_loop3A_1810], %parallel_loop3A_1811 {add = true} : memref<864xf32, #tpu.memory_space<vmem>>[vector<16xi32>], vector<16xf32>,
        %parallel_loop3A_1812 = arith.constant 15 : i32
        %parallel_loop3A_1813 = vector.broadcast %parallel_loop3A_1812 : i32 to vector<16xi32>
        %parallel_loop3A_1814 = arith.addi %parallel_loop3A_689, %parallel_loop3A_1813 : vector<16xi32>
        %parallel_loop3A_1815 = arith.mulf %parallel_loop3A_656, %parallel_loop3A_1778 : vector<16xf32>
        tpu.vector_store_idx %arg23[%parallel_loop3A_1814], %parallel_loop3A_1815 {add = true} : memref<864xf32, #tpu.memory_space<vmem>>[vector<16xi32>], vector<16xf32>,
        %parallel_loop3A_1816 = arith.constant 31 : i32
        %parallel_loop3A_1817 = vector.broadcast %parallel_loop3A_1816 : i32 to vector<16xi32>
        %parallel_loop3A_1818 = arith.addi %parallel_loop3A_689, %parallel_loop3A_1817 : vector<16xi32>
        %parallel_loop3A_1819 = arith.mulf %parallel_loop3A_656, %parallel_loop3A_1779 : vector<16xf32>
        tpu.vector_store_idx %arg23[%parallel_loop3A_1818], %parallel_loop3A_1819 {add = true} : memref<864xf32, #tpu.memory_space<vmem>>[vector<16xi32>], vector<16xf32>,
        %parallel_loop3A_1820 = arith.constant 15 : i32
        %parallel_loop3A_1821 = vector.broadcast %parallel_loop3A_1820 : i32 to vector<16xi32>
        %parallel_loop3A_1822 = arith.addi %parallel_loop3A_695, %parallel_loop3A_1821 : vector<16xi32>
        %parallel_loop3A_1823 = arith.mulf %parallel_loop3A_657, %parallel_loop3A_1778 : vector<16xf32>
        tpu.vector_store_idx %arg23[%parallel_loop3A_1822], %parallel_loop3A_1823 {add = true} : memref<864xf32, #tpu.memory_space<vmem>>[vector<16xi32>], vector<16xf32>,
        %parallel_loop3A_1824 = arith.constant 31 : i32
        %parallel_loop3A_1825 = vector.broadcast %parallel_loop3A_1824 : i32 to vector<16xi32>
        %parallel_loop3A_1826 = arith.addi %parallel_loop3A_695, %parallel_loop3A_1825 : vector<16xi32>
        %parallel_loop3A_1827 = arith.mulf %parallel_loop3A_657, %parallel_loop3A_1779 : vector<16xf32>
        tpu.vector_store_idx %arg23[%parallel_loop3A_1826], %parallel_loop3A_1827 {add = true} : memref<864xf32, #tpu.memory_space<vmem>>[vector<16xi32>], vector<16xf32>,
        %parallel_loop3A_1828 = arith.constant 15 : i32
        %parallel_loop3A_1829 = vector.broadcast %parallel_loop3A_1828 : i32 to vector<16xi32>
        %parallel_loop3A_1830 = arith.addi %parallel_loop3A_701, %parallel_loop3A_1829 : vector<16xi32>
        %parallel_loop3A_1831 = arith.mulf %parallel_loop3A_658, %parallel_loop3A_1778 : vector<16xf32>
        tpu.vector_store_idx %arg23[%parallel_loop3A_1830], %parallel_loop3A_1831 {add = true} : memref<864xf32, #tpu.memory_space<vmem>>[vector<16xi32>], vector<16xf32>,
        %parallel_loop3A_1832 = arith.constant 31 : i32
        %parallel_loop3A_1833 = vector.broadcast %parallel_loop3A_1832 : i32 to vector<16xi32>
        %parallel_loop3A_1834 = arith.addi %parallel_loop3A_701, %parallel_loop3A_1833 : vector<16xi32>
        %parallel_loop3A_1835 = arith.mulf %parallel_loop3A_658, %parallel_loop3A_1779 : vector<16xf32>
        tpu.vector_store_idx %arg23[%parallel_loop3A_1834], %parallel_loop3A_1835 {add = true} : memref<864xf32, #tpu.memory_space<vmem>>[vector<16xi32>], vector<16xf32>,
        %parallel_loop3A_1836 = arith.constant 15 : i32
        %parallel_loop3A_1837 = vector.broadcast %parallel_loop3A_1836 : i32 to vector<16xi32>
        %parallel_loop3A_1838 = arith.addi %parallel_loop3A_707, %parallel_loop3A_1837 : vector<16xi32>
        %parallel_loop3A_1839 = arith.mulf %parallel_loop3A_659, %parallel_loop3A_1778 : vector<16xf32>
        tpu.vector_store_idx %arg23[%parallel_loop3A_1838], %parallel_loop3A_1839 {add = true} : memref<864xf32, #tpu.memory_space<vmem>>[vector<16xi32>], vector<16xf32>,
        %parallel_loop3A_1840 = arith.constant 31 : i32
        %parallel_loop3A_1841 = vector.broadcast %parallel_loop3A_1840 : i32 to vector<16xi32>
        %parallel_loop3A_1842 = arith.addi %parallel_loop3A_707, %parallel_loop3A_1841 : vector<16xi32>
        %parallel_loop3A_1843 = arith.mulf %parallel_loop3A_659, %parallel_loop3A_1779 : vector<16xf32>
        tpu.vector_store_idx %arg23[%parallel_loop3A_1842], %parallel_loop3A_1843 {add = true} : memref<864xf32, #tpu.memory_space<vmem>>[vector<16xi32>], vector<16xf32>,
      } {sc.loop_unroll_factor = 1 : i64, sc.parallel_access}
      %add3A_192 = arith.addi %mul3A_3, %scan3A_59 : i32
      "tpu.region"() ({
        %run_scoped3A = tpu.sem_alloc : memref<!tpu.dma_semaphore, #tpu.memory_space<semaphore_mem>>
        %dma_start3A = arith.constant 0 : i32
        %dma_start3A_197 = tpu.memref_slice %arg10[%add3A_192, %dma_start3A] : memref<512x864xf32, #tpu.memory_space<hbm>> -> memref<1x864xf32, #tpu.memory_space<hbm>>
        %dma_start3A_198 = tpu.memref_squeeze %dma_start3A_197 : memref<1x864xf32, #tpu.memory_space<hbm>> -> memref<864xf32, #tpu.memory_space<hbm>>
        %dma_start3A_199 = arith.constant 0 : i32
        %dma_start3A_200 = tpu.memref_slice %arg10[%add3A_192, %dma_start3A_199] : memref<512x864xf32, #tpu.memory_space<hbm>> -> memref<1x864xf32, #tpu.memory_space<hbm>>
        %dma_start3A_201 = tpu.memref_squeeze %dma_start3A_200 : memref<1x864xf32, #tpu.memory_space<hbm>> -> memref<864xf32, #tpu.memory_space<hbm>>
        tpu.enqueue_dma source(%arg23 : memref<864xf32, #tpu.memory_space<vmem>>) target(%dma_start3A_201 : memref<864xf32, #tpu.memory_space<hbm>>) target_semaphore(%run_scoped3A : memref<!tpu.dma_semaphore, #tpu.memory_space<semaphore_mem>>)
        %dma_wait3A = arith.constant 0 : i32
        %dma_wait3A_202 = tpu.memref_slice %arg10[%add3A_192, %dma_wait3A] : memref<512x864xf32, #tpu.memory_space<hbm>> -> memref<1x864xf32, #tpu.memory_space<hbm>>
        %dma_wait3A_203 = tpu.memref_squeeze %dma_wait3A_202 : memref<1x864xf32, #tpu.memory_space<hbm>> -> memref<864xf32, #tpu.memory_space<hbm>>
        %dma_wait3A_204 = arith.constant 0 : i32
        %dma_wait3A_205 = tpu.memref_slice %arg10[%add3A_192, %dma_wait3A_204] : memref<512x864xf32, #tpu.memory_space<hbm>> -> memref<1x864xf32, #tpu.memory_space<hbm>>
        %dma_wait3A_206 = tpu.memref_squeeze %dma_wait3A_205 : memref<1x864xf32, #tpu.memory_space<hbm>> -> memref<864xf32, #tpu.memory_space<hbm>>
        tpu.wait_dma2 semaphore(%run_scoped3A : memref<!tpu.dma_semaphore, #tpu.memory_space<semaphore_mem>>) src(%arg23 : memref<864xf32, #tpu.memory_space<vmem>>) dst(%dma_wait3A_206 : memref<864xf32, #tpu.memory_space<hbm>>)
        tpu.yield
      }) : () -> ()
      %convert_element_type3A_193 = arith.sitofp %reduce_max3A_77 : i32 to f32
      %broadcast_in_dim3A_194 = vector.broadcast %convert_element_type3A_193 : f32 to vector<16xf32>
      %eq3A = arith.constant 0 : i32
      %eq3A_195 = vector.broadcast %eq3A : i32 to vector<16xi32>
      %eq3A_196 = arith.cmpi eq, %iota3A, %eq3A_195 : vector<16xi32>
      tpu.vector_store_idx %arg24[%broadcast_in_dim3A_60], %broadcast_in_dim3A_194 masked %eq3A_196 : memref<16xf32, #tpu.memory_space<vmem>>[vector<16xi32>], vector<16xf32>, vector<16xi1>
    }
    %scan3A_58 = arith.constant 16 : i32
    "tpu.region"() ({
      %run_scoped3A = tpu.sem_alloc : memref<!tpu.dma_semaphore, #tpu.memory_space<semaphore_mem>>
      %dma_start3A = tpu.memref_slice %arg11[%mul3A_3] : memref<512xf32, #tpu.memory_space<hbm>> -> memref<16xf32, #tpu.memory_space<hbm>>
      %dma_start3A_59 = tpu.memref_slice %arg11[%mul3A_3] : memref<512xf32, #tpu.memory_space<hbm>> -> memref<16xf32, #tpu.memory_space<hbm>>
      tpu.enqueue_dma source(%arg24 : memref<16xf32, #tpu.memory_space<vmem>>) target(%dma_start3A_59 : memref<16xf32, #tpu.memory_space<hbm>>) target_semaphore(%run_scoped3A : memref<!tpu.dma_semaphore, #tpu.memory_space<semaphore_mem>>)
      %dma_wait3A = tpu.memref_slice %arg11[%mul3A_3] : memref<512xf32, #tpu.memory_space<hbm>> -> memref<16xf32, #tpu.memory_space<hbm>>
      %dma_wait3A_60 = tpu.memref_slice %arg11[%mul3A_3] : memref<512xf32, #tpu.memory_space<hbm>> -> memref<16xf32, #tpu.memory_space<hbm>>
      tpu.wait_dma2 semaphore(%run_scoped3A : memref<!tpu.dma_semaphore, #tpu.memory_space<semaphore_mem>>) src(%arg24 : memref<16xf32, #tpu.memory_space<vmem>>) dst(%dma_wait3A_60 : memref<16xf32, #tpu.memory_space<hbm>>)
      tpu.yield
    }) : () -> ()
    return
  }
}

module attributes {stable_mosaic.version = 14 : i64} {
  func.func @_dense_body(%arg0: i32, %arg1: i32, %arg2: memref<1x256x1xf32, #tpu.memory_space<vmem>>, %arg3: memref<1x256x1xf32, #tpu.memory_space<vmem>>, %arg4: memref<1x256x1xf32, #tpu.memory_space<vmem>>, %arg5: memref<1x1x4096xf32, #tpu.memory_space<vmem>>, %arg6: memref<1x1x4096xf32, #tpu.memory_space<vmem>>, %arg7: memref<1x1x4096xf32, #tpu.memory_space<vmem>>, %arg8: memref<1x4096x32xf32, #tpu.memory_space<vmem>>, %arg9: memref<864x32xf32, #tpu.memory_space<vmem>>, %arg10: memref<1x256x32xf32, #tpu.memory_space<vmem>>) attributes {dimension_semantics = [#tpu.dimension_semantics<arbitrary>, #tpu.dimension_semantics<arbitrary>], iteration_bounds = array<i64: 2, 3>, scalar_prefetch = 0 : i64, scratch_operands = 0 : i64, tpu.core_type = #tpu.core_type<tc>, window_params = [{transform_indices = @transform_0, window_bounds = array<i64: 1, 256, 1>}, {transform_indices = @transform_1, window_bounds = array<i64: 1, 256, 1>}, {transform_indices = @transform_2, window_bounds = array<i64: 1, 256, 1>}, {pipeline_mode = #tpu.pipeline_mode<synchronous>, transform_indices = @transform_3, window_bounds = array<i64: 1, 1, 4096>}, {pipeline_mode = #tpu.pipeline_mode<synchronous>, transform_indices = @transform_4, window_bounds = array<i64: 1, 1, 4096>}, {pipeline_mode = #tpu.pipeline_mode<synchronous>, transform_indices = @transform_5, window_bounds = array<i64: 1, 1, 4096>}, {transform_indices = @transform_6, window_bounds = array<i64: 1, 4096, 32>}, {pipeline_mode = #tpu.pipeline_mode<synchronous>, transform_indices = @transform_7, window_bounds = array<i64: 864, 32>}, {transform_indices = @transform_8, window_bounds = array<i64: 1, 256, 32>}]} {
    %get3A = arith.constant 0 : index
    %get3A_0 = arith.constant 0 : index
    %get3A_1 = arith.constant 0 : index
    %get3A_2 = vector.load %arg2[%get3A, %get3A_0, %get3A_1] : memref<1x256x1xf32, #tpu.memory_space<vmem>>, vector<1x256x1xf32>
    %get3A_3 = vector.shape_cast %get3A_2 : vector<1x256x1xf32> to vector<256x1xf32>
    %get3A_4 = arith.constant 0 : index
    %get3A_5 = arith.constant 0 : index
    %get3A_6 = arith.constant 0 : index
    %get3A_7 = vector.load %arg3[%get3A_4, %get3A_5, %get3A_6] : memref<1x256x1xf32, #tpu.memory_space<vmem>>, vector<1x256x1xf32>
    %get3A_8 = vector.shape_cast %get3A_7 : vector<1x256x1xf32> to vector<256x1xf32>
    %get3A_9 = arith.constant 0 : index
    %get3A_10 = arith.constant 0 : index
    %get3A_11 = arith.constant 0 : index
    %get3A_12 = vector.load %arg4[%get3A_9, %get3A_10, %get3A_11] : memref<1x256x1xf32, #tpu.memory_space<vmem>>, vector<1x256x1xf32>
    %get3A_13 = vector.shape_cast %get3A_12 : vector<1x256x1xf32> to vector<256x1xf32>
    %broadcast_in_dim3A = arith.constant 0.000000e+00 : f32
    %broadcast_in_dim3A_14 = vector.broadcast %broadcast_in_dim3A : f32 to vector<256x864xf32>
    %broadcast_in_dim3A_15 = arith.constant 0.000000e+00 : f32
    %broadcast_in_dim3A_16 = vector.broadcast %broadcast_in_dim3A_15 : f32 to vector<256x1xf32>
    %scan3A = arith.constant 0 : i32
    %scan3A_17 = arith.constant 4 : i32
    %scan3A_18 = arith.addi %scan3A, %scan3A_17 : i32
    %scan3A_19 = arith.constant 1 : i32
    %scan3A_20:2 = scf.for %scan3A_34 = %scan3A to %scan3A_18 step %scan3A_19 iter_args(%scan3A_35 = %broadcast_in_dim3A_14, %scan3A_36 = %broadcast_in_dim3A_16) -> (vector<256x864xf32>, vector<256x1xf32>)  : i32 {
      %mul3A = arith.constant 1024 : i32
      %mul3A_37 = arith.muli %scan3A_34, %mul3A : i32
      %get3A_38 = arith.constant 0 : index
      %get3A_39 = arith.constant 0 : index
      %get3A_40 = arith.index_cast %mul3A_37 : i32 to index
      %get3A_41 = vector.load %arg5[%get3A_38, %get3A_39, %get3A_40] : memref<1x1x4096xf32, #tpu.memory_space<vmem>>, vector<1x1x1024xf32>
      %get3A_42 = vector.shape_cast %get3A_41 : vector<1x1x1024xf32> to vector<1x1024xf32>
      %get3A_43 = arith.constant 0 : index
      %get3A_44 = arith.constant 0 : index
      %get3A_45 = arith.index_cast %mul3A_37 : i32 to index
      %get3A_46 = vector.load %arg6[%get3A_43, %get3A_44, %get3A_45] : memref<1x1x4096xf32, #tpu.memory_space<vmem>>, vector<1x1x1024xf32>
      %get3A_47 = vector.shape_cast %get3A_46 : vector<1x1x1024xf32> to vector<1x1024xf32>
      %get3A_48 = arith.constant 0 : index
      %get3A_49 = arith.constant 0 : index
      %get3A_50 = arith.index_cast %mul3A_37 : i32 to index
      %get3A_51 = vector.load %arg7[%get3A_48, %get3A_49, %get3A_50] : memref<1x1x4096xf32, #tpu.memory_space<vmem>>, vector<1x1x1024xf32>
      %get3A_52 = vector.shape_cast %get3A_51 : vector<1x1x1024xf32> to vector<1x1024xf32>
      %get3A_53 = arith.constant 0 : index
      %get3A_54 = arith.index_cast %mul3A_37 : i32 to index
      %get3A_55 = arith.constant 0 : index
      %get3A_56 = vector.load %arg8[%get3A_53, %get3A_54, %get3A_55] : memref<1x4096x32xf32, #tpu.memory_space<vmem>>, vector<1x1024x32xf32>
      %get3A_57 = vector.shape_cast %get3A_56 : vector<1x1024x32xf32> to vector<1024x32xf32>
      %sub3A = vector.broadcast %get3A_42 : vector<1x1024xf32> to vector<256x1024xf32>
      %sub3A_58 = vector.broadcast %get3A_3 : vector<256x1xf32> to vector<256x1024xf32>
      %sub3A_59 = arith.subf %sub3A, %sub3A_58 : vector<256x1024xf32>
      %sub3A_60 = vector.broadcast %get3A_47 : vector<1x1024xf32> to vector<256x1024xf32>
      %sub3A_61 = vector.broadcast %get3A_8 : vector<256x1xf32> to vector<256x1024xf32>
      %sub3A_62 = arith.subf %sub3A_60, %sub3A_61 : vector<256x1024xf32>
      %sub3A_63 = vector.broadcast %get3A_52 : vector<1x1024xf32> to vector<256x1024xf32>
      %sub3A_64 = vector.broadcast %get3A_13 : vector<256x1xf32> to vector<256x1024xf32>
      %sub3A_65 = arith.subf %sub3A_63, %sub3A_64 : vector<256x1024xf32>
      %mul3A_66 = arith.mulf %sub3A_59, %sub3A_59 : vector<256x1024xf32>
      %mul3A_67 = arith.mulf %sub3A_62, %sub3A_62 : vector<256x1024xf32>
      %add3A = arith.addf %mul3A_66, %mul3A_67 : vector<256x1024xf32>
      %mul3A_68 = arith.mulf %sub3A_65, %sub3A_65 : vector<256x1024xf32>
      %add3A_69 = arith.addf %add3A, %mul3A_68 : vector<256x1024xf32>
      %le3A = arith.constant 1.000000e+00 : f32
      %le3A_70 = vector.broadcast %le3A : f32 to vector<256x1024xf32>
      %le3A_71 = arith.cmpf ole, %add3A_69, %le3A_70 : vector<256x1024xf32>
      %convert_element_type3A = arith.extui %le3A_71 : vector<256x1024xi1> to vector<256x1024xi32>
      %convert_element_type3A_72 = arith.sitofp %convert_element_type3A : vector<256x1024xi32> to vector<256x1024xf32>
      %mul3A_73 = arith.mulf %sub3A_59, %sub3A_59 : vector<256x1024xf32>
      %mul3A_74 = arith.mulf %sub3A_62, %sub3A_62 : vector<256x1024xf32>
      %add3A_75 = arith.addf %mul3A_73, %mul3A_74 : vector<256x1024xf32>
      %mul3A_76 = arith.mulf %sub3A_65, %sub3A_65 : vector<256x1024xf32>
      %add3A_77 = arith.addf %add3A_75, %mul3A_76 : vector<256x1024xf32>
      %lt3A = arith.constant 9.99999996E-13 : f32
      %lt3A_78 = vector.broadcast %lt3A : f32 to vector<256x1024xf32>
      %lt3A_79 = arith.cmpf olt, %add3A_77, %lt3A_78 : vector<256x1024xf32>
      %jit3A = arith.constant 1.000000e+00 : f32
      %broadcast_in_dim3A_80 = vector.broadcast %jit3A : f32 to vector<256x1024xf32>
      %select_n3A = arith.select %lt3A_79, %broadcast_in_dim3A_80, %add3A_77 : vector<256x1024xi1>, vector<256x1024xf32>
      %sqrt3A = math.sqrt %select_n3A : vector<256x1024xf32>
      %mul3A_81 = arith.mulf %sub3A_59, %sub3A_59 : vector<256x1024xf32>
      %mul3A_82 = arith.mulf %sub3A_62, %sub3A_62 : vector<256x1024xf32>
      %add3A_83 = arith.addf %mul3A_81, %mul3A_82 : vector<256x1024xf32>
      %mul3A_84 = arith.constant 1.250000e+00 : f32
      %mul3A_85 = vector.broadcast %mul3A_84 : f32 to vector<256x1024xf32>
      %mul3A_86 = arith.mulf %mul3A_85, %sub3A_65 : vector<256x1024xf32>
      %mul3A_87 = arith.mulf %mul3A_86, %sub3A_65 : vector<256x1024xf32>
      %gt3A = arith.cmpf ogt, %mul3A_87, %add3A_83 : vector<256x1024xf32>
      %abs3A = math.absf %sub3A_65 : vector<256x1024xf32>
      %add3A_88 = arith.addf %sqrt3A, %abs3A : vector<256x1024xf32>
      %mul3A_89 = arith.constant 3.000000e+00 : f32
      %mul3A_90 = vector.broadcast %mul3A_89 : f32 to vector<256x1024xf32>
      %mul3A_91 = arith.mulf %mul3A_90, %sqrt3A : vector<256x1024xf32>
      %lt3A_92 = arith.constant 9.99999996E-13 : f32
      %lt3A_93 = vector.broadcast %lt3A_92 : f32 to vector<256x1024xf32>
      %lt3A_94 = arith.cmpf olt, %add3A_88, %lt3A_93 : vector<256x1024xf32>
      %jit3A_95 = arith.constant 1.000000e+00 : f32
      %broadcast_in_dim3A_96 = vector.broadcast %jit3A_95 : f32 to vector<256x1024xf32>
      %select_n3A_97 = arith.select %lt3A_94, %broadcast_in_dim3A_96, %add3A_88 : vector<256x1024xi1>, vector<256x1024xf32>
      %div3A_98 = arith.divf %mul3A_91, %select_n3A_97 : vector<256x1024xf32>
      %sqrt3A_99 = math.sqrt %div3A_98 : vector<256x1024xf32>
      %lt3A_100 = arith.constant 9.99999996E-13 : f32
      %lt3A_101 = vector.broadcast %lt3A_100 : f32 to vector<256x1024xf32>
      %lt3A_102 = arith.cmpf olt, %add3A_83, %lt3A_101 : vector<256x1024xf32>
      %jit3A_103 = arith.constant 1.000000e+00 : f32
      %broadcast_in_dim3A_104 = vector.broadcast %jit3A_103 : f32 to vector<256x1024xf32>
      %select_n3A_105 = arith.select %lt3A_102, %broadcast_in_dim3A_104, %add3A_83 : vector<256x1024xi1>, vector<256x1024xf32>
      %sqrt3A_106 = math.sqrt %select_n3A_105 : vector<256x1024xf32>
      %div3A_107 = arith.constant 1.000000e+00 : f32
      %div3A_108 = vector.broadcast %div3A_107 : f32 to vector<256x1024xf32>
      %div3A_109 = arith.divf %div3A_108, %sqrt3A_106 : vector<256x1024xf32>
      %mul3A_110 = arith.mulf %sqrt3A, %div3A_109 : vector<256x1024xf32>
      %mul3A_111 = arith.mulf %sub3A_59, %sqrt3A_99 : vector<256x1024xf32>
      %mul3A_112 = arith.mulf %sub3A_59, %mul3A_110 : vector<256x1024xf32>
      %select_n3A_113 = arith.select %gt3A, %mul3A_111, %mul3A_112 : vector<256x1024xi1>, vector<256x1024xf32>
      %mul3A_114 = arith.mulf %sub3A_62, %sqrt3A_99 : vector<256x1024xf32>
      %mul3A_115 = arith.mulf %sub3A_62, %mul3A_110 : vector<256x1024xf32>
      %select_n3A_116 = arith.select %gt3A, %mul3A_114, %mul3A_115 : vector<256x1024xi1>, vector<256x1024xf32>
      %sign3A = tpu.bitcast %sub3A_65 : vector<256x1024xf32> -> vector<256x1024xi32>
      %sign3A_117 = arith.constant -2147483648 : i32
      %sign3A_118 = vector.broadcast %sign3A_117 : i32 to vector<256x1024xi32>
      %sign3A_119 = arith.andi %sign3A, %sign3A_118 : vector<256x1024xi32>
      %sign3A_120 = arith.constant 1065353216 : i32
      %sign3A_121 = vector.broadcast %sign3A_120 : i32 to vector<256x1024xi32>
      %sign3A_122 = arith.ori %sign3A_121, %sign3A_119 : vector<256x1024xi32>
      %sign3A_123 = tpu.bitcast %sign3A_122 : vector<256x1024xi32> -> vector<256x1024xf32>
      %sign3A_124 = math.absf %sub3A_65 : vector<256x1024xf32>
      %sign3A_125 = arith.constant 0.000000e+00 : f32
      %sign3A_126 = vector.broadcast %sign3A_125 : f32 to vector<256x1024xf32>
      %sign3A_127 = arith.cmpf ogt, %sign3A_124, %sign3A_126 : vector<256x1024xf32>
      %sign3A_128 = arith.select %sign3A_127, %sign3A_123, %sub3A_65 : vector<256x1024xi1>, vector<256x1024xf32>
      %mul3A_129 = arith.mulf %sign3A_128, %sqrt3A : vector<256x1024xf32>
      %mul3A_130 = arith.constant 1.500000e+00 : f32
      %mul3A_131 = vector.broadcast %mul3A_130 : f32 to vector<256x1024xf32>
      %mul3A_132 = arith.mulf %mul3A_131, %sub3A_65 : vector<256x1024xf32>
      %select_n3A_133 = arith.select %gt3A, %mul3A_129, %mul3A_132 : vector<256x1024xi1>, vector<256x1024xf32>
      %jit3A_134 = arith.constant 0.000000e+00 : f32
      %broadcast_in_dim3A_135 = vector.broadcast %jit3A_134 : f32 to vector<256x1024xf32>
      %select_n3A_136 = arith.select %lt3A_79, %broadcast_in_dim3A_135, %select_n3A_113 : vector<256x1024xi1>, vector<256x1024xf32>
      %jit3A_137 = arith.constant 0.000000e+00 : f32
      %broadcast_in_dim3A_138 = vector.broadcast %jit3A_137 : f32 to vector<256x1024xf32>
      %select_n3A_139 = arith.select %lt3A_79, %broadcast_in_dim3A_138, %select_n3A_116 : vector<256x1024xi1>, vector<256x1024xf32>
      %jit3A_140 = arith.constant 0.000000e+00 : f32
      %broadcast_in_dim3A_141 = vector.broadcast %jit3A_140 : f32 to vector<256x1024xf32>
      %select_n3A_142 = arith.select %lt3A_79, %broadcast_in_dim3A_141, %select_n3A_133 : vector<256x1024xi1>, vector<256x1024xf32>
      %mul3A_143 = arith.mulf %select_n3A_136, %select_n3A_136 : vector<256x1024xf32>
      %mul3A_144 = arith.mulf %select_n3A_139, %select_n3A_139 : vector<256x1024xf32>
      %add3A_145 = arith.addf %mul3A_143, %mul3A_144 : vector<256x1024xf32>
      %lt3A_146 = arith.constant 9.99999996E-13 : f32
      %lt3A_147 = vector.broadcast %lt3A_146 : f32 to vector<256x1024xf32>
      %lt3A_148 = arith.cmpf olt, %add3A_145, %lt3A_147 : vector<256x1024xf32>
      %jit3A_149 = arith.constant 1.000000e+00 : f32
      %broadcast_in_dim3A_150 = vector.broadcast %jit3A_149 : f32 to vector<256x1024xf32>
      %select_n3A_151 = arith.select %lt3A_148, %broadcast_in_dim3A_150, %add3A_145 : vector<256x1024xi1>, vector<256x1024xf32>
      %sqrt3A_152 = math.sqrt %select_n3A_151 : vector<256x1024xf32>
      %abs3A_153 = math.absf %select_n3A_139 : vector<256x1024xf32>
      %abs3A_154 = math.absf %select_n3A_136 : vector<256x1024xf32>
      %le3A_155 = arith.cmpf ole, %abs3A_153, %abs3A_154 : vector<256x1024xf32>
      %abs3A_156 = math.absf %select_n3A_136 : vector<256x1024xf32>
      %lt3A_157 = arith.constant 9.99999996E-13 : f32
      %lt3A_158 = vector.broadcast %lt3A_157 : f32 to vector<256x1024xf32>
      %lt3A_159 = arith.cmpf olt, %abs3A_156, %lt3A_158 : vector<256x1024xf32>
      %jit3A_160 = arith.constant 1.000000e+00 : f32
      %broadcast_in_dim3A_161 = vector.broadcast %jit3A_160 : f32 to vector<256x1024xf32>
      %select_n3A_162 = arith.select %lt3A_159, %broadcast_in_dim3A_161, %select_n3A_136 : vector<256x1024xi1>, vector<256x1024xf32>
      %abs3A_163 = math.absf %select_n3A_139 : vector<256x1024xf32>
      %lt3A_164 = arith.constant 9.99999996E-13 : f32
      %lt3A_165 = vector.broadcast %lt3A_164 : f32 to vector<256x1024xf32>
      %lt3A_166 = arith.cmpf olt, %abs3A_163, %lt3A_165 : vector<256x1024xf32>
      %jit3A_167 = arith.constant 1.000000e+00 : f32
      %broadcast_in_dim3A_168 = vector.broadcast %jit3A_167 : f32 to vector<256x1024xf32>
      %select_n3A_169 = arith.select %lt3A_166, %broadcast_in_dim3A_168, %select_n3A_139 : vector<256x1024xi1>, vector<256x1024xf32>
      %sign3A_170 = tpu.bitcast %select_n3A_136 : vector<256x1024xf32> -> vector<256x1024xi32>
      %sign3A_171 = arith.constant -2147483648 : i32
      %sign3A_172 = vector.broadcast %sign3A_171 : i32 to vector<256x1024xi32>
      %sign3A_173 = arith.andi %sign3A_170, %sign3A_172 : vector<256x1024xi32>
      %sign3A_174 = arith.constant 1065353216 : i32
      %sign3A_175 = vector.broadcast %sign3A_174 : i32 to vector<256x1024xi32>
      %sign3A_176 = arith.ori %sign3A_175, %sign3A_173 : vector<256x1024xi32>
      %sign3A_177 = tpu.bitcast %sign3A_176 : vector<256x1024xi32> -> vector<256x1024xf32>
      %sign3A_178 = math.absf %select_n3A_136 : vector<256x1024xf32>
      %sign3A_179 = arith.constant 0.000000e+00 : f32
      %sign3A_180 = vector.broadcast %sign3A_179 : f32 to vector<256x1024xf32>
      %sign3A_181 = arith.cmpf ogt, %sign3A_178, %sign3A_180 : vector<256x1024xf32>
      %sign3A_182 = arith.select %sign3A_181, %sign3A_177, %select_n3A_136 : vector<256x1024xi1>, vector<256x1024xf32>
      %mul3A_183 = arith.mulf %sign3A_182, %sqrt3A_152 : vector<256x1024xf32>
      %sign3A_184 = tpu.bitcast %select_n3A_139 : vector<256x1024xf32> -> vector<256x1024xi32>
      %sign3A_185 = arith.constant -2147483648 : i32
      %sign3A_186 = vector.broadcast %sign3A_185 : i32 to vector<256x1024xi32>
      %sign3A_187 = arith.andi %sign3A_184, %sign3A_186 : vector<256x1024xi32>
      %sign3A_188 = arith.constant 1065353216 : i32
      %sign3A_189 = vector.broadcast %sign3A_188 : i32 to vector<256x1024xi32>
      %sign3A_190 = arith.ori %sign3A_189, %sign3A_187 : vector<256x1024xi32>
      %sign3A_191 = tpu.bitcast %sign3A_190 : vector<256x1024xi32> -> vector<256x1024xf32>
      %sign3A_192 = math.absf %select_n3A_139 : vector<256x1024xf32>
      %sign3A_193 = arith.constant 0.000000e+00 : f32
      %sign3A_194 = vector.broadcast %sign3A_193 : f32 to vector<256x1024xf32>
      %sign3A_195 = arith.cmpf ogt, %sign3A_192, %sign3A_194 : vector<256x1024xf32>
      %sign3A_196 = arith.select %sign3A_195, %sign3A_191, %select_n3A_139 : vector<256x1024xi1>, vector<256x1024xf32>
      %mul3A_197 = arith.mulf %sign3A_196, %sqrt3A_152 : vector<256x1024xf32>
      %div3A_198 = arith.divf %select_n3A_136, %select_n3A_169 : vector<256x1024xf32>
      %jit3A_199 = arith.constant -1.000000e+00 : f32
      %jit3A_200 = arith.constant 1.000000e+00 : f32
      %max3A_201 = vector.broadcast %jit3A_199 : f32 to vector<256x1024xf32>
      %max3A_202 = arith.maximumf %max3A_201, %div3A_198 : vector<256x1024xf32>
      %min3A = vector.broadcast %jit3A_200 : f32 to vector<256x1024xf32>
      %min3A_203 = arith.minimumf %min3A, %max3A_202 : vector<256x1024xf32>
      %div3A_204 = arith.divf %select_n3A_139, %select_n3A_162 : vector<256x1024xf32>
      %jit3A_205 = arith.constant -1.000000e+00 : f32
      %jit3A_206 = arith.constant 1.000000e+00 : f32
      %max3A_207 = vector.broadcast %jit3A_205 : f32 to vector<256x1024xf32>
      %max3A_208 = arith.maximumf %max3A_207, %div3A_204 : vector<256x1024xf32>
      %min3A_209 = vector.broadcast %jit3A_206 : f32 to vector<256x1024xf32>
      %min3A_210 = arith.minimumf %min3A_209, %max3A_208 : vector<256x1024xf32>
      %mul3A_211 = arith.constant 1.27323949 : f32
      %mul3A_212 = vector.broadcast %mul3A_211 : f32 to vector<256x1024xf32>
      %mul3A_213 = arith.mulf %mul3A_197, %mul3A_212 : vector<256x1024xf32>
      %mul3A_214 = arith.mulf %min3A_203, %min3A_203 : vector<256x1024xf32>
      %mul3A_215 = arith.constant 0.00286622578 : f32
      %mul3A_216 = vector.broadcast %mul3A_215 : f32 to vector<256x1024xf32>
      %mul3A_217 = arith.mulf %mul3A_216, %mul3A_214 : vector<256x1024xf32>
      %sub3A_218 = arith.constant 0.0161657371 : f32
      %sub3A_219 = vector.broadcast %sub3A_218 : f32 to vector<256x1024xf32>
      %sub3A_220 = arith.subf %mul3A_217, %sub3A_219 : vector<256x1024xf32>
      %mul3A_221 = arith.mulf %sub3A_220, %mul3A_214 : vector<256x1024xf32>
      %add3A_222 = arith.constant 0.0429096147 : f32
      %add3A_223 = vector.broadcast %add3A_222 : f32 to vector<256x1024xf32>
      %add3A_224 = arith.addf %mul3A_221, %add3A_223 : vector<256x1024xf32>
      %mul3A_225 = arith.mulf %add3A_224, %mul3A_214 : vector<256x1024xf32>
      %sub3A_226 = arith.constant 0.0752896368 : f32
      %sub3A_227 = vector.broadcast %sub3A_226 : f32 to vector<256x1024xf32>
      %sub3A_228 = arith.subf %mul3A_225, %sub3A_227 : vector<256x1024xf32>
      %mul3A_229 = arith.mulf %sub3A_228, %mul3A_214 : vector<256x1024xf32>
      %add3A_230 = arith.constant 0.106562637 : f32
      %add3A_231 = vector.broadcast %add3A_230 : f32 to vector<256x1024xf32>
      %add3A_232 = arith.addf %mul3A_229, %add3A_231 : vector<256x1024xf32>
      %mul3A_233 = arith.mulf %add3A_232, %mul3A_214 : vector<256x1024xf32>
      %sub3A_234 = arith.constant 1.420890e-01 : f32
      %sub3A_235 = vector.broadcast %sub3A_234 : f32 to vector<256x1024xf32>
      %sub3A_236 = arith.subf %mul3A_233, %sub3A_235 : vector<256x1024xf32>
      %mul3A_237 = arith.mulf %sub3A_236, %mul3A_214 : vector<256x1024xf32>
      %add3A_238 = arith.constant 0.199935511 : f32
      %add3A_239 = vector.broadcast %add3A_238 : f32 to vector<256x1024xf32>
      %add3A_240 = arith.addf %mul3A_237, %add3A_239 : vector<256x1024xf32>
      %mul3A_241 = arith.mulf %add3A_240, %mul3A_214 : vector<256x1024xf32>
      %sub3A_242 = arith.constant 0.333331466 : f32
      %sub3A_243 = vector.broadcast %sub3A_242 : f32 to vector<256x1024xf32>
      %sub3A_244 = arith.subf %mul3A_241, %sub3A_243 : vector<256x1024xf32>
      %mul3A_245 = arith.mulf %sub3A_244, %mul3A_214 : vector<256x1024xf32>
      %add3A_246 = arith.constant 1.000000e+00 : f32
      %add3A_247 = vector.broadcast %add3A_246 : f32 to vector<256x1024xf32>
      %add3A_248 = arith.addf %mul3A_245, %add3A_247 : vector<256x1024xf32>
      %mul3A_249 = arith.mulf %add3A_248, %min3A_203 : vector<256x1024xf32>
      %mul3A_250 = arith.mulf %mul3A_213, %mul3A_249 : vector<256x1024xf32>
      %select_n3A_251 = arith.select %le3A_155, %mul3A_183, %mul3A_250 : vector<256x1024xi1>, vector<256x1024xf32>
      %mul3A_252 = arith.constant 1.27323949 : f32
      %mul3A_253 = vector.broadcast %mul3A_252 : f32 to vector<256x1024xf32>
      %mul3A_254 = arith.mulf %mul3A_183, %mul3A_253 : vector<256x1024xf32>
      %mul3A_255 = arith.mulf %min3A_210, %min3A_210 : vector<256x1024xf32>
      %mul3A_256 = arith.constant 0.00286622578 : f32
      %mul3A_257 = vector.broadcast %mul3A_256 : f32 to vector<256x1024xf32>
      %mul3A_258 = arith.mulf %mul3A_257, %mul3A_255 : vector<256x1024xf32>
      %sub3A_259 = arith.constant 0.0161657371 : f32
      %sub3A_260 = vector.broadcast %sub3A_259 : f32 to vector<256x1024xf32>
      %sub3A_261 = arith.subf %mul3A_258, %sub3A_260 : vector<256x1024xf32>
      %mul3A_262 = arith.mulf %sub3A_261, %mul3A_255 : vector<256x1024xf32>
      %add3A_263 = arith.constant 0.0429096147 : f32
      %add3A_264 = vector.broadcast %add3A_263 : f32 to vector<256x1024xf32>
      %add3A_265 = arith.addf %mul3A_262, %add3A_264 : vector<256x1024xf32>
      %mul3A_266 = arith.mulf %add3A_265, %mul3A_255 : vector<256x1024xf32>
      %sub3A_267 = arith.constant 0.0752896368 : f32
      %sub3A_268 = vector.broadcast %sub3A_267 : f32 to vector<256x1024xf32>
      %sub3A_269 = arith.subf %mul3A_266, %sub3A_268 : vector<256x1024xf32>
      %mul3A_270 = arith.mulf %sub3A_269, %mul3A_255 : vector<256x1024xf32>
      %add3A_271 = arith.constant 0.106562637 : f32
      %add3A_272 = vector.broadcast %add3A_271 : f32 to vector<256x1024xf32>
      %add3A_273 = arith.addf %mul3A_270, %add3A_272 : vector<256x1024xf32>
      %mul3A_274 = arith.mulf %add3A_273, %mul3A_255 : vector<256x1024xf32>
      %sub3A_275 = arith.constant 1.420890e-01 : f32
      %sub3A_276 = vector.broadcast %sub3A_275 : f32 to vector<256x1024xf32>
      %sub3A_277 = arith.subf %mul3A_274, %sub3A_276 : vector<256x1024xf32>
      %mul3A_278 = arith.mulf %sub3A_277, %mul3A_255 : vector<256x1024xf32>
      %add3A_279 = arith.constant 0.199935511 : f32
      %add3A_280 = vector.broadcast %add3A_279 : f32 to vector<256x1024xf32>
      %add3A_281 = arith.addf %mul3A_278, %add3A_280 : vector<256x1024xf32>
      %mul3A_282 = arith.mulf %add3A_281, %mul3A_255 : vector<256x1024xf32>
      %sub3A_283 = arith.constant 0.333331466 : f32
      %sub3A_284 = vector.broadcast %sub3A_283 : f32 to vector<256x1024xf32>
      %sub3A_285 = arith.subf %mul3A_282, %sub3A_284 : vector<256x1024xf32>
      %mul3A_286 = arith.mulf %sub3A_285, %mul3A_255 : vector<256x1024xf32>
      %add3A_287 = arith.constant 1.000000e+00 : f32
      %add3A_288 = vector.broadcast %add3A_287 : f32 to vector<256x1024xf32>
      %add3A_289 = arith.addf %mul3A_286, %add3A_288 : vector<256x1024xf32>
      %mul3A_290 = arith.mulf %add3A_289, %min3A_210 : vector<256x1024xf32>
      %mul3A_291 = arith.mulf %mul3A_254, %mul3A_290 : vector<256x1024xf32>
      %select_n3A_292 = arith.select %le3A_155, %mul3A_291, %mul3A_197 : vector<256x1024xi1>, vector<256x1024xf32>
      %jit3A_293 = arith.constant 0.000000e+00 : f32
      %broadcast_in_dim3A_294 = vector.broadcast %jit3A_293 : f32 to vector<256x1024xf32>
      %select_n3A_295 = arith.select %lt3A_148, %broadcast_in_dim3A_294, %select_n3A_251 : vector<256x1024xi1>, vector<256x1024xf32>
      %jit3A_296 = arith.constant 0.000000e+00 : f32
      %broadcast_in_dim3A_297 = vector.broadcast %jit3A_296 : f32 to vector<256x1024xf32>
      %select_n3A_298 = arith.select %lt3A_148, %broadcast_in_dim3A_297, %select_n3A_292 : vector<256x1024xi1>, vector<256x1024xf32>
      %add3A_299 = arith.constant 1.000000e+00 : f32
      %add3A_300 = vector.broadcast %add3A_299 : f32 to vector<256x1024xf32>
      %add3A_301 = arith.addf %select_n3A_295, %add3A_300 : vector<256x1024xf32>
      %jit3A_302 = arith.constant 0.000000e+00 : f32
      %jit3A_303 = arith.constant 2.000000e+00 : f32
      %max3A_304 = vector.broadcast %jit3A_302 : f32 to vector<256x1024xf32>
      %max3A_305 = arith.maximumf %max3A_304, %add3A_301 : vector<256x1024xf32>
      %min3A_306 = vector.broadcast %jit3A_303 : f32 to vector<256x1024xf32>
      %min3A_307 = arith.minimumf %min3A_306, %max3A_305 : vector<256x1024xf32>
      %convert_element_type3A_308 = arith.fptosi %min3A_307 : vector<256x1024xf32> to vector<256x1024xi32>
      %min3A_309 = arith.constant 1 : i32
      %min3A_310 = vector.broadcast %min3A_309 : i32 to vector<256x1024xi32>
      %min3A_311 = arith.minsi %convert_element_type3A_308, %min3A_310 : vector<256x1024xi32>
      %convert_element_type3A_312 = arith.sitofp %min3A_311 : vector<256x1024xi32> to vector<256x1024xf32>
      %sub3A_313 = arith.subf %min3A_307, %convert_element_type3A_312 : vector<256x1024xf32>
      %sub3A_314 = arith.constant 1.000000e+00 : f32
      %sub3A_315 = vector.broadcast %sub3A_314 : f32 to vector<256x1024xf32>
      %sub3A_316 = arith.subf %sub3A_315, %sub3A_313 : vector<256x1024xf32>
      %add3A_317 = arith.constant 1.000000e+00 : f32
      %add3A_318 = vector.broadcast %add3A_317 : f32 to vector<256x1024xf32>
      %add3A_319 = arith.addf %select_n3A_298, %add3A_318 : vector<256x1024xf32>
      %jit3A_320 = arith.constant 0.000000e+00 : f32
      %jit3A_321 = arith.constant 2.000000e+00 : f32
      %max3A_322 = vector.broadcast %jit3A_320 : f32 to vector<256x1024xf32>
      %max3A_323 = arith.maximumf %max3A_322, %add3A_319 : vector<256x1024xf32>
      %min3A_324 = vector.broadcast %jit3A_321 : f32 to vector<256x1024xf32>
      %min3A_325 = arith.minimumf %min3A_324, %max3A_323 : vector<256x1024xf32>
      %convert_element_type3A_326 = arith.fptosi %min3A_325 : vector<256x1024xf32> to vector<256x1024xi32>
      %min3A_327 = arith.constant 1 : i32
      %min3A_328 = vector.broadcast %min3A_327 : i32 to vector<256x1024xi32>
      %min3A_329 = arith.minsi %convert_element_type3A_326, %min3A_328 : vector<256x1024xi32>
      %convert_element_type3A_330 = arith.sitofp %min3A_329 : vector<256x1024xi32> to vector<256x1024xf32>
      %sub3A_331 = arith.subf %min3A_325, %convert_element_type3A_330 : vector<256x1024xf32>
      %sub3A_332 = arith.constant 1.000000e+00 : f32
      %sub3A_333 = vector.broadcast %sub3A_332 : f32 to vector<256x1024xf32>
      %sub3A_334 = arith.subf %sub3A_333, %sub3A_331 : vector<256x1024xf32>
      %add3A_335 = arith.constant 1.000000e+00 : f32
      %add3A_336 = vector.broadcast %add3A_335 : f32 to vector<256x1024xf32>
      %add3A_337 = arith.addf %select_n3A_142, %add3A_336 : vector<256x1024xf32>
      %jit3A_338 = arith.constant 0.000000e+00 : f32
      %jit3A_339 = arith.constant 2.000000e+00 : f32
      %max3A_340 = vector.broadcast %jit3A_338 : f32 to vector<256x1024xf32>
      %max3A_341 = arith.maximumf %max3A_340, %add3A_337 : vector<256x1024xf32>
      %min3A_342 = vector.broadcast %jit3A_339 : f32 to vector<256x1024xf32>
      %min3A_343 = arith.minimumf %min3A_342, %max3A_341 : vector<256x1024xf32>
      %convert_element_type3A_344 = arith.fptosi %min3A_343 : vector<256x1024xf32> to vector<256x1024xi32>
      %min3A_345 = arith.constant 1 : i32
      %min3A_346 = vector.broadcast %min3A_345 : i32 to vector<256x1024xi32>
      %min3A_347 = arith.minsi %convert_element_type3A_344, %min3A_346 : vector<256x1024xi32>
      %convert_element_type3A_348 = arith.sitofp %min3A_347 : vector<256x1024xi32> to vector<256x1024xf32>
      %sub3A_349 = arith.subf %min3A_343, %convert_element_type3A_348 : vector<256x1024xf32>
      %sub3A_350 = arith.constant 1.000000e+00 : f32
      %sub3A_351 = vector.broadcast %sub3A_350 : f32 to vector<256x1024xf32>
      %sub3A_352 = arith.subf %sub3A_351, %sub3A_349 : vector<256x1024xf32>
      %eq3A = arith.constant 0 : i32
      %eq3A_353 = vector.broadcast %eq3A : i32 to vector<256x1024xi32>
      %eq3A_354 = arith.cmpi eq, %min3A_311, %eq3A_353 : vector<256x1024xi32>
      %jit3A_355 = arith.constant 0.000000e+00 : f32
      %broadcast_in_dim3A_356 = vector.broadcast %jit3A_355 : f32 to vector<256x1024xf32>
      %select_n3A_357 = arith.select %eq3A_354, %sub3A_316, %broadcast_in_dim3A_356 : vector<256x1024xi1>, vector<256x1024xf32>
      %eq3A_358 = arith.constant 0 : i32
      %eq3A_359 = vector.broadcast %eq3A_358 : i32 to vector<256x1024xi32>
      %eq3A_360 = arith.cmpi eq, %min3A_311, %eq3A_359 : vector<256x1024xi32>
      %select_n3A_361 = arith.select %eq3A_360, %sub3A_313, %sub3A_316 : vector<256x1024xi1>, vector<256x1024xf32>
      %eq3A_362 = arith.constant 0 : i32
      %eq3A_363 = vector.broadcast %eq3A_362 : i32 to vector<256x1024xi32>
      %eq3A_364 = arith.cmpi eq, %min3A_311, %eq3A_363 : vector<256x1024xi32>
      %jit3A_365 = arith.constant 0.000000e+00 : f32
      %broadcast_in_dim3A_366 = vector.broadcast %jit3A_365 : f32 to vector<256x1024xf32>
      %select_n3A_367 = arith.select %eq3A_364, %broadcast_in_dim3A_366, %sub3A_313 : vector<256x1024xi1>, vector<256x1024xf32>
      %eq3A_368 = arith.constant 0 : i32
      %eq3A_369 = vector.broadcast %eq3A_368 : i32 to vector<256x1024xi32>
      %eq3A_370 = arith.cmpi eq, %min3A_329, %eq3A_369 : vector<256x1024xi32>
      %jit3A_371 = arith.constant 0.000000e+00 : f32
      %broadcast_in_dim3A_372 = vector.broadcast %jit3A_371 : f32 to vector<256x1024xf32>
      %select_n3A_373 = arith.select %eq3A_370, %sub3A_334, %broadcast_in_dim3A_372 : vector<256x1024xi1>, vector<256x1024xf32>
      %eq3A_374 = arith.constant 0 : i32
      %eq3A_375 = vector.broadcast %eq3A_374 : i32 to vector<256x1024xi32>
      %eq3A_376 = arith.cmpi eq, %min3A_329, %eq3A_375 : vector<256x1024xi32>
      %select_n3A_377 = arith.select %eq3A_376, %sub3A_331, %sub3A_334 : vector<256x1024xi1>, vector<256x1024xf32>
      %eq3A_378 = arith.constant 0 : i32
      %eq3A_379 = vector.broadcast %eq3A_378 : i32 to vector<256x1024xi32>
      %eq3A_380 = arith.cmpi eq, %min3A_329, %eq3A_379 : vector<256x1024xi32>
      %jit3A_381 = arith.constant 0.000000e+00 : f32
      %broadcast_in_dim3A_382 = vector.broadcast %jit3A_381 : f32 to vector<256x1024xf32>
      %select_n3A_383 = arith.select %eq3A_380, %broadcast_in_dim3A_382, %sub3A_331 : vector<256x1024xi1>, vector<256x1024xf32>
      %eq3A_384 = arith.constant 0 : i32
      %eq3A_385 = vector.broadcast %eq3A_384 : i32 to vector<256x1024xi32>
      %eq3A_386 = arith.cmpi eq, %min3A_347, %eq3A_385 : vector<256x1024xi32>
      %jit3A_387 = arith.constant 0.000000e+00 : f32
      %broadcast_in_dim3A_388 = vector.broadcast %jit3A_387 : f32 to vector<256x1024xf32>
      %select_n3A_389 = arith.select %eq3A_386, %sub3A_352, %broadcast_in_dim3A_388 : vector<256x1024xi1>, vector<256x1024xf32>
      %mul3A_390 = arith.mulf %select_n3A_389, %convert_element_type3A_72 : vector<256x1024xf32>
      %eq3A_391 = arith.constant 0 : i32
      %eq3A_392 = vector.broadcast %eq3A_391 : i32 to vector<256x1024xi32>
      %eq3A_393 = arith.cmpi eq, %min3A_347, %eq3A_392 : vector<256x1024xi32>
      %select_n3A_394 = arith.select %eq3A_393, %sub3A_349, %sub3A_352 : vector<256x1024xi1>, vector<256x1024xf32>
      %mul3A_395 = arith.mulf %select_n3A_394, %convert_element_type3A_72 : vector<256x1024xf32>
      %eq3A_396 = arith.constant 0 : i32
      %eq3A_397 = vector.broadcast %eq3A_396 : i32 to vector<256x1024xi32>
      %eq3A_398 = arith.cmpi eq, %min3A_347, %eq3A_397 : vector<256x1024xi32>
      %jit3A_399 = arith.constant 0.000000e+00 : f32
      %broadcast_in_dim3A_400 = vector.broadcast %jit3A_399 : f32 to vector<256x1024xf32>
      %select_n3A_401 = arith.select %eq3A_398, %broadcast_in_dim3A_400, %sub3A_349 : vector<256x1024xi1>, vector<256x1024xf32>
      %mul3A_402 = arith.mulf %select_n3A_401, %convert_element_type3A_72 : vector<256x1024xf32>
      %convert_element_type3A_403 = arith.truncf %get3A_57 : vector<1024x32xf32> to vector<1024x32xbf16>
      %mul3A_404 = arith.mulf %mul3A_390, %select_n3A_373 : vector<256x1024xf32>
      %mul3A_405 = arith.mulf %mul3A_404, %select_n3A_357 : vector<256x1024xf32>
      %convert_element_type3A_406 = arith.truncf %mul3A_405 : vector<256x1024xf32> to vector<256x1024xbf16>
      %dot_general3A_407 = arith.constant dense<0.000000e+00> : vector<256x32xf32>
      %dot_general3A_408 = tpu.matmul %convert_element_type3A_406, %convert_element_type3A_403, %dot_general3A_407 {dimension_numbers = #tpu.dot_dimension_numbers<[1], [0], [0], [1], [0, 0, 1, 1], [], []>, transpose_lhs_hint = false} : vector<256x1024xbf16>, vector<1024x32xbf16>, vector<256x32xf32> -> vector<256x32xf32>
      %mul3A_409 = arith.mulf %mul3A_404, %select_n3A_361 : vector<256x1024xf32>
      %convert_element_type3A_410 = arith.truncf %mul3A_409 : vector<256x1024xf32> to vector<256x1024xbf16>
      %dot_general3A_411 = arith.constant dense<0.000000e+00> : vector<256x32xf32>
      %dot_general3A_412 = tpu.matmul %convert_element_type3A_410, %convert_element_type3A_403, %dot_general3A_411 {dimension_numbers = #tpu.dot_dimension_numbers<[1], [0], [0], [1], [0, 0, 1, 1], [], []>, transpose_lhs_hint = false} : vector<256x1024xbf16>, vector<1024x32xbf16>, vector<256x32xf32> -> vector<256x32xf32>
      %mul3A_413 = arith.mulf %mul3A_404, %select_n3A_367 : vector<256x1024xf32>
      %convert_element_type3A_414 = arith.truncf %mul3A_413 : vector<256x1024xf32> to vector<256x1024xbf16>
      %dot_general3A_415 = arith.constant dense<0.000000e+00> : vector<256x32xf32>
      %dot_general3A_416 = tpu.matmul %convert_element_type3A_414, %convert_element_type3A_403, %dot_general3A_415 {dimension_numbers = #tpu.dot_dimension_numbers<[1], [0], [0], [1], [0, 0, 1, 1], [], []>, transpose_lhs_hint = false} : vector<256x1024xbf16>, vector<1024x32xbf16>, vector<256x32xf32> -> vector<256x32xf32>
      %mul3A_417 = arith.mulf %mul3A_390, %select_n3A_377 : vector<256x1024xf32>
      %mul3A_418 = arith.mulf %mul3A_417, %select_n3A_357 : vector<256x1024xf32>
      %convert_element_type3A_419 = arith.truncf %mul3A_418 : vector<256x1024xf32> to vector<256x1024xbf16>
      %dot_general3A_420 = arith.constant dense<0.000000e+00> : vector<256x32xf32>
      %dot_general3A_421 = tpu.matmul %convert_element_type3A_419, %convert_element_type3A_403, %dot_general3A_420 {dimension_numbers = #tpu.dot_dimension_numbers<[1], [0], [0], [1], [0, 0, 1, 1], [], []>, transpose_lhs_hint = false} : vector<256x1024xbf16>, vector<1024x32xbf16>, vector<256x32xf32> -> vector<256x32xf32>
      %mul3A_422 = arith.mulf %mul3A_417, %select_n3A_361 : vector<256x1024xf32>
      %convert_element_type3A_423 = arith.truncf %mul3A_422 : vector<256x1024xf32> to vector<256x1024xbf16>
      %dot_general3A_424 = arith.constant dense<0.000000e+00> : vector<256x32xf32>
      %dot_general3A_425 = tpu.matmul %convert_element_type3A_423, %convert_element_type3A_403, %dot_general3A_424 {dimension_numbers = #tpu.dot_dimension_numbers<[1], [0], [0], [1], [0, 0, 1, 1], [], []>, transpose_lhs_hint = false} : vector<256x1024xbf16>, vector<1024x32xbf16>, vector<256x32xf32> -> vector<256x32xf32>
      %mul3A_426 = arith.mulf %mul3A_417, %select_n3A_367 : vector<256x1024xf32>
      %convert_element_type3A_427 = arith.truncf %mul3A_426 : vector<256x1024xf32> to vector<256x1024xbf16>
      %dot_general3A_428 = arith.constant dense<0.000000e+00> : vector<256x32xf32>
      %dot_general3A_429 = tpu.matmul %convert_element_type3A_427, %convert_element_type3A_403, %dot_general3A_428 {dimension_numbers = #tpu.dot_dimension_numbers<[1], [0], [0], [1], [0, 0, 1, 1], [], []>, transpose_lhs_hint = false} : vector<256x1024xbf16>, vector<1024x32xbf16>, vector<256x32xf32> -> vector<256x32xf32>
      %mul3A_430 = arith.mulf %mul3A_390, %select_n3A_383 : vector<256x1024xf32>
      %mul3A_431 = arith.mulf %mul3A_430, %select_n3A_357 : vector<256x1024xf32>
      %convert_element_type3A_432 = arith.truncf %mul3A_431 : vector<256x1024xf32> to vector<256x1024xbf16>
      %dot_general3A_433 = arith.constant dense<0.000000e+00> : vector<256x32xf32>
      %dot_general3A_434 = tpu.matmul %convert_element_type3A_432, %convert_element_type3A_403, %dot_general3A_433 {dimension_numbers = #tpu.dot_dimension_numbers<[1], [0], [0], [1], [0, 0, 1, 1], [], []>, transpose_lhs_hint = false} : vector<256x1024xbf16>, vector<1024x32xbf16>, vector<256x32xf32> -> vector<256x32xf32>
      %mul3A_435 = arith.mulf %mul3A_430, %select_n3A_361 : vector<256x1024xf32>
      %convert_element_type3A_436 = arith.truncf %mul3A_435 : vector<256x1024xf32> to vector<256x1024xbf16>
      %dot_general3A_437 = arith.constant dense<0.000000e+00> : vector<256x32xf32>
      %dot_general3A_438 = tpu.matmul %convert_element_type3A_436, %convert_element_type3A_403, %dot_general3A_437 {dimension_numbers = #tpu.dot_dimension_numbers<[1], [0], [0], [1], [0, 0, 1, 1], [], []>, transpose_lhs_hint = false} : vector<256x1024xbf16>, vector<1024x32xbf16>, vector<256x32xf32> -> vector<256x32xf32>
      %mul3A_439 = arith.mulf %mul3A_430, %select_n3A_367 : vector<256x1024xf32>
      %convert_element_type3A_440 = arith.truncf %mul3A_439 : vector<256x1024xf32> to vector<256x1024xbf16>
      %dot_general3A_441 = arith.constant dense<0.000000e+00> : vector<256x32xf32>
      %dot_general3A_442 = tpu.matmul %convert_element_type3A_440, %convert_element_type3A_403, %dot_general3A_441 {dimension_numbers = #tpu.dot_dimension_numbers<[1], [0], [0], [1], [0, 0, 1, 1], [], []>, transpose_lhs_hint = false} : vector<256x1024xbf16>, vector<1024x32xbf16>, vector<256x32xf32> -> vector<256x32xf32>
      %mul3A_443 = arith.mulf %mul3A_395, %select_n3A_373 : vector<256x1024xf32>
      %mul3A_444 = arith.mulf %mul3A_443, %select_n3A_357 : vector<256x1024xf32>
      %convert_element_type3A_445 = arith.truncf %mul3A_444 : vector<256x1024xf32> to vector<256x1024xbf16>
      %dot_general3A_446 = arith.constant dense<0.000000e+00> : vector<256x32xf32>
      %dot_general3A_447 = tpu.matmul %convert_element_type3A_445, %convert_element_type3A_403, %dot_general3A_446 {dimension_numbers = #tpu.dot_dimension_numbers<[1], [0], [0], [1], [0, 0, 1, 1], [], []>, transpose_lhs_hint = false} : vector<256x1024xbf16>, vector<1024x32xbf16>, vector<256x32xf32> -> vector<256x32xf32>
      %mul3A_448 = arith.mulf %mul3A_443, %select_n3A_361 : vector<256x1024xf32>
      %convert_element_type3A_449 = arith.truncf %mul3A_448 : vector<256x1024xf32> to vector<256x1024xbf16>
      %dot_general3A_450 = arith.constant dense<0.000000e+00> : vector<256x32xf32>
      %dot_general3A_451 = tpu.matmul %convert_element_type3A_449, %convert_element_type3A_403, %dot_general3A_450 {dimension_numbers = #tpu.dot_dimension_numbers<[1], [0], [0], [1], [0, 0, 1, 1], [], []>, transpose_lhs_hint = false} : vector<256x1024xbf16>, vector<1024x32xbf16>, vector<256x32xf32> -> vector<256x32xf32>
      %mul3A_452 = arith.mulf %mul3A_443, %select_n3A_367 : vector<256x1024xf32>
      %convert_element_type3A_453 = arith.truncf %mul3A_452 : vector<256x1024xf32> to vector<256x1024xbf16>
      %dot_general3A_454 = arith.constant dense<0.000000e+00> : vector<256x32xf32>
      %dot_general3A_455 = tpu.matmul %convert_element_type3A_453, %convert_element_type3A_403, %dot_general3A_454 {dimension_numbers = #tpu.dot_dimension_numbers<[1], [0], [0], [1], [0, 0, 1, 1], [], []>, transpose_lhs_hint = false} : vector<256x1024xbf16>, vector<1024x32xbf16>, vector<256x32xf32> -> vector<256x32xf32>
      %mul3A_456 = arith.mulf %mul3A_395, %select_n3A_377 : vector<256x1024xf32>
      %mul3A_457 = arith.mulf %mul3A_456, %select_n3A_357 : vector<256x1024xf32>
      %convert_element_type3A_458 = arith.truncf %mul3A_457 : vector<256x1024xf32> to vector<256x1024xbf16>
      %dot_general3A_459 = arith.constant dense<0.000000e+00> : vector<256x32xf32>
      %dot_general3A_460 = tpu.matmul %convert_element_type3A_458, %convert_element_type3A_403, %dot_general3A_459 {dimension_numbers = #tpu.dot_dimension_numbers<[1], [0], [0], [1], [0, 0, 1, 1], [], []>, transpose_lhs_hint = false} : vector<256x1024xbf16>, vector<1024x32xbf16>, vector<256x32xf32> -> vector<256x32xf32>
      %mul3A_461 = arith.mulf %mul3A_456, %select_n3A_361 : vector<256x1024xf32>
      %convert_element_type3A_462 = arith.truncf %mul3A_461 : vector<256x1024xf32> to vector<256x1024xbf16>
      %dot_general3A_463 = arith.constant dense<0.000000e+00> : vector<256x32xf32>
      %dot_general3A_464 = tpu.matmul %convert_element_type3A_462, %convert_element_type3A_403, %dot_general3A_463 {dimension_numbers = #tpu.dot_dimension_numbers<[1], [0], [0], [1], [0, 0, 1, 1], [], []>, transpose_lhs_hint = false} : vector<256x1024xbf16>, vector<1024x32xbf16>, vector<256x32xf32> -> vector<256x32xf32>
      %mul3A_465 = arith.mulf %mul3A_456, %select_n3A_367 : vector<256x1024xf32>
      %convert_element_type3A_466 = arith.truncf %mul3A_465 : vector<256x1024xf32> to vector<256x1024xbf16>
      %dot_general3A_467 = arith.constant dense<0.000000e+00> : vector<256x32xf32>
      %dot_general3A_468 = tpu.matmul %convert_element_type3A_466, %convert_element_type3A_403, %dot_general3A_467 {dimension_numbers = #tpu.dot_dimension_numbers<[1], [0], [0], [1], [0, 0, 1, 1], [], []>, transpose_lhs_hint = false} : vector<256x1024xbf16>, vector<1024x32xbf16>, vector<256x32xf32> -> vector<256x32xf32>
      %mul3A_469 = arith.mulf %mul3A_395, %select_n3A_383 : vector<256x1024xf32>
      %mul3A_470 = arith.mulf %mul3A_469, %select_n3A_357 : vector<256x1024xf32>
      %convert_element_type3A_471 = arith.truncf %mul3A_470 : vector<256x1024xf32> to vector<256x1024xbf16>
      %dot_general3A_472 = arith.constant dense<0.000000e+00> : vector<256x32xf32>
      %dot_general3A_473 = tpu.matmul %convert_element_type3A_471, %convert_element_type3A_403, %dot_general3A_472 {dimension_numbers = #tpu.dot_dimension_numbers<[1], [0], [0], [1], [0, 0, 1, 1], [], []>, transpose_lhs_hint = false} : vector<256x1024xbf16>, vector<1024x32xbf16>, vector<256x32xf32> -> vector<256x32xf32>
      %mul3A_474 = arith.mulf %mul3A_469, %select_n3A_361 : vector<256x1024xf32>
      %convert_element_type3A_475 = arith.truncf %mul3A_474 : vector<256x1024xf32> to vector<256x1024xbf16>
      %dot_general3A_476 = arith.constant dense<0.000000e+00> : vector<256x32xf32>
      %dot_general3A_477 = tpu.matmul %convert_element_type3A_475, %convert_element_type3A_403, %dot_general3A_476 {dimension_numbers = #tpu.dot_dimension_numbers<[1], [0], [0], [1], [0, 0, 1, 1], [], []>, transpose_lhs_hint = false} : vector<256x1024xbf16>, vector<1024x32xbf16>, vector<256x32xf32> -> vector<256x32xf32>
      %mul3A_478 = arith.mulf %mul3A_469, %select_n3A_367 : vector<256x1024xf32>
      %convert_element_type3A_479 = arith.truncf %mul3A_478 : vector<256x1024xf32> to vector<256x1024xbf16>
      %dot_general3A_480 = arith.constant dense<0.000000e+00> : vector<256x32xf32>
      %dot_general3A_481 = tpu.matmul %convert_element_type3A_479, %convert_element_type3A_403, %dot_general3A_480 {dimension_numbers = #tpu.dot_dimension_numbers<[1], [0], [0], [1], [0, 0, 1, 1], [], []>, transpose_lhs_hint = false} : vector<256x1024xbf16>, vector<1024x32xbf16>, vector<256x32xf32> -> vector<256x32xf32>
      %mul3A_482 = arith.mulf %mul3A_402, %select_n3A_373 : vector<256x1024xf32>
      %mul3A_483 = arith.mulf %mul3A_482, %select_n3A_357 : vector<256x1024xf32>
      %convert_element_type3A_484 = arith.truncf %mul3A_483 : vector<256x1024xf32> to vector<256x1024xbf16>
      %dot_general3A_485 = arith.constant dense<0.000000e+00> : vector<256x32xf32>
      %dot_general3A_486 = tpu.matmul %convert_element_type3A_484, %convert_element_type3A_403, %dot_general3A_485 {dimension_numbers = #tpu.dot_dimension_numbers<[1], [0], [0], [1], [0, 0, 1, 1], [], []>, transpose_lhs_hint = false} : vector<256x1024xbf16>, vector<1024x32xbf16>, vector<256x32xf32> -> vector<256x32xf32>
      %mul3A_487 = arith.mulf %mul3A_482, %select_n3A_361 : vector<256x1024xf32>
      %convert_element_type3A_488 = arith.truncf %mul3A_487 : vector<256x1024xf32> to vector<256x1024xbf16>
      %dot_general3A_489 = arith.constant dense<0.000000e+00> : vector<256x32xf32>
      %dot_general3A_490 = tpu.matmul %convert_element_type3A_488, %convert_element_type3A_403, %dot_general3A_489 {dimension_numbers = #tpu.dot_dimension_numbers<[1], [0], [0], [1], [0, 0, 1, 1], [], []>, transpose_lhs_hint = false} : vector<256x1024xbf16>, vector<1024x32xbf16>, vector<256x32xf32> -> vector<256x32xf32>
      %mul3A_491 = arith.mulf %mul3A_482, %select_n3A_367 : vector<256x1024xf32>
      %convert_element_type3A_492 = arith.truncf %mul3A_491 : vector<256x1024xf32> to vector<256x1024xbf16>
      %dot_general3A_493 = arith.constant dense<0.000000e+00> : vector<256x32xf32>
      %dot_general3A_494 = tpu.matmul %convert_element_type3A_492, %convert_element_type3A_403, %dot_general3A_493 {dimension_numbers = #tpu.dot_dimension_numbers<[1], [0], [0], [1], [0, 0, 1, 1], [], []>, transpose_lhs_hint = false} : vector<256x1024xbf16>, vector<1024x32xbf16>, vector<256x32xf32> -> vector<256x32xf32>
      %mul3A_495 = arith.mulf %mul3A_402, %select_n3A_377 : vector<256x1024xf32>
      %mul3A_496 = arith.mulf %mul3A_495, %select_n3A_357 : vector<256x1024xf32>
      %convert_element_type3A_497 = arith.truncf %mul3A_496 : vector<256x1024xf32> to vector<256x1024xbf16>
      %dot_general3A_498 = arith.constant dense<0.000000e+00> : vector<256x32xf32>
      %dot_general3A_499 = tpu.matmul %convert_element_type3A_497, %convert_element_type3A_403, %dot_general3A_498 {dimension_numbers = #tpu.dot_dimension_numbers<[1], [0], [0], [1], [0, 0, 1, 1], [], []>, transpose_lhs_hint = false} : vector<256x1024xbf16>, vector<1024x32xbf16>, vector<256x32xf32> -> vector<256x32xf32>
      %mul3A_500 = arith.mulf %mul3A_495, %select_n3A_361 : vector<256x1024xf32>
      %convert_element_type3A_501 = arith.truncf %mul3A_500 : vector<256x1024xf32> to vector<256x1024xbf16>
      %dot_general3A_502 = arith.constant dense<0.000000e+00> : vector<256x32xf32>
      %dot_general3A_503 = tpu.matmul %convert_element_type3A_501, %convert_element_type3A_403, %dot_general3A_502 {dimension_numbers = #tpu.dot_dimension_numbers<[1], [0], [0], [1], [0, 0, 1, 1], [], []>, transpose_lhs_hint = false} : vector<256x1024xbf16>, vector<1024x32xbf16>, vector<256x32xf32> -> vector<256x32xf32>
      %mul3A_504 = arith.mulf %mul3A_495, %select_n3A_367 : vector<256x1024xf32>
      %convert_element_type3A_505 = arith.truncf %mul3A_504 : vector<256x1024xf32> to vector<256x1024xbf16>
      %dot_general3A_506 = arith.constant dense<0.000000e+00> : vector<256x32xf32>
      %dot_general3A_507 = tpu.matmul %convert_element_type3A_505, %convert_element_type3A_403, %dot_general3A_506 {dimension_numbers = #tpu.dot_dimension_numbers<[1], [0], [0], [1], [0, 0, 1, 1], [], []>, transpose_lhs_hint = false} : vector<256x1024xbf16>, vector<1024x32xbf16>, vector<256x32xf32> -> vector<256x32xf32>
      %mul3A_508 = arith.mulf %mul3A_402, %select_n3A_383 : vector<256x1024xf32>
      %mul3A_509 = arith.mulf %mul3A_508, %select_n3A_357 : vector<256x1024xf32>
      %convert_element_type3A_510 = arith.truncf %mul3A_509 : vector<256x1024xf32> to vector<256x1024xbf16>
      %dot_general3A_511 = arith.constant dense<0.000000e+00> : vector<256x32xf32>
      %dot_general3A_512 = tpu.matmul %convert_element_type3A_510, %convert_element_type3A_403, %dot_general3A_511 {dimension_numbers = #tpu.dot_dimension_numbers<[1], [0], [0], [1], [0, 0, 1, 1], [], []>, transpose_lhs_hint = false} : vector<256x1024xbf16>, vector<1024x32xbf16>, vector<256x32xf32> -> vector<256x32xf32>
      %mul3A_513 = arith.mulf %mul3A_508, %select_n3A_361 : vector<256x1024xf32>
      %convert_element_type3A_514 = arith.truncf %mul3A_513 : vector<256x1024xf32> to vector<256x1024xbf16>
      %dot_general3A_515 = arith.constant dense<0.000000e+00> : vector<256x32xf32>
      %dot_general3A_516 = tpu.matmul %convert_element_type3A_514, %convert_element_type3A_403, %dot_general3A_515 {dimension_numbers = #tpu.dot_dimension_numbers<[1], [0], [0], [1], [0, 0, 1, 1], [], []>, transpose_lhs_hint = false} : vector<256x1024xbf16>, vector<1024x32xbf16>, vector<256x32xf32> -> vector<256x32xf32>
      %mul3A_517 = arith.mulf %mul3A_508, %select_n3A_367 : vector<256x1024xf32>
      %convert_element_type3A_518 = arith.truncf %mul3A_517 : vector<256x1024xf32> to vector<256x1024xbf16>
      %dot_general3A_519 = arith.constant dense<0.000000e+00> : vector<256x32xf32>
      %dot_general3A_520 = tpu.matmul %convert_element_type3A_518, %convert_element_type3A_403, %dot_general3A_519 {dimension_numbers = #tpu.dot_dimension_numbers<[1], [0], [0], [1], [0, 0, 1, 1], [], []>, transpose_lhs_hint = false} : vector<256x1024xbf16>, vector<1024x32xbf16>, vector<256x32xf32> -> vector<256x32xf32>
      %concatenate3A = tpu.concatenate %dot_general3A_408, %dot_general3A_412, %dot_general3A_416, %dot_general3A_421, %dot_general3A_425, %dot_general3A_429, %dot_general3A_434, %dot_general3A_438, %dot_general3A_442, %dot_general3A_447, %dot_general3A_451, %dot_general3A_455, %dot_general3A_460, %dot_general3A_464, %dot_general3A_468, %dot_general3A_473, %dot_general3A_477, %dot_general3A_481, %dot_general3A_486, %dot_general3A_490, %dot_general3A_494, %dot_general3A_499, %dot_general3A_503, %dot_general3A_507, %dot_general3A_512, %dot_general3A_516, %dot_general3A_520 in 1 : vector<256x32xf32>, vector<256x32xf32>, vector<256x32xf32>, vector<256x32xf32>, vector<256x32xf32>, vector<256x32xf32>, vector<256x32xf32>, vector<256x32xf32>, vector<256x32xf32>, vector<256x32xf32>, vector<256x32xf32>, vector<256x32xf32>, vector<256x32xf32>, vector<256x32xf32>, vector<256x32xf32>, vector<256x32xf32>, vector<256x32xf32>, vector<256x32xf32>, vector<256x32xf32>, vector<256x32xf32>, vector<256x32xf32>, vector<256x32xf32>, vector<256x32xf32>, vector<256x32xf32>, vector<256x32xf32>, vector<256x32xf32>, vector<256x32xf32> -> vector<256x864xf32>
      %add3A_521 = arith.addf %scan3A_35, %concatenate3A : vector<256x864xf32>
      %reduce_sum3A = arith.constant dense<0.000000e+00> : vector<256xf32>
      %reduce_sum3A_522 = vector.multi_reduction <add>, %convert_element_type3A_72, %reduce_sum3A [1] : vector<256x1024xf32> to vector<256xf32>
      %broadcast_in_dim3A_523 = vector.shape_cast %reduce_sum3A_522 : vector<256xf32> to vector<256x1xf32>
      %add3A_524 = arith.addf %scan3A_36, %broadcast_in_dim3A_523 : vector<256x1xf32>
      scf.yield %add3A_521, %add3A_524 : vector<256x864xf32>, vector<256x1xf32>
    }
    %scan3A_21 = arith.constant 4 : i32
    %get3A_22 = arith.constant 0 : index
    %get3A_23 = arith.constant 0 : index
    %get3A_24 = vector.load %arg9[%get3A_22, %get3A_23] : memref<864x32xf32, #tpu.memory_space<vmem>>, vector<864x32xf32>
    %dot_general3A = arith.constant dense<0.000000e+00> : vector<256x32xf32>
    %dot_general3A_25 = tpu.matmul %scan3A_20#0, %get3A_24, %dot_general3A {dimension_numbers = #tpu.dot_dimension_numbers<[1], [0], [0], [1], [0, 0, 1, 1], [], []>, transpose_lhs_hint = false} : vector<256x864xf32>, vector<864x32xf32>, vector<256x32xf32> -> vector<256x32xf32>
    %max3A = arith.constant 1.000000e+00 : f32
    %max3A_26 = vector.broadcast %max3A : f32 to vector<256x1xf32>
    %max3A_27 = arith.maximumf %scan3A_20#1, %max3A_26 : vector<256x1xf32>
    %div3A = vector.broadcast %max3A_27 : vector<256x1xf32> to vector<256x32xf32>
    %div3A_28 = arith.divf %dot_general3A_25, %div3A : vector<256x32xf32>
    %swap3A = arith.constant 0 : index
    %swap3A_29 = arith.constant 0 : index
    %swap3A_30 = arith.constant 0 : index
    %swap3A_31 = vector.load %arg10[%swap3A, %swap3A_29, %swap3A_30] : memref<1x256x32xf32, #tpu.memory_space<vmem>>, vector<1x256x32xf32>
    %swap3A_32 = vector.shape_cast %swap3A_31 : vector<1x256x32xf32> to vector<256x32xf32>
    %swap3A_33 = vector.shape_cast %div3A_28 : vector<256x32xf32> to vector<1x256x32xf32>
    tpu.vector_store %arg10[%swap3A, %swap3A_29, %swap3A_30], %swap3A_33 {strides = array<i32>} : memref<1x256x32xf32, #tpu.memory_space<vmem>>, vector<1x256x32xf32>,
    return
  }
  func.func @transform_0(%arg0: i32, %arg1: i32) -> (i32, i32, i32) {
    %c0_i32 = arith.constant 0 : i32
    %c0_i32_0 = arith.constant 0 : i32
    return %arg0, %arg1, %c0_i32 : i32, i32, i32
  }
  func.func @transform_1(%arg0: i32, %arg1: i32) -> (i32, i32, i32) {
    %c0_i32 = arith.constant 0 : i32
    %c0_i32_0 = arith.constant 0 : i32
    return %arg0, %arg1, %c0_i32 : i32, i32, i32
  }
  func.func @transform_2(%arg0: i32, %arg1: i32) -> (i32, i32, i32) {
    %c0_i32 = arith.constant 0 : i32
    %c0_i32_0 = arith.constant 0 : i32
    return %arg0, %arg1, %c0_i32 : i32, i32, i32
  }
  func.func @transform_3(%arg0: i32, %arg1: i32) -> (i32, i32, i32) {
    %c0_i32 = arith.constant 0 : i32
    %c0_i32_0 = arith.constant 0 : i32
    %c0_i32_1 = arith.constant 0 : i32
    %c0_i32_2 = arith.constant 0 : i32
    return %c0_i32, %c0_i32_0, %c0_i32_1 : i32, i32, i32
  }
  func.func @transform_4(%arg0: i32, %arg1: i32) -> (i32, i32, i32) {
    %c0_i32 = arith.constant 0 : i32
    %c0_i32_0 = arith.constant 0 : i32
    %c0_i32_1 = arith.constant 0 : i32
    %c0_i32_2 = arith.constant 0 : i32
    return %c0_i32, %c0_i32_0, %c0_i32_1 : i32, i32, i32
  }
  func.func @transform_5(%arg0: i32, %arg1: i32) -> (i32, i32, i32) {
    %c0_i32 = arith.constant 0 : i32
    %c0_i32_0 = arith.constant 0 : i32
    %c0_i32_1 = arith.constant 0 : i32
    %c0_i32_2 = arith.constant 0 : i32
    return %c0_i32, %c0_i32_0, %c0_i32_1 : i32, i32, i32
  }
  func.func @transform_6(%arg0: i32, %arg1: i32) -> (i32, i32, i32) {
    %c0_i32 = arith.constant 0 : i32
    %c0_i32_0 = arith.constant 0 : i32
    %c0_i32_1 = arith.constant 0 : i32
    return %arg0, %c0_i32, %c0_i32_0 : i32, i32, i32
  }
  func.func @transform_7(%arg0: i32, %arg1: i32) -> (i32, i32) {
    %c0_i32 = arith.constant 0 : i32
    %c0_i32_0 = arith.constant 0 : i32
    %c0_i32_1 = arith.constant 0 : i32
    return %c0_i32, %c0_i32_0 : i32, i32
  }
  func.func @transform_8(%arg0: i32, %arg1: i32) -> (i32, i32, i32) {
    %c0_i32 = arith.constant 0 : i32
    %c0_i32_0 = arith.constant 0 : i32
    return %arg0, %arg1, %c0_i32 : i32, i32, i32
  }
}

module attributes {stable_mosaic.version = 14 : i64} {
  func.func @_fin_body(%arg0: i32, %arg1: memref<256x864xf32, #tpu.memory_space<vmem>>, %arg2: memref<864x32xf32, #tpu.memory_space<vmem>>, %arg3: memref<256x1xf32, #tpu.memory_space<vmem>>, %arg4: memref<256x32xf32, #tpu.memory_space<vmem>>) attributes {dimension_semantics = [#tpu.dimension_semantics<arbitrary>], iteration_bounds = array<i64: 2>, scalar_prefetch = 0 : i64, scratch_operands = 0 : i64, tpu.core_type = #tpu.core_type<tc>, window_params = [{transform_indices = @transform_0, window_bounds = array<i64: 256, 864>}, {pipeline_mode = #tpu.pipeline_mode<synchronous>, transform_indices = @transform_1, window_bounds = array<i64: 864, 32>}, {transform_indices = @transform_2, window_bounds = array<i64: 256, 1>}, {transform_indices = @transform_3, window_bounds = array<i64: 256, 32>}]} {
    %get3A = arith.constant 0 : index
    %get3A_0 = arith.constant 0 : index
    %get3A_1 = vector.load %arg1[%get3A, %get3A_0] : memref<256x864xf32, #tpu.memory_space<vmem>>, vector<256x864xf32>
    %get3A_2 = arith.constant 0 : index
    %get3A_3 = arith.constant 0 : index
    %get3A_4 = vector.load %arg2[%get3A_2, %get3A_3] : memref<864x32xf32, #tpu.memory_space<vmem>>, vector<864x32xf32>
    %dot_general3A = arith.constant dense<0.000000e+00> : vector<256x32xf32>
    %dot_general3A_5 = tpu.matmul %get3A_1, %get3A_4, %dot_general3A {dimension_numbers = #tpu.dot_dimension_numbers<[1], [0], [0], [1], [0, 0, 1, 1], [], []>, transpose_lhs_hint = false} : vector<256x864xf32>, vector<864x32xf32>, vector<256x32xf32> -> vector<256x32xf32>
    %get3A_6 = arith.constant 0 : index
    %get3A_7 = arith.constant 0 : index
    %get3A_8 = vector.load %arg3[%get3A_6, %get3A_7] : memref<256x1xf32, #tpu.memory_space<vmem>>, vector<256x1xf32>
    %max3A = arith.constant 1.000000e+00 : f32
    %max3A_9 = vector.broadcast %max3A : f32 to vector<256x1xf32>
    %max3A_10 = arith.maximumf %get3A_8, %max3A_9 : vector<256x1xf32>
    %div3A = vector.broadcast %max3A_10 : vector<256x1xf32> to vector<256x32xf32>
    %div3A_11 = arith.divf %dot_general3A_5, %div3A : vector<256x32xf32>
    %swap3A = arith.constant 0 : index
    %swap3A_12 = arith.constant 0 : index
    %swap3A_13 = vector.load %arg4[%swap3A, %swap3A_12] : memref<256x32xf32, #tpu.memory_space<vmem>>, vector<256x32xf32>
    tpu.vector_store %arg4[%swap3A, %swap3A_12], %div3A_11 {strides = array<i32>} : memref<256x32xf32, #tpu.memory_space<vmem>>, vector<256x32xf32>,
    return
  }
  func.func @transform_0(%arg0: i32) -> (i32, i32) {
    %c0_i32 = arith.constant 0 : i32
    %c0_i32_0 = arith.constant 0 : i32
    return %arg0, %c0_i32 : i32, i32
  }
  func.func @transform_1(%arg0: i32) -> (i32, i32) {
    %c0_i32 = arith.constant 0 : i32
    %c0_i32_0 = arith.constant 0 : i32
    %c0_i32_1 = arith.constant 0 : i32
    return %c0_i32, %c0_i32_0 : i32, i32
  }
  func.func @transform_2(%arg0: i32) -> (i32, i32) {
    %c0_i32 = arith.constant 0 : i32
    %c0_i32_0 = arith.constant 0 : i32
    return %arg0, %c0_i32 : i32, i32
  }
  func.func @transform_3(%arg0: i32) -> (i32, i32) {
    %c0_i32 = arith.constant 0 : i32
    %c0_i32_0 = arith.constant 0 : i32
    return %arg0, %c0_i32 : i32, i32
  }
}

</mosaic_0001>

<sc_bundles>
// kernel: kernel.6.cloned.1.call-start
scs
__scs_entry_jumppad:
0x0: {  	(pc) =	sbr.rel $0x88, $3  }
0x1: {  	(tag) =	ssettag $0x0;
	lr =	simm.s32 $0x1  }
0x2: {  	[smem:$0x3F9C] =	sst lr;
	_ =	strace $0xD0000000  }
0x3: {  	_ = 	snop  }
0x4: {  	_ = 	snop  }
0x5: {  	_ = 	snop  }
0x6: {  	_ = 	snop  }
0x7: {  	_ = 	snop  }
__scs_overlays_trampoline_lowered:
0x8: {  	[smem:$0x3FAB] =	sst s0  }
0x9: {  	[smem:$0x3FAC] =	sst s1  }
0xa: {  	[smem:$0x3FAD] =	sst s2  }
0xb: {  	[smem:$0x3FAE] =	sst s3  }
0xc: {  	[smem:$0x3FAF] =	sst s4  }
0xd: {  	[smem:$0x3FB0] =	sst s5  }
0xe: {  	[smem:$0x3FB1] =	sst s6  }
0xf: {  	[smem:$0x3FB2] =	sst s7  }
0x10: {  	[smem:$0x3FB3] =	sst s8  }
0x11: {  	[smem:$0x3FB4] =	sst s9;
	s0 =	simm.s32 @!p0 $0x0  }
0x12: {  	s1 =	sld [smem:$0x3F9A];
	s0 =	simm.s32 @p0 $0x1  }
0x13: {  	[smem:$0x3FB5] =	sst s0;
	s0 =	simm.s32 @!p1 $0x0  }
0x14: {  	s2 =	sld [smem:$0x3F99];
	s0 =	simm.s32 @p1 $0x1  }
0x15: {  	[smem:$0x3FB6] =	sst s0;
	s0 =	simm.s32 @!p2 $0x0  }
0x16: {  	s3 =	sld [smem:$0x3FDB];
	s0 =	simm.s32 @p2 $0x1  }
0x17: {  	s4 =	simm.s32 $0x1BF5;
	[smem:$0x3FB8] =	sst s0  }
0x18: {  	s0 =	sld [smem:$0x3F9B];
	_ =	swait.ge [sflag:s4], $0x0  }
0x19: {  	s7 =	sld [smem:$0x3F9C]  }
0x1a: {  	s8 =	sadd.s32 $0xFFFFE003, lr  }
0x1b: {  	s9 =	sadd.s32 $0xFFFFFEF7, lr;
	s5 =	simm.s32 $0xFFFFFFFF;
	p2 =	slt.u32 s8, $0xFFFFF086  }
0x1c: {  	p1 =	slt.u32 s9, $0xF7A;
	s5 =	simm.s32 @!p2 $0x0  }
0x1d: {  	s5 =	simm.s32 @p1 $0x1;
	p0 =	seq.s32 s7, s2  }
0x1e: {  	s7 =	smul.u32 @!p0 $0xF7A, s2;
	p2 =	seq.s32 @!p0 s5, $0x0  }
0x1f: {  	s9 =	smul.u32 $0xF7A, s1;
	s8 =	simm.s32 @!p0 $0x1BF5;
	p2 =	por !p2, p0  }
0x20: {  	[sflag:s8] =	ssyncset.s32 @!p0 $0xFFFFF086;
	s6 =	sadd.s32 @!p0 s3, s7;
	s7 =	simm.s32 @!p0 $0x108  }
0x21: {  	s3 =	sadd.s32 s3, s9;
	s6 =	sadd.s32 @!p0 $0x88, s6;
	s7 =	simm.s32 @p2 $0x1082  }
0x22: {  	[simem:s7], [sflag:s8] =	dma.local @!p0 [hbm:s6], $0xF7A  }
0x23: {  	s9 =	sor.u32 $0xD0000000, s2;
	s6 =	simm.s32 $0x108;
	_ =	swait.ge @!p0 [sflag:s8], $0x0  }
0x24: {  	s3 =	sadd.s32 $0x88, s3;
	s6 =	simm.s32 @!p1 $0x1082;
	[sflag:s4] =	ssyncset.s32 $0xFFFFF086  }
0x25: {  	[simem:s6], [sflag:s4] =	dma.local [hbm:s3], $0xF7A  }
0x26: {  	[smem:$0x3F9C] =	sst s1;
	(tag) =	ssettag s2;
	_ =	strace s9  }
0x27: {  	s1 =	sld [smem:$0x3FAC]  }
0x28: {  	s2 =	sld [smem:$0x3FAD]  }
0x29: {  	s4 =	sld [smem:$0x3FAF]  }
0x2a: {  	p0 =	seq.s32 s5, $0x0;
	s5 =	sld [smem:$0x3FB0]  }
0x2b: {  	s6 =	sld [smem:$0x3FB1]  }
0x2c: {  	s7 =	sld [smem:$0x3FB2]  }
0x2d: {  	s3 =	simm.s32 $0x108;
	s8 =	sld [smem:$0x3FB3]  }
0x2e: {  	s3 =	simm.s32 @!p0 $0x1082;
	s9 =	sld [smem:$0x3FB4]  }
0x2f: {  	lr =	sadd.s32 s0, s3;
	s0 =	sld [smem:$0x3FAB]  }
0x30: {  	s3 =	sld [smem:$0x3FAE]  }
0x31: {  	[smem:$0x3FB7] =	sst s10  }
0x32: {  	s10 =	sld [smem:$0x3FB5];
	_ =	sdelay $0x3  }
0x33: {  	p0 =	seq.s32 s10, $0x1;
	s10 =	sld [smem:$0x3FB7];
	_ =	sdelay $0x3  }
0x34: {  	[smem:$0x3FB7] =	sst s10  }
0x35: {  	s10 =	sld [smem:$0x3FB6];
	_ =	sdelay $0x3  }
0x36: {  	p1 =	seq.s32 s10, $0x1;
	s10 =	sld [smem:$0x3FB7];
	_ =	sdelay $0x3  }
0x37: {  	[smem:$0x3FB7] =	sst s10  }
0x38: {  	s10 =	sld [smem:$0x3FB8]  }
0x39: {  	_ = 	snop;
	(pc) =	sbr.ind lr, $3  }
0x3a: {  	_ = 	snop  }
0x3b: {  	_ = 	snop  }
0x3c: {  	p2 =	seq.s32 s10, $0x1;
	s10 =	sld [smem:$0x3FB7]  }
0x3d: {  	_ =	shalt  }
0x3e: {  	_ =	shalt  }
0x3f: {  	_ =	shalt  }
0x40: {  	_ =	shalt  }
0x41: {  	_ =	shalt  }
0x42: {  	_ =	shalt  }
0x43: {  	_ =	shalt  }
0x44: {  	_ =	shalt  }
0x45: {  	_ =	shalt  }
0x46: {  	_ =	shalt  }
0x47: {  	_ =	shalt  }
0x48: {  	_ =	shalt  }
0x49: {  	_ =	shalt  }
0x4a: {  	_ =	shalt  }
0x4b: {  	_ =	shalt  }
0x4c: {  	_ =	shalt  }
0x4d: {  	_ =	shalt  }
0x4e: {  	_ =	shalt  }
0x4f: {  	_ =	shalt  }
0x50: {  	_ =	shalt  }
0x51: {  	_ =	shalt  }
0x52: {  	_ =	shalt  }
0x53: {  	_ =	shalt  }
0x54: {  	_ =	shalt  }
0x55: {  	_ =	shalt  }
0x56: {  	_ =	shalt  }
0x57: {  	_ =	shalt  }
0x58: {  	_ =	shalt  }
0x59: {  	_ =	shalt  }
0x5a: {  	_ =	shalt  }
0x5b: {  	_ =	shalt  }
0x5c: {  	_ =	shalt  }
0x5d: {  	_ =	shalt  }
0x5e: {  	_ =	shalt  }
0x5f: {  	_ =	shalt  }
0x60: {  	_ =	shalt  }
0x61: {  	_ =	shalt  }
0x62: {  	_ =	shalt  }
0x63: {  	_ =	shalt  }
0x64: {  	_ =	shalt  }
0x65: {  	_ =	shalt  }
0x66: {  	_ =	shalt  }
0x67: {  	_ =	shalt  }
0x68: {  	_ =	shalt  }
0x69: {  	_ =	shalt  }
0x6a: {  	_ =	shalt  }
0x6b: {  	_ =	shalt  }
0x6c: {  	_ =	shalt  }
0x6d: {  	_ =	shalt  }
0x6e: {  	_ =	shalt  }
0x6f: {  	_ =	shalt  }
0x70: {  	_ =	shalt  }
0x71: {  	_ =	shalt  }
0x72: {  	_ =	shalt  }
0x73: {  	_ =	shalt  }
0x74: {  	_ =	shalt  }
0x75: {  	_ =	shalt  }
0x76: {  	_ =	shalt  }
0x77: {  	_ =	shalt  }
0x78: {  	_ =	shalt  }
0x79: {  	_ =	shalt  }
0x7a: {  	_ =	shalt  }
0x7b: {  	_ =	shalt  }
0x7c: {  	_ =	shalt  }
0x7d: {  	_ =	shalt  }
0x7e: {  	_ =	shalt  }
0x7f: {  	_ =	shalt  }
0x80: {  	_ =	shalt  }
0x81: {  	_ =	shalt  }
0x82: {  	_ =	shalt  }
0x83: {  	_ =	shalt  }
0x84: {  	_ =	shalt  }
0x85: {  	_ =	shalt  }
0x86: {  	_ =	shalt  }
0x87: {  	_ =	shalt  }
.Lfunc_end0:
.L_simem_size_0:
called_computation_lowered:
.L_overlay_start_0:
0x88: {  	s2 =	sld [smem:$0x3FD9]  }
0x89: {  	s3 =	sld [smem:$0x3FFE];
	_ =	sdelay $0x1  }
0x8a: {  	s1 =	srdreg.scid  }
0x8b: {  	s0 =	sand.u32 $0x1, s1  }
0x8c: {  	s17 =	sshll.u32 s0, $0xA;
	s2 =	sadd.s32 s3, s2  }
0x8d: {  	s2 =	sadd.s32 s2, s17  }
0x8e: {  	[smem:$0x3FC3] =	sst s2  }
0x8f: {  	_ = 	snop  }
0x90: {  	s2 =	sld [smem:$0x3FD0];
	(tm) =	ssettm $0x1  }
0x91: {  	s18 =	sld [smem:$0x3FFB];
	_ =	sdelay $0x3  }
0x92: {  	_ =	strace s18  }
0x93: {  	s3 =	sld [smem:$0x3FFC];
	_ =	sdelay $0x3  }
0x94: {  	_ =	strace s3  }
0x95: {  	s3 =	sld [smem:$0x3FFD];
	_ =	sdelay $0x3  }
0x96: {  	_ =	strace s3  }
0x97: {  	_ =	strace $0x8FFFFFFF  }
0x98: {  	s19 =	sld [smem:$0x3FDB];
	_ =	sdelay $0x1  }
0x99: {  	s4 =	simm.s32 $_scs_section_size  }
0x9a: {  	s5 =	simm.s32 $_size__tile_overlayer_lowered;
	s6 =	simm.s32 $_tile_overlayer_lowered  }
0x9b: {  	s22 =	simm.s32 $0x1BFF;
	s21 =	sshll.u32 s6, $0x1;
	s3 =	sadd.s32 s4, s19  }
0x9c: {  	s7 =	simm.s32 $0x0;
	s20 =	sshll.u32 s5, $0x1;
	s5 =	sadd.s32 s21, s3  }
0x9d: {  	[timem:s7], [sflag:s22] =	dma.local [hbm:s5], s20  }
0x9e: {  	_ =	swait.ge [sflag:s22], s20  }
0x9f: {  	s4 =	ssub.s32 $0x0, s20;
	[sflag:s22] =	ssyncset.done $0x0  }
0xa0: {  	[sflag:s22] =	ssyncadd.s32 s4;
	_ =	sdelay $0x1  }
0xa1: {  	s23 =	simm.s32 $0x1B8B  }
0xa2: {  	_ =	swait.ge [sflag:s23], $0x1  }
0xa3: {  	[sflag:s23] =	ssyncset.done $0x0  }
0xa4: {  	s25 =	simm.s32 $0x1B8E;
	s24 =	sld [smem:$0x3FFE];
	[sflag:s23] =	ssyncadd.s32 $0xFFFFFFFF  }
0xa5: {  	s26 =	simm.s32 $execute0_lowered;
	[smem:$0x3FD2] =	sst s25  }
0xa6: {  	s5 =	sshll.u32 s26, $0x1;
	_ =	strace $0x80000046;
	[dreg:$0x1] =	wrdreg $0xFFFFFFFF  }
0xa7: {  	s28 =	simm.s32 $_size_execute0_lowered;
	s3 =	sadd.s32 s3, s5;
	[dreg:$0x0] =	wrdreg $0x0  }
0xa8: {  	s5 =	sshll.u32 s28, $0x1;
	[dreg:$0x2] =	wrdreg s3  }
0xa9: {  	[dreg:$0x3] =	wrdreg s5  }
0xaa: {  	[dreg:$0x4] =	wrdreg $0xC0  }
0xab: {  	_ =	task [dreg:s7], $0x5FFFF  }
0xac: {  	[dreg:$0x1] =	wrdreg $0xFFFFFFFF  }
0xad: {  	[dreg:$0x0] =	wrdreg $0x60  }
0xae: {  	[dreg:$0x2] =	wrdreg s24  }
0xaf: {  	[dreg:$0x3] =	wrdreg s2  }
0xb0: {  	[dreg:$0x4] =	wrdreg $0x9  }
0xb1: {  	_ =	task.clear_ibuf [dreg:s7], $0x5FFFF;
	_ =	strace $0x90000046  }
0xb2: {  	s29 =	simm.s32 $0x9;
	_ =	strace $0x80000048  }
0xb3: {  	_ =	swait.ge [sflag:s29], $0x1  }
0xb4: {  	[sflag:s29] =	ssyncadd.s32 $0xFFFFFFFF  }
0xb5: {  	_ =	strace $0x90000048  }
0xb6: {  	_ =	sfence  }
0xb7: {  	s30 =	sld [smem:$0x0];
	_ =	sdelay $0x2  }
0xb8: {  	s31 =	sshll.u32 s1, $0xD;
	s1 =	sshrl.u32 s1, $0x2  }
0xb9: {  	s3 =	sand.u32 $0x4000, s31;
	s1 =	sadd.s32 s1, s30  }
0xba: {  	s0 =	sor.u32 s3, s0;
	s1 =	sshll.u32 s1, $0x11  }
0xbb: {  	s0 =	sor.u32 s1, s0  }
0xbc: {  	s0 =	sadd.s32 $0x8F2B, s0  }
0xbd: {  	[sflag:s0] =	ssyncadd.remote.s32 $0x1  }
0xbe: {  	_ =	sfence.sel $0xFFFF  }
0xbf: {  	[dreg:$0x0] =	wrdreg $0xFFFFFFFF;
	(pc) =	sbr.abs _section_cstart, $3  }
0xc0: {  	[dreg:$0x1] =	wrdreg $0xFFFFFFFF  }
0xc1: {  	_ =	task.clear_ibuf [dreg:s7], $0x2FFFF;
	_ =	strace $0x9FFFFFFF  }
0xc2: {  	(tm) =	ssettm $0x7FFFFFFF  }
0xc3: {  	_ =	shalt  }
tec
execute0_lowered:
.L_overlay_start_1:
0x0: {  	(tag) =	ssettag $0x1  }
0x1: {  	s0 =	rddreg [dreg:$0x0]  }
0x2: {  	s1 =	rddreg [dreg:$0x1];
	s2 =	simm.s32 $0x0  }
0x3: {  	s5 =	stileid.u32;
	s4 =	srdreg.scid;
	s16 =	simm.s32 $0x1  }
0x4: {  	s17 =	simm.s32 $0x80;
	s18 =	simm.s32 $0x100;
	s22 =	simm.s32 $0x480  }
0x5: {  	s23 =	simm.s32 $0x10480;
	s24 =	simm.s32 $0x10580;
	s28 =	simm.s32 $0x10880  }
0x6: {  	s29 =	simm.s32 $0x400;
	s30 =	simm.s32 $0x10C00;
	s31 =	simm.s32 $0x0  }
0x7: {  	[smem:$0x7FF] =	sst s2;
	s3 =	sshll.u32 s5, $0x1;
	s4 =	sand.u32 $0x1, s4  }
0x8: {  	s5 =	sshll.u32 s5, $0x5;
	s7 =	sadd.s32 $0x6A00, s0;
	s25 =	sadd.s32 $0x6800, s0  }
0x9: {  	s8 =	sadd.s32 $0x6E00, s0;
	_ =	strace $0x80000047;
	[dreg:$0x3] =	wrdreg s7  }
0xa: {  	s3 =	sand.u32 $0x10, s3;
	s6 =	sshll.u32 s4, $0x4;
	[dreg:$0x4] =	wrdreg s25  }
0xb: {  	s4 =	ssub.s32 $0x2, s4;
	s7 =	sadd.s32 $0x6400, s0;
	s25 =	simm.s32 $0x10680  }
.Ltmp0:
0xc: {  	s3 =	sadd.s32 s3, s0;
	s5 =	sor.u32 s6, s5;
	(pc) =	sbr.rel .LBB2_1-.Ltmp0, $4  }
0xd: {  	s6 =	sadd.s32 $0x6600, s0;
	s9 =	sshrl.u32 s4, $0x1;
	s11 =	sshrl.u32 s5, $0x3  }
0xe: {  	s26 =	ssub.s32 s4, s9;
	s12 =	sadd.s32 $0x2400, s3;
	s13 =	sadd.s32 s11, s0  }
0xf: {  	v0 =	vimm.s32 $0x0;
	v3 =	vimm.f32 $1.000000000e+00;
	s11 =	sadd.s32 s1, s11;
	s14 =	smax.u32 s26, $0x1;
	s26 =	simm.s32 $0x10780  }
0x10: {  	v1 =	vimm.f32 $0.0e+00;
	v2 =	vlaneseq.u32;
	v3 =	vand.u32 $0x7FFFFFFF, v3;
	s9 =	sadd.s32 $0x2200, s13;
	s10 =	sadd.s32 $0x2000, s13;
	s13 =	sadd.s32 $0x6C00, s13  }
.LBB2_8:
0x11: {  	s31 =	sadd.s32 $0x1, s31  }
0x12: {  	p0 =	sne.s32 s31, s14  }
.Ltmp1:
0x13: {  	_ = 	snop;
	(pc) =	sbr.rel @!p0 .LBB2_9-.Ltmp1, $4  }
0x14: {  	[hbm4b:s13+s2] =	stream.linear.scatter [tilespmem:s30], [sflag:$0x1], $0x10, $0x38;
	[tilespmem:$0x10D00] =	vst v63  }
0x15: {  	_ =	swait.ge [sflag:s16], $0x10  }
0x16: {  	[sflag:s16] =	ssyncset.done $0x0  }
0x17: {  	[sflag:s16] =	ssyncadd.s32 $0xFFFFFFF0  }
.LBB2_1:
0x18: {  	s0 =	simm.s32 $0x10C80  }
0x19: {  	[tilespmem:s0], [sflag:$0x1] =	stream.linear.gather [hbm4b:s7+s2], $0x1, $0x38;
	[tilespmem:$0x10D00] =	vst v63  }
0x1a: {  	_ =	swait.ge [sflag:s16], $0x1  }
0x1b: {  	[sflag:s16] =	ssyncset.done $0x0  }
0x1c: {  	[sflag:s16] =	ssyncadd.s32 $0xFFFFFFFF  }
0x1d: {  	v4 =	vld.msk [tilespmem:$0x10C80 ss:$0x0], $0xffff;
	[tilespmem:s2], [sflag:$0x1] =	stream.linear.gather [hbm4b:s9+s2], $0x10, $0x38  }
0x1e: {  	_ =	swait.ge [sflag:s16], $0x10  }
0x1f: {  	[sflag:s16] =	ssyncset.done $0x0  }
0x20: {  	[sflag:s16] =	ssyncadd.s32 $0xFFFFFFF0  }
0x21: {  	[tilespmem:s17], [sflag:$0x1] =	stream.linear.gather [hbm4b:s10+s2], $0x10, $0x38;
	[tilespmem:$0x10D00] =	vst v63  }
0x22: {  	_ =	swait.ge [sflag:s16], $0x10  }
0x23: {  	[sflag:s16] =	ssyncset.done $0x0  }
0x24: {  	[sflag:s16] =	ssyncadd.s32 $0xFFFFFFF0  }
0x25: {  	[tilespmem:s18], [sflag:$0x1] =	stream.linear.gather [hbm4b:s11+s2], $0x10, $0x38;
	[tilespmem:$0x10D00] =	vst v63  }
0x26: {  	_ =	swait.ge [sflag:s16], $0x10  }
0x27: {  	[sflag:s16] =	ssyncset.done $0x0  }
0x28: {  	s1 =	simm.s32 $0x180;
	s15 =	rddreg [dreg:$0x3];
	[sflag:s16] =	ssyncadd.s32 $0xFFFFFFF0  }
0x29: {  	[tilespmem:s1], [sflag:$0x1] =	stream.linear.gather [hbm4b:s15+s2], $0x100, $0x38;
	[tilespmem:$0x10D00] =	vst v63  }
0x2a: {  	_ =	swait.ge [sflag:s16], $0x100  }
0x2b: {  	[sflag:s16] =	ssyncset.done $0x0  }
0x2c: {  	s20 =	simm.s32 $0x280;
	s19 =	rddreg [dreg:$0x4];
	[sflag:s16] =	ssyncadd.s32 $0xFFFFFF00  }
0x2d: {  	[tilespmem:s20], [sflag:$0x1] =	stream.linear.gather [hbm4b:s19+s2], $0x100, $0x38;
	[tilespmem:$0x10D00] =	vst v63  }
0x2e: {  	_ =	swait.ge [sflag:s16], $0x100  }
0x2f: {  	[sflag:s16] =	ssyncset.done $0x0  }
0x30: {  	s21 =	simm.s32 $0x380;
	[sflag:s16] =	ssyncadd.s32 $0xFFFFFF00  }
0x31: {  	[tilespmem:s21], [sflag:$0x1] =	stream.linear.gather [hbm4b:s6+s2], $0x100, $0x38;
	[tilespmem:$0x10D00] =	vst v63  }
0x32: {  	_ =	swait.ge [sflag:s16], $0x100  }
0x33: {  	[sflag:s16] =	ssyncset.done $0x0  }
0x34: {  	[sflag:s16] =	ssyncadd.s32 $0xFFFFFF00  }
0x35: {  	[tilespmem:s22], [sflag:$0x1] =	stream.strided.gather [hbm4b:s12+s17], $0x10000, s18, s17, $0x38;
	[tilespmem:$0x10D00] =	vst v63  }
0x36: {  	_ =	swait.ge [sflag:s16], $0x10000  }
0x37: {  	[sflag:s16] =	ssyncset.done $0x0  }
0x38: {  	[sflag:s16] =	ssyncadd.s32 $0xFFFF0000  }
0x39: {  	[tilespmem:$0x10480] =	vst v0  }
0x3a: {  	[tilespmem:$0x10490] =	vst v0  }
0x3b: {  	[tilespmem:$0x104A0] =	vst v0  }
0x3c: {  	[tilespmem:$0x104B0] =	vst v0  }
0x3d: {  	[tilespmem:$0x104C0] =	vst v0  }
0x3e: {  	[tilespmem:$0x104D0] =	vst v0  }
0x3f: {  	[tilespmem:$0x104E0] =	vst v0  }
0x40: {  	[tilespmem:$0x104F0] =	vst v0  }
0x41: {  	[tilespmem:$0x10500] =	vst v0  }
0x42: {  	[tilespmem:$0x10510] =	vst v0  }
0x43: {  	[tilespmem:$0x10520] =	vst v0  }
.Ltmp2:
0x44: {  	[tilespmem:$0x10530] =	vst v0;
	(pc) =	sbr.rel .LBB2_2-.Ltmp2, $4  }
0x45: {  	[tilespmem:$0x10540] =	vst v0  }
0x46: {  	[tilespmem:$0x10550] =	vst v0  }
0x47: {  	[tilespmem:$0x10560] =	vst v0  }
0x48: {  	s0 =	simm.s32 $0x0;
	[tilespmem:$0x10570] =	vst v0  }
.LBB2_7:
0x49: {  	s3 =	sor.u32 s5, s0  }
0x4a: {  	s3 =	sshrl.u32 s3, $0x3  }
0x4b: {  	s4 =	sshll.u32 s0, $0x7;
	s3 =	smul.u32 $0x1C00, s3  }
0x4c: {  	s4 =	sand.u32 $0x380, s4  }
0x4d: {  	s3 =	sor.u32 s4, s3  }
0x4e: {  	s0 =	sadd.s32 $0x1, s0;
	s3 =	sshrl.u32 s3, $0x3  }
0x4f: {  	p0 =	seq.s32 s0, $0x10;
	s3 =	sadd.s32 s8, s3  }
0x50: {  	[hbm4b:s3+s17] =	stream.strided.scatter [tilespmem:s28], [sflag:$0x1], $0x380, s29, s17, $0x38;
	[tilespmem:$0x10D00] =	vst v63  }
.Ltmp3:
0x51: {  	_ = 	snop;
	(pc) =	sbr.rel @p0 .LBB2_8-.Ltmp3, $4  }
0x52: {  	s1 =	scvt.s32.f32 s1;
	_ =	swait.ge [sflag:s16], $0x380  }
0x53: {  	[sflag:s16] =	ssyncset.done $0x0  }
0x54: {  	v6 =	vmov s1;
	[sflag:s16] =	ssyncadd.s32 $0xFFFFFC80  }
0x55: {  	[tilespmem:v5+s30+$0x0] =	vst.idx.msk $0x1, v6  }
.LBB2_2:
0x56: {  	v5 =	vmov s0;
	_ =	sdelay $0x3  }
0x57: {  	s1 =	simm.s32 $0x0  }
0x58: {  	v6 =	vld.idx.msk [tilespmem:v5+s1+$0x0], $0xffff  }
0x59: {  	v7 =	vld.idx.msk [tilespmem:v5+s17+$0x0], $0xffff  }
0x5a: {  	v8 =	vld.idx.msk [tilespmem:v5+s18+$0x0], $0xffff  }
0x5b: {  	s21 =	simm.s32 $0x0  }
0x5c: {  	v12 =	vld [tilespmem:s21+$0x180]  }
0x5d: {  	v13 =	vld [tilespmem:s21+$0x280]  }
0x5e: {  	v14 =	vld [tilespmem:s21+$0x380];
	v9 =	vtrunc.f32 v6  }
0x5f: {  	v10 =	vtrunc.f32 v7;
	v11 =	vtrunc.f32 v8  }
0x60: {  	v9 =	vcvt.f32.s32 v9;
	v10 =	vcvt.f32.s32 v10  }
0x61: {  	v11 =	vcvt.f32.s32 v11  }
0x62: {  	v12 =	vadd.s32 v9, v12;
	v16 =	vadd.s32 v10, v13  }
0x63: {  	v17 =	vadd.s32 v11, v14;
	v13 =	vcvt.s32.f32 v12;
	v14 =	vcvt.s32.f32 v16  }
0x64: {  	v15 =	vcvt.s32.f32 v17  }
0x65: {  	v13 =	vsub.f32 v13, v6;
	v14 =	vsub.f32 v14, v7  }
0x66: {  	v15 =	vsub.f32 v15, v8  }
0x67: {  	v18 =	vmul.f32 v13, v4;
	v14 =	vmul.f32 v14, v4  }
0x68: {  	v13 =	vmul.f32 v15, v4  }
0x69: {  	v15 =	vmul.f32 v18, v18;
	v19 =	vmul.f32 v14, v14;
	_ =	sdelay $0x1  }
0x6a: {  	v20 =	vmul.f32 v13, v13;
	v15 =	vadd.f32 v19, v15;
	_ =	sdelay $0x1  }
0x6b: {  	v62 =	vor.u32 v12, v16;
	v15 =	vadd.f32 v20, v15  }
0x6c: {  	v19 =	vor.u32 v17, v62  }
0x6d: {  	vm0 =	vlt.u32 v19, $0x10;
	vm1 =	vle.f32 v15, $1.000000000e+00  }
0x6e: {  	vm0 =	vmand vm0, vm1  }
0x6f: {  	v15 =	vsel vm0, $0x1, v0  }
0x70: {  	(xrf0) =	vadd.scan.msk.s32 $0xffff, v15;
	_ =	sdelay $0x5  }
0x71: {  	v63 =	vimm.s32 $0x0;
	v15, _, _ =	vpop (xrf0)  }
0x72: {  	v15 =	vadd.s32 v15, v63  }
0x73: {  	v15 =	vadd.s32 $0xFFFFFFFF, v15  }
0x74: {  	v12 =	vshll.u32 v12, $0x8;
	v16 =	vshll.u32 v16, $0x4  }
0x75: {  	v12 =	vadd.s32 v12, v16  }
0x76: {  	v12 =	vadd.s32 v17, v12  }
0x77: {  	v12 =	vshll.u32 v12, $0x4;
	v16 =	vmpcnt.ones.xlane vm0  }
0x78: {  	[tilespmem:v15+s23+$0x0] =	vst.idx.msk vm0, v12  }
0x79: {  	s1 =	simm.s32 $0x40;
	v12 =	vadd.s32 v63, v16;
	[tilespmem:v15+s24+$0x0] =	vst.idx.msk vm0, v18  }
.LBB2_3:
0x7a: {  	p0 =	sne.s32 s1, $0x340;
	[tilespmem:v15+s25+$0x0] =	vst.idx.msk vm0, v14;
	v16 =	vmov v12;
	s3 =	smov.u32 s1;
	s1 =	sadd.s32 $0x40, s1  }
0x7b: {  	s3 =	sshra.s32 s3, $0x2;
	[tilespmem:v15+s26+$0x0] =	vst.idx.msk vm0, v13  }
0x7c: {  	v13 =	vld [tilespmem:s3+$0x180]  }
0x7d: {  	v14 =	vld [tilespmem:s3+$0x280]  }
0x7e: {  	v15 =	vld [tilespmem:s3+$0x380];
	_ =	sdelay $0x2  }
0x7f: {  	v13 =	vadd.s32 v9, v13  }
0x80: {  	v14 =	vadd.s32 v10, v14;
	v17 =	vcvt.s32.f32 v13  }
0x81: {  	v15 =	vadd.s32 v11, v15;
	v18 =	vor.u32 v13, v14;
	v19 =	vcvt.s32.f32 v14  }
0x82: {  	v18 =	vor.u32 v15, v18;
	v17 =	vsub.f32 v17, v6;
	v20 =	vcvt.s32.f32 v15  }
0x83: {  	v13 =	vshll.u32 v13, $0x8;
	v14 =	vshll.u32 v14, $0x4;
	v19 =	vsub.f32 v19, v7  }
0x84: {  	v13 =	vadd.s32 v13, v14;
	v17 =	vmul.f32 v17, v4;
	v20 =	vsub.f32 v20, v8  }
0x85: {  	v14 =	vmul.f32 v19, v4;
	v19 =	vadd.s32 v15, v13  }
0x86: {  	v13 =	vmul.f32 v20, v4;
	v15 =	vmul.f32 v17, v17  }
0x87: {  	v20 =	vmul.f32 v14, v14  }
0x88: {  	v21 =	vmul.f32 v13, v13  }
0x89: {  	v15 =	vadd.f32 v20, v15;
	_ =	sdelay $0x1  }
0x8a: {  	v15 =	vadd.f32 v21, v15  }
0x8b: {  	vm0 =	vlt.u32 v18, $0x10  }
0x8c: {  	vm1 =	vle.f32 v15, $1.000000000e+00  }
0x8d: {  	vm0 =	vmand vm0, vm1  }
0x8e: {  	v15 =	vsel vm0, $0x1, v0;
	v18 =	vmpcnt.ones.xlane vm0  }
0x8f: {  	(xrf0) =	vadd.scan.msk.s32 $0xffff, v15  }
0x90: {  	v12 =	vadd.s32 v12, v18;
	_ =	sdelay $0x4  }
0x91: {  	v15, _, _ =	vpop (xrf0)  }
0x92: {  	v15 =	vadd.s32 v15, v16  }
0x93: {  	v15 =	vadd.s32 $0xFFFFFFFF, v15;
	_ =	sdelay $0x1  }
.Ltmp4:
0x94: {  	(pc) =	sbr.rel @p0 .LBB2_3-.Ltmp4, $3  }
0x95: {  	v16 =	vshll.u32 v19, $0x4;
	_ =	sdelay $0x1  }
0x96: {  	[tilespmem:v15+s23+$0x0] =	vst.idx.msk vm0, v16  }
0x97: {  	[tilespmem:v15+s24+$0x0] =	vst.idx.msk vm0, v17  }
0x98: {  	_ =	sdelay $0x4  }
0x99: {  	[tilespmem:v15+s25+$0x0] =	vst.idx.msk vm0, v14  }
0x9a: {  	[tilespmem:v15+s26+$0x0] =	vst.idx.msk vm0, v13  }
0x9b: {  	[tilespmem:$0x10880] =	vst v1  }
0x9c: {  	[tilespmem:$0x10890] =	vst v1  }
0x9d: {  	[tilespmem:$0x108A0] =	vst v1  }
0x9e: {  	[tilespmem:$0x108B0] =	vst v1  }
0x9f: {  	[tilespmem:$0x108C0] =	vst v1  }
0xa0: {  	[tilespmem:$0x108D0] =	vst v1  }
0xa1: {  	[tilespmem:$0x108E0] =	vst v1  }
0xa2: {  	[tilespmem:$0x108F0] =	vst v1  }
0xa3: {  	[tilespmem:$0x10900] =	vst v1  }
0xa4: {  	[tilespmem:$0x10910] =	vst v1  }
0xa5: {  	[tilespmem:$0x10920] =	vst v1  }
0xa6: {  	[tilespmem:$0x10930] =	vst v1  }
0xa7: {  	[tilespmem:$0x10940] =	vst v1  }
0xa8: {  	[tilespmem:$0x10950] =	vst v1  }
0xa9: {  	[tilespmem:$0x10960] =	vst v1  }
0xaa: {  	[tilespmem:$0x10970] =	vst v1  }
0xab: {  	[tilespmem:$0x10980] =	vst v1  }
0xac: {  	[tilespmem:$0x10990] =	vst v1  }
0xad: {  	[tilespmem:$0x109A0] =	vst v1  }
0xae: {  	[tilespmem:$0x109B0] =	vst v1  }
0xaf: {  	[tilespmem:$0x109C0] =	vst v1  }
0xb0: {  	[tilespmem:$0x109D0] =	vst v1  }
0xb1: {  	[tilespmem:$0x109E0] =	vst v1  }
0xb2: {  	v6 =	vxor.u32 $0x80000000, v12;
	[tilespmem:$0x109F0] =	vst v1  }
0xb3: {  	(xrf0) =	vmax.scan.msk.u32 $0xffff, v6;
	[tilespmem:$0x10A00] =	vst v1  }
0xb4: {  	[tilespmem:$0x10A10] =	vst v1  }
0xb5: {  	[tilespmem:$0x10A20] =	vst v1  }
0xb6: {  	[tilespmem:$0x10A30] =	vst v1  }
0xb7: {  	[tilespmem:$0x10A40] =	vst v1  }
0xb8: {  	[tilespmem:$0x10A50] =	vst v1  }
0xb9: {  	[tilespmem:$0x10A60] =	vst v1;
	v6, _, _ =	vpop (xrf0)  }
0xba: {  	[tilespmem:$0x10A70] =	vst v1;
	(v2sf) =	vpush v6, $0xF  }
0xbb: {  	[tilespmem:$0x10A80] =	vst v1  }
0xbc: {  	[tilespmem:$0x10A90] =	vst v1  }
0xbd: {  	[tilespmem:$0x10AA0] =	vst v1  }
0xbe: {  	[tilespmem:$0x10AB0] =	vst v1  }
0xbf: {  	[tilespmem:$0x10AC0] =	vst v1  }
0xc0: {  	[tilespmem:$0x10AD0] =	vst v1  }
0xc1: {  	[tilespmem:$0x10AE0] =	vst v1  }
0xc2: {  	[tilespmem:$0x10AF0] =	vst v1  }
0xc3: {  	[tilespmem:$0x10B00] =	vst v1  }
0xc4: {  	[tilespmem:$0x10B10] =	vst v1  }
0xc5: {  	[tilespmem:$0x10B20] =	vst v1  }
0xc6: {  	[tilespmem:$0x10B30] =	vst v1  }
0xc7: {  	[tilespmem:$0x10B40] =	vst v1  }
0xc8: {  	[tilespmem:$0x10B50] =	vst v1  }
0xc9: {  	[tilespmem:$0x10B60] =	vst v1;
	s1 =	spop (v2sf)  }
0xca: {  	[tilespmem:$0x10B70] =	vst v1;
	s3 =	sadd.s32 $0x8000000F, s1  }
0xcb: {  	[tilespmem:$0x10B80] =	vst v1;
	p0 =	slt.s32 s3, $0x10  }
.Ltmp5:
0xcc: {  	[tilespmem:$0x10B90] =	vst v1;
	(pc) =	sbr.rel @p0 .LBB2_7-.Ltmp5, $4  }
0xcd: {  	[tilespmem:$0x10BA0] =	vst v1  }
0xce: {  	[tilespmem:$0x10BB0] =	vst v1  }
0xcf: {  	[tilespmem:$0x10BC0] =	vst v1  }
0xd0: {  	[tilespmem:$0x10BD0] =	vst v1;
	s1 =	sxor.u32 $0x80000000, s1  }
0xd1: {  	s15 =	sand.u32 $0xFFFFFFF0, s3;
	s19 =	simm.s32 $0x0;
	s20 =	simm.s32 $0x10480  }
0xd2: {  	v6 =	vmov s1;
	s21 =	simm.s32 $0x10780;
	s3 =	simm.s32 $0x10680;
	s4 =	simm.s32 $0x10580  }
.LBB2_6:
0xd3: {  	v9 =	vld [tilespmem:s4+$0x0]  }
0xd4: {  	v10 =	vld [tilespmem:s3+$0x0];
	_ =	sdelay $0x1  }
0xd5: {  	v7 =	vld [tilespmem:s21+$0x0];
	_ =	sdelay $0x2  }
0xd6: {  	v8 =	vmul.f32 v9, v9;
	v11 =	vmul.f32 v10, v10;
	_ =	sdelay $0x1  }
0xd7: {  	v11 =	vadd.f32 v11, v8;
	v8 =	vmul.f32 v7, v7;
	_ =	sdelay $0x1  }
0xd8: {  	v8 =	vadd.f32 v8, v11;
	_ =	sdelay $0x1  }
0xd9: {  	vm0 =	vlt.f32 v8, $9.999999960e-13  }
0xda: {  	v8 =	vsel vm0, $0x3F800000, v8  }
0xdb: {  	v12 =	vshra.s32 v8, $0x1;
	v13 =	vmul.f32 $5.000000000e-01, v8  }
0xdc: {  	v12 =	vsub.s32 $0x5F3759DF, v12  }
0xdd: {  	v14 =	vmul.f32 v12, v13;
	_ =	sdelay $0x1  }
0xde: {  	v14 =	vmul.f32 v12, v14;
	_ =	sdelay $0x1  }
0xdf: {  	v14 =	vsub.f32 $1.500000000e+00, v14;
	_ =	sdelay $0x1  }
0xe0: {  	v12 =	vmul.f32 v12, v14;
	_ =	sdelay $0x1  }
0xe1: {  	v14 =	vmul.f32 v12, v13;
	_ =	sdelay $0x1  }
0xe2: {  	v14 =	vmul.f32 v14, v12;
	_ =	sdelay $0x1  }
0xe3: {  	v14 =	vsub.f32 $1.500000000e+00, v14;
	_ =	sdelay $0x1  }
0xe4: {  	v12 =	vmul.f32 v14, v12;
	_ =	sdelay $0x1  }
0xe5: {  	v13 =	vmul.f32 v12, v13;
	_ =	sdelay $0x1  }
0xe6: {  	v13 =	vmul.f32 v13, v12;
	_ =	sdelay $0x1  }
0xe7: {  	v13 =	vsub.f32 $1.500000000e+00, v13;
	_ =	sdelay $0x1  }
0xe8: {  	v12 =	vmul.f32 v13, v12;
	_ =	sdelay $0x1  }
0xe9: {  	v8 =	vmul.f32 v12, v8  }
0xea: {  	v44 =	vand.u32 $0x7FFFFFFF, v7  }
0xeb: {  	v12 =	vadd.f32 v8, v44;
	_ =	sdelay $0x1  }
0xec: {  	vm1 =	vlt.f32 v12, $9.999999960e-13  }
0xed: {  	v12 =	vsel vm1, $0x3F800000, v12  }
0xee: {  	(erf) = vrcp.f32 v12;
	_ =	sdelay $0x7  }
0xef: {  	v45 =	vmul.f32 $3.000000000e+00, v8  }
0xf0: {  	vm11 =	vlt.f32 v11, $9.999999960e-13;
	v46 =	vpop (erf)  }
0xf1: {  	v47 =	vsel vm11, $0x3F800000, v11;
	v12 =	vmul.f32 v46, v45  }
0xf2: {  	v16 =	vshra.s32 v47, $0x1  }
0xf3: {  	v14 =	vmul.f32 $5.000000000e-01, v47;
	v13 =	vshra.s32 v12, $0x1;
	v15 =	vmul.f32 $5.000000000e-01, v12  }
0xf4: {  	v16 =	vsub.s32 $0x5F3759DF, v16;
	v13 =	vsub.s32 $0x5F3759DF, v13  }
0xf5: {  	v18 =	vmul.f32 v16, v14;
	v17 =	vmul.f32 v13, v15;
	_ =	sdelay $0x1  }
0xf6: {  	v18 =	vmul.f32 v16, v18;
	v17 =	vmul.f32 v13, v17;
	_ =	sdelay $0x1  }
0xf7: {  	v18 =	vsub.f32 $1.500000000e+00, v18;
	v17 =	vsub.f32 $1.500000000e+00, v17;
	_ =	sdelay $0x1  }
0xf8: {  	v16 =	vmul.f32 v16, v18;
	v13 =	vmul.f32 v13, v17;
	_ =	sdelay $0x1  }
0xf9: {  	v18 =	vmul.f32 v16, v14;
	v17 =	vmul.f32 v13, v15;
	_ =	sdelay $0x1  }
0xfa: {  	v18 =	vmul.f32 v18, v16;
	v17 =	vmul.f32 v17, v13;
	_ =	sdelay $0x1  }
0xfb: {  	v18 =	vsub.f32 $1.500000000e+00, v18;
	v17 =	vsub.f32 $1.500000000e+00, v17;
	_ =	sdelay $0x1  }
0xfc: {  	v16 =	vmul.f32 v18, v16;
	v13 =	vmul.f32 v17, v13;
	_ =	sdelay $0x1  }
0xfd: {  	v14 =	vmul.f32 v16, v14;
	v15 =	vmul.f32 v13, v15;
	_ =	sdelay $0x1  }
0xfe: {  	v14 =	vmul.f32 v14, v16;
	v15 =	vmul.f32 v15, v13;
	_ =	sdelay $0x1  }
0xff: {  	v14 =	vsub.f32 $1.500000000e+00, v14;
	v15 =	vsub.f32 $1.500000000e+00, v15  }
0x100: {  	v48 =	vmul.f32 $1.250000000e+00, v7  }
0x101: {  	v14 =	vmul.f32 v14, v16;
	v13 =	vmul.f32 v15, v13  }
0x102: {  	v49 =	vmul.f32 v48, v7  }
0x103: {  	v50 =	vmul.f32 v8, v14;
	v12 =	vmul.f32 v13, v12  }
0x104: {  	vm12 =	vgt.f32 v49, v11  }
0x105: {  	v11 =	vsel vm12, v12, v50  }
0x106: {  	v10 =	vmul.f32 v11, v10  }
0x107: {  	v9 =	vmul.f32 v11, v9  }
0x108: {  	v10 =	vsel vm0, $0x0, v10  }
0x109: {  	v9 =	vsel vm0, $0x0, v9;
	v51 =	vand.u32 $0x7FFFFFFF, v10  }
0x10a: {  	v52 =	vand.u32 $0x7FFFFFFF, v9;
	vm2 =	vlt.f32 v51, $9.999999960e-13  }
0x10b: {  	vm3 =	vlt.f32 v52, $9.999999960e-13;
	v53 =	vsel vm2, $0x3F800000, v10  }
0x10c: {  	v54 =	vsel vm3, $0x3F800000, v9;
	(erf) = vrcp.f32 v53  }
0x10d: {  	(erf) = vrcp.f32 v54;
	_ =	sdelay $0x7  }
0x10e: {  	v57 =	vpop (erf)  }
0x10f: {  	v55 =	vmul.f32 v9, v9;
	v56 =	vmul.f32 v10, v10;
	v58 =	vpop (erf)  }
0x110: {  	v14 =	vmul.f32 v58, v10  }
0x111: {  	v13 =	vadd.f32 v56, v55  }
0x112: {  	v15 =	vmul.f32 v57, v9;
	v14 =	vmax.f32 v14, $-1.000000000e+00  }
0x113: {  	vm13 =	vlt.f32 v13, $9.999999960e-13;
	v14 =	vmin.f32 v14, $1.000000000e+00  }
0x114: {  	v13 =	vsel vm13, $0x3F800000, v13;
	v15 =	vmax.f32 v15, $-1.000000000e+00;
	v61 =	vmul.f32 v14, v14  }
0x115: {  	v60 =	vmul.f32 $5.000000000e-01, v13;
	v15 =	vmin.f32 v15, $1.000000000e+00  }
0x116: {  	v59 =	vshra.s32 v13, $0x1;
	v20 =	vmul.f32 v15, v15;
	v21 =	vmul.f32 $2.866225780e-03, v61  }
0x117: {  	v16 =	vsub.s32 $0x5F3759DF, v59  }
0x118: {  	v19 =	vmul.f32 v16, v60;
	v22 =	vmul.f32 $2.866225780e-03, v20;
	v21 =	vadd.f32 $-1.616573710e-02, v21;
	_ =	sdelay $0x1  }
0x119: {  	v19 =	vmul.f32 v16, v19;
	v22 =	vadd.f32 $-1.616573710e-02, v22;
	v21 =	vmul.f32 v21, v61;
	_ =	sdelay $0x1  }
0x11a: {  	v19 =	vsub.f32 $1.500000000e+00, v19;
	v62 =	vmul.f32 v22, v20;
	v21 =	vadd.f32 $4.290961470e-02, v21;
	_ =	sdelay $0x1  }
0x11b: {  	v16 =	vmul.f32 v16, v19;
	v19 =	vadd.f32 $4.290961470e-02, v62;
	v21 =	vmul.f32 v21, v61;
	_ =	sdelay $0x1  }
0x11c: {  	v63 =	vmul.f32 v16, v60;
	v19 =	vmul.f32 v19, v20;
	v21 =	vadd.f32 $-7.528963680e-02, v21;
	_ =	sdelay $0x1  }
0x11d: {  	v22 =	vmul.f32 v63, v16;
	v19 =	vadd.f32 $-7.528963680e-02, v19;
	v21 =	vmul.f32 v21, v61;
	_ =	sdelay $0x1  }
0x11e: {  	v22 =	vsub.f32 $1.500000000e+00, v22;
	v19 =	vmul.f32 v19, v20;
	v21 =	vadd.f32 $1.065626370e-01, v21;
	_ =	sdelay $0x1  }
0x11f: {  	v16 =	vmul.f32 v22, v16;
	v19 =	vadd.f32 $1.065626370e-01, v19;
	v21 =	vmul.f32 v21, v61;
	_ =	sdelay $0x1  }
0x120: {  	v17 =	vmul.f32 v16, v60;
	v19 =	vmul.f32 v19, v20;
	v21 =	vadd.f32 $-1.420889940e-01, v21  }
0x121: {  	v24 =	vand.u32 $0x80000000, v7;
	vm14 =	vlt.f32 v7, $0.0e+00  }
0x122: {  	v17 =	vmul.f32 v17, v16;
	v19 =	vadd.f32 $-1.420889940e-01, v19;
	v21 =	vmul.f32 v21, v61  }
0x123: {  	vm4 =	vgt.f32 v7, $0.0e+00;
	v28 =	vand.u32 $0x80000000, v9;
	vm15 =	vlt.f32 v9, $0.0e+00  }
0x124: {  	v17 =	vsub.f32 $1.500000000e+00, v17;
	v25 =	vmul.f32 v19, v20;
	v26 =	vadd.f32 $1.999355110e-01, v21  }
0x125: {  	vm8 =	vgt.f32 v9, $0.0e+00;
	v29 =	vand.u32 $0x80000000, v10;
	vm9 =	vlt.f32 v10, $0.0e+00  }
0x126: {  	v16 =	vmul.f32 v17, v16;
	v17 =	vadd.f32 $1.999355110e-01, v25;
	v19 =	vmul.f32 v26, v61  }
0x127: {  	vm10 =	vgt.f32 v10, $0.0e+00;
	vm3 =	vmor vm4, vm14;
	v22 =	vor.u32 v24, v3  }
0x128: {  	v27 =	vsel vm3, v22, v7;
	v17 =	vmul.f32 v17, v20;
	v19 =	vadd.f32 $-3.333314660e-01, v19  }
0x129: {  	vm3 =	vmor vm8, vm15;
	v13 =	vmul.f32 v16, v13;
	v16 =	vor.u32 v28, v3  }
0x12a: {  	v9 =	vsel vm3, v16, v9;
	v17 =	vadd.f32 $-3.333314660e-01, v17;
	v18 =	vmul.f32 v19, v61  }
0x12b: {  	v16 =	vor.u32 v29, v3;
	vm3 =	vmor vm10, vm9;
	v9 =	vmul.f32 v13, v9  }
0x12c: {  	v10 =	vsel vm3, v16, v10;
	v30 =	vmul.f32 v17, v20;
	v31 =	vadd.f32 $1.000000000e+00, v18  }
0x12d: {  	v7 =	vmul.f32 $1.500000000e+00, v7;
	v10 =	vmul.f32 v13, v10  }
0x12e: {  	v33 =	vmul.f32 $1.273239490e+00, v9;
	v32 =	vadd.f32 $1.000000000e+00, v30;
	v14 =	vmul.f32 v31, v14  }
0x12f: {  	v8 =	vmul.f32 v8, v27;
	v34 =	vmul.f32 $1.273239490e+00, v10  }
0x130: {  	v13 =	vmul.f32 v32, v15;
	v14 =	vmul.f32 v14, v33  }
0x131: {  	vm11 =	vle.f32 v51, v52;
	v7 =	vsel vm12, v8, v7  }
0x132: {  	v7 =	vadd.f32 $1.000000000e+00, v7;
	v8 =	vmul.f32 v13, v34;
	v10 =	vsel vm11, v14, v10  }
0x133: {  	v10 =	vadd.f32 $1.000000000e+00, v10  }
0x134: {  	v7 =	vmax.f32 v7, $0.0e+00;
	v8 =	vsel vm11, v9, v8  }
0x135: {  	v7 =	vmin.f32 v7, $2.000000000e+00;
	v8 =	vadd.f32 $1.000000000e+00, v8;
	v35 =	vmax.f32 v10, $0.0e+00  }
0x136: {  	v7 =	vsel vm0, $0x3F800000, v7;
	v9 =	vmin.f32 v35, $2.000000000e+00  }
0x137: {  	v36 =	vtrunc.f32 v7;
	v8 =	vmax.f32 v8, $0.0e+00;
	v9 =	vsel vm13, $0x3F800000, v9  }
0x138: {  	v37 =	vmin.f32 v8, $2.000000000e+00;
	v10 =	vcvt.f32.s32 v36;
	v38 =	vtrunc.f32 v9  }
0x139: {  	v8 =	vld [tilespmem:s20+$0x0];
	v11 =	vsel vm13, $0x3F800000, v37;
	v12 =	vcvt.f32.s32 v38  }
0x13a: {  	v39 =	vtrunc.f32 v11;
	vm12 =	vlt.s32 v10, $0x1  }
0x13b: {  	v13 =	vcvt.f32.s32 v39;
	v10 =	vnsel vm12, $0x1, v10;
	vm13 =	vlt.s32 v12, $0x1  }
0x13c: {  	v40 =	vcvt.s32.f32 v10;
	v12 =	vnsel vm13, $0x1, v12  }
0x13d: {  	vm14 =	vlt.s32 v13, $0x1;
	v41 =	vcvt.s32.f32 v12  }
0x13e: {  	v13 =	vnsel vm14, $0x1, v13;
	v14 =	vsub.f32 v7, v40  }
0x13f: {  	v7 =	vor.u32 s19, v2;
	v42 =	vcvt.s32.f32 v13;
	v15 =	vsub.f32 v9, v41  }
0x140: {  	v43 =	vmul.u32 $0x9, v10;
	vm15 =	vlt.s32 v7, v6;
	v7 =	vsub.f32 $1.000000000e+00, v14  }
0x141: {  	v45 =	vmul.u32 $0x3, v12;
	v46 =	vld.idx.msk [tilespmem:v8+s22+$0x0], $0xffff;
	v16 =	vsub.f32 v11, v42;
	v44 =	vsub.f32 $1.000000000e+00, v15  }
0x142: {  	v47 =	vnsel vm15, $0x0, v7;
	v7 =	vadd.s32 v43, v13  }
0x143: {  	v48 =	vsub.f32 $1.000000000e+00, v16;
	v7 =	vadd.s32 v45, v7;
	v49 =	vmul.f32 v44, v47  }
0x144: {  	v7 =	vshll.u32 v7, $0x5  }
0x145: {  	v50 =	vmul.f32 v15, v47;
	v51 =	vor.u32 $0x10, v7;
	v11 =	vmul.f32 v49, v48  }
0x146: {  	v52 =	vadd.s32 $0x20, v7;
	v53 =	vunpack.i.l.bf16.f32 v46;
	v54 =	vunpack.i.u.bf16.f32 v46  }
0x147: {  	v23 =	vadd.s32 $0x30, v7;
	v9 =	vmul.f32 v49, v16;
	v55 =	vmul.f32 v11, v53  }
0x148: {  	v14 =	vnsel vm15, $0x0, v14;
	v24 =	vadd.s32 $0x60, v7;
	v25 =	vmul.f32 v11, v54  }
0x149: {  	v27 =	vadd.s32 $0x70, v7;
	v10 =	vmul.f32 v48, v50;
	v26 =	vmul.f32 v9, v53;
	[tilespmem:v7+s28+$0x0] =	vst.idx.add.f32.msk $0xffff, v55  }
0x14a: {  	v57 =	vadd.s32 $0x80, v7;
	v17 =	vmul.f32 v44, v14;
	v56 =	vmul.f32 v9, v54;
	[tilespmem:v51+s28+$0x0] =	vst.idx.add.f32.msk $0xffff, v25  }
0x14b: {  	v59 =	vadd.s32 $0x90, v7;
	v12 =	vmul.f32 v50, v16;
	v58 =	vmul.f32 v10, v53;
	[tilespmem:v52+s28+$0x0] =	vst.idx.add.f32.msk $0xffff, v26  }
0x14c: {  	v28 =	vadd.s32 $0x120, v7;
	v60 =	vmul.f32 v10, v54;
	[tilespmem:v23+s28+$0x0] =	vst.idx.add.f32.msk $0xffff, v56  }
0x14d: {  	v62 =	vadd.s32 $0x130, v7;
	v13 =	vmul.f32 v17, v48;
	v61 =	vmul.f32 v12, v53;
	[tilespmem:v24+s28+$0x0] =	vst.idx.add.f32.msk $0xffff, v58  }
0x14e: {  	v63 =	vmul.f32 v15, v14;
	v29 =	vadd.s32 $0x140, v7;
	v30 =	vmul.f32 v12, v54;
	[tilespmem:v27+s28+$0x0] =	vst.idx.add.f32.msk $0xffff, v60  }
0x14f: {  	v32 =	vadd.s32 $0x150, v7;
	v14 =	vmul.f32 v17, v16;
	v31 =	vmul.f32 v13, v53;
	[tilespmem:v57+s28+$0x0] =	vst.idx.add.f32.msk $0xffff, v61  }
0x150: {  	v34 =	vadd.s32 $0x180, v7;
	v33 =	vmul.f32 v13, v54;
	[tilespmem:v59+s28+$0x0] =	vst.idx.add.f32.msk $0xffff, v30  }
0x151: {  	v36 =	vadd.s32 $0x190, v7;
	v15 =	vmul.f32 v48, v63;
	v35 =	vmul.f32 v14, v53;
	[tilespmem:v28+s28+$0x0] =	vst.idx.add.f32.msk $0xffff, v31  }
0x152: {  	v37 =	vadd.s32 $0x1A0, v7;
	v38 =	vmul.f32 v14, v54;
	[tilespmem:v62+s28+$0x0] =	vst.idx.add.f32.msk $0xffff, v33  }
0x153: {  	v40 =	vadd.s32 $0x1B0, v7;
	v16 =	vmul.f32 v63, v16;
	v39 =	vmul.f32 v15, v53;
	[tilespmem:v29+s28+$0x0] =	vst.idx.add.f32.msk $0xffff, v35  }
0x154: {  	v42 =	vadd.s32 $0x1, v8;
	v41 =	vmul.f32 v15, v54;
	[tilespmem:v32+s28+$0x0] =	vst.idx.add.f32.msk $0xffff, v38  }
0x155: {  	v43 =	vmul.f32 v16, v53;
	[tilespmem:v34+s28+$0x0] =	vst.idx.add.f32.msk $0xffff, v39  }
0x156: {  	v44 =	vmul.f32 v16, v54;
	[tilespmem:v36+s28+$0x0] =	vst.idx.add.f32.msk $0xffff, v41  }
0x157: {  	[tilespmem:v37+s28+$0x0] =	vst.idx.add.f32.msk $0xffff, v43  }
0x158: {  	[tilespmem:v40+s28+$0x0] =	vst.idx.add.f32.msk $0xffff, v44  }
0x159: {  	v17 =	vld.idx.msk [tilespmem:v42+s22+$0x0], $0xffff;
	_ =	sdelay $0x2  }
0x15a: {  	v45 =	vor.u32 $0x1, v7  }
0x15b: {  	v46 =	vor.u32 $0x11, v7  }
0x15c: {  	v48 =	vadd.s32 $0x21, v7;
	v47 =	vunpack.i.l.bf16.f32 v17  }
0x15d: {  	v50 =	vadd.s32 $0x31, v7;
	v17 =	vunpack.i.u.bf16.f32 v17;
	v49 =	vmul.f32 v11, v47  }
0x15e: {  	v52 =	vadd.s32 $0x61, v7;
	v51 =	vmul.f32 v11, v17  }
0x15f: {  	v54 =	vadd.s32 $0x71, v7;
	v53 =	vmul.f32 v9, v47;
	[tilespmem:v45+s28+$0x0] =	vst.idx.add.f32.msk $0xffff, v49  }
0x160: {  	v56 =	vadd.s32 $0x81, v7;
	v55 =	vmul.f32 v9, v17;
	[tilespmem:v46+s28+$0x0] =	vst.idx.add.f32.msk $0xffff, v51  }
0x161: {  	v58 =	vadd.s32 $0x91, v7;
	v57 =	vmul.f32 v10, v47;
	[tilespmem:v48+s28+$0x0] =	vst.idx.add.f32.msk $0xffff, v53  }
0x162: {  	v60 =	vadd.s32 $0x121, v7;
	v59 =	vmul.f32 v10, v17;
	[tilespmem:v50+s28+$0x0] =	vst.idx.add.f32.msk $0xffff, v55  }
0x163: {  	v62 =	vadd.s32 $0x131, v7;
	v61 =	vmul.f32 v12, v47;
	[tilespmem:v52+s28+$0x0] =	vst.idx.add.f32.msk $0xffff, v57  }
0x164: {  	v28 =	vadd.s32 $0x141, v7;
	v63 =	vmul.f32 v12, v17;
	[tilespmem:v54+s28+$0x0] =	vst.idx.add.f32.msk $0xffff, v59  }
0x165: {  	v30 =	vadd.s32 $0x151, v7;
	v29 =	vmul.f32 v13, v47;
	[tilespmem:v56+s28+$0x0] =	vst.idx.add.f32.msk $0xffff, v61  }
0x166: {  	v32 =	vadd.s32 $0x181, v7;
	v31 =	vmul.f32 v13, v17;
	[tilespmem:v58+s28+$0x0] =	vst.idx.add.f32.msk $0xffff, v63  }
0x167: {  	v34 =	vadd.s32 $0x191, v7;
	v33 =	vmul.f32 v14, v47;
	[tilespmem:v60+s28+$0x0] =	vst.idx.add.f32.msk $0xffff, v29  }
0x168: {  	v36 =	vadd.s32 $0x1A1, v7;
	v35 =	vmul.f32 v14, v17;
	[tilespmem:v62+s28+$0x0] =	vst.idx.add.f32.msk $0xffff, v31  }
0x169: {  	v38 =	vadd.s32 $0x1B1, v7;
	v37 =	vmul.f32 v15, v47;
	[tilespmem:v28+s28+$0x0] =	vst.idx.add.f32.msk $0xffff, v33  }
0x16a: {  	v40 =	vadd.s32 $0x2, v8;
	v39 =	vmul.f32 v15, v17;
	[tilespmem:v30+s28+$0x0] =	vst.idx.add.f32.msk $0xffff, v35  }
0x16b: {  	v41 =	vmul.f32 v16, v47;
	[tilespmem:v32+s28+$0x0] =	vst.idx.add.f32.msk $0xffff, v37  }
0x16c: {  	v17 =	vmul.f32 v16, v17;
	[tilespmem:v34+s28+$0x0] =	vst.idx.add.f32.msk $0xffff, v39  }
0x16d: {  	[tilespmem:v36+s28+$0x0] =	vst.idx.add.f32.msk $0xffff, v41  }
0x16e: {  	[tilespmem:v38+s28+$0x0] =	vst.idx.add.f32.msk $0xffff, v17  }
0x16f: {  	v17 =	vld.idx.msk [tilespmem:v40+s22+$0x0], $0xffff;
	_ =	sdelay $0x2  }
0x170: {  	v42 =	vor.u32 $0x2, v7  }
0x171: {  	v43 =	vor.u32 $0x12, v7  }
0x172: {  	v45 =	vadd.s32 $0x22, v7;
	v44 =	vunpack.i.l.bf16.f32 v17  }
0x173: {  	v47 =	vadd.s32 $0x32, v7;
	v17 =	vunpack.i.u.bf16.f32 v17;
	v46 =	vmul.f32 v11, v44  }
0x174: {  	v49 =	vadd.s32 $0x62, v7;
	v48 =	vmul.f32 v11, v17  }
0x175: {  	v51 =	vadd.s32 $0x72, v7;
	v50 =	vmul.f32 v9, v44;
	[tilespmem:v42+s28+$0x0] =	vst.idx.add.f32.msk $0xffff, v46  }
0x176: {  	v53 =	vadd.s32 $0x82, v7;
	v52 =	vmul.f32 v9, v17;
	[tilespmem:v43+s28+$0x0] =	vst.idx.add.f32.msk $0xffff, v48  }
0x177: {  	v55 =	vadd.s32 $0x92, v7;
	v54 =	vmul.f32 v10, v44;
	[tilespmem:v45+s28+$0x0] =	vst.idx.add.f32.msk $0xffff, v50  }
0x178: {  	v57 =	vadd.s32 $0x122, v7;
	v56 =	vmul.f32 v10, v17;
	[tilespmem:v47+s28+$0x0] =	vst.idx.add.f32.msk $0xffff, v52  }
0x179: {  	v59 =	vadd.s32 $0x132, v7;
	v58 =	vmul.f32 v12, v44;
	[tilespmem:v49+s28+$0x0] =	vst.idx.add.f32.msk $0xffff, v54  }
0x17a: {  	v61 =	vadd.s32 $0x142, v7;
	v60 =	vmul.f32 v12, v17;
	[tilespmem:v51+s28+$0x0] =	vst.idx.add.f32.msk $0xffff, v56  }
0x17b: {  	v63 =	vadd.s32 $0x152, v7;
	v62 =	vmul.f32 v13, v44;
	[tilespmem:v53+s28+$0x0] =	vst.idx.add.f32.msk $0xffff, v58  }
0x17c: {  	v28 =	vadd.s32 $0x182, v7;
	v27 =	vmul.f32 v13, v17;
	[tilespmem:v55+s28+$0x0] =	vst.idx.add.f32.msk $0xffff, v60  }
0x17d: {  	v30 =	vadd.s32 $0x192, v7;
	v29 =	vmul.f32 v14, v44;
	[tilespmem:v57+s28+$0x0] =	vst.idx.add.f32.msk $0xffff, v62  }
0x17e: {  	v32 =	vadd.s32 $0x1A2, v7;
	v31 =	vmul.f32 v14, v17;
	[tilespmem:v59+s28+$0x0] =	vst.idx.add.f32.msk $0xffff, v27  }
0x17f: {  	v34 =	vadd.s32 $0x1B2, v7;
	v33 =	vmul.f32 v15, v44;
	[tilespmem:v61+s28+$0x0] =	vst.idx.add.f32.msk $0xffff, v29  }
0x180: {  	v36 =	vadd.s32 $0x3, v8;
	v35 =	vmul.f32 v15, v17;
	[tilespmem:v63+s28+$0x0] =	vst.idx.add.f32.msk $0xffff, v31  }
0x181: {  	v37 =	vmul.f32 v16, v44;
	[tilespmem:v28+s28+$0x0] =	vst.idx.add.f32.msk $0xffff, v33  }
0x182: {  	v17 =	vmul.f32 v16, v17;
	[tilespmem:v30+s28+$0x0] =	vst.idx.add.f32.msk $0xffff, v35  }
0x183: {  	[tilespmem:v32+s28+$0x0] =	vst.idx.add.f32.msk $0xffff, v37  }
0x184: {  	[tilespmem:v34+s28+$0x0] =	vst.idx.add.f32.msk $0xffff, v17  }
0x185: {  	v17 =	vld.idx.msk [tilespmem:v36+s22+$0x0], $0xffff;
	_ =	sdelay $0x2  }
0x186: {  	v38 =	vor.u32 $0x3, v7  }
0x187: {  	v39 =	vor.u32 $0x13, v7  }
0x188: {  	v41 =	vadd.s32 $0x23, v7;
	v40 =	vunpack.i.l.bf16.f32 v17  }
0x189: {  	v43 =	vadd.s32 $0x33, v7;
	v17 =	vunpack.i.u.bf16.f32 v17;
	v42 =	vmul.f32 v11, v40  }
0x18a: {  	v45 =	vadd.s32 $0x63, v7;
	v44 =	vmul.f32 v11, v17  }
0x18b: {  	v47 =	vadd.s32 $0x73, v7;
	v46 =	vmul.f32 v9, v40;
	[tilespmem:v38+s28+$0x0] =	vst.idx.add.f32.msk $0xffff, v42  }
0x18c: {  	v49 =	vadd.s32 $0x83, v7;
	v48 =	vmul.f32 v9, v17;
	[tilespmem:v39+s28+$0x0] =	vst.idx.add.f32.msk $0xffff, v44  }
0x18d: {  	v51 =	vadd.s32 $0x93, v7;
	v50 =	vmul.f32 v10, v40;
	[tilespmem:v41+s28+$0x0] =	vst.idx.add.f32.msk $0xffff, v46  }
0x18e: {  	v53 =	vadd.s32 $0x123, v7;
	v52 =	vmul.f32 v10, v17;
	[tilespmem:v43+s28+$0x0] =	vst.idx.add.f32.msk $0xffff, v48  }
0x18f: {  	v55 =	vadd.s32 $0x133, v7;
	v54 =	vmul.f32 v12, v40;
	[tilespmem:v45+s28+$0x0] =	vst.idx.add.f32.msk $0xffff, v50  }
0x190: {  	v57 =	vadd.s32 $0x143, v7;
	v56 =	vmul.f32 v12, v17;
	[tilespmem:v47+s28+$0x0] =	vst.idx.add.f32.msk $0xffff, v52  }
0x191: {  	v59 =	vadd.s32 $0x153, v7;
	v58 =	vmul.f32 v13, v40;
	[tilespmem:v49+s28+$0x0] =	vst.idx.add.f32.msk $0xffff, v54  }
0x192: {  	v61 =	vadd.s32 $0x183, v7;
	v60 =	vmul.f32 v13, v17;
	[tilespmem:v51+s28+$0x0] =	vst.idx.add.f32.msk $0xffff, v56  }
0x193: {  	v63 =	vadd.s32 $0x193, v7;
	v62 =	vmul.f32 v14, v40;
	[tilespmem:v53+s28+$0x0] =	vst.idx.add.f32.msk $0xffff, v58  }
0x194: {  	v29 =	vadd.s32 $0x1A3, v7;
	v28 =	vmul.f32 v14, v17;
	[tilespmem:v55+s28+$0x0] =	vst.idx.add.f32.msk $0xffff, v60  }
0x195: {  	v31 =	vadd.s32 $0x1B3, v7;
	v30 =	vmul.f32 v15, v40;
	[tilespmem:v57+s28+$0x0] =	vst.idx.add.f32.msk $0xffff, v62  }
0x196: {  	v33 =	vadd.s32 $0x4, v8;
	v32 =	vmul.f32 v15, v17;
	[tilespmem:v59+s28+$0x0] =	vst.idx.add.f32.msk $0xffff, v28  }
0x197: {  	v34 =	vmul.f32 v16, v40;
	[tilespmem:v61+s28+$0x0] =	vst.idx.add.f32.msk $0xffff, v30  }
0x198: {  	v17 =	vmul.f32 v16, v17;
	[tilespmem:v63+s28+$0x0] =	vst.idx.add.f32.msk $0xffff, v32  }
0x199: {  	[tilespmem:v29+s28+$0x0] =	vst.idx.add.f32.msk $0xffff, v34  }
0x19a: {  	[tilespmem:v31+s28+$0x0] =	vst.idx.add.f32.msk $0xffff, v17  }
0x19b: {  	v17 =	vld.idx.msk [tilespmem:v33+s22+$0x0], $0xffff;
	_ =	sdelay $0x2  }
0x19c: {  	v35 =	vor.u32 $0x4, v7  }
0x19d: {  	v36 =	vor.u32 $0x14, v7  }
0x19e: {  	v38 =	vadd.s32 $0x24, v7;
	v37 =	vunpack.i.l.bf16.f32 v17  }
0x19f: {  	v40 =	vadd.s32 $0x34, v7;
	v17 =	vunpack.i.u.bf16.f32 v17;
	v39 =	vmul.f32 v11, v37  }
0x1a0: {  	v42 =	vadd.s32 $0x64, v7;
	v41 =	vmul.f32 v11, v17  }
0x1a1: {  	v44 =	vadd.s32 $0x74, v7;
	v43 =	vmul.f32 v9, v37;
	[tilespmem:v35+s28+$0x0] =	vst.idx.add.f32.msk $0xffff, v39  }
0x1a2: {  	v46 =	vadd.s32 $0x84, v7;
	v45 =	vmul.f32 v9, v17;
	[tilespmem:v36+s28+$0x0] =	vst.idx.add.f32.msk $0xffff, v41  }
0x1a3: {  	v48 =	vadd.s32 $0x94, v7;
	v47 =	vmul.f32 v10, v37;
	[tilespmem:v38+s28+$0x0] =	vst.idx.add.f32.msk $0xffff, v43  }
0x1a4: {  	v50 =	vadd.s32 $0x124, v7;
	v49 =	vmul.f32 v10, v17;
	[tilespmem:v40+s28+$0x0] =	vst.idx.add.f32.msk $0xffff, v45  }
0x1a5: {  	v52 =	vadd.s32 $0x134, v7;
	v51 =	vmul.f32 v12, v37;
	[tilespmem:v42+s28+$0x0] =	vst.idx.add.f32.msk $0xffff, v47  }
0x1a6: {  	v54 =	vadd.s32 $0x144, v7;
	v53 =	vmul.f32 v12, v17;
	[tilespmem:v44+s28+$0x0] =	vst.idx.add.f32.msk $0xffff, v49  }
0x1a7: {  	v56 =	vadd.s32 $0x154, v7;
	v55 =	vmul.f32 v13, v37;
	[tilespmem:v46+s28+$0x0] =	vst.idx.add.f32.msk $0xffff, v51  }
0x1a8: {  	v58 =	vadd.s32 $0x184, v7;
	v57 =	vmul.f32 v13, v17;
	[tilespmem:v48+s28+$0x0] =	vst.idx.add.f32.msk $0xffff, v53  }
0x1a9: {  	v60 =	vadd.s32 $0x194, v7;
	v59 =	vmul.f32 v14, v37;
	[tilespmem:v50+s28+$0x0] =	vst.idx.add.f32.msk $0xffff, v55  }
0x1aa: {  	v62 =	vadd.s32 $0x1A4, v7;
	v61 =	vmul.f32 v14, v17;
	[tilespmem:v52+s28+$0x0] =	vst.idx.add.f32.msk $0xffff, v57  }
0x1ab: {  	v28 =	vadd.s32 $0x1B4, v7;
	v63 =	vmul.f32 v15, v37;
	[tilespmem:v54+s28+$0x0] =	vst.idx.add.f32.msk $0xffff, v59  }
0x1ac: {  	v30 =	vadd.s32 $0x5, v8;
	v29 =	vmul.f32 v15, v17;
	[tilespmem:v56+s28+$0x0] =	vst.idx.add.f32.msk $0xffff, v61  }
0x1ad: {  	v31 =	vmul.f32 v16, v37;
	[tilespmem:v58+s28+$0x0] =	vst.idx.add.f32.msk $0xffff, v63  }
0x1ae: {  	v17 =	vmul.f32 v16, v17;
	[tilespmem:v60+s28+$0x0] =	vst.idx.add.f32.msk $0xffff, v29  }
0x1af: {  	[tilespmem:v62+s28+$0x0] =	vst.idx.add.f32.msk $0xffff, v31  }
0x1b0: {  	[tilespmem:v28+s28+$0x0] =	vst.idx.add.f32.msk $0xffff, v17  }
0x1b1: {  	v17 =	vld.idx.msk [tilespmem:v30+s22+$0x0], $0xffff;
	_ =	sdelay $0x2  }
0x1b2: {  	v32 =	vor.u32 $0x5, v7  }
0x1b3: {  	v33 =	vor.u32 $0x15, v7  }
0x1b4: {  	v35 =	vadd.s32 $0x25, v7;
	v34 =	vunpack.i.l.bf16.f32 v17  }
0x1b5: {  	v37 =	vadd.s32 $0x35, v7;
	v17 =	vunpack.i.u.bf16.f32 v17;
	v36 =	vmul.f32 v34, v11  }
0x1b6: {  	v39 =	vadd.s32 $0x65, v7;
	v38 =	vmul.f32 v17, v11  }
0x1b7: {  	v41 =	vadd.s32 $0x75, v7;
	v40 =	vmul.f32 v34, v9;
	[tilespmem:v32+s28+$0x0] =	vst.idx.add.f32.msk $0xffff, v36  }
0x1b8: {  	v43 =	vadd.s32 $0x85, v7;
	v42 =	vmul.f32 v17, v9;
	[tilespmem:v33+s28+$0x0] =	vst.idx.add.f32.msk $0xffff, v38  }
0x1b9: {  	v45 =	vadd.s32 $0x95, v7;
	v44 =	vmul.f32 v34, v10;
	[tilespmem:v35+s28+$0x0] =	vst.idx.add.f32.msk $0xffff, v40  }
0x1ba: {  	v47 =	vadd.s32 $0x125, v7;
	v46 =	vmul.f32 v17, v10;
	[tilespmem:v37+s28+$0x0] =	vst.idx.add.f32.msk $0xffff, v42  }
0x1bb: {  	v49 =	vadd.s32 $0x135, v7;
	v48 =	vmul.f32 v34, v12;
	[tilespmem:v39+s28+$0x0] =	vst.idx.add.f32.msk $0xffff, v44  }
0x1bc: {  	v51 =	vadd.s32 $0x145, v7;
	v50 =	vmul.f32 v17, v12;
	[tilespmem:v41+s28+$0x0] =	vst.idx.add.f32.msk $0xffff, v46  }
0x1bd: {  	v53 =	vadd.s32 $0x155, v7;
	v52 =	vmul.f32 v34, v13;
	[tilespmem:v43+s28+$0x0] =	vst.idx.add.f32.msk $0xffff, v48  }
0x1be: {  	v55 =	vadd.s32 $0x185, v7;
	v54 =	vmul.f32 v17, v13;
	[tilespmem:v45+s28+$0x0] =	vst.idx.add.f32.msk $0xffff, v50  }
0x1bf: {  	v57 =	vadd.s32 $0x195, v7;
	v56 =	vmul.f32 v34, v14;
	[tilespmem:v47+s28+$0x0] =	vst.idx.add.f32.msk $0xffff, v52  }
0x1c0: {  	v59 =	vadd.s32 $0x1A5, v7;
	v58 =	vmul.f32 v17, v14;
	[tilespmem:v49+s28+$0x0] =	vst.idx.add.f32.msk $0xffff, v54  }
0x1c1: {  	v61 =	vadd.s32 $0x1B5, v7;
	v60 =	vmul.f32 v34, v15;
	[tilespmem:v51+s28+$0x0] =	vst.idx.add.f32.msk $0xffff, v56  }
0x1c2: {  	v63 =	vadd.s32 $0x6, v8;
	v62 =	vmul.f32 v17, v15;
	[tilespmem:v53+s28+$0x0] =	vst.idx.add.f32.msk $0xffff, v58  }
0x1c3: {  	v27 =	vmul.f32 v34, v16;
	[tilespmem:v55+s28+$0x0] =	vst.idx.add.f32.msk $0xffff, v60  }
0x1c4: {  	v17 =	vmul.f32 v17, v16;
	[tilespmem:v57+s28+$0x0] =	vst.idx.add.f32.msk $0xffff, v62  }
0x1c5: {  	[tilespmem:v59+s28+$0x0] =	vst.idx.add.f32.msk $0xffff, v27  }
0x1c6: {  	[tilespmem:v61+s28+$0x0] =	vst.idx.add.f32.msk $0xffff, v17  }
0x1c7: {  	v17 =	vld.idx.msk [tilespmem:v63+s22+$0x0], $0xffff;
	_ =	sdelay $0x2  }
0x1c8: {  	v28 =	vor.u32 $0x6, v7  }
0x1c9: {  	v29 =	vor.u32 $0x16, v7  }
0x1ca: {  	v31 =	vadd.s32 $0x26, v7;
	v30 =	vunpack.i.l.bf16.f32 v17  }
0x1cb: {  	v33 =	vadd.s32 $0x36, v7;
	v17 =	vunpack.i.u.bf16.f32 v17;
	v32 =	vmul.f32 v30, v11  }
0x1cc: {  	v35 =	vadd.s32 $0x66, v7;
	v34 =	vmul.f32 v17, v11  }
0x1cd: {  	v37 =	vadd.s32 $0x76, v7;
	v36 =	vmul.f32 v30, v9;
	[tilespmem:v28+s28+$0x0] =	vst.idx.add.f32.msk $0xffff, v32  }
0x1ce: {  	v39 =	vadd.s32 $0x86, v7;
	v38 =	vmul.f32 v17, v9;
	[tilespmem:v29+s28+$0x0] =	vst.idx.add.f32.msk $0xffff, v34  }
0x1cf: {  	v41 =	vadd.s32 $0x96, v7;
	v40 =	vmul.f32 v30, v10;
	[tilespmem:v31+s28+$0x0] =	vst.idx.add.f32.msk $0xffff, v36  }
0x1d0: {  	v43 =	vadd.s32 $0x126, v7;
	v42 =	vmul.f32 v17, v10;
	[tilespmem:v33+s28+$0x0] =	vst.idx.add.f32.msk $0xffff, v38  }
0x1d1: {  	v45 =	vadd.s32 $0x136, v7;
	v44 =	vmul.f32 v30, v12;
	[tilespmem:v35+s28+$0x0] =	vst.idx.add.f32.msk $0xffff, v40  }
0x1d2: {  	v47 =	vadd.s32 $0x146, v7;
	v46 =	vmul.f32 v17, v12;
	[tilespmem:v37+s28+$0x0] =	vst.idx.add.f32.msk $0xffff, v42  }
0x1d3: {  	v49 =	vadd.s32 $0x156, v7;
	v48 =	vmul.f32 v30, v13;
	[tilespmem:v39+s28+$0x0] =	vst.idx.add.f32.msk $0xffff, v44  }
0x1d4: {  	v51 =	vadd.s32 $0x186, v7;
	v50 =	vmul.f32 v17, v13;
	[tilespmem:v41+s28+$0x0] =	vst.idx.add.f32.msk $0xffff, v46  }
0x1d5: {  	v53 =	vadd.s32 $0x196, v7;
	v52 =	vmul.f32 v30, v14;
	[tilespmem:v43+s28+$0x0] =	vst.idx.add.f32.msk $0xffff, v48  }
0x1d6: {  	v55 =	vadd.s32 $0x1A6, v7;
	v54 =	vmul.f32 v17, v14;
	[tilespmem:v45+s28+$0x0] =	vst.idx.add.f32.msk $0xffff, v50  }
0x1d7: {  	v57 =	vadd.s32 $0x1B6, v7;
	v56 =	vmul.f32 v30, v15;
	[tilespmem:v47+s28+$0x0] =	vst.idx.add.f32.msk $0xffff, v52  }
0x1d8: {  	v59 =	vadd.s32 $0x7, v8;
	v58 =	vmul.f32 v17, v15;
	[tilespmem:v49+s28+$0x0] =	vst.idx.add.f32.msk $0xffff, v54  }
0x1d9: {  	v60 =	vmul.f32 v30, v16;
	[tilespmem:v51+s28+$0x0] =	vst.idx.add.f32.msk $0xffff, v56  }
0x1da: {  	v17 =	vmul.f32 v17, v16;
	[tilespmem:v53+s28+$0x0] =	vst.idx.add.f32.msk $0xffff, v58  }
0x1db: {  	[tilespmem:v55+s28+$0x0] =	vst.idx.add.f32.msk $0xffff, v60  }
0x1dc: {  	[tilespmem:v57+s28+$0x0] =	vst.idx.add.f32.msk $0xffff, v17  }
0x1dd: {  	v17 =	vld.idx.msk [tilespmem:v59+s22+$0x0], $0xffff;
	_ =	sdelay $0x2  }
0x1de: {  	v61 =	vor.u32 $0x7, v7  }
0x1df: {  	v62 =	vor.u32 $0x17, v7  }
0x1e0: {  	v28 =	vadd.s32 $0x27, v7;
	v63 =	vunpack.i.l.bf16.f32 v17  }
0x1e1: {  	v30 =	vadd.s32 $0x37, v7;
	v17 =	vunpack.i.u.bf16.f32 v17;
	v29 =	vmul.f32 v63, v11  }
0x1e2: {  	v32 =	vadd.s32 $0x67, v7;
	v31 =	vmul.f32 v17, v11  }
0x1e3: {  	v34 =	vadd.s32 $0x77, v7;
	v33 =	vmul.f32 v63, v9;
	[tilespmem:v61+s28+$0x0] =	vst.idx.add.f32.msk $0xffff, v29  }
0x1e4: {  	v36 =	vadd.s32 $0x87, v7;
	v35 =	vmul.f32 v17, v9;
	[tilespmem:v62+s28+$0x0] =	vst.idx.add.f32.msk $0xffff, v31  }
0x1e5: {  	v38 =	vadd.s32 $0x97, v7;
	v37 =	vmul.f32 v63, v10;
	[tilespmem:v28+s28+$0x0] =	vst.idx.add.f32.msk $0xffff, v33  }
0x1e6: {  	v40 =	vadd.s32 $0x127, v7;
	v39 =	vmul.f32 v17, v10;
	[tilespmem:v30+s28+$0x0] =	vst.idx.add.f32.msk $0xffff, v35  }
0x1e7: {  	v42 =	vadd.s32 $0x137, v7;
	v41 =	vmul.f32 v63, v12;
	[tilespmem:v32+s28+$0x0] =	vst.idx.add.f32.msk $0xffff, v37  }
0x1e8: {  	v44 =	vadd.s32 $0x147, v7;
	v43 =	vmul.f32 v17, v12;
	[tilespmem:v34+s28+$0x0] =	vst.idx.add.f32.msk $0xffff, v39  }
0x1e9: {  	v46 =	vadd.s32 $0x157, v7;
	v45 =	vmul.f32 v63, v13;
	[tilespmem:v36+s28+$0x0] =	vst.idx.add.f32.msk $0xffff, v41  }
0x1ea: {  	v48 =	vadd.s32 $0x187, v7;
	v47 =	vmul.f32 v17, v13;
	[tilespmem:v38+s28+$0x0] =	vst.idx.add.f32.msk $0xffff, v43  }
0x1eb: {  	v50 =	vadd.s32 $0x197, v7;
	v49 =	vmul.f32 v63, v14;
	[tilespmem:v40+s28+$0x0] =	vst.idx.add.f32.msk $0xffff, v45  }
0x1ec: {  	v52 =	vadd.s32 $0x1A7, v7;
	v51 =	vmul.f32 v17, v14;
	[tilespmem:v42+s28+$0x0] =	vst.idx.add.f32.msk $0xffff, v47  }
0x1ed: {  	v54 =	vadd.s32 $0x1B7, v7;
	v53 =	vmul.f32 v63, v15;
	[tilespmem:v44+s28+$0x0] =	vst.idx.add.f32.msk $0xffff, v49  }
0x1ee: {  	v56 =	vadd.s32 $0x8, v8;
	v55 =	vmul.f32 v17, v15;
	[tilespmem:v46+s28+$0x0] =	vst.idx.add.f32.msk $0xffff, v51  }
0x1ef: {  	v57 =	vmul.f32 v63, v16;
	[tilespmem:v48+s28+$0x0] =	vst.idx.add.f32.msk $0xffff, v53  }
0x1f0: {  	v17 =	vmul.f32 v17, v16;
	[tilespmem:v50+s28+$0x0] =	vst.idx.add.f32.msk $0xffff, v55  }
0x1f1: {  	[tilespmem:v52+s28+$0x0] =	vst.idx.add.f32.msk $0xffff, v57  }
0x1f2: {  	[tilespmem:v54+s28+$0x0] =	vst.idx.add.f32.msk $0xffff, v17  }
0x1f3: {  	v17 =	vld.idx.msk [tilespmem:v56+s22+$0x0], $0xffff;
	_ =	sdelay $0x2  }
0x1f4: {  	v58 =	vor.u32 $0x8, v7  }
0x1f5: {  	v59 =	vor.u32 $0x18, v7  }
0x1f6: {  	v61 =	vadd.s32 $0x28, v7;
	v60 =	vunpack.i.l.bf16.f32 v17  }
0x1f7: {  	v63 =	vadd.s32 $0x38, v7;
	v17 =	vunpack.i.u.bf16.f32 v17;
	v62 =	vmul.f32 v60, v11  }
0x1f8: {  	v29 =	vadd.s32 $0x68, v7;
	v28 =	vmul.f32 v17, v11  }
0x1f9: {  	v31 =	vadd.s32 $0x78, v7;
	v30 =	vmul.f32 v60, v9;
	[tilespmem:v58+s28+$0x0] =	vst.idx.add.f32.msk $0xffff, v62  }
0x1fa: {  	v33 =	vadd.s32 $0x88, v7;
	v32 =	vmul.f32 v17, v9;
	[tilespmem:v59+s28+$0x0] =	vst.idx.add.f32.msk $0xffff, v28  }
0x1fb: {  	v35 =	vadd.s32 $0x98, v7;
	v34 =	vmul.f32 v60, v10;
	[tilespmem:v61+s28+$0x0] =	vst.idx.add.f32.msk $0xffff, v30  }
0x1fc: {  	v37 =	vadd.s32 $0x128, v7;
	v36 =	vmul.f32 v17, v10;
	[tilespmem:v63+s28+$0x0] =	vst.idx.add.f32.msk $0xffff, v32  }
0x1fd: {  	v39 =	vadd.s32 $0x138, v7;
	v38 =	vmul.f32 v60, v12;
	[tilespmem:v29+s28+$0x0] =	vst.idx.add.f32.msk $0xffff, v34  }
0x1fe: {  	v41 =	vadd.s32 $0x148, v7;
	v40 =	vmul.f32 v17, v12;
	[tilespmem:v31+s28+$0x0] =	vst.idx.add.f32.msk $0xffff, v36  }
0x1ff: {  	v43 =	vadd.s32 $0x158, v7;
	v42 =	vmul.f32 v60, v13;
	[tilespmem:v33+s28+$0x0] =	vst.idx.add.f32.msk $0xffff, v38  }
0x200: {  	v45 =	vadd.s32 $0x188, v7;
	v44 =	vmul.f32 v17, v13;
	[tilespmem:v35+s28+$0x0] =	vst.idx.add.f32.msk $0xffff, v40  }
0x201: {  	v47 =	vadd.s32 $0x198, v7;
	v46 =	vmul.f32 v60, v14;
	[tilespmem:v37+s28+$0x0] =	vst.idx.add.f32.msk $0xffff, v42  }
0x202: {  	v49 =	vadd.s32 $0x1A8, v7;
	v48 =	vmul.f32 v17, v14;
	[tilespmem:v39+s28+$0x0] =	vst.idx.add.f32.msk $0xffff, v44  }
0x203: {  	v51 =	vadd.s32 $0x1B8, v7;
	v50 =	vmul.f32 v60, v15;
	[tilespmem:v41+s28+$0x0] =	vst.idx.add.f32.msk $0xffff, v46  }
0x204: {  	v53 =	vadd.s32 $0x9, v8;
	v52 =	vmul.f32 v17, v15;
	[tilespmem:v43+s28+$0x0] =	vst.idx.add.f32.msk $0xffff, v48  }
0x205: {  	v54 =	vmul.f32 v60, v16;
	[tilespmem:v45+s28+$0x0] =	vst.idx.add.f32.msk $0xffff, v50  }
0x206: {  	v17 =	vmul.f32 v17, v16;
	[tilespmem:v47+s28+$0x0] =	vst.idx.add.f32.msk $0xffff, v52  }
0x207: {  	[tilespmem:v49+s28+$0x0] =	vst.idx.add.f32.msk $0xffff, v54  }
0x208: {  	[tilespmem:v51+s28+$0x0] =	vst.idx.add.f32.msk $0xffff, v17  }
0x209: {  	v17 =	vld.idx.msk [tilespmem:v53+s22+$0x0], $0xffff;
	_ =	sdelay $0x2  }
0x20a: {  	v55 =	vor.u32 $0x9, v7  }
0x20b: {  	v56 =	vor.u32 $0x19, v7  }
0x20c: {  	v58 =	vadd.s32 $0x29, v7;
	v57 =	vunpack.i.l.bf16.f32 v17  }
0x20d: {  	v60 =	vadd.s32 $0x39, v7;
	v17 =	vunpack.i.u.bf16.f32 v17;
	v59 =	vmul.f32 v57, v11  }
0x20e: {  	v62 =	vadd.s32 $0x69, v7;
	v61 =	vmul.f32 v17, v11  }
0x20f: {  	v28 =	vadd.s32 $0x79, v7;
	v63 =	vmul.f32 v57, v9;
	[tilespmem:v55+s28+$0x0] =	vst.idx.add.f32.msk $0xffff, v59  }
0x210: {  	v30 =	vadd.s32 $0x89, v7;
	v29 =	vmul.f32 v17, v9;
	[tilespmem:v56+s28+$0x0] =	vst.idx.add.f32.msk $0xffff, v61  }
0x211: {  	v32 =	vadd.s32 $0x99, v7;
	v31 =	vmul.f32 v57, v10;
	[tilespmem:v58+s28+$0x0] =	vst.idx.add.f32.msk $0xffff, v63  }
0x212: {  	v34 =	vadd.s32 $0x129, v7;
	v33 =	vmul.f32 v17, v10;
	[tilespmem:v60+s28+$0x0] =	vst.idx.add.f32.msk $0xffff, v29  }
0x213: {  	v36 =	vadd.s32 $0x139, v7;
	v35 =	vmul.f32 v57, v12;
	[tilespmem:v62+s28+$0x0] =	vst.idx.add.f32.msk $0xffff, v31  }
0x214: {  	v38 =	vadd.s32 $0x149, v7;
	v37 =	vmul.f32 v17, v12;
	[tilespmem:v28+s28+$0x0] =	vst.idx.add.f32.msk $0xffff, v33  }
0x215: {  	v40 =	vadd.s32 $0x159, v7;
	v39 =	vmul.f32 v57, v13;
	[tilespmem:v30+s28+$0x0] =	vst.idx.add.f32.msk $0xffff, v35  }
0x216: {  	v42 =	vadd.s32 $0x189, v7;
	v41 =	vmul.f32 v17, v13;
	[tilespmem:v32+s28+$0x0] =	vst.idx.add.f32.msk $0xffff, v37  }
0x217: {  	v44 =	vadd.s32 $0x199, v7;
	v43 =	vmul.f32 v57, v14;
	[tilespmem:v34+s28+$0x0] =	vst.idx.add.f32.msk $0xffff, v39  }
0x218: {  	v46 =	vadd.s32 $0x1A9, v7;
	v45 =	vmul.f32 v17, v14;
	[tilespmem:v36+s28+$0x0] =	vst.idx.add.f32.msk $0xffff, v41  }
0x219: {  	v48 =	vadd.s32 $0x1B9, v7;
	v47 =	vmul.f32 v57, v15;
	[tilespmem:v38+s28+$0x0] =	vst.idx.add.f32.msk $0xffff, v43  }
0x21a: {  	v50 =	vadd.s32 $0xA, v8;
	v49 =	vmul.f32 v17, v15;
	[tilespmem:v40+s28+$0x0] =	vst.idx.add.f32.msk $0xffff, v45  }
0x21b: {  	v51 =	vmul.f32 v57, v16;
	[tilespmem:v42+s28+$0x0] =	vst.idx.add.f32.msk $0xffff, v47  }
0x21c: {  	v17 =	vmul.f32 v17, v16;
	[tilespmem:v44+s28+$0x0] =	vst.idx.add.f32.msk $0xffff, v49  }
0x21d: {  	[tilespmem:v46+s28+$0x0] =	vst.idx.add.f32.msk $0xffff, v51  }
0x21e: {  	[tilespmem:v48+s28+$0x0] =	vst.idx.add.f32.msk $0xffff, v17  }
0x21f: {  	v17 =	vld.idx.msk [tilespmem:v50+s22+$0x0], $0xffff;
	_ =	sdelay $0x2  }
0x220: {  	v52 =	vor.u32 $0xA, v7  }
0x221: {  	v53 =	vor.u32 $0x1A, v7  }
0x222: {  	v55 =	vadd.s32 $0x2A, v7;
	v54 =	vunpack.i.l.bf16.f32 v17  }
0x223: {  	v57 =	vadd.s32 $0x3A, v7;
	v17 =	vunpack.i.u.bf16.f32 v17;
	v56 =	vmul.f32 v54, v11  }
0x224: {  	v59 =	vadd.s32 $0x6A, v7;
	v58 =	vmul.f32 v17, v11  }
0x225: {  	v61 =	vadd.s32 $0x7A, v7;
	v60 =	vmul.f32 v54, v9;
	[tilespmem:v52+s28+$0x0] =	vst.idx.add.f32.msk $0xffff, v56  }
0x226: {  	v63 =	vadd.s32 $0x8A, v7;
	v62 =	vmul.f32 v17, v9;
	[tilespmem:v53+s28+$0x0] =	vst.idx.add.f32.msk $0xffff, v58  }
0x227: {  	v28 =	vadd.s32 $0x9A, v7;
	v27 =	vmul.f32 v54, v10;
	[tilespmem:v55+s28+$0x0] =	vst.idx.add.f32.msk $0xffff, v60  }
0x228: {  	v30 =	vadd.s32 $0x12A, v7;
	v29 =	vmul.f32 v17, v10;
	[tilespmem:v57+s28+$0x0] =	vst.idx.add.f32.msk $0xffff, v62  }
0x229: {  	v32 =	vadd.s32 $0x13A, v7;
	v31 =	vmul.f32 v54, v12;
	[tilespmem:v59+s28+$0x0] =	vst.idx.add.f32.msk $0xffff, v27  }
0x22a: {  	v34 =	vadd.s32 $0x14A, v7;
	v33 =	vmul.f32 v17, v12;
	[tilespmem:v61+s28+$0x0] =	vst.idx.add.f32.msk $0xffff, v29  }
0x22b: {  	v36 =	vadd.s32 $0x15A, v7;
	v35 =	vmul.f32 v54, v13;
	[tilespmem:v63+s28+$0x0] =	vst.idx.add.f32.msk $0xffff, v31  }
0x22c: {  	v38 =	vadd.s32 $0x18A, v7;
	v37 =	vmul.f32 v17, v13;
	[tilespmem:v28+s28+$0x0] =	vst.idx.add.f32.msk $0xffff, v33  }
0x22d: {  	v40 =	vadd.s32 $0x19A, v7;
	v39 =	vmul.f32 v54, v14;
	[tilespmem:v30+s28+$0x0] =	vst.idx.add.f32.msk $0xffff, v35  }
0x22e: {  	v42 =	vadd.s32 $0x1AA, v7;
	v41 =	vmul.f32 v17, v14;
	[tilespmem:v32+s28+$0x0] =	vst.idx.add.f32.msk $0xffff, v37  }
0x22f: {  	v44 =	vadd.s32 $0x1BA, v7;
	v43 =	vmul.f32 v54, v15;
	[tilespmem:v34+s28+$0x0] =	vst.idx.add.f32.msk $0xffff, v39  }
0x230: {  	v46 =	vadd.s32 $0xB, v8;
	v45 =	vmul.f32 v17, v15;
	[tilespmem:v36+s28+$0x0] =	vst.idx.add.f32.msk $0xffff, v41  }
0x231: {  	v47 =	vmul.f32 v54, v16;
	[tilespmem:v38+s28+$0x0] =	vst.idx.add.f32.msk $0xffff, v43  }
0x232: {  	v17 =	vmul.f32 v17, v16;
	[tilespmem:v40+s28+$0x0] =	vst.idx.add.f32.msk $0xffff, v45  }
0x233: {  	[tilespmem:v42+s28+$0x0] =	vst.idx.add.f32.msk $0xffff, v47  }
0x234: {  	[tilespmem:v44+s28+$0x0] =	vst.idx.add.f32.msk $0xffff, v17  }
0x235: {  	v17 =	vld.idx.msk [tilespmem:v46+s22+$0x0], $0xffff;
	_ =	sdelay $0x2  }
0x236: {  	v48 =	vor.u32 $0xB, v7  }
0x237: {  	v49 =	vor.u32 $0x1B, v7  }
0x238: {  	v51 =	vadd.s32 $0x2B, v7;
	v50 =	vunpack.i.l.bf16.f32 v17  }
0x239: {  	v53 =	vadd.s32 $0x3B, v7;
	v17 =	vunpack.i.u.bf16.f32 v17;
	v52 =	vmul.f32 v50, v11  }
0x23a: {  	v55 =	vadd.s32 $0x6B, v7;
	v54 =	vmul.f32 v17, v11  }
0x23b: {  	v57 =	vadd.s32 $0x7B, v7;
	v56 =	vmul.f32 v50, v9;
	[tilespmem:v48+s28+$0x0] =	vst.idx.add.f32.msk $0xffff, v52  }
0x23c: {  	v59 =	vadd.s32 $0x8B, v7;
	v58 =	vmul.f32 v17, v9;
	[tilespmem:v49+s28+$0x0] =	vst.idx.add.f32.msk $0xffff, v54  }
0x23d: {  	v61 =	vadd.s32 $0x9B, v7;
	v60 =	vmul.f32 v50, v10;
	[tilespmem:v51+s28+$0x0] =	vst.idx.add.f32.msk $0xffff, v56  }
0x23e: {  	v63 =	vadd.s32 $0x12B, v7;
	v62 =	vmul.f32 v17, v10;
	[tilespmem:v53+s28+$0x0] =	vst.idx.add.f32.msk $0xffff, v58  }
0x23f: {  	v29 =	vadd.s32 $0x13B, v7;
	v28 =	vmul.f32 v50, v12;
	[tilespmem:v55+s28+$0x0] =	vst.idx.add.f32.msk $0xffff, v60  }
0x240: {  	v31 =	vadd.s32 $0x14B, v7;
	v30 =	vmul.f32 v17, v12;
	[tilespmem:v57+s28+$0x0] =	vst.idx.add.f32.msk $0xffff, v62  }
0x241: {  	v33 =	vadd.s32 $0x15B, v7;
	v32 =	vmul.f32 v50, v13;
	[tilespmem:v59+s28+$0x0] =	vst.idx.add.f32.msk $0xffff, v28  }
0x242: {  	v35 =	vadd.s32 $0x18B, v7;
	v34 =	vmul.f32 v17, v13;
	[tilespmem:v61+s28+$0x0] =	vst.idx.add.f32.msk $0xffff, v30  }
0x243: {  	v37 =	vadd.s32 $0x19B, v7;
	v36 =	vmul.f32 v50, v14;
	[tilespmem:v63+s28+$0x0] =	vst.idx.add.f32.msk $0xffff, v32  }
0x244: {  	v39 =	vadd.s32 $0x1AB, v7;
	v38 =	vmul.f32 v17, v14;
	[tilespmem:v29+s28+$0x0] =	vst.idx.add.f32.msk $0xffff, v34  }
0x245: {  	v41 =	vadd.s32 $0x1BB, v7;
	v40 =	vmul.f32 v50, v15;
	[tilespmem:v31+s28+$0x0] =	vst.idx.add.f32.msk $0xffff, v36  }
0x246: {  	v43 =	vadd.s32 $0xC, v8;
	v42 =	vmul.f32 v17, v15;
	[tilespmem:v33+s28+$0x0] =	vst.idx.add.f32.msk $0xffff, v38  }
0x247: {  	v44 =	vmul.f32 v50, v16;
	[tilespmem:v35+s28+$0x0] =	vst.idx.add.f32.msk $0xffff, v40  }
0x248: {  	v17 =	vmul.f32 v17, v16;
	[tilespmem:v37+s28+$0x0] =	vst.idx.add.f32.msk $0xffff, v42  }
0x249: {  	[tilespmem:v39+s28+$0x0] =	vst.idx.add.f32.msk $0xffff, v44  }
0x24a: {  	[tilespmem:v41+s28+$0x0] =	vst.idx.add.f32.msk $0xffff, v17  }
0x24b: {  	v17 =	vld.idx.msk [tilespmem:v43+s22+$0x0], $0xffff;
	_ =	sdelay $0x2  }
0x24c: {  	v45 =	vor.u32 $0xC, v7  }
0x24d: {  	v46 =	vor.u32 $0x1C, v7  }
0x24e: {  	v48 =	vadd.s32 $0x2C, v7;
	v47 =	vunpack.i.l.bf16.f32 v17  }
0x24f: {  	v50 =	vadd.s32 $0x3C, v7;
	v17 =	vunpack.i.u.bf16.f32 v17;
	v49 =	vmul.f32 v47, v11  }
0x250: {  	v52 =	vadd.s32 $0x6C, v7;
	v51 =	vmul.f32 v17, v11  }
0x251: {  	v54 =	vadd.s32 $0x7C, v7;
	v53 =	vmul.f32 v47, v9;
	[tilespmem:v45+s28+$0x0] =	vst.idx.add.f32.msk $0xffff, v49  }
0x252: {  	v56 =	vadd.s32 $0x8C, v7;
	v55 =	vmul.f32 v17, v9;
	[tilespmem:v46+s28+$0x0] =	vst.idx.add.f32.msk $0xffff, v51  }
0x253: {  	v58 =	vadd.s32 $0x9C, v7;
	v57 =	vmul.f32 v47, v10;
	[tilespmem:v48+s28+$0x0] =	vst.idx.add.f32.msk $0xffff, v53  }
0x254: {  	v60 =	vadd.s32 $0x12C, v7;
	v59 =	vmul.f32 v17, v10;
	[tilespmem:v50+s28+$0x0] =	vst.idx.add.f32.msk $0xffff, v55  }
0x255: {  	v62 =	vadd.s32 $0x13C, v7;
	v61 =	vmul.f32 v47, v12;
	[tilespmem:v52+s28+$0x0] =	vst.idx.add.f32.msk $0xffff, v57  }
0x256: {  	v28 =	vadd.s32 $0x14C, v7;
	v63 =	vmul.f32 v17, v12;
	[tilespmem:v54+s28+$0x0] =	vst.idx.add.f32.msk $0xffff, v59  }
0x257: {  	v30 =	vadd.s32 $0x15C, v7;
	v29 =	vmul.f32 v47, v13;
	[tilespmem:v56+s28+$0x0] =	vst.idx.add.f32.msk $0xffff, v61  }
0x258: {  	v32 =	vadd.s32 $0x18C, v7;
	v31 =	vmul.f32 v17, v13;
	[tilespmem:v58+s28+$0x0] =	vst.idx.add.f32.msk $0xffff, v63  }
0x259: {  	v34 =	vadd.s32 $0x19C, v7;
	v33 =	vmul.f32 v47, v14;
	[tilespmem:v60+s28+$0x0] =	vst.idx.add.f32.msk $0xffff, v29  }
0x25a: {  	v36 =	vadd.s32 $0x1AC, v7;
	v35 =	vmul.f32 v17, v14;
	[tilespmem:v62+s28+$0x0] =	vst.idx.add.f32.msk $0xffff, v31  }
0x25b: {  	v38 =	vadd.s32 $0x1BC, v7;
	v37 =	vmul.f32 v47, v15;
	[tilespmem:v28+s28+$0x0] =	vst.idx.add.f32.msk $0xffff, v33  }
0x25c: {  	v40 =	vadd.s32 $0xD, v8;
	v39 =	vmul.f32 v17, v15;
	[tilespmem:v30+s28+$0x0] =	vst.idx.add.f32.msk $0xffff, v35  }
0x25d: {  	v41 =	vmul.f32 v47, v16;
	[tilespmem:v32+s28+$0x0] =	vst.idx.add.f32.msk $0xffff, v37  }
0x25e: {  	v17 =	vmul.f32 v17, v16;
	[tilespmem:v34+s28+$0x0] =	vst.idx.add.f32.msk $0xffff, v39  }
0x25f: {  	[tilespmem:v36+s28+$0x0] =	vst.idx.add.f32.msk $0xffff, v41  }
0x260: {  	[tilespmem:v38+s28+$0x0] =	vst.idx.add.f32.msk $0xffff, v17  }
0x261: {  	v17 =	vld.idx.msk [tilespmem:v40+s22+$0x0], $0xffff;
	_ =	sdelay $0x2  }
0x262: {  	v42 =	vor.u32 $0xD, v7  }
0x263: {  	v43 =	vor.u32 $0x1D, v7  }
0x264: {  	v45 =	vadd.s32 $0x2D, v7;
	v44 =	vunpack.i.l.bf16.f32 v17  }
0x265: {  	v47 =	vadd.s32 $0x3D, v7;
	v17 =	vunpack.i.u.bf16.f32 v17;
	v46 =	vmul.f32 v44, v11  }
0x266: {  	v49 =	vadd.s32 $0x6D, v7;
	v48 =	vmul.f32 v17, v11  }
0x267: {  	v51 =	vadd.s32 $0x7D, v7;
	v50 =	vmul.f32 v44, v9;
	[tilespmem:v42+s28+$0x0] =	vst.idx.add.f32.msk $0xffff, v46  }
0x268: {  	v53 =	vadd.s32 $0x8D, v7;
	v52 =	vmul.f32 v17, v9;
	[tilespmem:v43+s28+$0x0] =	vst.idx.add.f32.msk $0xffff, v48  }
0x269: {  	v55 =	vadd.s32 $0x9D, v7;
	v54 =	vmul.f32 v44, v10;
	[tilespmem:v45+s28+$0x0] =	vst.idx.add.f32.msk $0xffff, v50  }
0x26a: {  	v57 =	vadd.s32 $0x12D, v7;
	v56 =	vmul.f32 v17, v10;
	[tilespmem:v47+s28+$0x0] =	vst.idx.add.f32.msk $0xffff, v52  }
0x26b: {  	v59 =	vadd.s32 $0x13D, v7;
	v58 =	vmul.f32 v44, v12;
	[tilespmem:v49+s28+$0x0] =	vst.idx.add.f32.msk $0xffff, v54  }
0x26c: {  	v61 =	vadd.s32 $0x14D, v7;
	v60 =	vmul.f32 v17, v12;
	[tilespmem:v51+s28+$0x0] =	vst.idx.add.f32.msk $0xffff, v56  }
0x26d: {  	v63 =	vadd.s32 $0x15D, v7;
	v62 =	vmul.f32 v44, v13;
	[tilespmem:v53+s28+$0x0] =	vst.idx.add.f32.msk $0xffff, v58  }
0x26e: {  	v29 =	vadd.s32 $0x18D, v7;
	v28 =	vmul.f32 v17, v13;
	[tilespmem:v55+s28+$0x0] =	vst.idx.add.f32.msk $0xffff, v60  }
0x26f: {  	v31 =	vadd.s32 $0x19D, v7;
	v30 =	vmul.f32 v44, v14;
	[tilespmem:v57+s28+$0x0] =	vst.idx.add.f32.msk $0xffff, v62  }
0x270: {  	v33 =	vadd.s32 $0x1AD, v7;
	v32 =	vmul.f32 v17, v14;
	[tilespmem:v59+s28+$0x0] =	vst.idx.add.f32.msk $0xffff, v28  }
0x271: {  	v35 =	vadd.s32 $0x1BD, v7;
	v34 =	vmul.f32 v44, v15;
	[tilespmem:v61+s28+$0x0] =	vst.idx.add.f32.msk $0xffff, v30  }
0x272: {  	v37 =	vadd.s32 $0xE, v8;
	v36 =	vmul.f32 v17, v15;
	[tilespmem:v63+s28+$0x0] =	vst.idx.add.f32.msk $0xffff, v32  }
0x273: {  	v38 =	vmul.f32 v44, v16;
	[tilespmem:v29+s28+$0x0] =	vst.idx.add.f32.msk $0xffff, v34  }
0x274: {  	v17 =	vmul.f32 v17, v16;
	[tilespmem:v31+s28+$0x0] =	vst.idx.add.f32.msk $0xffff, v36  }
0x275: {  	[tilespmem:v33+s28+$0x0] =	vst.idx.add.f32.msk $0xffff, v38  }
0x276: {  	[tilespmem:v35+s28+$0x0] =	vst.idx.add.f32.msk $0xffff, v17  }
0x277: {  	v17 =	vld.idx.msk [tilespmem:v37+s22+$0x0], $0xffff;
	_ =	sdelay $0x2  }
0x278: {  	v39 =	vor.u32 $0xE, v7  }
0x279: {  	v40 =	vor.u32 $0x1E, v7  }
0x27a: {  	v42 =	vadd.s32 $0x2E, v7;
	v41 =	vunpack.i.l.bf16.f32 v17  }
0x27b: {  	v44 =	vadd.s32 $0x3E, v7;
	v17 =	vunpack.i.u.bf16.f32 v17;
	v43 =	vmul.f32 v41, v11  }
0x27c: {  	v46 =	vadd.s32 $0x6E, v7;
	v45 =	vmul.f32 v17, v11  }
0x27d: {  	v48 =	vadd.s32 $0x7E, v7;
	v47 =	vmul.f32 v41, v9;
	[tilespmem:v39+s28+$0x0] =	vst.idx.add.f32.msk $0xffff, v43  }
0x27e: {  	v50 =	vadd.s32 $0x8E, v7;
	v49 =	vmul.f32 v17, v9;
	[tilespmem:v40+s28+$0x0] =	vst.idx.add.f32.msk $0xffff, v45  }
0x27f: {  	v52 =	vadd.s32 $0x9E, v7;
	v51 =	vmul.f32 v41, v10;
	[tilespmem:v42+s28+$0x0] =	vst.idx.add.f32.msk $0xffff, v47  }
0x280: {  	v54 =	vadd.s32 $0x12E, v7;
	v53 =	vmul.f32 v17, v10;
	[tilespmem:v44+s28+$0x0] =	vst.idx.add.f32.msk $0xffff, v49  }
0x281: {  	v56 =	vadd.s32 $0x13E, v7;
	v55 =	vmul.f32 v41, v12;
	[tilespmem:v46+s28+$0x0] =	vst.idx.add.f32.msk $0xffff, v51  }
0x282: {  	v58 =	vadd.s32 $0x14E, v7;
	v57 =	vmul.f32 v17, v12;
	[tilespmem:v48+s28+$0x0] =	vst.idx.add.f32.msk $0xffff, v53  }
0x283: {  	v60 =	vadd.s32 $0x15E, v7;
	v59 =	vmul.f32 v41, v13;
	[tilespmem:v50+s28+$0x0] =	vst.idx.add.f32.msk $0xffff, v55  }
0x284: {  	v62 =	vadd.s32 $0x18E, v7;
	v61 =	vmul.f32 v17, v13;
	[tilespmem:v52+s28+$0x0] =	vst.idx.add.f32.msk $0xffff, v57  }
0x285: {  	v28 =	vadd.s32 $0x19E, v7;
	v63 =	vmul.f32 v41, v14;
	[tilespmem:v54+s28+$0x0] =	vst.idx.add.f32.msk $0xffff, v59  }
0x286: {  	v30 =	vadd.s32 $0x1AE, v7;
	v29 =	vmul.f32 v17, v14;
	[tilespmem:v56+s28+$0x0] =	vst.idx.add.f32.msk $0xffff, v61  }
0x287: {  	v32 =	vadd.s32 $0x1BE, v7;
	v31 =	vmul.f32 v41, v15;
	[tilespmem:v58+s28+$0x0] =	vst.idx.add.f32.msk $0xffff, v63  }
0x288: {  	v8 =	vadd.s32 $0xF, v8;
	v33 =	vmul.f32 v17, v15;
	[tilespmem:v60+s28+$0x0] =	vst.idx.add.f32.msk $0xffff, v29  }
0x289: {  	v34 =	vmul.f32 v41, v16;
	[tilespmem:v62+s28+$0x0] =	vst.idx.add.f32.msk $0xffff, v31  }
0x28a: {  	v17 =	vmul.f32 v17, v16;
	[tilespmem:v28+s28+$0x0] =	vst.idx.add.f32.msk $0xffff, v33  }
0x28b: {  	[tilespmem:v30+s28+$0x0] =	vst.idx.add.f32.msk $0xffff, v34  }
0x28c: {  	[tilespmem:v32+s28+$0x0] =	vst.idx.add.f32.msk $0xffff, v17  }
0x28d: {  	v8 =	vld.idx.msk [tilespmem:v8+s22+$0x0], $0xffff;
	_ =	sdelay $0x2  }
0x28e: {  	v35 =	vor.u32 $0xF, v7  }
0x28f: {  	v36 =	vor.u32 $0x1F, v7  }
0x290: {  	v38 =	vadd.s32 $0x2F, v7;
	v37 =	vunpack.i.l.bf16.f32 v8  }
0x291: {  	v40 =	vadd.s32 $0x3F, v7;
	v8 =	vunpack.i.u.bf16.f32 v8;
	v39 =	vmul.f32 v37, v11  }
0x292: {  	v41 =	vadd.s32 $0x6F, v7;
	v11 =	vmul.f32 v8, v11  }
0x293: {  	v43 =	vadd.s32 $0x7F, v7;
	v42 =	vmul.f32 v37, v9;
	[tilespmem:v35+s28+$0x0] =	vst.idx.add.f32.msk $0xffff, v39  }
0x294: {  	v44 =	vadd.s32 $0x8F, v7;
	v9 =	vmul.f32 v8, v9;
	[tilespmem:v36+s28+$0x0] =	vst.idx.add.f32.msk $0xffff, v11  }
0x295: {  	v46 =	vadd.s32 $0x9F, v7;
	v45 =	vmul.f32 v37, v10;
	[tilespmem:v38+s28+$0x0] =	vst.idx.add.f32.msk $0xffff, v42  }
0x296: {  	v48 =	vadd.s32 $0x12F, v7;
	v47 =	vmul.f32 v8, v10;
	[tilespmem:v40+s28+$0x0] =	vst.idx.add.f32.msk $0xffff, v9  }
0x297: {  	v50 =	vadd.s32 $0x13F, v7;
	v49 =	vmul.f32 v37, v12;
	[tilespmem:v41+s28+$0x0] =	vst.idx.add.f32.msk $0xffff, v45  }
0x298: {  	v52 =	vadd.s32 $0x14F, v7;
	v51 =	vmul.f32 v8, v12;
	[tilespmem:v43+s28+$0x0] =	vst.idx.add.f32.msk $0xffff, v47  }
0x299: {  	v54 =	vadd.s32 $0x15F, v7;
	v53 =	vmul.f32 v37, v13;
	[tilespmem:v44+s28+$0x0] =	vst.idx.add.f32.msk $0xffff, v49  }
0x29a: {  	v56 =	vadd.s32 $0x18F, v7;
	v55 =	vmul.f32 v8, v13;
	[tilespmem:v46+s28+$0x0] =	vst.idx.add.f32.msk $0xffff, v51  }
0x29b: {  	v58 =	vadd.s32 $0x19F, v7;
	v57 =	vmul.f32 v37, v14;
	[tilespmem:v48+s28+$0x0] =	vst.idx.add.f32.msk $0xffff, v53  }
0x29c: {  	s19 =	sadd.s32 $0x10, s19;
	v60 =	vadd.s32 $0x1AF, v7;
	v59 =	vmul.f32 v8, v14;
	[tilespmem:v50+s28+$0x0] =	vst.idx.add.f32.msk $0xffff, v55  }
0x29d: {  	p0 =	slt.s32 s19, s15;
	v7 =	vadd.s32 $0x1BF, v7;
	v61 =	vmul.f32 v37, v15;
	[tilespmem:v52+s28+$0x0] =	vst.idx.add.f32.msk $0xffff, v57  }
.Ltmp6:
0x29e: {  	v62 =	vmul.f32 v8, v15;
	[tilespmem:v54+s28+$0x0] =	vst.idx.add.f32.msk $0xffff, v59;
	(pc) =	sbr.rel @p0 .LBB2_6-.Ltmp6, $4  }
0x29f: {  	v63 =	vmul.f32 v37, v16;
	[tilespmem:v56+s28+$0x0] =	vst.idx.add.f32.msk $0xffff, v61  }
0x2a0: {  	v8 =	vmul.f32 v8, v16;
	[tilespmem:v58+s28+$0x0] =	vst.idx.add.f32.msk $0xffff, v62  }
0x2a1: {  	s21 =	sadd.s32 $0x10, s21;
	[tilespmem:v60+s28+$0x0] =	vst.idx.add.f32.msk $0xffff, v63  }
0x2a2: {  	s3 =	sadd.s32 $0x10, s3;
	s4 =	sadd.s32 $0x10, s4;
	s20 =	sadd.s32 $0x10, s20;
	[tilespmem:v7+s28+$0x0] =	vst.idx.add.f32.msk $0xffff, v8  }
.Ltmp7:
0x2a3: {  	_ = 	snop;
	(pc) =	sbr.rel .LBB2_7-.Ltmp7, $1  }
0x2a4: {  	_ =	sdelay $0x3  }
.LBB2_9:
0x2a5: {  	_ =	sfence.sel $0x180000  }
0x2a6: {  	[bflag:$0x0] =	sbarrier.arrive $0xFFFF  }
0x2a7: {  	_ =	strace $0x90000047  }
0x2a8: {  	s0 =	stileid.u32;
	[bflag:$0x2] =	sbarrier.arrive $0xFFFF  }
0x2a9: {  	p0 =	sne.s32 s0, $0x0;
	s0 =	rddreg [dreg:$0x2]  }
0x2aa: {  	s0 =	sadd.s32 @!p0 $0x100000, s0  }
0x2ab: {  	[sflag:s0] =	ssyncadd.tile.s32 @!p0 $0x1;
	_ =	shalt  }
.Lfunc_end2:
_tile_overlayer_lowered:
.L_overlay_start_2:
0x2ac: {  	(tag) =	ssettag $0x2  }
0x2ad: {  	s0 =	rddreg [dreg:$0x0];
	s2 =	stileid.u32  }
0x2ae: {  	s1 =	rddreg [dreg:$0x1];
	p0 =	sne.s32 s2, $0x0  }
0x2af: {  	s3 =	rddreg [dreg:$0x2];
	[bflag:$0x3] =	sbarrier.arrive $0xFFFF;
	s2 =	simm.s32 @!p0 $0x1C01  }
0x2b0: {  	[timem:s3], [sflag:s2] =	dma.local @!p0 [hbm:s0], s1  }
0x2b1: {  	s0 =	simm.s32 @!p0 $0x1  }
0x2b2: {  	_ =	swait.ge @!p0 [sflag:s0], s1  }
0x2b3: {  	s1 =	ssub.s32 @!p0 $0x0, s1;
	[sflag:s0] =	ssyncset.done @!p0 $0x0  }
0x2b4: {  	[sflag:s0] =	ssyncadd.s32 @!p0 s1  }
0x2b5: {  	[bflag:$0x3] =	sbarrier.arrive $0xFFFF  }
0x2b6: {  	_ =	shalt  }

</sc_bundles>
